<compile_context>
chip_gen: v7x
topology: tpu7x:2x2x1
jax: 0.10.2.dev20260603
libtpu: 0.0.44.dev20260713+nightly
codegen_flags: <defaults>
</compile_context>

<pallas_src>
import functools

import jax
import jax.numpy as jnp
from jax import lax
from jax.experimental import pallas as pl
from jax.experimental.pallas import tpu as pltpu
from jax.experimental.pallas import tpu_sc as plsc

_NC = 2
_NS = 16
_NW = _NC * _NS
_CHUNK = 128


def _make_seg_sum(n_tab, d, s_pad, n_chunks):
    cpw = n_chunks // _NW
    rpt = s_pad // _NS
    assert n_chunks % _NW == 0 and s_pad % (16 * _NS) == 0 and d % 16 == 0
    nbuf = 5 if (cpw % 5 == 0 and cpw >= 20) else 4
    assert cpw % nbuf == 0
    mesh = plsc.VectorSubcoreMesh(core_axis_name="c", subcore_axis_name="s")

    @functools.partial(
        pl.kernel,
        out_type=[
            jax.ShapeDtypeStruct((_NC, s_pad, d), jnp.float32),
            jax.ShapeDtypeStruct((_NC * s_pad,), jnp.float32),
        ],
        mesh=mesh,
        scratch_types=[
            pltpu.VMEM((cpw, _CHUNK), jnp.int32),
            pltpu.VMEM((cpw, _CHUNK), jnp.int32),
            pltpu.VMEM((nbuf, _CHUNK, d), jnp.float32),
            pltpu.VMEM((_CHUNK,), jnp.float32),
            pltpu.VMEM((16, d), jnp.float32),
            pltpu.VMEM((16,), jnp.float32),
            pltpu.VMEM((rpt,), jnp.float32),
            pltpu.VMEM_SHARED((s_pad, d), jnp.float32),
            pltpu.VMEM_SHARED((s_pad,), jnp.float32),
        ] + [pltpu.SemaphoreType.DMA] * nbuf,
    )
    def seg_sum(tab_hbm, src_hbm, dst_hbm, out_agg, out_cnt,
                src_v, dst_v, rows_v, ones_v, zrow_v, zcnt_v, cbounce_v,
                agg_sh, cnt_sh, *sems):
        c = lax.axis_index("c")
        s = lax.axis_index("s")
        wid = c * _NS + s

        zero16 = jnp.zeros((16,), jnp.float32)
        for i in range(16):
            for j in range(d // 16):
                zrow_v[i, pl.ds(j * 16, 16)] = zero16
        zcnt_v[...] = zero16
        for j in range(_CHUNK // 16):
            ones_v[pl.ds(j * 16, 16)] = jnp.ones((16,), jnp.float32)

        for t in range(rpt // 16):
            pltpu.sync_copy(zrow_v, agg_sh.at[pl.ds(s * rpt + t * 16, 16)])
            pltpu.sync_copy(zcnt_v, cnt_sh.at[pl.ds(s * rpt + t * 16, 16)])

        pltpu.sync_copy(src_hbm.at[pl.ds(wid * cpw, cpw)], src_v)
        pltpu.sync_copy(dst_hbm.at[pl.ds(wid * cpw, cpw)], dst_v)

        plsc.subcore_barrier()

        for b in range(nbuf):
            pltpu.async_copy(tab_hbm.at[src_v.at[b]], rows_v.at[b], sems[b])

        def body(i, carry):
            for b in range(nbuf):
                j = nbuf * i + b
                pltpu.make_async_copy(tab_hbm.at[src_v.at[j]],
                                      rows_v.at[b], sems[b]).wait()
                pltpu.sync_copy(rows_v.at[b], agg_sh.at[dst_v.at[j]],
                                add=True)
                pltpu.sync_copy(ones_v, cnt_sh.at[dst_v.at[j]], add=True)

                @pl.when(j + nbuf < cpw)
                def _():
                    pltpu.async_copy(tab_hbm.at[src_v.at[j + nbuf]],
                                     rows_v.at[b], sems[b])
            return carry

        assert cpw % nbuf == 0
        lax.fori_loop(0, cpw // nbuf, body, 0)

        plsc.subcore_barrier()

        pltpu.sync_copy(agg_sh.at[pl.ds(s * rpt, rpt)],
                        out_agg.at[c, pl.ds(s * rpt, rpt)])
        pltpu.sync_copy(cnt_sh.at[pl.ds(s * rpt, rpt)], cbounce_v)
        pltpu.sync_copy(cbounce_v,
                        out_cnt.at[pl.ds(c * s_pad + s * rpt, rpt)])

    return seg_sum


def _tc1_body(agg_ref, cnt_ref, xt_ref, w1l_ref, b1l_ref, w1r_ref,
              w2r_ref, h_ref, r2_ref):
    agg = agg_ref[0, :2048, :] + agg_ref[1, :2048, :]
    cnt = cnt_ref[0, :2048] + cnt_ref[1, :2048]
    mean = agg / jnp.maximum(cnt, 1.0)[:, None]
    h = jnp.dot(mean, w1l_ref[...], preferred_element_type=jnp.float32)
    h = h + b1l_ref[...]
    h = h + jnp.dot(xt_ref[...], w1r_ref[...],
                    preferred_element_type=jnp.float32)
    h = jnp.maximum(h, 0.0)
    h_ref[...] = h
    r2_ref[...] = jnp.dot(h[:512], w2r_ref[...],
                          preferred_element_type=jnp.float32)


def _tc2_body(agg_ref, cnt_ref, r2_ref, w2l_ref, b2l_ref, out_ref):
    agg = agg_ref[0, :512, :] + agg_ref[1, :512, :]
    cnt = cnt_ref[0, :512] + cnt_ref[1, :512]
    mean = agg / jnp.maximum(cnt, 1.0)[:, None]
    z = jnp.dot(mean, w2l_ref[...], preferred_element_type=jnp.float32)
    z = z + b2l_ref[...] + r2_ref[...]
    m = jnp.max(z, axis=-1, keepdims=True)
    lse = jnp.log(jnp.sum(jnp.exp(z - m), axis=-1, keepdims=True))
    out_ref[...] = (z - m) - lse


def _pad_edges(src, dst, dummy_row, s_pad):
    e = src.shape[0]
    block = _NW * 8 * _CHUNK
    e_pad = -(-e // block) * block
    if e_pad != e:
        pad = e_pad - e
        src = jnp.concatenate([src, jnp.zeros((pad,), jnp.int32)])
        dpad = dummy_row + jnp.arange(pad, dtype=jnp.int32) % (s_pad - dummy_row)
        dst = jnp.concatenate([dst, dpad])
    return src.reshape(-1, _CHUNK), dst.reshape(-1, _CHUNK)


def kernel(x, src1, dst1, src2, dst2, size1_tgt, size2_tgt,
           W1_l, b1_l, W1_r, W2_l, b2_l, W2_r):
    n1_tgt, n2_tgt = 2048, 512
    x = x.astype(jnp.float32)
    src1 = src1.astype(jnp.int32)
    dst1 = dst1.astype(jnp.int32)
    src2 = src2.astype(jnp.int32)
    dst2 = dst2.astype(jnp.int32)

    s1_pad = 2304
    src1p, dst1p = _pad_edges(src1, dst1, n1_tgt, s1_pad)
    agg1, cnt1 = _make_seg_sum(x.shape[0], x.shape[1], s1_pad,
                               src1p.shape[0])(x, src1p, dst1p)
    cnt1 = cnt1.reshape(_NC, s1_pad)

    h, r2 = pl.pallas_call(
        _tc1_body,
        out_shape=[
            jax.ShapeDtypeStruct((n1_tgt, W1_l.shape[1]), jnp.float32),
            jax.ShapeDtypeStruct((n2_tgt, W2_r.shape[1]), jnp.float32),
        ],
    )(agg1, cnt1, x[:n1_tgt], W1_l, b1_l.reshape(1, -1), W1_r, W2_r)

    s2_pad = 768
    src2p, dst2p = _pad_edges(src2, dst2, n2_tgt, s2_pad)
    agg2, cnt2 = _make_seg_sum(h.shape[0], h.shape[1], s2_pad,
                               src2p.shape[0])(h, src2p, dst2p)
    cnt2 = cnt2.reshape(_NC, s2_pad)

    out = pl.pallas_call(
        _tc2_body,
        out_shape=jax.ShapeDtypeStruct((n2_tgt, W2_l.shape[1]), jnp.float32),
    )(agg2, cnt2, r2, W2_l, b2_l.reshape(1, -1))
    return out

# --- scband reference (transcript-rebuilt; emitter-appended) ---
"""Pipeline reference for scband-sage-5033701671208 (READ-ONLY COPY).

The authoritative reference and input builder live on the scoring server;
editing this copy changes nothing except your own understanding.
"""

import jax, jax.numpy as jnp
import numpy as np


def setup_inputs(seed: int = 0) -> dict:
    key = jax.random.key(seed)
    ks = jax.random.split(key, 12)
    N1, N2, N3 = 10000, 2048, 512
    E1, E2 = 320000, 32768
    d_in, d_h, d_out = 128, 128, 64
    x = jax.random.normal(ks[0], (N1, d_in), dtype=jnp.float32)
    src1 = jax.random.randint(ks[1], (E1,), 0, N1, dtype=jnp.int64 if jax.config.jax_enable_x64 else jnp.int32)
    dst1 = jax.random.randint(ks[2], (E1,), 0, N2, dtype=src1.dtype)
    src2 = jax.random.randint(ks[3], (E2,), 0, N2, dtype=src1.dtype)
    dst2 = jax.random.randint(ks[4], (E2,), 0, N3, dtype=src1.dtype)
    s_in = 1.0 / np.sqrt(d_in)
    s_h = 1.0 / np.sqrt(d_h)
    W1_l = jax.random.uniform(ks[5], (d_in, d_h), minval=-s_in, maxval=s_in, dtype=jnp.float32)
    b1_l = jax.random.uniform(ks[6], (d_h,), minval=-s_in, maxval=s_in, dtype=jnp.float32)
    W1_r = jax.random.uniform(ks[7], (d_in, d_h), minval=-s_in, maxval=s_in, dtype=jnp.float32)
    W2_l = jax.random.uniform(ks[8], (d_h, d_out), minval=-s_h, maxval=s_h, dtype=jnp.float32)
    b2_l = jax.random.uniform(ks[9], (d_out,), minval=-s_h, maxval=s_h, dtype=jnp.float32)
    W2_r = jax.random.uniform(ks[10], (d_h, d_out), minval=-s_h, maxval=s_h, dtype=jnp.float32)
    return {"x": x, "src1": src1, "dst1": dst1, "src2": src2, "dst2": dst2,
            "size1_tgt": N2, "size2_tgt": N3,
            "W1_l": W1_l, "b1_l": b1_l, "W1_r": W1_r,
            "W2_l": W2_l, "b2_l": b2_l, "W2_r": W2_r}


def _sage_conv(x_src, x_tgt, src, dst, W_l, b_l, W_r, n_tgt):
    # PyG SAGEConv, mean aggregation: out = lin_l(mean_{j in N(i)} x_j) + lin_r(x_i)
    msgs = jnp.take(x_src, src, axis=0)
    agg = jax.ops.segment_sum(msgs, dst, num_segments=n_tgt)
    cnt = jax.ops.segment_sum(jnp.ones((src.shape[0],), dtype=x_src.dtype), dst, num_segments=n_tgt)
    mean = agg / jnp.maximum(cnt, 1.0)[:, None]
    return mean @ W_l + b_l + x_tgt @ W_r


def reference(x, src1, dst1, src2, dst2, size1_tgt, size2_tgt,
              W1_l, b1_l, W1_r, W2_l, b2_l, W2_r):
    n1_tgt = 2048
    n2_tgt = 512
    # Layer 1
    x_tgt1 = jax.lax.dynamic_slice_in_dim(x, size1_tgt * 0, n1_tgt, axis=0)
    h = _sage_conv(x, x_tgt1, src1, dst1, W1_l, b1_l, W1_r, n1_tgt)
    h = jax.nn.relu(h)
    # dropout(p=0.5) is identity in eval mode
    # Layer 2
    h_tgt2 = jax.lax.dynamic_slice_in_dim(h, size2_tgt * 0, n2_tgt, axis=0)
    out = _sage_conv(h, h_tgt2, src2, dst2, W2_l, b2_l, W2_r, n2_tgt)
    return jax.nn.log_softmax(out, axis=-1)

if __name__ == "__main__":
    import jax
    _d = setup_inputs()
    print(jax.jit(kernel)(*tuple(_d.values())))

</pallas_src>

<mosaic_0001>
#map = affine_map<(d0, d1) -> (0, 0)>
#map1 = affine_map<(d0, d1) -> (0, 0, 0)>
#map2 = affine_map<(d0, d1) -> (0)>
module attributes {stable_mosaic.version = 14 : i64} {
  func.func @seg_sum(%arg0: i32, %arg1: i32, %arg2: memref<10000x128xf32, #tpu.memory_space<hbm>>, %arg3: memref<2560x128xi32, #tpu.memory_space<hbm>>, %arg4: memref<2560x128xi32, #tpu.memory_space<hbm>>, %arg5: memref<2x2304x128xf32, #tpu.memory_space<hbm>>, %arg6: memref<4608xf32, #tpu.memory_space<hbm>>, %arg7: memref<80x128xi32, #tpu.memory_space<vmem>>, %arg8: memref<80x128xi32, #tpu.memory_space<vmem>>, %arg9: memref<5x128x128xf32, #tpu.memory_space<vmem>>, %arg10: memref<128xf32, #tpu.memory_space<vmem>>, %arg11: memref<16x128xf32, #tpu.memory_space<vmem>>, %arg12: memref<16xf32, #tpu.memory_space<vmem>>, %arg13: memref<144xf32, #tpu.memory_space<vmem>>, %arg14: memref<2304x128xf32, #tpu.memory_space<vmem_shared>>, %arg15: memref<2304xf32, #tpu.memory_space<vmem_shared>>, %arg16: memref<!tpu.dma_semaphore, #tpu.memory_space<semaphore_mem>>, %arg17: memref<!tpu.dma_semaphore, #tpu.memory_space<semaphore_mem>>, %arg18: memref<!tpu.dma_semaphore, #tpu.memory_space<semaphore_mem>>, %arg19: memref<!tpu.dma_semaphore, #tpu.memory_space<semaphore_mem>>, %arg20: memref<!tpu.dma_semaphore, #tpu.memory_space<semaphore_mem>>) attributes {dimension_semantics = [#tpu.dimension_semantics<core_parallel>, #tpu.dimension_semantics<subcore_parallel>], iteration_bounds = array<i64: 2, 16>, scalar_prefetch = 0 : i64, scratch_operands = 14 : i64, tpu.core_type = #tpu.core_type<sc_vector_subcore>, window_params = [{transform_indices = #map}, {transform_indices = #map}, {transform_indices = #map}, {transform_indices = #map1}, {transform_indices = #map2}]} {
    %mul3A = arith.constant 16 : i32
    %mul3A_0 = arith.muli %arg0, %mul3A : i32
    %add3A = arith.addi %mul3A_0, %arg1 : i32
    %broadcast_in_dim3A = arith.constant 0.000000e+00 : f32
    %broadcast_in_dim3A_1 = vector.broadcast %broadcast_in_dim3A : f32 to vector<16xf32>
    %swap3A = arith.constant 0 : i32
    %swap3A_2 = arith.index_cast %swap3A : i32 to index
    %swap3A_3 = arith.constant 0 : index
    %swap3A_4 = tpu.vector_load %arg11[%swap3A_2, %swap3A_3] {strides = array<i32>} : memref<16x128xf32, #tpu.memory_space<vmem>>, vector<1x16xf32>,
    %swap3A_5 = vector.shape_cast %swap3A_4 : vector<1x16xf32> to vector<16xf32>
    %swap3A_6 = vector.shape_cast %broadcast_in_dim3A_1 : vector<16xf32> to vector<1x16xf32>
    tpu.vector_store %arg11[%swap3A_2, %swap3A_3], %swap3A_6 {strides = array<i32>} : memref<16x128xf32, #tpu.memory_space<vmem>>, vector<1x16xf32>,
    %swap3A_7 = arith.constant 0 : i32
    %swap3A_8 = arith.index_cast %swap3A_7 : i32 to index
    %swap3A_9 = arith.constant 16 : index
    %swap3A_10 = tpu.vector_load %arg11[%swap3A_8, %swap3A_9] {strides = array<i32>} : memref<16x128xf32, #tpu.memory_space<vmem>>, vector<1x16xf32>,
    %swap3A_11 = vector.shape_cast %swap3A_10 : vector<1x16xf32> to vector<16xf32>
    %swap3A_12 = vector.shape_cast %broadcast_in_dim3A_1 : vector<16xf32> to vector<1x16xf32>
    tpu.vector_store %arg11[%swap3A_8, %swap3A_9], %swap3A_12 {strides = array<i32>} : memref<16x128xf32, #tpu.memory_space<vmem>>, vector<1x16xf32>,
    %swap3A_13 = arith.constant 0 : i32
    %swap3A_14 = arith.index_cast %swap3A_13 : i32 to index
    %swap3A_15 = arith.constant 32 : index
    %swap3A_16 = tpu.vector_load %arg11[%swap3A_14, %swap3A_15] {strides = array<i32>} : memref<16x128xf32, #tpu.memory_space<vmem>>, vector<1x16xf32>,
    %swap3A_17 = vector.shape_cast %swap3A_16 : vector<1x16xf32> to vector<16xf32>
    %swap3A_18 = vector.shape_cast %broadcast_in_dim3A_1 : vector<16xf32> to vector<1x16xf32>
    tpu.vector_store %arg11[%swap3A_14, %swap3A_15], %swap3A_18 {strides = array<i32>} : memref<16x128xf32, #tpu.memory_space<vmem>>, vector<1x16xf32>,
    %swap3A_19 = arith.constant 0 : i32
    %swap3A_20 = arith.index_cast %swap3A_19 : i32 to index
    %swap3A_21 = arith.constant 48 : index
    %swap3A_22 = tpu.vector_load %arg11[%swap3A_20, %swap3A_21] {strides = array<i32>} : memref<16x128xf32, #tpu.memory_space<vmem>>, vector<1x16xf32>,
    %swap3A_23 = vector.shape_cast %swap3A_22 : vector<1x16xf32> to vector<16xf32>
    %swap3A_24 = vector.shape_cast %broadcast_in_dim3A_1 : vector<16xf32> to vector<1x16xf32>
    tpu.vector_store %arg11[%swap3A_20, %swap3A_21], %swap3A_24 {strides = array<i32>} : memref<16x128xf32, #tpu.memory_space<vmem>>, vector<1x16xf32>,
    %swap3A_25 = arith.constant 0 : i32
    %swap3A_26 = arith.index_cast %swap3A_25 : i32 to index
    %swap3A_27 = arith.constant 64 : index
    %swap3A_28 = tpu.vector_load %arg11[%swap3A_26, %swap3A_27] {strides = array<i32>} : memref<16x128xf32, #tpu.memory_space<vmem>>, vector<1x16xf32>,
    %swap3A_29 = vector.shape_cast %swap3A_28 : vector<1x16xf32> to vector<16xf32>
    %swap3A_30 = vector.shape_cast %broadcast_in_dim3A_1 : vector<16xf32> to vector<1x16xf32>
    tpu.vector_store %arg11[%swap3A_26, %swap3A_27], %swap3A_30 {strides = array<i32>} : memref<16x128xf32, #tpu.memory_space<vmem>>, vector<1x16xf32>,
    %swap3A_31 = arith.constant 0 : i32
    %swap3A_32 = arith.index_cast %swap3A_31 : i32 to index
    %swap3A_33 = arith.constant 80 : index
    %swap3A_34 = tpu.vector_load %arg11[%swap3A_32, %swap3A_33] {strides = array<i32>} : memref<16x128xf32, #tpu.memory_space<vmem>>, vector<1x16xf32>,
    %swap3A_35 = vector.shape_cast %swap3A_34 : vector<1x16xf32> to vector<16xf32>
    %swap3A_36 = vector.shape_cast %broadcast_in_dim3A_1 : vector<16xf32> to vector<1x16xf32>
    tpu.vector_store %arg11[%swap3A_32, %swap3A_33], %swap3A_36 {strides = array<i32>} : memref<16x128xf32, #tpu.memory_space<vmem>>, vector<1x16xf32>,
    %swap3A_37 = arith.constant 0 : i32
    %swap3A_38 = arith.index_cast %swap3A_37 : i32 to index
    %swap3A_39 = arith.constant 96 : index
    %swap3A_40 = tpu.vector_load %arg11[%swap3A_38, %swap3A_39] {strides = array<i32>} : memref<16x128xf32, #tpu.memory_space<vmem>>, vector<1x16xf32>,
    %swap3A_41 = vector.shape_cast %swap3A_40 : vector<1x16xf32> to vector<16xf32>
    %swap3A_42 = vector.shape_cast %broadcast_in_dim3A_1 : vector<16xf32> to vector<1x16xf32>
    tpu.vector_store %arg11[%swap3A_38, %swap3A_39], %swap3A_42 {strides = array<i32>} : memref<16x128xf32, #tpu.memory_space<vmem>>, vector<1x16xf32>,
    %swap3A_43 = arith.constant 0 : i32
    %swap3A_44 = arith.index_cast %swap3A_43 : i32 to index
    %swap3A_45 = arith.constant 112 : index
    %swap3A_46 = tpu.vector_load %arg11[%swap3A_44, %swap3A_45] {strides = array<i32>} : memref<16x128xf32, #tpu.memory_space<vmem>>, vector<1x16xf32>,
    %swap3A_47 = vector.shape_cast %swap3A_46 : vector<1x16xf32> to vector<16xf32>
    %swap3A_48 = vector.shape_cast %broadcast_in_dim3A_1 : vector<16xf32> to vector<1x16xf32>
    tpu.vector_store %arg11[%swap3A_44, %swap3A_45], %swap3A_48 {strides = array<i32>} : memref<16x128xf32, #tpu.memory_space<vmem>>, vector<1x16xf32>,
    %swap3A_49 = arith.constant 1 : i32
    %swap3A_50 = arith.index_cast %swap3A_49 : i32 to index
    %swap3A_51 = arith.constant 0 : index
    %swap3A_52 = tpu.vector_load %arg11[%swap3A_50, %swap3A_51] {strides = array<i32>} : memref<16x128xf32, #tpu.memory_space<vmem>>, vector<1x16xf32>,
    %swap3A_53 = vector.shape_cast %swap3A_52 : vector<1x16xf32> to vector<16xf32>
    %swap3A_54 = vector.shape_cast %broadcast_in_dim3A_1 : vector<16xf32> to vector<1x16xf32>
    tpu.vector_store %arg11[%swap3A_50, %swap3A_51], %swap3A_54 {strides = array<i32>} : memref<16x128xf32, #tpu.memory_space<vmem>>, vector<1x16xf32>,
    %swap3A_55 = arith.constant 1 : i32
    %swap3A_56 = arith.index_cast %swap3A_55 : i32 to index
    %swap3A_57 = arith.constant 16 : index
    %swap3A_58 = tpu.vector_load %arg11[%swap3A_56, %swap3A_57] {strides = array<i32>} : memref<16x128xf32, #tpu.memory_space<vmem>>, vector<1x16xf32>,
    %swap3A_59 = vector.shape_cast %swap3A_58 : vector<1x16xf32> to vector<16xf32>
    %swap3A_60 = vector.shape_cast %broadcast_in_dim3A_1 : vector<16xf32> to vector<1x16xf32>
    tpu.vector_store %arg11[%swap3A_56, %swap3A_57], %swap3A_60 {strides = array<i32>} : memref<16x128xf32, #tpu.memory_space<vmem>>, vector<1x16xf32>,
    %swap3A_61 = arith.constant 1 : i32
    %swap3A_62 = arith.index_cast %swap3A_61 : i32 to index
    %swap3A_63 = arith.constant 32 : index
    %swap3A_64 = tpu.vector_load %arg11[%swap3A_62, %swap3A_63] {strides = array<i32>} : memref<16x128xf32, #tpu.memory_space<vmem>>, vector<1x16xf32>,
    %swap3A_65 = vector.shape_cast %swap3A_64 : vector<1x16xf32> to vector<16xf32>
    %swap3A_66 = vector.shape_cast %broadcast_in_dim3A_1 : vector<16xf32> to vector<1x16xf32>
    tpu.vector_store %arg11[%swap3A_62, %swap3A_63], %swap3A_66 {strides = array<i32>} : memref<16x128xf32, #tpu.memory_space<vmem>>, vector<1x16xf32>,
    %swap3A_67 = arith.constant 1 : i32
    %swap3A_68 = arith.index_cast %swap3A_67 : i32 to index
    %swap3A_69 = arith.constant 48 : index
    %swap3A_70 = tpu.vector_load %arg11[%swap3A_68, %swap3A_69] {strides = array<i32>} : memref<16x128xf32, #tpu.memory_space<vmem>>, vector<1x16xf32>,
    %swap3A_71 = vector.shape_cast %swap3A_70 : vector<1x16xf32> to vector<16xf32>
    %swap3A_72 = vector.shape_cast %broadcast_in_dim3A_1 : vector<16xf32> to vector<1x16xf32>
    tpu.vector_store %arg11[%swap3A_68, %swap3A_69], %swap3A_72 {strides = array<i32>} : memref<16x128xf32, #tpu.memory_space<vmem>>, vector<1x16xf32>,
    %swap3A_73 = arith.constant 1 : i32
    %swap3A_74 = arith.index_cast %swap3A_73 : i32 to index
    %swap3A_75 = arith.constant 64 : index
    %swap3A_76 = tpu.vector_load %arg11[%swap3A_74, %swap3A_75] {strides = array<i32>} : memref<16x128xf32, #tpu.memory_space<vmem>>, vector<1x16xf32>,
    %swap3A_77 = vector.shape_cast %swap3A_76 : vector<1x16xf32> to vector<16xf32>
    %swap3A_78 = vector.shape_cast %broadcast_in_dim3A_1 : vector<16xf32> to vector<1x16xf32>
    tpu.vector_store %arg11[%swap3A_74, %swap3A_75], %swap3A_78 {strides = array<i32>} : memref<16x128xf32, #tpu.memory_space<vmem>>, vector<1x16xf32>,
    %swap3A_79 = arith.constant 1 : i32
    %swap3A_80 = arith.index_cast %swap3A_79 : i32 to index
    %swap3A_81 = arith.constant 80 : index
    %swap3A_82 = tpu.vector_load %arg11[%swap3A_80, %swap3A_81] {strides = array<i32>} : memref<16x128xf32, #tpu.memory_space<vmem>>, vector<1x16xf32>,
    %swap3A_83 = vector.shape_cast %swap3A_82 : vector<1x16xf32> to vector<16xf32>
    %swap3A_84 = vector.shape_cast %broadcast_in_dim3A_1 : vector<16xf32> to vector<1x16xf32>
    tpu.vector_store %arg11[%swap3A_80, %swap3A_81], %swap3A_84 {strides = array<i32>} : memref<16x128xf32, #tpu.memory_space<vmem>>, vector<1x16xf32>,
    %swap3A_85 = arith.constant 1 : i32
    %swap3A_86 = arith.index_cast %swap3A_85 : i32 to index
    %swap3A_87 = arith.constant 96 : index
    %swap3A_88 = tpu.vector_load %arg11[%swap3A_86, %swap3A_87] {strides = array<i32>} : memref<16x128xf32, #tpu.memory_space<vmem>>, vector<1x16xf32>,
    %swap3A_89 = vector.shape_cast %swap3A_88 : vector<1x16xf32> to vector<16xf32>
    %swap3A_90 = vector.shape_cast %broadcast_in_dim3A_1 : vector<16xf32> to vector<1x16xf32>
    tpu.vector_store %arg11[%swap3A_86, %swap3A_87], %swap3A_90 {strides = array<i32>} : memref<16x128xf32, #tpu.memory_space<vmem>>, vector<1x16xf32>,
    %swap3A_91 = arith.constant 1 : i32
    %swap3A_92 = arith.index_cast %swap3A_91 : i32 to index
    %swap3A_93 = arith.constant 112 : index
    %swap3A_94 = tpu.vector_load %arg11[%swap3A_92, %swap3A_93] {strides = array<i32>} : memref<16x128xf32, #tpu.memory_space<vmem>>, vector<1x16xf32>,
    %swap3A_95 = vector.shape_cast %swap3A_94 : vector<1x16xf32> to vector<16xf32>
    %swap3A_96 = vector.shape_cast %broadcast_in_dim3A_1 : vector<16xf32> to vector<1x16xf32>
    tpu.vector_store %arg11[%swap3A_92, %swap3A_93], %swap3A_96 {strides = array<i32>} : memref<16x128xf32, #tpu.memory_space<vmem>>, vector<1x16xf32>,
    %swap3A_97 = arith.constant 2 : i32
    %swap3A_98 = arith.index_cast %swap3A_97 : i32 to index
    %swap3A_99 = arith.constant 0 : index
    %swap3A_100 = tpu.vector_load %arg11[%swap3A_98, %swap3A_99] {strides = array<i32>} : memref<16x128xf32, #tpu.memory_space<vmem>>, vector<1x16xf32>,
    %swap3A_101 = vector.shape_cast %swap3A_100 : vector<1x16xf32> to vector<16xf32>
    %swap3A_102 = vector.shape_cast %broadcast_in_dim3A_1 : vector<16xf32> to vector<1x16xf32>
    tpu.vector_store %arg11[%swap3A_98, %swap3A_99], %swap3A_102 {strides = array<i32>} : memref<16x128xf32, #tpu.memory_space<vmem>>, vector<1x16xf32>,
    %swap3A_103 = arith.constant 2 : i32
    %swap3A_104 = arith.index_cast %swap3A_103 : i32 to index
    %swap3A_105 = arith.constant 16 : index
    %swap3A_106 = tpu.vector_load %arg11[%swap3A_104, %swap3A_105] {strides = array<i32>} : memref<16x128xf32, #tpu.memory_space<vmem>>, vector<1x16xf32>,
    %swap3A_107 = vector.shape_cast %swap3A_106 : vector<1x16xf32> to vector<16xf32>
    %swap3A_108 = vector.shape_cast %broadcast_in_dim3A_1 : vector<16xf32> to vector<1x16xf32>
    tpu.vector_store %arg11[%swap3A_104, %swap3A_105], %swap3A_108 {strides = array<i32>} : memref<16x128xf32, #tpu.memory_space<vmem>>, vector<1x16xf32>,
    %swap3A_109 = arith.constant 2 : i32
    %swap3A_110 = arith.index_cast %swap3A_109 : i32 to index
    %swap3A_111 = arith.constant 32 : index
    %swap3A_112 = tpu.vector_load %arg11[%swap3A_110, %swap3A_111] {strides = array<i32>} : memref<16x128xf32, #tpu.memory_space<vmem>>, vector<1x16xf32>,
    %swap3A_113 = vector.shape_cast %swap3A_112 : vector<1x16xf32> to vector<16xf32>
    %swap3A_114 = vector.shape_cast %broadcast_in_dim3A_1 : vector<16xf32> to vector<1x16xf32>
    tpu.vector_store %arg11[%swap3A_110, %swap3A_111], %swap3A_114 {strides = array<i32>} : memref<16x128xf32, #tpu.memory_space<vmem>>, vector<1x16xf32>,
    %swap3A_115 = arith.constant 2 : i32
    %swap3A_116 = arith.index_cast %swap3A_115 : i32 to index
    %swap3A_117 = arith.constant 48 : index
    %swap3A_118 = tpu.vector_load %arg11[%swap3A_116, %swap3A_117] {strides = array<i32>} : memref<16x128xf32, #tpu.memory_space<vmem>>, vector<1x16xf32>,
    %swap3A_119 = vector.shape_cast %swap3A_118 : vector<1x16xf32> to vector<16xf32>
    %swap3A_120 = vector.shape_cast %broadcast_in_dim3A_1 : vector<16xf32> to vector<1x16xf32>
    tpu.vector_store %arg11[%swap3A_116, %swap3A_117], %swap3A_120 {strides = array<i32>} : memref<16x128xf32, #tpu.memory_space<vmem>>, vector<1x16xf32>,
    %swap3A_121 = arith.constant 2 : i32
    %swap3A_122 = arith.index_cast %swap3A_121 : i32 to index
    %swap3A_123 = arith.constant 64 : index
    %swap3A_124 = tpu.vector_load %arg11[%swap3A_122, %swap3A_123] {strides = array<i32>} : memref<16x128xf32, #tpu.memory_space<vmem>>, vector<1x16xf32>,
    %swap3A_125 = vector.shape_cast %swap3A_124 : vector<1x16xf32> to vector<16xf32>
    %swap3A_126 = vector.shape_cast %broadcast_in_dim3A_1 : vector<16xf32> to vector<1x16xf32>
    tpu.vector_store %arg11[%swap3A_122, %swap3A_123], %swap3A_126 {strides = array<i32>} : memref<16x128xf32, #tpu.memory_space<vmem>>, vector<1x16xf32>,
    %swap3A_127 = arith.constant 2 : i32
    %swap3A_128 = arith.index_cast %swap3A_127 : i32 to index
    %swap3A_129 = arith.constant 80 : index
    %swap3A_130 = tpu.vector_load %arg11[%swap3A_128, %swap3A_129] {strides = array<i32>} : memref<16x128xf32, #tpu.memory_space<vmem>>, vector<1x16xf32>,
    %swap3A_131 = vector.shape_cast %swap3A_130 : vector<1x16xf32> to vector<16xf32>
    %swap3A_132 = vector.shape_cast %broadcast_in_dim3A_1 : vector<16xf32> to vector<1x16xf32>
    tpu.vector_store %arg11[%swap3A_128, %swap3A_129], %swap3A_132 {strides = array<i32>} : memref<16x128xf32, #tpu.memory_space<vmem>>, vector<1x16xf32>,
    %swap3A_133 = arith.constant 2 : i32
    %swap3A_134 = arith.index_cast %swap3A_133 : i32 to index
    %swap3A_135 = arith.constant 96 : index
    %swap3A_136 = tpu.vector_load %arg11[%swap3A_134, %swap3A_135] {strides = array<i32>} : memref<16x128xf32, #tpu.memory_space<vmem>>, vector<1x16xf32>,
    %swap3A_137 = vector.shape_cast %swap3A_136 : vector<1x16xf32> to vector<16xf32>
    %swap3A_138 = vector.shape_cast %broadcast_in_dim3A_1 : vector<16xf32> to vector<1x16xf32>
    tpu.vector_store %arg11[%swap3A_134, %swap3A_135], %swap3A_138 {strides = array<i32>} : memref<16x128xf32, #tpu.memory_space<vmem>>, vector<1x16xf32>,
    %swap3A_139 = arith.constant 2 : i32
    %swap3A_140 = arith.index_cast %swap3A_139 : i32 to index
    %swap3A_141 = arith.constant 112 : index
    %swap3A_142 = tpu.vector_load %arg11[%swap3A_140, %swap3A_141] {strides = array<i32>} : memref<16x128xf32, #tpu.memory_space<vmem>>, vector<1x16xf32>,
    %swap3A_143 = vector.shape_cast %swap3A_142 : vector<1x16xf32> to vector<16xf32>
    %swap3A_144 = vector.shape_cast %broadcast_in_dim3A_1 : vector<16xf32> to vector<1x16xf32>
    tpu.vector_store %arg11[%swap3A_140, %swap3A_141], %swap3A_144 {strides = array<i32>} : memref<16x128xf32, #tpu.memory_space<vmem>>, vector<1x16xf32>,
    %swap3A_145 = arith.constant 3 : i32
    %swap3A_146 = arith.index_cast %swap3A_145 : i32 to index
    %swap3A_147 = arith.constant 0 : index
    %swap3A_148 = tpu.vector_load %arg11[%swap3A_146, %swap3A_147] {strides = array<i32>} : memref<16x128xf32, #tpu.memory_space<vmem>>, vector<1x16xf32>,
    %swap3A_149 = vector.shape_cast %swap3A_148 : vector<1x16xf32> to vector<16xf32>
    %swap3A_150 = vector.shape_cast %broadcast_in_dim3A_1 : vector<16xf32> to vector<1x16xf32>
    tpu.vector_store %arg11[%swap3A_146, %swap3A_147], %swap3A_150 {strides = array<i32>} : memref<16x128xf32, #tpu.memory_space<vmem>>, vector<1x16xf32>,
    %swap3A_151 = arith.constant 3 : i32
    %swap3A_152 = arith.index_cast %swap3A_151 : i32 to index
    %swap3A_153 = arith.constant 16 : index
    %swap3A_154 = tpu.vector_load %arg11[%swap3A_152, %swap3A_153] {strides = array<i32>} : memref<16x128xf32, #tpu.memory_space<vmem>>, vector<1x16xf32>,
    %swap3A_155 = vector.shape_cast %swap3A_154 : vector<1x16xf32> to vector<16xf32>
    %swap3A_156 = vector.shape_cast %broadcast_in_dim3A_1 : vector<16xf32> to vector<1x16xf32>
    tpu.vector_store %arg11[%swap3A_152, %swap3A_153], %swap3A_156 {strides = array<i32>} : memref<16x128xf32, #tpu.memory_space<vmem>>, vector<1x16xf32>,
    %swap3A_157 = arith.constant 3 : i32
    %swap3A_158 = arith.index_cast %swap3A_157 : i32 to index
    %swap3A_159 = arith.constant 32 : index
    %swap3A_160 = tpu.vector_load %arg11[%swap3A_158, %swap3A_159] {strides = array<i32>} : memref<16x128xf32, #tpu.memory_space<vmem>>, vector<1x16xf32>,
    %swap3A_161 = vector.shape_cast %swap3A_160 : vector<1x16xf32> to vector<16xf32>
    %swap3A_162 = vector.shape_cast %broadcast_in_dim3A_1 : vector<16xf32> to vector<1x16xf32>
    tpu.vector_store %arg11[%swap3A_158, %swap3A_159], %swap3A_162 {strides = array<i32>} : memref<16x128xf32, #tpu.memory_space<vmem>>, vector<1x16xf32>,
    %swap3A_163 = arith.constant 3 : i32
    %swap3A_164 = arith.index_cast %swap3A_163 : i32 to index
    %swap3A_165 = arith.constant 48 : index
    %swap3A_166 = tpu.vector_load %arg11[%swap3A_164, %swap3A_165] {strides = array<i32>} : memref<16x128xf32, #tpu.memory_space<vmem>>, vector<1x16xf32>,
    %swap3A_167 = vector.shape_cast %swap3A_166 : vector<1x16xf32> to vector<16xf32>
    %swap3A_168 = vector.shape_cast %broadcast_in_dim3A_1 : vector<16xf32> to vector<1x16xf32>
    tpu.vector_store %arg11[%swap3A_164, %swap3A_165], %swap3A_168 {strides = array<i32>} : memref<16x128xf32, #tpu.memory_space<vmem>>, vector<1x16xf32>,
    %swap3A_169 = arith.constant 3 : i32
    %swap3A_170 = arith.index_cast %swap3A_169 : i32 to index
    %swap3A_171 = arith.constant 64 : index
    %swap3A_172 = tpu.vector_load %arg11[%swap3A_170, %swap3A_171] {strides = array<i32>} : memref<16x128xf32, #tpu.memory_space<vmem>>, vector<1x16xf32>,
    %swap3A_173 = vector.shape_cast %swap3A_172 : vector<1x16xf32> to vector<16xf32>
    %swap3A_174 = vector.shape_cast %broadcast_in_dim3A_1 : vector<16xf32> to vector<1x16xf32>
    tpu.vector_store %arg11[%swap3A_170, %swap3A_171], %swap3A_174 {strides = array<i32>} : memref<16x128xf32, #tpu.memory_space<vmem>>, vector<1x16xf32>,
    %swap3A_175 = arith.constant 3 : i32
    %swap3A_176 = arith.index_cast %swap3A_175 : i32 to index
    %swap3A_177 = arith.constant 80 : index
    %swap3A_178 = tpu.vector_load %arg11[%swap3A_176, %swap3A_177] {strides = array<i32>} : memref<16x128xf32, #tpu.memory_space<vmem>>, vector<1x16xf32>,
    %swap3A_179 = vector.shape_cast %swap3A_178 : vector<1x16xf32> to vector<16xf32>
    %swap3A_180 = vector.shape_cast %broadcast_in_dim3A_1 : vector<16xf32> to vector<1x16xf32>
    tpu.vector_store %arg11[%swap3A_176, %swap3A_177], %swap3A_180 {strides = array<i32>} : memref<16x128xf32, #tpu.memory_space<vmem>>, vector<1x16xf32>,
    %swap3A_181 = arith.constant 3 : i32
    %swap3A_182 = arith.index_cast %swap3A_181 : i32 to index
    %swap3A_183 = arith.constant 96 : index
    %swap3A_184 = tpu.vector_load %arg11[%swap3A_182, %swap3A_183] {strides = array<i32>} : memref<16x128xf32, #tpu.memory_space<vmem>>, vector<1x16xf32>,
    %swap3A_185 = vector.shape_cast %swap3A_184 : vector<1x16xf32> to vector<16xf32>
    %swap3A_186 = vector.shape_cast %broadcast_in_dim3A_1 : vector<16xf32> to vector<1x16xf32>
    tpu.vector_store %arg11[%swap3A_182, %swap3A_183], %swap3A_186 {strides = array<i32>} : memref<16x128xf32, #tpu.memory_space<vmem>>, vector<1x16xf32>,
    %swap3A_187 = arith.constant 3 : i32
    %swap3A_188 = arith.index_cast %swap3A_187 : i32 to index
    %swap3A_189 = arith.constant 112 : index
    %swap3A_190 = tpu.vector_load %arg11[%swap3A_188, %swap3A_189] {strides = array<i32>} : memref<16x128xf32, #tpu.memory_space<vmem>>, vector<1x16xf32>,
    %swap3A_191 = vector.shape_cast %swap3A_190 : vector<1x16xf32> to vector<16xf32>
    %swap3A_192 = vector.shape_cast %broadcast_in_dim3A_1 : vector<16xf32> to vector<1x16xf32>
    tpu.vector_store %arg11[%swap3A_188, %swap3A_189], %swap3A_192 {strides = array<i32>} : memref<16x128xf32, #tpu.memory_space<vmem>>, vector<1x16xf32>,
    %swap3A_193 = arith.constant 4 : i32
    %swap3A_194 = arith.index_cast %swap3A_193 : i32 to index
    %swap3A_195 = arith.constant 0 : index
    %swap3A_196 = tpu.vector_load %arg11[%swap3A_194, %swap3A_195] {strides = array<i32>} : memref<16x128xf32, #tpu.memory_space<vmem>>, vector<1x16xf32>,
    %swap3A_197 = vector.shape_cast %swap3A_196 : vector<1x16xf32> to vector<16xf32>
    %swap3A_198 = vector.shape_cast %broadcast_in_dim3A_1 : vector<16xf32> to vector<1x16xf32>
    tpu.vector_store %arg11[%swap3A_194, %swap3A_195], %swap3A_198 {strides = array<i32>} : memref<16x128xf32, #tpu.memory_space<vmem>>, vector<1x16xf32>,
    %swap3A_199 = arith.constant 4 : i32
    %swap3A_200 = arith.index_cast %swap3A_199 : i32 to index
    %swap3A_201 = arith.constant 16 : index
    %swap3A_202 = tpu.vector_load %arg11[%swap3A_200, %swap3A_201] {strides = array<i32>} : memref<16x128xf32, #tpu.memory_space<vmem>>, vector<1x16xf32>,
    %swap3A_203 = vector.shape_cast %swap3A_202 : vector<1x16xf32> to vector<16xf32>
    %swap3A_204 = vector.shape_cast %broadcast_in_dim3A_1 : vector<16xf32> to vector<1x16xf32>
    tpu.vector_store %arg11[%swap3A_200, %swap3A_201], %swap3A_204 {strides = array<i32>} : memref<16x128xf32, #tpu.memory_space<vmem>>, vector<1x16xf32>,
    %swap3A_205 = arith.constant 4 : i32
    %swap3A_206 = arith.index_cast %swap3A_205 : i32 to index
    %swap3A_207 = arith.constant 32 : index
    %swap3A_208 = tpu.vector_load %arg11[%swap3A_206, %swap3A_207] {strides = array<i32>} : memref<16x128xf32, #tpu.memory_space<vmem>>, vector<1x16xf32>,
    %swap3A_209 = vector.shape_cast %swap3A_208 : vector<1x16xf32> to vector<16xf32>
    %swap3A_210 = vector.shape_cast %broadcast_in_dim3A_1 : vector<16xf32> to vector<1x16xf32>
    tpu.vector_store %arg11[%swap3A_206, %swap3A_207], %swap3A_210 {strides = array<i32>} : memref<16x128xf32, #tpu.memory_space<vmem>>, vector<1x16xf32>,
    %swap3A_211 = arith.constant 4 : i32
    %swap3A_212 = arith.index_cast %swap3A_211 : i32 to index
    %swap3A_213 = arith.constant 48 : index
    %swap3A_214 = tpu.vector_load %arg11[%swap3A_212, %swap3A_213] {strides = array<i32>} : memref<16x128xf32, #tpu.memory_space<vmem>>, vector<1x16xf32>,
    %swap3A_215 = vector.shape_cast %swap3A_214 : vector<1x16xf32> to vector<16xf32>
    %swap3A_216 = vector.shape_cast %broadcast_in_dim3A_1 : vector<16xf32> to vector<1x16xf32>
    tpu.vector_store %arg11[%swap3A_212, %swap3A_213], %swap3A_216 {strides = array<i32>} : memref<16x128xf32, #tpu.memory_space<vmem>>, vector<1x16xf32>,
    %swap3A_217 = arith.constant 4 : i32
    %swap3A_218 = arith.index_cast %swap3A_217 : i32 to index
    %swap3A_219 = arith.constant 64 : index
    %swap3A_220 = tpu.vector_load %arg11[%swap3A_218, %swap3A_219] {strides = array<i32>} : memref<16x128xf32, #tpu.memory_space<vmem>>, vector<1x16xf32>,
    %swap3A_221 = vector.shape_cast %swap3A_220 : vector<1x16xf32> to vector<16xf32>
    %swap3A_222 = vector.shape_cast %broadcast_in_dim3A_1 : vector<16xf32> to vector<1x16xf32>
    tpu.vector_store %arg11[%swap3A_218, %swap3A_219], %swap3A_222 {strides = array<i32>} : memref<16x128xf32, #tpu.memory_space<vmem>>, vector<1x16xf32>,
    %swap3A_223 = arith.constant 4 : i32
    %swap3A_224 = arith.index_cast %swap3A_223 : i32 to index
    %swap3A_225 = arith.constant 80 : index
    %swap3A_226 = tpu.vector_load %arg11[%swap3A_224, %swap3A_225] {strides = array<i32>} : memref<16x128xf32, #tpu.memory_space<vmem>>, vector<1x16xf32>,
    %swap3A_227 = vector.shape_cast %swap3A_226 : vector<1x16xf32> to vector<16xf32>
    %swap3A_228 = vector.shape_cast %broadcast_in_dim3A_1 : vector<16xf32> to vector<1x16xf32>
    tpu.vector_store %arg11[%swap3A_224, %swap3A_225], %swap3A_228 {strides = array<i32>} : memref<16x128xf32, #tpu.memory_space<vmem>>, vector<1x16xf32>,
    %swap3A_229 = arith.constant 4 : i32
    %swap3A_230 = arith.index_cast %swap3A_229 : i32 to index
    %swap3A_231 = arith.constant 96 : index
    %swap3A_232 = tpu.vector_load %arg11[%swap3A_230, %swap3A_231] {strides = array<i32>} : memref<16x128xf32, #tpu.memory_space<vmem>>, vector<1x16xf32>,
    %swap3A_233 = vector.shape_cast %swap3A_232 : vector<1x16xf32> to vector<16xf32>
    %swap3A_234 = vector.shape_cast %broadcast_in_dim3A_1 : vector<16xf32> to vector<1x16xf32>
    tpu.vector_store %arg11[%swap3A_230, %swap3A_231], %swap3A_234 {strides = array<i32>} : memref<16x128xf32, #tpu.memory_space<vmem>>, vector<1x16xf32>,
    %swap3A_235 = arith.constant 4 : i32
    %swap3A_236 = arith.index_cast %swap3A_235 : i32 to index
    %swap3A_237 = arith.constant 112 : index
    %swap3A_238 = tpu.vector_load %arg11[%swap3A_236, %swap3A_237] {strides = array<i32>} : memref<16x128xf32, #tpu.memory_space<vmem>>, vector<1x16xf32>,
    %swap3A_239 = vector.shape_cast %swap3A_238 : vector<1x16xf32> to vector<16xf32>
    %swap3A_240 = vector.shape_cast %broadcast_in_dim3A_1 : vector<16xf32> to vector<1x16xf32>
    tpu.vector_store %arg11[%swap3A_236, %swap3A_237], %swap3A_240 {strides = array<i32>} : memref<16x128xf32, #tpu.memory_space<vmem>>, vector<1x16xf32>,
    %swap3A_241 = arith.constant 5 : i32
    %swap3A_242 = arith.index_cast %swap3A_241 : i32 to index
    %swap3A_243 = arith.constant 0 : index
    %swap3A_244 = tpu.vector_load %arg11[%swap3A_242, %swap3A_243] {strides = array<i32>} : memref<16x128xf32, #tpu.memory_space<vmem>>, vector<1x16xf32>,
    %swap3A_245 = vector.shape_cast %swap3A_244 : vector<1x16xf32> to vector<16xf32>
    %swap3A_246 = vector.shape_cast %broadcast_in_dim3A_1 : vector<16xf32> to vector<1x16xf32>
    tpu.vector_store %arg11[%swap3A_242, %swap3A_243], %swap3A_246 {strides = array<i32>} : memref<16x128xf32, #tpu.memory_space<vmem>>, vector<1x16xf32>,
    %swap3A_247 = arith.constant 5 : i32
    %swap3A_248 = arith.index_cast %swap3A_247 : i32 to index
    %swap3A_249 = arith.constant 16 : index
    %swap3A_250 = tpu.vector_load %arg11[%swap3A_248, %swap3A_249] {strides = array<i32>} : memref<16x128xf32, #tpu.memory_space<vmem>>, vector<1x16xf32>,
    %swap3A_251 = vector.shape_cast %swap3A_250 : vector<1x16xf32> to vector<16xf32>
    %swap3A_252 = vector.shape_cast %broadcast_in_dim3A_1 : vector<16xf32> to vector<1x16xf32>
    tpu.vector_store %arg11[%swap3A_248, %swap3A_249], %swap3A_252 {strides = array<i32>} : memref<16x128xf32, #tpu.memory_space<vmem>>, vector<1x16xf32>,
    %swap3A_253 = arith.constant 5 : i32
    %swap3A_254 = arith.index_cast %swap3A_253 : i32 to index
    %swap3A_255 = arith.constant 32 : index
    %swap3A_256 = tpu.vector_load %arg11[%swap3A_254, %swap3A_255] {strides = array<i32>} : memref<16x128xf32, #tpu.memory_space<vmem>>, vector<1x16xf32>,
    %swap3A_257 = vector.shape_cast %swap3A_256 : vector<1x16xf32> to vector<16xf32>
    %swap3A_258 = vector.shape_cast %broadcast_in_dim3A_1 : vector<16xf32> to vector<1x16xf32>
    tpu.vector_store %arg11[%swap3A_254, %swap3A_255], %swap3A_258 {strides = array<i32>} : memref<16x128xf32, #tpu.memory_space<vmem>>, vector<1x16xf32>,
    %swap3A_259 = arith.constant 5 : i32
    %swap3A_260 = arith.index_cast %swap3A_259 : i32 to index
    %swap3A_261 = arith.constant 48 : index
    %swap3A_262 = tpu.vector_load %arg11[%swap3A_260, %swap3A_261] {strides = array<i32>} : memref<16x128xf32, #tpu.memory_space<vmem>>, vector<1x16xf32>,
    %swap3A_263 = vector.shape_cast %swap3A_262 : vector<1x16xf32> to vector<16xf32>
    %swap3A_264 = vector.shape_cast %broadcast_in_dim3A_1 : vector<16xf32> to vector<1x16xf32>
    tpu.vector_store %arg11[%swap3A_260, %swap3A_261], %swap3A_264 {strides = array<i32>} : memref<16x128xf32, #tpu.memory_space<vmem>>, vector<1x16xf32>,
    %swap3A_265 = arith.constant 5 : i32
    %swap3A_266 = arith.index_cast %swap3A_265 : i32 to index
    %swap3A_267 = arith.constant 64 : index
    %swap3A_268 = tpu.vector_load %arg11[%swap3A_266, %swap3A_267] {strides = array<i32>} : memref<16x128xf32, #tpu.memory_space<vmem>>, vector<1x16xf32>,
    %swap3A_269 = vector.shape_cast %swap3A_268 : vector<1x16xf32> to vector<16xf32>
    %swap3A_270 = vector.shape_cast %broadcast_in_dim3A_1 : vector<16xf32> to vector<1x16xf32>
    tpu.vector_store %arg11[%swap3A_266, %swap3A_267], %swap3A_270 {strides = array<i32>} : memref<16x128xf32, #tpu.memory_space<vmem>>, vector<1x16xf32>,
    %swap3A_271 = arith.constant 5 : i32
    %swap3A_272 = arith.index_cast %swap3A_271 : i32 to index
    %swap3A_273 = arith.constant 80 : index
    %swap3A_274 = tpu.vector_load %arg11[%swap3A_272, %swap3A_273] {strides = array<i32>} : memref<16x128xf32, #tpu.memory_space<vmem>>, vector<1x16xf32>,
    %swap3A_275 = vector.shape_cast %swap3A_274 : vector<1x16xf32> to vector<16xf32>
    %swap3A_276 = vector.shape_cast %broadcast_in_dim3A_1 : vector<16xf32> to vector<1x16xf32>
    tpu.vector_store %arg11[%swap3A_272, %swap3A_273], %swap3A_276 {strides = array<i32>} : memref<16x128xf32, #tpu.memory_space<vmem>>, vector<1x16xf32>,
    %swap3A_277 = arith.constant 5 : i32
    %swap3A_278 = arith.index_cast %swap3A_277 : i32 to index
    %swap3A_279 = arith.constant 96 : index
    %swap3A_280 = tpu.vector_load %arg11[%swap3A_278, %swap3A_279] {strides = array<i32>} : memref<16x128xf32, #tpu.memory_space<vmem>>, vector<1x16xf32>,
    %swap3A_281 = vector.shape_cast %swap3A_280 : vector<1x16xf32> to vector<16xf32>
    %swap3A_282 = vector.shape_cast %broadcast_in_dim3A_1 : vector<16xf32> to vector<1x16xf32>
    tpu.vector_store %arg11[%swap3A_278, %swap3A_279], %swap3A_282 {strides = array<i32>} : memref<16x128xf32, #tpu.memory_space<vmem>>, vector<1x16xf32>,
    %swap3A_283 = arith.constant 5 : i32
    %swap3A_284 = arith.index_cast %swap3A_283 : i32 to index
    %swap3A_285 = arith.constant 112 : index
    %swap3A_286 = tpu.vector_load %arg11[%swap3A_284, %swap3A_285] {strides = array<i32>} : memref<16x128xf32, #tpu.memory_space<vmem>>, vector<1x16xf32>,
    %swap3A_287 = vector.shape_cast %swap3A_286 : vector<1x16xf32> to vector<16xf32>
    %swap3A_288 = vector.shape_cast %broadcast_in_dim3A_1 : vector<16xf32> to vector<1x16xf32>
    tpu.vector_store %arg11[%swap3A_284, %swap3A_285], %swap3A_288 {strides = array<i32>} : memref<16x128xf32, #tpu.memory_space<vmem>>, vector<1x16xf32>,
    %swap3A_289 = arith.constant 6 : i32
    %swap3A_290 = arith.index_cast %swap3A_289 : i32 to index
    %swap3A_291 = arith.constant 0 : index
    %swap3A_292 = tpu.vector_load %arg11[%swap3A_290, %swap3A_291] {strides = array<i32>} : memref<16x128xf32, #tpu.memory_space<vmem>>, vector<1x16xf32>,
    %swap3A_293 = vector.shape_cast %swap3A_292 : vector<1x16xf32> to vector<16xf32>
    %swap3A_294 = vector.shape_cast %broadcast_in_dim3A_1 : vector<16xf32> to vector<1x16xf32>
    tpu.vector_store %arg11[%swap3A_290, %swap3A_291], %swap3A_294 {strides = array<i32>} : memref<16x128xf32, #tpu.memory_space<vmem>>, vector<1x16xf32>,
    %swap3A_295 = arith.constant 6 : i32
    %swap3A_296 = arith.index_cast %swap3A_295 : i32 to index
    %swap3A_297 = arith.constant 16 : index
    %swap3A_298 = tpu.vector_load %arg11[%swap3A_296, %swap3A_297] {strides = array<i32>} : memref<16x128xf32, #tpu.memory_space<vmem>>, vector<1x16xf32>,
    %swap3A_299 = vector.shape_cast %swap3A_298 : vector<1x16xf32> to vector<16xf32>
    %swap3A_300 = vector.shape_cast %broadcast_in_dim3A_1 : vector<16xf32> to vector<1x16xf32>
    tpu.vector_store %arg11[%swap3A_296, %swap3A_297], %swap3A_300 {strides = array<i32>} : memref<16x128xf32, #tpu.memory_space<vmem>>, vector<1x16xf32>,
    %swap3A_301 = arith.constant 6 : i32
    %swap3A_302 = arith.index_cast %swap3A_301 : i32 to index
    %swap3A_303 = arith.constant 32 : index
    %swap3A_304 = tpu.vector_load %arg11[%swap3A_302, %swap3A_303] {strides = array<i32>} : memref<16x128xf32, #tpu.memory_space<vmem>>, vector<1x16xf32>,
    %swap3A_305 = vector.shape_cast %swap3A_304 : vector<1x16xf32> to vector<16xf32>
    %swap3A_306 = vector.shape_cast %broadcast_in_dim3A_1 : vector<16xf32> to vector<1x16xf32>
    tpu.vector_store %arg11[%swap3A_302, %swap3A_303], %swap3A_306 {strides = array<i32>} : memref<16x128xf32, #tpu.memory_space<vmem>>, vector<1x16xf32>,
    %swap3A_307 = arith.constant 6 : i32
    %swap3A_308 = arith.index_cast %swap3A_307 : i32 to index
    %swap3A_309 = arith.constant 48 : index
    %swap3A_310 = tpu.vector_load %arg11[%swap3A_308, %swap3A_309] {strides = array<i32>} : memref<16x128xf32, #tpu.memory_space<vmem>>, vector<1x16xf32>,
    %swap3A_311 = vector.shape_cast %swap3A_310 : vector<1x16xf32> to vector<16xf32>
    %swap3A_312 = vector.shape_cast %broadcast_in_dim3A_1 : vector<16xf32> to vector<1x16xf32>
    tpu.vector_store %arg11[%swap3A_308, %swap3A_309], %swap3A_312 {strides = array<i32>} : memref<16x128xf32, #tpu.memory_space<vmem>>, vector<1x16xf32>,
    %swap3A_313 = arith.constant 6 : i32
    %swap3A_314 = arith.index_cast %swap3A_313 : i32 to index
    %swap3A_315 = arith.constant 64 : index
    %swap3A_316 = tpu.vector_load %arg11[%swap3A_314, %swap3A_315] {strides = array<i32>} : memref<16x128xf32, #tpu.memory_space<vmem>>, vector<1x16xf32>,
    %swap3A_317 = vector.shape_cast %swap3A_316 : vector<1x16xf32> to vector<16xf32>
    %swap3A_318 = vector.shape_cast %broadcast_in_dim3A_1 : vector<16xf32> to vector<1x16xf32>
    tpu.vector_store %arg11[%swap3A_314, %swap3A_315], %swap3A_318 {strides = array<i32>} : memref<16x128xf32, #tpu.memory_space<vmem>>, vector<1x16xf32>,
    %swap3A_319 = arith.constant 6 : i32
    %swap3A_320 = arith.index_cast %swap3A_319 : i32 to index
    %swap3A_321 = arith.constant 80 : index
    %swap3A_322 = tpu.vector_load %arg11[%swap3A_320, %swap3A_321] {strides = array<i32>} : memref<16x128xf32, #tpu.memory_space<vmem>>, vector<1x16xf32>,
    %swap3A_323 = vector.shape_cast %swap3A_322 : vector<1x16xf32> to vector<16xf32>
    %swap3A_324 = vector.shape_cast %broadcast_in_dim3A_1 : vector<16xf32> to vector<1x16xf32>
    tpu.vector_store %arg11[%swap3A_320, %swap3A_321], %swap3A_324 {strides = array<i32>} : memref<16x128xf32, #tpu.memory_space<vmem>>, vector<1x16xf32>,
    %swap3A_325 = arith.constant 6 : i32
    %swap3A_326 = arith.index_cast %swap3A_325 : i32 to index
    %swap3A_327 = arith.constant 96 : index
    %swap3A_328 = tpu.vector_load %arg11[%swap3A_326, %swap3A_327] {strides = array<i32>} : memref<16x128xf32, #tpu.memory_space<vmem>>, vector<1x16xf32>,
    %swap3A_329 = vector.shape_cast %swap3A_328 : vector<1x16xf32> to vector<16xf32>
    %swap3A_330 = vector.shape_cast %broadcast_in_dim3A_1 : vector<16xf32> to vector<1x16xf32>
    tpu.vector_store %arg11[%swap3A_326, %swap3A_327], %swap3A_330 {strides = array<i32>} : memref<16x128xf32, #tpu.memory_space<vmem>>, vector<1x16xf32>,
    %swap3A_331 = arith.constant 6 : i32
    %swap3A_332 = arith.index_cast %swap3A_331 : i32 to index
    %swap3A_333 = arith.constant 112 : index
    %swap3A_334 = tpu.vector_load %arg11[%swap3A_332, %swap3A_333] {strides = array<i32>} : memref<16x128xf32, #tpu.memory_space<vmem>>, vector<1x16xf32>,
    %swap3A_335 = vector.shape_cast %swap3A_334 : vector<1x16xf32> to vector<16xf32>
    %swap3A_336 = vector.shape_cast %broadcast_in_dim3A_1 : vector<16xf32> to vector<1x16xf32>
    tpu.vector_store %arg11[%swap3A_332, %swap3A_333], %swap3A_336 {strides = array<i32>} : memref<16x128xf32, #tpu.memory_space<vmem>>, vector<1x16xf32>,
    %swap3A_337 = arith.constant 7 : i32
    %swap3A_338 = arith.index_cast %swap3A_337 : i32 to index
    %swap3A_339 = arith.constant 0 : index
    %swap3A_340 = tpu.vector_load %arg11[%swap3A_338, %swap3A_339] {strides = array<i32>} : memref<16x128xf32, #tpu.memory_space<vmem>>, vector<1x16xf32>,
    %swap3A_341 = vector.shape_cast %swap3A_340 : vector<1x16xf32> to vector<16xf32>
    %swap3A_342 = vector.shape_cast %broadcast_in_dim3A_1 : vector<16xf32> to vector<1x16xf32>
    tpu.vector_store %arg11[%swap3A_338, %swap3A_339], %swap3A_342 {strides = array<i32>} : memref<16x128xf32, #tpu.memory_space<vmem>>, vector<1x16xf32>,
    %swap3A_343 = arith.constant 7 : i32
    %swap3A_344 = arith.index_cast %swap3A_343 : i32 to index
    %swap3A_345 = arith.constant 16 : index
    %swap3A_346 = tpu.vector_load %arg11[%swap3A_344, %swap3A_345] {strides = array<i32>} : memref<16x128xf32, #tpu.memory_space<vmem>>, vector<1x16xf32>,
    %swap3A_347 = vector.shape_cast %swap3A_346 : vector<1x16xf32> to vector<16xf32>
    %swap3A_348 = vector.shape_cast %broadcast_in_dim3A_1 : vector<16xf32> to vector<1x16xf32>
    tpu.vector_store %arg11[%swap3A_344, %swap3A_345], %swap3A_348 {strides = array<i32>} : memref<16x128xf32, #tpu.memory_space<vmem>>, vector<1x16xf32>,
    %swap3A_349 = arith.constant 7 : i32
    %swap3A_350 = arith.index_cast %swap3A_349 : i32 to index
    %swap3A_351 = arith.constant 32 : index
    %swap3A_352 = tpu.vector_load %arg11[%swap3A_350, %swap3A_351] {strides = array<i32>} : memref<16x128xf32, #tpu.memory_space<vmem>>, vector<1x16xf32>,
    %swap3A_353 = vector.shape_cast %swap3A_352 : vector<1x16xf32> to vector<16xf32>
    %swap3A_354 = vector.shape_cast %broadcast_in_dim3A_1 : vector<16xf32> to vector<1x16xf32>
    tpu.vector_store %arg11[%swap3A_350, %swap3A_351], %swap3A_354 {strides = array<i32>} : memref<16x128xf32, #tpu.memory_space<vmem>>, vector<1x16xf32>,
    %swap3A_355 = arith.constant 7 : i32
    %swap3A_356 = arith.index_cast %swap3A_355 : i32 to index
    %swap3A_357 = arith.constant 48 : index
    %swap3A_358 = tpu.vector_load %arg11[%swap3A_356, %swap3A_357] {strides = array<i32>} : memref<16x128xf32, #tpu.memory_space<vmem>>, vector<1x16xf32>,
    %swap3A_359 = vector.shape_cast %swap3A_358 : vector<1x16xf32> to vector<16xf32>
    %swap3A_360 = vector.shape_cast %broadcast_in_dim3A_1 : vector<16xf32> to vector<1x16xf32>
    tpu.vector_store %arg11[%swap3A_356, %swap3A_357], %swap3A_360 {strides = array<i32>} : memref<16x128xf32, #tpu.memory_space<vmem>>, vector<1x16xf32>,
    %swap3A_361 = arith.constant 7 : i32
    %swap3A_362 = arith.index_cast %swap3A_361 : i32 to index
    %swap3A_363 = arith.constant 64 : index
    %swap3A_364 = tpu.vector_load %arg11[%swap3A_362, %swap3A_363] {strides = array<i32>} : memref<16x128xf32, #tpu.memory_space<vmem>>, vector<1x16xf32>,
    %swap3A_365 = vector.shape_cast %swap3A_364 : vector<1x16xf32> to vector<16xf32>
    %swap3A_366 = vector.shape_cast %broadcast_in_dim3A_1 : vector<16xf32> to vector<1x16xf32>
    tpu.vector_store %arg11[%swap3A_362, %swap3A_363], %swap3A_366 {strides = array<i32>} : memref<16x128xf32, #tpu.memory_space<vmem>>, vector<1x16xf32>,
    %swap3A_367 = arith.constant 7 : i32
    %swap3A_368 = arith.index_cast %swap3A_367 : i32 to index
    %swap3A_369 = arith.constant 80 : index
    %swap3A_370 = tpu.vector_load %arg11[%swap3A_368, %swap3A_369] {strides = array<i32>} : memref<16x128xf32, #tpu.memory_space<vmem>>, vector<1x16xf32>,
    %swap3A_371 = vector.shape_cast %swap3A_370 : vector<1x16xf32> to vector<16xf32>
    %swap3A_372 = vector.shape_cast %broadcast_in_dim3A_1 : vector<16xf32> to vector<1x16xf32>
    tpu.vector_store %arg11[%swap3A_368, %swap3A_369], %swap3A_372 {strides = array<i32>} : memref<16x128xf32, #tpu.memory_space<vmem>>, vector<1x16xf32>,
    %swap3A_373 = arith.constant 7 : i32
    %swap3A_374 = arith.index_cast %swap3A_373 : i32 to index
    %swap3A_375 = arith.constant 96 : index
    %swap3A_376 = tpu.vector_load %arg11[%swap3A_374, %swap3A_375] {strides = array<i32>} : memref<16x128xf32, #tpu.memory_space<vmem>>, vector<1x16xf32>,
    %swap3A_377 = vector.shape_cast %swap3A_376 : vector<1x16xf32> to vector<16xf32>
    %swap3A_378 = vector.shape_cast %broadcast_in_dim3A_1 : vector<16xf32> to vector<1x16xf32>
    tpu.vector_store %arg11[%swap3A_374, %swap3A_375], %swap3A_378 {strides = array<i32>} : memref<16x128xf32, #tpu.memory_space<vmem>>, vector<1x16xf32>,
    %swap3A_379 = arith.constant 7 : i32
    %swap3A_380 = arith.index_cast %swap3A_379 : i32 to index
    %swap3A_381 = arith.constant 112 : index
    %swap3A_382 = tpu.vector_load %arg11[%swap3A_380, %swap3A_381] {strides = array<i32>} : memref<16x128xf32, #tpu.memory_space<vmem>>, vector<1x16xf32>,
    %swap3A_383 = vector.shape_cast %swap3A_382 : vector<1x16xf32> to vector<16xf32>
    %swap3A_384 = vector.shape_cast %broadcast_in_dim3A_1 : vector<16xf32> to vector<1x16xf32>
    tpu.vector_store %arg11[%swap3A_380, %swap3A_381], %swap3A_384 {strides = array<i32>} : memref<16x128xf32, #tpu.memory_space<vmem>>, vector<1x16xf32>,
    %swap3A_385 = arith.constant 8 : i32
    %swap3A_386 = arith.index_cast %swap3A_385 : i32 to index
    %swap3A_387 = arith.constant 0 : index
    %swap3A_388 = tpu.vector_load %arg11[%swap3A_386, %swap3A_387] {strides = array<i32>} : memref<16x128xf32, #tpu.memory_space<vmem>>, vector<1x16xf32>,
    %swap3A_389 = vector.shape_cast %swap3A_388 : vector<1x16xf32> to vector<16xf32>
    %swap3A_390 = vector.shape_cast %broadcast_in_dim3A_1 : vector<16xf32> to vector<1x16xf32>
    tpu.vector_store %arg11[%swap3A_386, %swap3A_387], %swap3A_390 {strides = array<i32>} : memref<16x128xf32, #tpu.memory_space<vmem>>, vector<1x16xf32>,
    %swap3A_391 = arith.constant 8 : i32
    %swap3A_392 = arith.index_cast %swap3A_391 : i32 to index
    %swap3A_393 = arith.constant 16 : index
    %swap3A_394 = tpu.vector_load %arg11[%swap3A_392, %swap3A_393] {strides = array<i32>} : memref<16x128xf32, #tpu.memory_space<vmem>>, vector<1x16xf32>,
    %swap3A_395 = vector.shape_cast %swap3A_394 : vector<1x16xf32> to vector<16xf32>
    %swap3A_396 = vector.shape_cast %broadcast_in_dim3A_1 : vector<16xf32> to vector<1x16xf32>
    tpu.vector_store %arg11[%swap3A_392, %swap3A_393], %swap3A_396 {strides = array<i32>} : memref<16x128xf32, #tpu.memory_space<vmem>>, vector<1x16xf32>,
    %swap3A_397 = arith.constant 8 : i32
    %swap3A_398 = arith.index_cast %swap3A_397 : i32 to index
    %swap3A_399 = arith.constant 32 : index
    %swap3A_400 = tpu.vector_load %arg11[%swap3A_398, %swap3A_399] {strides = array<i32>} : memref<16x128xf32, #tpu.memory_space<vmem>>, vector<1x16xf32>,
    %swap3A_401 = vector.shape_cast %swap3A_400 : vector<1x16xf32> to vector<16xf32>
    %swap3A_402 = vector.shape_cast %broadcast_in_dim3A_1 : vector<16xf32> to vector<1x16xf32>
    tpu.vector_store %arg11[%swap3A_398, %swap3A_399], %swap3A_402 {strides = array<i32>} : memref<16x128xf32, #tpu.memory_space<vmem>>, vector<1x16xf32>,
    %swap3A_403 = arith.constant 8 : i32
    %swap3A_404 = arith.index_cast %swap3A_403 : i32 to index
    %swap3A_405 = arith.constant 48 : index
    %swap3A_406 = tpu.vector_load %arg11[%swap3A_404, %swap3A_405] {strides = array<i32>} : memref<16x128xf32, #tpu.memory_space<vmem>>, vector<1x16xf32>,
    %swap3A_407 = vector.shape_cast %swap3A_406 : vector<1x16xf32> to vector<16xf32>
    %swap3A_408 = vector.shape_cast %broadcast_in_dim3A_1 : vector<16xf32> to vector<1x16xf32>
    tpu.vector_store %arg11[%swap3A_404, %swap3A_405], %swap3A_408 {strides = array<i32>} : memref<16x128xf32, #tpu.memory_space<vmem>>, vector<1x16xf32>,
    %swap3A_409 = arith.constant 8 : i32
    %swap3A_410 = arith.index_cast %swap3A_409 : i32 to index
    %swap3A_411 = arith.constant 64 : index
    %swap3A_412 = tpu.vector_load %arg11[%swap3A_410, %swap3A_411] {strides = array<i32>} : memref<16x128xf32, #tpu.memory_space<vmem>>, vector<1x16xf32>,
    %swap3A_413 = vector.shape_cast %swap3A_412 : vector<1x16xf32> to vector<16xf32>
    %swap3A_414 = vector.shape_cast %broadcast_in_dim3A_1 : vector<16xf32> to vector<1x16xf32>
    tpu.vector_store %arg11[%swap3A_410, %swap3A_411], %swap3A_414 {strides = array<i32>} : memref<16x128xf32, #tpu.memory_space<vmem>>, vector<1x16xf32>,
    %swap3A_415 = arith.constant 8 : i32
    %swap3A_416 = arith.index_cast %swap3A_415 : i32 to index
    %swap3A_417 = arith.constant 80 : index
    %swap3A_418 = tpu.vector_load %arg11[%swap3A_416, %swap3A_417] {strides = array<i32>} : memref<16x128xf32, #tpu.memory_space<vmem>>, vector<1x16xf32>,
    %swap3A_419 = vector.shape_cast %swap3A_418 : vector<1x16xf32> to vector<16xf32>
    %swap3A_420 = vector.shape_cast %broadcast_in_dim3A_1 : vector<16xf32> to vector<1x16xf32>
    tpu.vector_store %arg11[%swap3A_416, %swap3A_417], %swap3A_420 {strides = array<i32>} : memref<16x128xf32, #tpu.memory_space<vmem>>, vector<1x16xf32>,
    %swap3A_421 = arith.constant 8 : i32
    %swap3A_422 = arith.index_cast %swap3A_421 : i32 to index
    %swap3A_423 = arith.constant 96 : index
    %swap3A_424 = tpu.vector_load %arg11[%swap3A_422, %swap3A_423] {strides = array<i32>} : memref<16x128xf32, #tpu.memory_space<vmem>>, vector<1x16xf32>,
    %swap3A_425 = vector.shape_cast %swap3A_424 : vector<1x16xf32> to vector<16xf32>
    %swap3A_426 = vector.shape_cast %broadcast_in_dim3A_1 : vector<16xf32> to vector<1x16xf32>
    tpu.vector_store %arg11[%swap3A_422, %swap3A_423], %swap3A_426 {strides = array<i32>} : memref<16x128xf32, #tpu.memory_space<vmem>>, vector<1x16xf32>,
    %swap3A_427 = arith.constant 8 : i32
    %swap3A_428 = arith.index_cast %swap3A_427 : i32 to index
    %swap3A_429 = arith.constant 112 : index
    %swap3A_430 = tpu.vector_load %arg11[%swap3A_428, %swap3A_429] {strides = array<i32>} : memref<16x128xf32, #tpu.memory_space<vmem>>, vector<1x16xf32>,
    %swap3A_431 = vector.shape_cast %swap3A_430 : vector<1x16xf32> to vector<16xf32>
    %swap3A_432 = vector.shape_cast %broadcast_in_dim3A_1 : vector<16xf32> to vector<1x16xf32>
    tpu.vector_store %arg11[%swap3A_428, %swap3A_429], %swap3A_432 {strides = array<i32>} : memref<16x128xf32, #tpu.memory_space<vmem>>, vector<1x16xf32>,
    %swap3A_433 = arith.constant 9 : i32
    %swap3A_434 = arith.index_cast %swap3A_433 : i32 to index
    %swap3A_435 = arith.constant 0 : index
    %swap3A_436 = tpu.vector_load %arg11[%swap3A_434, %swap3A_435] {strides = array<i32>} : memref<16x128xf32, #tpu.memory_space<vmem>>, vector<1x16xf32>,
    %swap3A_437 = vector.shape_cast %swap3A_436 : vector<1x16xf32> to vector<16xf32>
    %swap3A_438 = vector.shape_cast %broadcast_in_dim3A_1 : vector<16xf32> to vector<1x16xf32>
    tpu.vector_store %arg11[%swap3A_434, %swap3A_435], %swap3A_438 {strides = array<i32>} : memref<16x128xf32, #tpu.memory_space<vmem>>, vector<1x16xf32>,
    %swap3A_439 = arith.constant 9 : i32
    %swap3A_440 = arith.index_cast %swap3A_439 : i32 to index
    %swap3A_441 = arith.constant 16 : index
    %swap3A_442 = tpu.vector_load %arg11[%swap3A_440, %swap3A_441] {strides = array<i32>} : memref<16x128xf32, #tpu.memory_space<vmem>>, vector<1x16xf32>,
    %swap3A_443 = vector.shape_cast %swap3A_442 : vector<1x16xf32> to vector<16xf32>
    %swap3A_444 = vector.shape_cast %broadcast_in_dim3A_1 : vector<16xf32> to vector<1x16xf32>
    tpu.vector_store %arg11[%swap3A_440, %swap3A_441], %swap3A_444 {strides = array<i32>} : memref<16x128xf32, #tpu.memory_space<vmem>>, vector<1x16xf32>,
    %swap3A_445 = arith.constant 9 : i32
    %swap3A_446 = arith.index_cast %swap3A_445 : i32 to index
    %swap3A_447 = arith.constant 32 : index
    %swap3A_448 = tpu.vector_load %arg11[%swap3A_446, %swap3A_447] {strides = array<i32>} : memref<16x128xf32, #tpu.memory_space<vmem>>, vector<1x16xf32>,
    %swap3A_449 = vector.shape_cast %swap3A_448 : vector<1x16xf32> to vector<16xf32>
    %swap3A_450 = vector.shape_cast %broadcast_in_dim3A_1 : vector<16xf32> to vector<1x16xf32>
    tpu.vector_store %arg11[%swap3A_446, %swap3A_447], %swap3A_450 {strides = array<i32>} : memref<16x128xf32, #tpu.memory_space<vmem>>, vector<1x16xf32>,
    %swap3A_451 = arith.constant 9 : i32
    %swap3A_452 = arith.index_cast %swap3A_451 : i32 to index
    %swap3A_453 = arith.constant 48 : index
    %swap3A_454 = tpu.vector_load %arg11[%swap3A_452, %swap3A_453] {strides = array<i32>} : memref<16x128xf32, #tpu.memory_space<vmem>>, vector<1x16xf32>,
    %swap3A_455 = vector.shape_cast %swap3A_454 : vector<1x16xf32> to vector<16xf32>
    %swap3A_456 = vector.shape_cast %broadcast_in_dim3A_1 : vector<16xf32> to vector<1x16xf32>
    tpu.vector_store %arg11[%swap3A_452, %swap3A_453], %swap3A_456 {strides = array<i32>} : memref<16x128xf32, #tpu.memory_space<vmem>>, vector<1x16xf32>,
    %swap3A_457 = arith.constant 9 : i32
    %swap3A_458 = arith.index_cast %swap3A_457 : i32 to index
    %swap3A_459 = arith.constant 64 : index
    %swap3A_460 = tpu.vector_load %arg11[%swap3A_458, %swap3A_459] {strides = array<i32>} : memref<16x128xf32, #tpu.memory_space<vmem>>, vector<1x16xf32>,
    %swap3A_461 = vector.shape_cast %swap3A_460 : vector<1x16xf32> to vector<16xf32>
    %swap3A_462 = vector.shape_cast %broadcast_in_dim3A_1 : vector<16xf32> to vector<1x16xf32>
    tpu.vector_store %arg11[%swap3A_458, %swap3A_459], %swap3A_462 {strides = array<i32>} : memref<16x128xf32, #tpu.memory_space<vmem>>, vector<1x16xf32>,
    %swap3A_463 = arith.constant 9 : i32
    %swap3A_464 = arith.index_cast %swap3A_463 : i32 to index
    %swap3A_465 = arith.constant 80 : index
    %swap3A_466 = tpu.vector_load %arg11[%swap3A_464, %swap3A_465] {strides = array<i32>} : memref<16x128xf32, #tpu.memory_space<vmem>>, vector<1x16xf32>,
    %swap3A_467 = vector.shape_cast %swap3A_466 : vector<1x16xf32> to vector<16xf32>
    %swap3A_468 = vector.shape_cast %broadcast_in_dim3A_1 : vector<16xf32> to vector<1x16xf32>
    tpu.vector_store %arg11[%swap3A_464, %swap3A_465], %swap3A_468 {strides = array<i32>} : memref<16x128xf32, #tpu.memory_space<vmem>>, vector<1x16xf32>,
    %swap3A_469 = arith.constant 9 : i32
    %swap3A_470 = arith.index_cast %swap3A_469 : i32 to index
    %swap3A_471 = arith.constant 96 : index
    %swap3A_472 = tpu.vector_load %arg11[%swap3A_470, %swap3A_471] {strides = array<i32>} : memref<16x128xf32, #tpu.memory_space<vmem>>, vector<1x16xf32>,
    %swap3A_473 = vector.shape_cast %swap3A_472 : vector<1x16xf32> to vector<16xf32>
    %swap3A_474 = vector.shape_cast %broadcast_in_dim3A_1 : vector<16xf32> to vector<1x16xf32>
    tpu.vector_store %arg11[%swap3A_470, %swap3A_471], %swap3A_474 {strides = array<i32>} : memref<16x128xf32, #tpu.memory_space<vmem>>, vector<1x16xf32>,
    %swap3A_475 = arith.constant 9 : i32
    %swap3A_476 = arith.index_cast %swap3A_475 : i32 to index
    %swap3A_477 = arith.constant 112 : index
    %swap3A_478 = tpu.vector_load %arg11[%swap3A_476, %swap3A_477] {strides = array<i32>} : memref<16x128xf32, #tpu.memory_space<vmem>>, vector<1x16xf32>,
    %swap3A_479 = vector.shape_cast %swap3A_478 : vector<1x16xf32> to vector<16xf32>
    %swap3A_480 = vector.shape_cast %broadcast_in_dim3A_1 : vector<16xf32> to vector<1x16xf32>
    tpu.vector_store %arg11[%swap3A_476, %swap3A_477], %swap3A_480 {strides = array<i32>} : memref<16x128xf32, #tpu.memory_space<vmem>>, vector<1x16xf32>,
    %swap3A_481 = arith.constant 10 : i32
    %swap3A_482 = arith.index_cast %swap3A_481 : i32 to index
    %swap3A_483 = arith.constant 0 : index
    %swap3A_484 = tpu.vector_load %arg11[%swap3A_482, %swap3A_483] {strides = array<i32>} : memref<16x128xf32, #tpu.memory_space<vmem>>, vector<1x16xf32>,
    %swap3A_485 = vector.shape_cast %swap3A_484 : vector<1x16xf32> to vector<16xf32>
    %swap3A_486 = vector.shape_cast %broadcast_in_dim3A_1 : vector<16xf32> to vector<1x16xf32>
    tpu.vector_store %arg11[%swap3A_482, %swap3A_483], %swap3A_486 {strides = array<i32>} : memref<16x128xf32, #tpu.memory_space<vmem>>, vector<1x16xf32>,
    %swap3A_487 = arith.constant 10 : i32
    %swap3A_488 = arith.index_cast %swap3A_487 : i32 to index
    %swap3A_489 = arith.constant 16 : index
    %swap3A_490 = tpu.vector_load %arg11[%swap3A_488, %swap3A_489] {strides = array<i32>} : memref<16x128xf32, #tpu.memory_space<vmem>>, vector<1x16xf32>,
    %swap3A_491 = vector.shape_cast %swap3A_490 : vector<1x16xf32> to vector<16xf32>
    %swap3A_492 = vector.shape_cast %broadcast_in_dim3A_1 : vector<16xf32> to vector<1x16xf32>
    tpu.vector_store %arg11[%swap3A_488, %swap3A_489], %swap3A_492 {strides = array<i32>} : memref<16x128xf32, #tpu.memory_space<vmem>>, vector<1x16xf32>,
    %swap3A_493 = arith.constant 10 : i32
    %swap3A_494 = arith.index_cast %swap3A_493 : i32 to index
    %swap3A_495 = arith.constant 32 : index
    %swap3A_496 = tpu.vector_load %arg11[%swap3A_494, %swap3A_495] {strides = array<i32>} : memref<16x128xf32, #tpu.memory_space<vmem>>, vector<1x16xf32>,
    %swap3A_497 = vector.shape_cast %swap3A_496 : vector<1x16xf32> to vector<16xf32>
    %swap3A_498 = vector.shape_cast %broadcast_in_dim3A_1 : vector<16xf32> to vector<1x16xf32>
    tpu.vector_store %arg11[%swap3A_494, %swap3A_495], %swap3A_498 {strides = array<i32>} : memref<16x128xf32, #tpu.memory_space<vmem>>, vector<1x16xf32>,
    %swap3A_499 = arith.constant 10 : i32
    %swap3A_500 = arith.index_cast %swap3A_499 : i32 to index
    %swap3A_501 = arith.constant 48 : index
    %swap3A_502 = tpu.vector_load %arg11[%swap3A_500, %swap3A_501] {strides = array<i32>} : memref<16x128xf32, #tpu.memory_space<vmem>>, vector<1x16xf32>,
    %swap3A_503 = vector.shape_cast %swap3A_502 : vector<1x16xf32> to vector<16xf32>
    %swap3A_504 = vector.shape_cast %broadcast_in_dim3A_1 : vector<16xf32> to vector<1x16xf32>
    tpu.vector_store %arg11[%swap3A_500, %swap3A_501], %swap3A_504 {strides = array<i32>} : memref<16x128xf32, #tpu.memory_space<vmem>>, vector<1x16xf32>,
    %swap3A_505 = arith.constant 10 : i32
    %swap3A_506 = arith.index_cast %swap3A_505 : i32 to index
    %swap3A_507 = arith.constant 64 : index
    %swap3A_508 = tpu.vector_load %arg11[%swap3A_506, %swap3A_507] {strides = array<i32>} : memref<16x128xf32, #tpu.memory_space<vmem>>, vector<1x16xf32>,
    %swap3A_509 = vector.shape_cast %swap3A_508 : vector<1x16xf32> to vector<16xf32>
    %swap3A_510 = vector.shape_cast %broadcast_in_dim3A_1 : vector<16xf32> to vector<1x16xf32>
    tpu.vector_store %arg11[%swap3A_506, %swap3A_507], %swap3A_510 {strides = array<i32>} : memref<16x128xf32, #tpu.memory_space<vmem>>, vector<1x16xf32>,
    %swap3A_511 = arith.constant 10 : i32
    %swap3A_512 = arith.index_cast %swap3A_511 : i32 to index
    %swap3A_513 = arith.constant 80 : index
    %swap3A_514 = tpu.vector_load %arg11[%swap3A_512, %swap3A_513] {strides = array<i32>} : memref<16x128xf32, #tpu.memory_space<vmem>>, vector<1x16xf32>,
    %swap3A_515 = vector.shape_cast %swap3A_514 : vector<1x16xf32> to vector<16xf32>
    %swap3A_516 = vector.shape_cast %broadcast_in_dim3A_1 : vector<16xf32> to vector<1x16xf32>
    tpu.vector_store %arg11[%swap3A_512, %swap3A_513], %swap3A_516 {strides = array<i32>} : memref<16x128xf32, #tpu.memory_space<vmem>>, vector<1x16xf32>,
    %swap3A_517 = arith.constant 10 : i32
    %swap3A_518 = arith.index_cast %swap3A_517 : i32 to index
    %swap3A_519 = arith.constant 96 : index
    %swap3A_520 = tpu.vector_load %arg11[%swap3A_518, %swap3A_519] {strides = array<i32>} : memref<16x128xf32, #tpu.memory_space<vmem>>, vector<1x16xf32>,
    %swap3A_521 = vector.shape_cast %swap3A_520 : vector<1x16xf32> to vector<16xf32>
    %swap3A_522 = vector.shape_cast %broadcast_in_dim3A_1 : vector<16xf32> to vector<1x16xf32>
    tpu.vector_store %arg11[%swap3A_518, %swap3A_519], %swap3A_522 {strides = array<i32>} : memref<16x128xf32, #tpu.memory_space<vmem>>, vector<1x16xf32>,
    %swap3A_523 = arith.constant 10 : i32
    %swap3A_524 = arith.index_cast %swap3A_523 : i32 to index
    %swap3A_525 = arith.constant 112 : index
    %swap3A_526 = tpu.vector_load %arg11[%swap3A_524, %swap3A_525] {strides = array<i32>} : memref<16x128xf32, #tpu.memory_space<vmem>>, vector<1x16xf32>,
    %swap3A_527 = vector.shape_cast %swap3A_526 : vector<1x16xf32> to vector<16xf32>
    %swap3A_528 = vector.shape_cast %broadcast_in_dim3A_1 : vector<16xf32> to vector<1x16xf32>
    tpu.vector_store %arg11[%swap3A_524, %swap3A_525], %swap3A_528 {strides = array<i32>} : memref<16x128xf32, #tpu.memory_space<vmem>>, vector<1x16xf32>,
    %swap3A_529 = arith.constant 11 : i32
    %swap3A_530 = arith.index_cast %swap3A_529 : i32 to index
    %swap3A_531 = arith.constant 0 : index
    %swap3A_532 = tpu.vector_load %arg11[%swap3A_530, %swap3A_531] {strides = array<i32>} : memref<16x128xf32, #tpu.memory_space<vmem>>, vector<1x16xf32>,
    %swap3A_533 = vector.shape_cast %swap3A_532 : vector<1x16xf32> to vector<16xf32>
    %swap3A_534 = vector.shape_cast %broadcast_in_dim3A_1 : vector<16xf32> to vector<1x16xf32>
    tpu.vector_store %arg11[%swap3A_530, %swap3A_531], %swap3A_534 {strides = array<i32>} : memref<16x128xf32, #tpu.memory_space<vmem>>, vector<1x16xf32>,
    %swap3A_535 = arith.constant 11 : i32
    %swap3A_536 = arith.index_cast %swap3A_535 : i32 to index
    %swap3A_537 = arith.constant 16 : index
    %swap3A_538 = tpu.vector_load %arg11[%swap3A_536, %swap3A_537] {strides = array<i32>} : memref<16x128xf32, #tpu.memory_space<vmem>>, vector<1x16xf32>,
    %swap3A_539 = vector.shape_cast %swap3A_538 : vector<1x16xf32> to vector<16xf32>
    %swap3A_540 = vector.shape_cast %broadcast_in_dim3A_1 : vector<16xf32> to vector<1x16xf32>
    tpu.vector_store %arg11[%swap3A_536, %swap3A_537], %swap3A_540 {strides = array<i32>} : memref<16x128xf32, #tpu.memory_space<vmem>>, vector<1x16xf32>,
    %swap3A_541 = arith.constant 11 : i32
    %swap3A_542 = arith.index_cast %swap3A_541 : i32 to index
    %swap3A_543 = arith.constant 32 : index
    %swap3A_544 = tpu.vector_load %arg11[%swap3A_542, %swap3A_543] {strides = array<i32>} : memref<16x128xf32, #tpu.memory_space<vmem>>, vector<1x16xf32>,
    %swap3A_545 = vector.shape_cast %swap3A_544 : vector<1x16xf32> to vector<16xf32>
    %swap3A_546 = vector.shape_cast %broadcast_in_dim3A_1 : vector<16xf32> to vector<1x16xf32>
    tpu.vector_store %arg11[%swap3A_542, %swap3A_543], %swap3A_546 {strides = array<i32>} : memref<16x128xf32, #tpu.memory_space<vmem>>, vector<1x16xf32>,
    %swap3A_547 = arith.constant 11 : i32
    %swap3A_548 = arith.index_cast %swap3A_547 : i32 to index
    %swap3A_549 = arith.constant 48 : index
    %swap3A_550 = tpu.vector_load %arg11[%swap3A_548, %swap3A_549] {strides = array<i32>} : memref<16x128xf32, #tpu.memory_space<vmem>>, vector<1x16xf32>,
    %swap3A_551 = vector.shape_cast %swap3A_550 : vector<1x16xf32> to vector<16xf32>
    %swap3A_552 = vector.shape_cast %broadcast_in_dim3A_1 : vector<16xf32> to vector<1x16xf32>
    tpu.vector_store %arg11[%swap3A_548, %swap3A_549], %swap3A_552 {strides = array<i32>} : memref<16x128xf32, #tpu.memory_space<vmem>>, vector<1x16xf32>,
    %swap3A_553 = arith.constant 11 : i32
    %swap3A_554 = arith.index_cast %swap3A_553 : i32 to index
    %swap3A_555 = arith.constant 64 : index
    %swap3A_556 = tpu.vector_load %arg11[%swap3A_554, %swap3A_555] {strides = array<i32>} : memref<16x128xf32, #tpu.memory_space<vmem>>, vector<1x16xf32>,
    %swap3A_557 = vector.shape_cast %swap3A_556 : vector<1x16xf32> to vector<16xf32>
    %swap3A_558 = vector.shape_cast %broadcast_in_dim3A_1 : vector<16xf32> to vector<1x16xf32>
    tpu.vector_store %arg11[%swap3A_554, %swap3A_555], %swap3A_558 {strides = array<i32>} : memref<16x128xf32, #tpu.memory_space<vmem>>, vector<1x16xf32>,
    %swap3A_559 = arith.constant 11 : i32
    %swap3A_560 = arith.index_cast %swap3A_559 : i32 to index
    %swap3A_561 = arith.constant 80 : index
    %swap3A_562 = tpu.vector_load %arg11[%swap3A_560, %swap3A_561] {strides = array<i32>} : memref<16x128xf32, #tpu.memory_space<vmem>>, vector<1x16xf32>,
    %swap3A_563 = vector.shape_cast %swap3A_562 : vector<1x16xf32> to vector<16xf32>
    %swap3A_564 = vector.shape_cast %broadcast_in_dim3A_1 : vector<16xf32> to vector<1x16xf32>
    tpu.vector_store %arg11[%swap3A_560, %swap3A_561], %swap3A_564 {strides = array<i32>} : memref<16x128xf32, #tpu.memory_space<vmem>>, vector<1x16xf32>,
    %swap3A_565 = arith.constant 11 : i32
    %swap3A_566 = arith.index_cast %swap3A_565 : i32 to index
    %swap3A_567 = arith.constant 96 : index
    %swap3A_568 = tpu.vector_load %arg11[%swap3A_566, %swap3A_567] {strides = array<i32>} : memref<16x128xf32, #tpu.memory_space<vmem>>, vector<1x16xf32>,
    %swap3A_569 = vector.shape_cast %swap3A_568 : vector<1x16xf32> to vector<16xf32>
    %swap3A_570 = vector.shape_cast %broadcast_in_dim3A_1 : vector<16xf32> to vector<1x16xf32>
    tpu.vector_store %arg11[%swap3A_566, %swap3A_567], %swap3A_570 {strides = array<i32>} : memref<16x128xf32, #tpu.memory_space<vmem>>, vector<1x16xf32>,
    %swap3A_571 = arith.constant 11 : i32
    %swap3A_572 = arith.index_cast %swap3A_571 : i32 to index
    %swap3A_573 = arith.constant 112 : index
    %swap3A_574 = tpu.vector_load %arg11[%swap3A_572, %swap3A_573] {strides = array<i32>} : memref<16x128xf32, #tpu.memory_space<vmem>>, vector<1x16xf32>,
    %swap3A_575 = vector.shape_cast %swap3A_574 : vector<1x16xf32> to vector<16xf32>
    %swap3A_576 = vector.shape_cast %broadcast_in_dim3A_1 : vector<16xf32> to vector<1x16xf32>
    tpu.vector_store %arg11[%swap3A_572, %swap3A_573], %swap3A_576 {strides = array<i32>} : memref<16x128xf32, #tpu.memory_space<vmem>>, vector<1x16xf32>,
    %swap3A_577 = arith.constant 12 : i32
    %swap3A_578 = arith.index_cast %swap3A_577 : i32 to index
    %swap3A_579 = arith.constant 0 : index
    %swap3A_580 = tpu.vector_load %arg11[%swap3A_578, %swap3A_579] {strides = array<i32>} : memref<16x128xf32, #tpu.memory_space<vmem>>, vector<1x16xf32>,
    %swap3A_581 = vector.shape_cast %swap3A_580 : vector<1x16xf32> to vector<16xf32>
    %swap3A_582 = vector.shape_cast %broadcast_in_dim3A_1 : vector<16xf32> to vector<1x16xf32>
    tpu.vector_store %arg11[%swap3A_578, %swap3A_579], %swap3A_582 {strides = array<i32>} : memref<16x128xf32, #tpu.memory_space<vmem>>, vector<1x16xf32>,
    %swap3A_583 = arith.constant 12 : i32
    %swap3A_584 = arith.index_cast %swap3A_583 : i32 to index
    %swap3A_585 = arith.constant 16 : index
    %swap3A_586 = tpu.vector_load %arg11[%swap3A_584, %swap3A_585] {strides = array<i32>} : memref<16x128xf32, #tpu.memory_space<vmem>>, vector<1x16xf32>,
    %swap3A_587 = vector.shape_cast %swap3A_586 : vector<1x16xf32> to vector<16xf32>
    %swap3A_588 = vector.shape_cast %broadcast_in_dim3A_1 : vector<16xf32> to vector<1x16xf32>
    tpu.vector_store %arg11[%swap3A_584, %swap3A_585], %swap3A_588 {strides = array<i32>} : memref<16x128xf32, #tpu.memory_space<vmem>>, vector<1x16xf32>,
    %swap3A_589 = arith.constant 12 : i32
    %swap3A_590 = arith.index_cast %swap3A_589 : i32 to index
    %swap3A_591 = arith.constant 32 : index
    %swap3A_592 = tpu.vector_load %arg11[%swap3A_590, %swap3A_591] {strides = array<i32>} : memref<16x128xf32, #tpu.memory_space<vmem>>, vector<1x16xf32>,
    %swap3A_593 = vector.shape_cast %swap3A_592 : vector<1x16xf32> to vector<16xf32>
    %swap3A_594 = vector.shape_cast %broadcast_in_dim3A_1 : vector<16xf32> to vector<1x16xf32>
    tpu.vector_store %arg11[%swap3A_590, %swap3A_591], %swap3A_594 {strides = array<i32>} : memref<16x128xf32, #tpu.memory_space<vmem>>, vector<1x16xf32>,
    %swap3A_595 = arith.constant 12 : i32
    %swap3A_596 = arith.index_cast %swap3A_595 : i32 to index
    %swap3A_597 = arith.constant 48 : index
    %swap3A_598 = tpu.vector_load %arg11[%swap3A_596, %swap3A_597] {strides = array<i32>} : memref<16x128xf32, #tpu.memory_space<vmem>>, vector<1x16xf32>,
    %swap3A_599 = vector.shape_cast %swap3A_598 : vector<1x16xf32> to vector<16xf32>
    %swap3A_600 = vector.shape_cast %broadcast_in_dim3A_1 : vector<16xf32> to vector<1x16xf32>
    tpu.vector_store %arg11[%swap3A_596, %swap3A_597], %swap3A_600 {strides = array<i32>} : memref<16x128xf32, #tpu.memory_space<vmem>>, vector<1x16xf32>,
    %swap3A_601 = arith.constant 12 : i32
    %swap3A_602 = arith.index_cast %swap3A_601 : i32 to index
    %swap3A_603 = arith.constant 64 : index
    %swap3A_604 = tpu.vector_load %arg11[%swap3A_602, %swap3A_603] {strides = array<i32>} : memref<16x128xf32, #tpu.memory_space<vmem>>, vector<1x16xf32>,
    %swap3A_605 = vector.shape_cast %swap3A_604 : vector<1x16xf32> to vector<16xf32>
    %swap3A_606 = vector.shape_cast %broadcast_in_dim3A_1 : vector<16xf32> to vector<1x16xf32>
    tpu.vector_store %arg11[%swap3A_602, %swap3A_603], %swap3A_606 {strides = array<i32>} : memref<16x128xf32, #tpu.memory_space<vmem>>, vector<1x16xf32>,
    %swap3A_607 = arith.constant 12 : i32
    %swap3A_608 = arith.index_cast %swap3A_607 : i32 to index
    %swap3A_609 = arith.constant 80 : index
    %swap3A_610 = tpu.vector_load %arg11[%swap3A_608, %swap3A_609] {strides = array<i32>} : memref<16x128xf32, #tpu.memory_space<vmem>>, vector<1x16xf32>,
    %swap3A_611 = vector.shape_cast %swap3A_610 : vector<1x16xf32> to vector<16xf32>
    %swap3A_612 = vector.shape_cast %broadcast_in_dim3A_1 : vector<16xf32> to vector<1x16xf32>
    tpu.vector_store %arg11[%swap3A_608, %swap3A_609], %swap3A_612 {strides = array<i32>} : memref<16x128xf32, #tpu.memory_space<vmem>>, vector<1x16xf32>,
    %swap3A_613 = arith.constant 12 : i32
    %swap3A_614 = arith.index_cast %swap3A_613 : i32 to index
    %swap3A_615 = arith.constant 96 : index
    %swap3A_616 = tpu.vector_load %arg11[%swap3A_614, %swap3A_615] {strides = array<i32>} : memref<16x128xf32, #tpu.memory_space<vmem>>, vector<1x16xf32>,
    %swap3A_617 = vector.shape_cast %swap3A_616 : vector<1x16xf32> to vector<16xf32>
    %swap3A_618 = vector.shape_cast %broadcast_in_dim3A_1 : vector<16xf32> to vector<1x16xf32>
    tpu.vector_store %arg11[%swap3A_614, %swap3A_615], %swap3A_618 {strides = array<i32>} : memref<16x128xf32, #tpu.memory_space<vmem>>, vector<1x16xf32>,
    %swap3A_619 = arith.constant 12 : i32
    %swap3A_620 = arith.index_cast %swap3A_619 : i32 to index
    %swap3A_621 = arith.constant 112 : index
    %swap3A_622 = tpu.vector_load %arg11[%swap3A_620, %swap3A_621] {strides = array<i32>} : memref<16x128xf32, #tpu.memory_space<vmem>>, vector<1x16xf32>,
    %swap3A_623 = vector.shape_cast %swap3A_622 : vector<1x16xf32> to vector<16xf32>
    %swap3A_624 = vector.shape_cast %broadcast_in_dim3A_1 : vector<16xf32> to vector<1x16xf32>
    tpu.vector_store %arg11[%swap3A_620, %swap3A_621], %swap3A_624 {strides = array<i32>} : memref<16x128xf32, #tpu.memory_space<vmem>>, vector<1x16xf32>,
    %swap3A_625 = arith.constant 13 : i32
    %swap3A_626 = arith.index_cast %swap3A_625 : i32 to index
    %swap3A_627 = arith.constant 0 : index
    %swap3A_628 = tpu.vector_load %arg11[%swap3A_626, %swap3A_627] {strides = array<i32>} : memref<16x128xf32, #tpu.memory_space<vmem>>, vector<1x16xf32>,
    %swap3A_629 = vector.shape_cast %swap3A_628 : vector<1x16xf32> to vector<16xf32>
    %swap3A_630 = vector.shape_cast %broadcast_in_dim3A_1 : vector<16xf32> to vector<1x16xf32>
    tpu.vector_store %arg11[%swap3A_626, %swap3A_627], %swap3A_630 {strides = array<i32>} : memref<16x128xf32, #tpu.memory_space<vmem>>, vector<1x16xf32>,
    %swap3A_631 = arith.constant 13 : i32
    %swap3A_632 = arith.index_cast %swap3A_631 : i32 to index
    %swap3A_633 = arith.constant 16 : index
    %swap3A_634 = tpu.vector_load %arg11[%swap3A_632, %swap3A_633] {strides = array<i32>} : memref<16x128xf32, #tpu.memory_space<vmem>>, vector<1x16xf32>,
    %swap3A_635 = vector.shape_cast %swap3A_634 : vector<1x16xf32> to vector<16xf32>
    %swap3A_636 = vector.shape_cast %broadcast_in_dim3A_1 : vector<16xf32> to vector<1x16xf32>
    tpu.vector_store %arg11[%swap3A_632, %swap3A_633], %swap3A_636 {strides = array<i32>} : memref<16x128xf32, #tpu.memory_space<vmem>>, vector<1x16xf32>,
    %swap3A_637 = arith.constant 13 : i32
    %swap3A_638 = arith.index_cast %swap3A_637 : i32 to index
    %swap3A_639 = arith.constant 32 : index
    %swap3A_640 = tpu.vector_load %arg11[%swap3A_638, %swap3A_639] {strides = array<i32>} : memref<16x128xf32, #tpu.memory_space<vmem>>, vector<1x16xf32>,
    %swap3A_641 = vector.shape_cast %swap3A_640 : vector<1x16xf32> to vector<16xf32>
    %swap3A_642 = vector.shape_cast %broadcast_in_dim3A_1 : vector<16xf32> to vector<1x16xf32>
    tpu.vector_store %arg11[%swap3A_638, %swap3A_639], %swap3A_642 {strides = array<i32>} : memref<16x128xf32, #tpu.memory_space<vmem>>, vector<1x16xf32>,
    %swap3A_643 = arith.constant 13 : i32
    %swap3A_644 = arith.index_cast %swap3A_643 : i32 to index
    %swap3A_645 = arith.constant 48 : index
    %swap3A_646 = tpu.vector_load %arg11[%swap3A_644, %swap3A_645] {strides = array<i32>} : memref<16x128xf32, #tpu.memory_space<vmem>>, vector<1x16xf32>,
    %swap3A_647 = vector.shape_cast %swap3A_646 : vector<1x16xf32> to vector<16xf32>
    %swap3A_648 = vector.shape_cast %broadcast_in_dim3A_1 : vector<16xf32> to vector<1x16xf32>
    tpu.vector_store %arg11[%swap3A_644, %swap3A_645], %swap3A_648 {strides = array<i32>} : memref<16x128xf32, #tpu.memory_space<vmem>>, vector<1x16xf32>,
    %swap3A_649 = arith.constant 13 : i32
    %swap3A_650 = arith.index_cast %swap3A_649 : i32 to index
    %swap3A_651 = arith.constant 64 : index
    %swap3A_652 = tpu.vector_load %arg11[%swap3A_650, %swap3A_651] {strides = array<i32>} : memref<16x128xf32, #tpu.memory_space<vmem>>, vector<1x16xf32>,
    %swap3A_653 = vector.shape_cast %swap3A_652 : vector<1x16xf32> to vector<16xf32>
    %swap3A_654 = vector.shape_cast %broadcast_in_dim3A_1 : vector<16xf32> to vector<1x16xf32>
    tpu.vector_store %arg11[%swap3A_650, %swap3A_651], %swap3A_654 {strides = array<i32>} : memref<16x128xf32, #tpu.memory_space<vmem>>, vector<1x16xf32>,
    %swap3A_655 = arith.constant 13 : i32
    %swap3A_656 = arith.index_cast %swap3A_655 : i32 to index
    %swap3A_657 = arith.constant 80 : index
    %swap3A_658 = tpu.vector_load %arg11[%swap3A_656, %swap3A_657] {strides = array<i32>} : memref<16x128xf32, #tpu.memory_space<vmem>>, vector<1x16xf32>,
    %swap3A_659 = vector.shape_cast %swap3A_658 : vector<1x16xf32> to vector<16xf32>
    %swap3A_660 = vector.shape_cast %broadcast_in_dim3A_1 : vector<16xf32> to vector<1x16xf32>
    tpu.vector_store %arg11[%swap3A_656, %swap3A_657], %swap3A_660 {strides = array<i32>} : memref<16x128xf32, #tpu.memory_space<vmem>>, vector<1x16xf32>,
    %swap3A_661 = arith.constant 13 : i32
    %swap3A_662 = arith.index_cast %swap3A_661 : i32 to index
    %swap3A_663 = arith.constant 96 : index
    %swap3A_664 = tpu.vector_load %arg11[%swap3A_662, %swap3A_663] {strides = array<i32>} : memref<16x128xf32, #tpu.memory_space<vmem>>, vector<1x16xf32>,
    %swap3A_665 = vector.shape_cast %swap3A_664 : vector<1x16xf32> to vector<16xf32>
    %swap3A_666 = vector.shape_cast %broadcast_in_dim3A_1 : vector<16xf32> to vector<1x16xf32>
    tpu.vector_store %arg11[%swap3A_662, %swap3A_663], %swap3A_666 {strides = array<i32>} : memref<16x128xf32, #tpu.memory_space<vmem>>, vector<1x16xf32>,
    %swap3A_667 = arith.constant 13 : i32
    %swap3A_668 = arith.index_cast %swap3A_667 : i32 to index
    %swap3A_669 = arith.constant 112 : index
    %swap3A_670 = tpu.vector_load %arg11[%swap3A_668, %swap3A_669] {strides = array<i32>} : memref<16x128xf32, #tpu.memory_space<vmem>>, vector<1x16xf32>,
    %swap3A_671 = vector.shape_cast %swap3A_670 : vector<1x16xf32> to vector<16xf32>
    %swap3A_672 = vector.shape_cast %broadcast_in_dim3A_1 : vector<16xf32> to vector<1x16xf32>
    tpu.vector_store %arg11[%swap3A_668, %swap3A_669], %swap3A_672 {strides = array<i32>} : memref<16x128xf32, #tpu.memory_space<vmem>>, vector<1x16xf32>,
    %swap3A_673 = arith.constant 14 : i32
    %swap3A_674 = arith.index_cast %swap3A_673 : i32 to index
    %swap3A_675 = arith.constant 0 : index
    %swap3A_676 = tpu.vector_load %arg11[%swap3A_674, %swap3A_675] {strides = array<i32>} : memref<16x128xf32, #tpu.memory_space<vmem>>, vector<1x16xf32>,
    %swap3A_677 = vector.shape_cast %swap3A_676 : vector<1x16xf32> to vector<16xf32>
    %swap3A_678 = vector.shape_cast %broadcast_in_dim3A_1 : vector<16xf32> to vector<1x16xf32>
    tpu.vector_store %arg11[%swap3A_674, %swap3A_675], %swap3A_678 {strides = array<i32>} : memref<16x128xf32, #tpu.memory_space<vmem>>, vector<1x16xf32>,
    %swap3A_679 = arith.constant 14 : i32
    %swap3A_680 = arith.index_cast %swap3A_679 : i32 to index
    %swap3A_681 = arith.constant 16 : index
    %swap3A_682 = tpu.vector_load %arg11[%swap3A_680, %swap3A_681] {strides = array<i32>} : memref<16x128xf32, #tpu.memory_space<vmem>>, vector<1x16xf32>,
    %swap3A_683 = vector.shape_cast %swap3A_682 : vector<1x16xf32> to vector<16xf32>
    %swap3A_684 = vector.shape_cast %broadcast_in_dim3A_1 : vector<16xf32> to vector<1x16xf32>
    tpu.vector_store %arg11[%swap3A_680, %swap3A_681], %swap3A_684 {strides = array<i32>} : memref<16x128xf32, #tpu.memory_space<vmem>>, vector<1x16xf32>,
    %swap3A_685 = arith.constant 14 : i32
    %swap3A_686 = arith.index_cast %swap3A_685 : i32 to index
    %swap3A_687 = arith.constant 32 : index
    %swap3A_688 = tpu.vector_load %arg11[%swap3A_686, %swap3A_687] {strides = array<i32>} : memref<16x128xf32, #tpu.memory_space<vmem>>, vector<1x16xf32>,
    %swap3A_689 = vector.shape_cast %swap3A_688 : vector<1x16xf32> to vector<16xf32>
    %swap3A_690 = vector.shape_cast %broadcast_in_dim3A_1 : vector<16xf32> to vector<1x16xf32>
    tpu.vector_store %arg11[%swap3A_686, %swap3A_687], %swap3A_690 {strides = array<i32>} : memref<16x128xf32, #tpu.memory_space<vmem>>, vector<1x16xf32>,
    %swap3A_691 = arith.constant 14 : i32
    %swap3A_692 = arith.index_cast %swap3A_691 : i32 to index
    %swap3A_693 = arith.constant 48 : index
    %swap3A_694 = tpu.vector_load %arg11[%swap3A_692, %swap3A_693] {strides = array<i32>} : memref<16x128xf32, #tpu.memory_space<vmem>>, vector<1x16xf32>,
    %swap3A_695 = vector.shape_cast %swap3A_694 : vector<1x16xf32> to vector<16xf32>
    %swap3A_696 = vector.shape_cast %broadcast_in_dim3A_1 : vector<16xf32> to vector<1x16xf32>
    tpu.vector_store %arg11[%swap3A_692, %swap3A_693], %swap3A_696 {strides = array<i32>} : memref<16x128xf32, #tpu.memory_space<vmem>>, vector<1x16xf32>,
    %swap3A_697 = arith.constant 14 : i32
    %swap3A_698 = arith.index_cast %swap3A_697 : i32 to index
    %swap3A_699 = arith.constant 64 : index
    %swap3A_700 = tpu.vector_load %arg11[%swap3A_698, %swap3A_699] {strides = array<i32>} : memref<16x128xf32, #tpu.memory_space<vmem>>, vector<1x16xf32>,
    %swap3A_701 = vector.shape_cast %swap3A_700 : vector<1x16xf32> to vector<16xf32>
    %swap3A_702 = vector.shape_cast %broadcast_in_dim3A_1 : vector<16xf32> to vector<1x16xf32>
    tpu.vector_store %arg11[%swap3A_698, %swap3A_699], %swap3A_702 {strides = array<i32>} : memref<16x128xf32, #tpu.memory_space<vmem>>, vector<1x16xf32>,
    %swap3A_703 = arith.constant 14 : i32
    %swap3A_704 = arith.index_cast %swap3A_703 : i32 to index
    %swap3A_705 = arith.constant 80 : index
    %swap3A_706 = tpu.vector_load %arg11[%swap3A_704, %swap3A_705] {strides = array<i32>} : memref<16x128xf32, #tpu.memory_space<vmem>>, vector<1x16xf32>,
    %swap3A_707 = vector.shape_cast %swap3A_706 : vector<1x16xf32> to vector<16xf32>
    %swap3A_708 = vector.shape_cast %broadcast_in_dim3A_1 : vector<16xf32> to vector<1x16xf32>
    tpu.vector_store %arg11[%swap3A_704, %swap3A_705], %swap3A_708 {strides = array<i32>} : memref<16x128xf32, #tpu.memory_space<vmem>>, vector<1x16xf32>,
    %swap3A_709 = arith.constant 14 : i32
    %swap3A_710 = arith.index_cast %swap3A_709 : i32 to index
    %swap3A_711 = arith.constant 96 : index
    %swap3A_712 = tpu.vector_load %arg11[%swap3A_710, %swap3A_711] {strides = array<i32>} : memref<16x128xf32, #tpu.memory_space<vmem>>, vector<1x16xf32>,
    %swap3A_713 = vector.shape_cast %swap3A_712 : vector<1x16xf32> to vector<16xf32>
    %swap3A_714 = vector.shape_cast %broadcast_in_dim3A_1 : vector<16xf32> to vector<1x16xf32>
    tpu.vector_store %arg11[%swap3A_710, %swap3A_711], %swap3A_714 {strides = array<i32>} : memref<16x128xf32, #tpu.memory_space<vmem>>, vector<1x16xf32>,
    %swap3A_715 = arith.constant 14 : i32
    %swap3A_716 = arith.index_cast %swap3A_715 : i32 to index
    %swap3A_717 = arith.constant 112 : index
    %swap3A_718 = tpu.vector_load %arg11[%swap3A_716, %swap3A_717] {strides = array<i32>} : memref<16x128xf32, #tpu.memory_space<vmem>>, vector<1x16xf32>,
    %swap3A_719 = vector.shape_cast %swap3A_718 : vector<1x16xf32> to vector<16xf32>
    %swap3A_720 = vector.shape_cast %broadcast_in_dim3A_1 : vector<16xf32> to vector<1x16xf32>
    tpu.vector_store %arg11[%swap3A_716, %swap3A_717], %swap3A_720 {strides = array<i32>} : memref<16x128xf32, #tpu.memory_space<vmem>>, vector<1x16xf32>,
    %swap3A_721 = arith.constant 15 : i32
    %swap3A_722 = arith.index_cast %swap3A_721 : i32 to index
    %swap3A_723 = arith.constant 0 : index
    %swap3A_724 = tpu.vector_load %arg11[%swap3A_722, %swap3A_723] {strides = array<i32>} : memref<16x128xf32, #tpu.memory_space<vmem>>, vector<1x16xf32>,
    %swap3A_725 = vector.shape_cast %swap3A_724 : vector<1x16xf32> to vector<16xf32>
    %swap3A_726 = vector.shape_cast %broadcast_in_dim3A_1 : vector<16xf32> to vector<1x16xf32>
    tpu.vector_store %arg11[%swap3A_722, %swap3A_723], %swap3A_726 {strides = array<i32>} : memref<16x128xf32, #tpu.memory_space<vmem>>, vector<1x16xf32>,
    %swap3A_727 = arith.constant 15 : i32
    %swap3A_728 = arith.index_cast %swap3A_727 : i32 to index
    %swap3A_729 = arith.constant 16 : index
    %swap3A_730 = tpu.vector_load %arg11[%swap3A_728, %swap3A_729] {strides = array<i32>} : memref<16x128xf32, #tpu.memory_space<vmem>>, vector<1x16xf32>,
    %swap3A_731 = vector.shape_cast %swap3A_730 : vector<1x16xf32> to vector<16xf32>
    %swap3A_732 = vector.shape_cast %broadcast_in_dim3A_1 : vector<16xf32> to vector<1x16xf32>
    tpu.vector_store %arg11[%swap3A_728, %swap3A_729], %swap3A_732 {strides = array<i32>} : memref<16x128xf32, #tpu.memory_space<vmem>>, vector<1x16xf32>,
    %swap3A_733 = arith.constant 15 : i32
    %swap3A_734 = arith.index_cast %swap3A_733 : i32 to index
    %swap3A_735 = arith.constant 32 : index
    %swap3A_736 = tpu.vector_load %arg11[%swap3A_734, %swap3A_735] {strides = array<i32>} : memref<16x128xf32, #tpu.memory_space<vmem>>, vector<1x16xf32>,
    %swap3A_737 = vector.shape_cast %swap3A_736 : vector<1x16xf32> to vector<16xf32>
    %swap3A_738 = vector.shape_cast %broadcast_in_dim3A_1 : vector<16xf32> to vector<1x16xf32>
    tpu.vector_store %arg11[%swap3A_734, %swap3A_735], %swap3A_738 {strides = array<i32>} : memref<16x128xf32, #tpu.memory_space<vmem>>, vector<1x16xf32>,
    %swap3A_739 = arith.constant 15 : i32
    %swap3A_740 = arith.index_cast %swap3A_739 : i32 to index
    %swap3A_741 = arith.constant 48 : index
    %swap3A_742 = tpu.vector_load %arg11[%swap3A_740, %swap3A_741] {strides = array<i32>} : memref<16x128xf32, #tpu.memory_space<vmem>>, vector<1x16xf32>,
    %swap3A_743 = vector.shape_cast %swap3A_742 : vector<1x16xf32> to vector<16xf32>
    %swap3A_744 = vector.shape_cast %broadcast_in_dim3A_1 : vector<16xf32> to vector<1x16xf32>
    tpu.vector_store %arg11[%swap3A_740, %swap3A_741], %swap3A_744 {strides = array<i32>} : memref<16x128xf32, #tpu.memory_space<vmem>>, vector<1x16xf32>,
    %swap3A_745 = arith.constant 15 : i32
    %swap3A_746 = arith.index_cast %swap3A_745 : i32 to index
    %swap3A_747 = arith.constant 64 : index
    %swap3A_748 = tpu.vector_load %arg11[%swap3A_746, %swap3A_747] {strides = array<i32>} : memref<16x128xf32, #tpu.memory_space<vmem>>, vector<1x16xf32>,
    %swap3A_749 = vector.shape_cast %swap3A_748 : vector<1x16xf32> to vector<16xf32>
    %swap3A_750 = vector.shape_cast %broadcast_in_dim3A_1 : vector<16xf32> to vector<1x16xf32>
    tpu.vector_store %arg11[%swap3A_746, %swap3A_747], %swap3A_750 {strides = array<i32>} : memref<16x128xf32, #tpu.memory_space<vmem>>, vector<1x16xf32>,
    %swap3A_751 = arith.constant 15 : i32
    %swap3A_752 = arith.index_cast %swap3A_751 : i32 to index
    %swap3A_753 = arith.constant 80 : index
    %swap3A_754 = tpu.vector_load %arg11[%swap3A_752, %swap3A_753] {strides = array<i32>} : memref<16x128xf32, #tpu.memory_space<vmem>>, vector<1x16xf32>,
    %swap3A_755 = vector.shape_cast %swap3A_754 : vector<1x16xf32> to vector<16xf32>
    %swap3A_756 = vector.shape_cast %broadcast_in_dim3A_1 : vector<16xf32> to vector<1x16xf32>
    tpu.vector_store %arg11[%swap3A_752, %swap3A_753], %swap3A_756 {strides = array<i32>} : memref<16x128xf32, #tpu.memory_space<vmem>>, vector<1x16xf32>,
    %swap3A_757 = arith.constant 15 : i32
    %swap3A_758 = arith.index_cast %swap3A_757 : i32 to index
    %swap3A_759 = arith.constant 96 : index
    %swap3A_760 = tpu.vector_load %arg11[%swap3A_758, %swap3A_759] {strides = array<i32>} : memref<16x128xf32, #tpu.memory_space<vmem>>, vector<1x16xf32>,
    %swap3A_761 = vector.shape_cast %swap3A_760 : vector<1x16xf32> to vector<16xf32>
    %swap3A_762 = vector.shape_cast %broadcast_in_dim3A_1 : vector<16xf32> to vector<1x16xf32>
    tpu.vector_store %arg11[%swap3A_758, %swap3A_759], %swap3A_762 {strides = array<i32>} : memref<16x128xf32, #tpu.memory_space<vmem>>, vector<1x16xf32>,
    %swap3A_763 = arith.constant 15 : i32
    %swap3A_764 = arith.index_cast %swap3A_763 : i32 to index
    %swap3A_765 = arith.constant 112 : index
    %swap3A_766 = tpu.vector_load %arg11[%swap3A_764, %swap3A_765] {strides = array<i32>} : memref<16x128xf32, #tpu.memory_space<vmem>>, vector<1x16xf32>,
    %swap3A_767 = vector.shape_cast %swap3A_766 : vector<1x16xf32> to vector<16xf32>
    %swap3A_768 = vector.shape_cast %broadcast_in_dim3A_1 : vector<16xf32> to vector<1x16xf32>
    tpu.vector_store %arg11[%swap3A_764, %swap3A_765], %swap3A_768 {strides = array<i32>} : memref<16x128xf32, #tpu.memory_space<vmem>>, vector<1x16xf32>,
    %swap3A_769 = arith.constant 0 : index
    %swap3A_770 = tpu.vector_load %arg12[%swap3A_769] {strides = array<i32>} : memref<16xf32, #tpu.memory_space<vmem>>, vector<16xf32>,
    %swap3A_771 = vector.shape_cast %swap3A_770 : vector<16xf32> to vector<16xf32>
    %swap3A_772 = vector.shape_cast %broadcast_in_dim3A_1 : vector<16xf32> to vector<16xf32>
    tpu.vector_store %arg12[%swap3A_769], %swap3A_772 {strides = array<i32>} : memref<16xf32, #tpu.memory_space<vmem>>, vector<16xf32>,
    %broadcast_in_dim3A_773 = arith.constant 1.000000e+00 : f32
    %broadcast_in_dim3A_774 = vector.broadcast %broadcast_in_dim3A_773 : f32 to vector<16xf32>
    %swap3A_775 = arith.constant 0 : index
    %swap3A_776 = tpu.vector_load %arg10[%swap3A_775] {strides = array<i32>} : memref<128xf32, #tpu.memory_space<vmem>>, vector<16xf32>,
    %swap3A_777 = vector.shape_cast %swap3A_776 : vector<16xf32> to vector<16xf32>
    %swap3A_778 = vector.shape_cast %broadcast_in_dim3A_774 : vector<16xf32> to vector<16xf32>
    tpu.vector_store %arg10[%swap3A_775], %swap3A_778 {strides = array<i32>} : memref<128xf32, #tpu.memory_space<vmem>>, vector<16xf32>,
    %broadcast_in_dim3A_779 = arith.constant 1.000000e+00 : f32
    %broadcast_in_dim3A_780 = vector.broadcast %broadcast_in_dim3A_779 : f32 to vector<16xf32>
    %swap3A_781 = arith.constant 16 : index
    %swap3A_782 = tpu.vector_load %arg10[%swap3A_781] {strides = array<i32>} : memref<128xf32, #tpu.memory_space<vmem>>, vector<16xf32>,
    %swap3A_783 = vector.shape_cast %swap3A_782 : vector<16xf32> to vector<16xf32>
    %swap3A_784 = vector.shape_cast %broadcast_in_dim3A_780 : vector<16xf32> to vector<16xf32>
    tpu.vector_store %arg10[%swap3A_781], %swap3A_784 {strides = array<i32>} : memref<128xf32, #tpu.memory_space<vmem>>, vector<16xf32>,
    %broadcast_in_dim3A_785 = arith.constant 1.000000e+00 : f32
    %broadcast_in_dim3A_786 = vector.broadcast %broadcast_in_dim3A_785 : f32 to vector<16xf32>
    %swap3A_787 = arith.constant 32 : index
    %swap3A_788 = tpu.vector_load %arg10[%swap3A_787] {strides = array<i32>} : memref<128xf32, #tpu.memory_space<vmem>>, vector<16xf32>,
    %swap3A_789 = vector.shape_cast %swap3A_788 : vector<16xf32> to vector<16xf32>
    %swap3A_790 = vector.shape_cast %broadcast_in_dim3A_786 : vector<16xf32> to vector<16xf32>
    tpu.vector_store %arg10[%swap3A_787], %swap3A_790 {strides = array<i32>} : memref<128xf32, #tpu.memory_space<vmem>>, vector<16xf32>,
    %broadcast_in_dim3A_791 = arith.constant 1.000000e+00 : f32
    %broadcast_in_dim3A_792 = vector.broadcast %broadcast_in_dim3A_791 : f32 to vector<16xf32>
    %swap3A_793 = arith.constant 48 : index
    %swap3A_794 = tpu.vector_load %arg10[%swap3A_793] {strides = array<i32>} : memref<128xf32, #tpu.memory_space<vmem>>, vector<16xf32>,
    %swap3A_795 = vector.shape_cast %swap3A_794 : vector<16xf32> to vector<16xf32>
    %swap3A_796 = vector.shape_cast %broadcast_in_dim3A_792 : vector<16xf32> to vector<16xf32>
    tpu.vector_store %arg10[%swap3A_793], %swap3A_796 {strides = array<i32>} : memref<128xf32, #tpu.memory_space<vmem>>, vector<16xf32>,
    %broadcast_in_dim3A_797 = arith.constant 1.000000e+00 : f32
    %broadcast_in_dim3A_798 = vector.broadcast %broadcast_in_dim3A_797 : f32 to vector<16xf32>
    %swap3A_799 = arith.constant 64 : index
    %swap3A_800 = tpu.vector_load %arg10[%swap3A_799] {strides = array<i32>} : memref<128xf32, #tpu.memory_space<vmem>>, vector<16xf32>,
    %swap3A_801 = vector.shape_cast %swap3A_800 : vector<16xf32> to vector<16xf32>
    %swap3A_802 = vector.shape_cast %broadcast_in_dim3A_798 : vector<16xf32> to vector<16xf32>
    tpu.vector_store %arg10[%swap3A_799], %swap3A_802 {strides = array<i32>} : memref<128xf32, #tpu.memory_space<vmem>>, vector<16xf32>,
    %broadcast_in_dim3A_803 = arith.constant 1.000000e+00 : f32
    %broadcast_in_dim3A_804 = vector.broadcast %broadcast_in_dim3A_803 : f32 to vector<16xf32>
    %swap3A_805 = arith.constant 80 : index
    %swap3A_806 = tpu.vector_load %arg10[%swap3A_805] {strides = array<i32>} : memref<128xf32, #tpu.memory_space<vmem>>, vector<16xf32>,
    %swap3A_807 = vector.shape_cast %swap3A_806 : vector<16xf32> to vector<16xf32>
    %swap3A_808 = vector.shape_cast %broadcast_in_dim3A_804 : vector<16xf32> to vector<16xf32>
    tpu.vector_store %arg10[%swap3A_805], %swap3A_808 {strides = array<i32>} : memref<128xf32, #tpu.memory_space<vmem>>, vector<16xf32>,
    %broadcast_in_dim3A_809 = arith.constant 1.000000e+00 : f32
    %broadcast_in_dim3A_810 = vector.broadcast %broadcast_in_dim3A_809 : f32 to vector<16xf32>
    %swap3A_811 = arith.constant 96 : index
    %swap3A_812 = tpu.vector_load %arg10[%swap3A_811] {strides = array<i32>} : memref<128xf32, #tpu.memory_space<vmem>>, vector<16xf32>,
    %swap3A_813 = vector.shape_cast %swap3A_812 : vector<16xf32> to vector<16xf32>
    %swap3A_814 = vector.shape_cast %broadcast_in_dim3A_810 : vector<16xf32> to vector<16xf32>
    tpu.vector_store %arg10[%swap3A_811], %swap3A_814 {strides = array<i32>} : memref<128xf32, #tpu.memory_space<vmem>>, vector<16xf32>,
    %broadcast_in_dim3A_815 = arith.constant 1.000000e+00 : f32
    %broadcast_in_dim3A_816 = vector.broadcast %broadcast_in_dim3A_815 : f32 to vector<16xf32>
    %swap3A_817 = arith.constant 112 : index
    %swap3A_818 = tpu.vector_load %arg10[%swap3A_817] {strides = array<i32>} : memref<128xf32, #tpu.memory_space<vmem>>, vector<16xf32>,
    %swap3A_819 = vector.shape_cast %swap3A_818 : vector<16xf32> to vector<16xf32>
    %swap3A_820 = vector.shape_cast %broadcast_in_dim3A_816 : vector<16xf32> to vector<16xf32>
    tpu.vector_store %arg10[%swap3A_817], %swap3A_820 {strides = array<i32>} : memref<128xf32, #tpu.memory_space<vmem>>, vector<16xf32>,
    %mul3A_821 = arith.constant 144 : i32
    %mul3A_822 = arith.muli %arg1, %mul3A_821 : i32
    %add3A_823 = arith.constant 0 : i32
    %add3A_824 = arith.addi %mul3A_822, %add3A_823 : i32
    "tpu.region"() ({
      %run_scoped3A = tpu.sem_alloc : memref<!tpu.dma_semaphore, #tpu.memory_space<semaphore_mem>>
      %dma_start3A_973 = arith.constant 0 : i32
      %dma_start3A_974 = tpu.memref_slice %arg14[%add3A_824, %dma_start3A_973] : memref<2304x128xf32, #tpu.memory_space<vmem_shared>> -> memref<16x128xf32, #tpu.memory_space<vmem_shared>>
      %dma_start3A_975 = arith.constant 0 : i32
      %dma_start3A_976 = tpu.memref_slice %arg14[%add3A_824, %dma_start3A_975] : memref<2304x128xf32, #tpu.memory_space<vmem_shared>> -> memref<16x128xf32, #tpu.memory_space<vmem_shared>>
      tpu.enqueue_dma source(%arg11 : memref<16x128xf32, #tpu.memory_space<vmem>>) target(%dma_start3A_976 : memref<16x128xf32, #tpu.memory_space<vmem_shared>>) target_semaphore(%run_scoped3A : memref<!tpu.dma_semaphore, #tpu.memory_space<semaphore_mem>>)
      %dma_wait3A = arith.constant 0 : i32
      %dma_wait3A_977 = tpu.memref_slice %arg14[%add3A_824, %dma_wait3A] : memref<2304x128xf32, #tpu.memory_space<vmem_shared>> -> memref<16x128xf32, #tpu.memory_space<vmem_shared>>
      %dma_wait3A_978 = arith.constant 0 : i32
      %dma_wait3A_979 = tpu.memref_slice %arg14[%add3A_824, %dma_wait3A_978] : memref<2304x128xf32, #tpu.memory_space<vmem_shared>> -> memref<16x128xf32, #tpu.memory_space<vmem_shared>>
      tpu.wait_dma2 semaphore(%run_scoped3A : memref<!tpu.dma_semaphore, #tpu.memory_space<semaphore_mem>>) src(%arg11 : memref<16x128xf32, #tpu.memory_space<vmem>>) dst(%dma_wait3A_979 : memref<16x128xf32, #tpu.memory_space<vmem_shared>>)
      tpu.yield
    }) : () -> ()
    %mul3A_825 = arith.constant 144 : i32
    %mul3A_826 = arith.muli %arg1, %mul3A_825 : i32
    %add3A_827 = arith.constant 0 : i32
    %add3A_828 = arith.addi %mul3A_826, %add3A_827 : i32
    "tpu.region"() ({
      %run_scoped3A = tpu.sem_alloc : memref<!tpu.dma_semaphore, #tpu.memory_space<semaphore_mem>>
      %dma_start3A_973 = tpu.memref_slice %arg15[%add3A_828] : memref<2304xf32, #tpu.memory_space<vmem_shared>> -> memref<16xf32, #tpu.memory_space<vmem_shared>>
      %dma_start3A_974 = tpu.memref_slice %arg15[%add3A_828] : memref<2304xf32, #tpu.memory_space<vmem_shared>> -> memref<16xf32, #tpu.memory_space<vmem_shared>>
      tpu.enqueue_dma source(%arg12 : memref<16xf32, #tpu.memory_space<vmem>>) target(%dma_start3A_974 : memref<16xf32, #tpu.memory_space<vmem_shared>>) target_semaphore(%run_scoped3A : memref<!tpu.dma_semaphore, #tpu.memory_space<semaphore_mem>>)
      %dma_wait3A = tpu.memref_slice %arg15[%add3A_828] : memref<2304xf32, #tpu.memory_space<vmem_shared>> -> memref<16xf32, #tpu.memory_space<vmem_shared>>
      %dma_wait3A_975 = tpu.memref_slice %arg15[%add3A_828] : memref<2304xf32, #tpu.memory_space<vmem_shared>> -> memref<16xf32, #tpu.memory_space<vmem_shared>>
      tpu.wait_dma2 semaphore(%run_scoped3A : memref<!tpu.dma_semaphore, #tpu.memory_space<semaphore_mem>>) src(%arg12 : memref<16xf32, #tpu.memory_space<vmem>>) dst(%dma_wait3A_975 : memref<16xf32, #tpu.memory_space<vmem_shared>>)
      tpu.yield
    }) : () -> ()
    %mul3A_829 = arith.constant 144 : i32
    %mul3A_830 = arith.muli %arg1, %mul3A_829 : i32
    %add3A_831 = arith.constant 16 : i32
    %add3A_832 = arith.addi %mul3A_830, %add3A_831 : i32
    "tpu.region"() ({
      %run_scoped3A = tpu.sem_alloc : memref<!tpu.dma_semaphore, #tpu.memory_space<semaphore_mem>>
      %dma_start3A_973 = arith.constant 0 : i32
      %dma_start3A_974 = tpu.memref_slice %arg14[%add3A_832, %dma_start3A_973] : memref<2304x128xf32, #tpu.memory_space<vmem_shared>> -> memref<16x128xf32, #tpu.memory_space<vmem_shared>>
      %dma_start3A_975 = arith.constant 0 : i32
      %dma_start3A_976 = tpu.memref_slice %arg14[%add3A_832, %dma_start3A_975] : memref<2304x128xf32, #tpu.memory_space<vmem_shared>> -> memref<16x128xf32, #tpu.memory_space<vmem_shared>>
      tpu.enqueue_dma source(%arg11 : memref<16x128xf32, #tpu.memory_space<vmem>>) target(%dma_start3A_976 : memref<16x128xf32, #tpu.memory_space<vmem_shared>>) target_semaphore(%run_scoped3A : memref<!tpu.dma_semaphore, #tpu.memory_space<semaphore_mem>>)
      %dma_wait3A = arith.constant 0 : i32
      %dma_wait3A_977 = tpu.memref_slice %arg14[%add3A_832, %dma_wait3A] : memref<2304x128xf32, #tpu.memory_space<vmem_shared>> -> memref<16x128xf32, #tpu.memory_space<vmem_shared>>
      %dma_wait3A_978 = arith.constant 0 : i32
      %dma_wait3A_979 = tpu.memref_slice %arg14[%add3A_832, %dma_wait3A_978] : memref<2304x128xf32, #tpu.memory_space<vmem_shared>> -> memref<16x128xf32, #tpu.memory_space<vmem_shared>>
      tpu.wait_dma2 semaphore(%run_scoped3A : memref<!tpu.dma_semaphore, #tpu.memory_space<semaphore_mem>>) src(%arg11 : memref<16x128xf32, #tpu.memory_space<vmem>>) dst(%dma_wait3A_979 : memref<16x128xf32, #tpu.memory_space<vmem_shared>>)
      tpu.yield
    }) : () -> ()
    %mul3A_833 = arith.constant 144 : i32
    %mul3A_834 = arith.muli %arg1, %mul3A_833 : i32
    %add3A_835 = arith.constant 16 : i32
    %add3A_836 = arith.addi %mul3A_834, %add3A_835 : i32
    "tpu.region"() ({
      %run_scoped3A = tpu.sem_alloc : memref<!tpu.dma_semaphore, #tpu.memory_space<semaphore_mem>>
      %dma_start3A_973 = tpu.memref_slice %arg15[%add3A_836] : memref<2304xf32, #tpu.memory_space<vmem_shared>> -> memref<16xf32, #tpu.memory_space<vmem_shared>>
      %dma_start3A_974 = tpu.memref_slice %arg15[%add3A_836] : memref<2304xf32, #tpu.memory_space<vmem_shared>> -> memref<16xf32, #tpu.memory_space<vmem_shared>>
      tpu.enqueue_dma source(%arg12 : memref<16xf32, #tpu.memory_space<vmem>>) target(%dma_start3A_974 : memref<16xf32, #tpu.memory_space<vmem_shared>>) target_semaphore(%run_scoped3A : memref<!tpu.dma_semaphore, #tpu.memory_space<semaphore_mem>>)
      %dma_wait3A = tpu.memref_slice %arg15[%add3A_836] : memref<2304xf32, #tpu.memory_space<vmem_shared>> -> memref<16xf32, #tpu.memory_space<vmem_shared>>
      %dma_wait3A_975 = tpu.memref_slice %arg15[%add3A_836] : memref<2304xf32, #tpu.memory_space<vmem_shared>> -> memref<16xf32, #tpu.memory_space<vmem_shared>>
      tpu.wait_dma2 semaphore(%run_scoped3A : memref<!tpu.dma_semaphore, #tpu.memory_space<semaphore_mem>>) src(%arg12 : memref<16xf32, #tpu.memory_space<vmem>>) dst(%dma_wait3A_975 : memref<16xf32, #tpu.memory_space<vmem_shared>>)
      tpu.yield
    }) : () -> ()
    %mul3A_837 = arith.constant 144 : i32
    %mul3A_838 = arith.muli %arg1, %mul3A_837 : i32
    %add3A_839 = arith.constant 32 : i32
    %add3A_840 = arith.addi %mul3A_838, %add3A_839 : i32
    "tpu.region"() ({
      %run_scoped3A = tpu.sem_alloc : memref<!tpu.dma_semaphore, #tpu.memory_space<semaphore_mem>>
      %dma_start3A_973 = arith.constant 0 : i32
      %dma_start3A_974 = tpu.memref_slice %arg14[%add3A_840, %dma_start3A_973] : memref<2304x128xf32, #tpu.memory_space<vmem_shared>> -> memref<16x128xf32, #tpu.memory_space<vmem_shared>>
      %dma_start3A_975 = arith.constant 0 : i32
      %dma_start3A_976 = tpu.memref_slice %arg14[%add3A_840, %dma_start3A_975] : memref<2304x128xf32, #tpu.memory_space<vmem_shared>> -> memref<16x128xf32, #tpu.memory_space<vmem_shared>>
      tpu.enqueue_dma source(%arg11 : memref<16x128xf32, #tpu.memory_space<vmem>>) target(%dma_start3A_976 : memref<16x128xf32, #tpu.memory_space<vmem_shared>>) target_semaphore(%run_scoped3A : memref<!tpu.dma_semaphore, #tpu.memory_space<semaphore_mem>>)
      %dma_wait3A = arith.constant 0 : i32
      %dma_wait3A_977 = tpu.memref_slice %arg14[%add3A_840, %dma_wait3A] : memref<2304x128xf32, #tpu.memory_space<vmem_shared>> -> memref<16x128xf32, #tpu.memory_space<vmem_shared>>
      %dma_wait3A_978 = arith.constant 0 : i32
      %dma_wait3A_979 = tpu.memref_slice %arg14[%add3A_840, %dma_wait3A_978] : memref<2304x128xf32, #tpu.memory_space<vmem_shared>> -> memref<16x128xf32, #tpu.memory_space<vmem_shared>>
      tpu.wait_dma2 semaphore(%run_scoped3A : memref<!tpu.dma_semaphore, #tpu.memory_space<semaphore_mem>>) src(%arg11 : memref<16x128xf32, #tpu.memory_space<vmem>>) dst(%dma_wait3A_979 : memref<16x128xf32, #tpu.memory_space<vmem_shared>>)
      tpu.yield
    }) : () -> ()
    %mul3A_841 = arith.constant 144 : i32
    %mul3A_842 = arith.muli %arg1, %mul3A_841 : i32
    %add3A_843 = arith.constant 32 : i32
    %add3A_844 = arith.addi %mul3A_842, %add3A_843 : i32
    "tpu.region"() ({
      %run_scoped3A = tpu.sem_alloc : memref<!tpu.dma_semaphore, #tpu.memory_space<semaphore_mem>>
      %dma_start3A_973 = tpu.memref_slice %arg15[%add3A_844] : memref<2304xf32, #tpu.memory_space<vmem_shared>> -> memref<16xf32, #tpu.memory_space<vmem_shared>>
      %dma_start3A_974 = tpu.memref_slice %arg15[%add3A_844] : memref<2304xf32, #tpu.memory_space<vmem_shared>> -> memref<16xf32, #tpu.memory_space<vmem_shared>>
      tpu.enqueue_dma source(%arg12 : memref<16xf32, #tpu.memory_space<vmem>>) target(%dma_start3A_974 : memref<16xf32, #tpu.memory_space<vmem_shared>>) target_semaphore(%run_scoped3A : memref<!tpu.dma_semaphore, #tpu.memory_space<semaphore_mem>>)
      %dma_wait3A = tpu.memref_slice %arg15[%add3A_844] : memref<2304xf32, #tpu.memory_space<vmem_shared>> -> memref<16xf32, #tpu.memory_space<vmem_shared>>
      %dma_wait3A_975 = tpu.memref_slice %arg15[%add3A_844] : memref<2304xf32, #tpu.memory_space<vmem_shared>> -> memref<16xf32, #tpu.memory_space<vmem_shared>>
      tpu.wait_dma2 semaphore(%run_scoped3A : memref<!tpu.dma_semaphore, #tpu.memory_space<semaphore_mem>>) src(%arg12 : memref<16xf32, #tpu.memory_space<vmem>>) dst(%dma_wait3A_975 : memref<16xf32, #tpu.memory_space<vmem_shared>>)
      tpu.yield
    }) : () -> ()
    %mul3A_845 = arith.constant 144 : i32
    %mul3A_846 = arith.muli %arg1, %mul3A_845 : i32
    %add3A_847 = arith.constant 48 : i32
    %add3A_848 = arith.addi %mul3A_846, %add3A_847 : i32
    "tpu.region"() ({
      %run_scoped3A = tpu.sem_alloc : memref<!tpu.dma_semaphore, #tpu.memory_space<semaphore_mem>>
      %dma_start3A_973 = arith.constant 0 : i32
      %dma_start3A_974 = tpu.memref_slice %arg14[%add3A_848, %dma_start3A_973] : memref<2304x128xf32, #tpu.memory_space<vmem_shared>> -> memref<16x128xf32, #tpu.memory_space<vmem_shared>>
      %dma_start3A_975 = arith.constant 0 : i32
      %dma_start3A_976 = tpu.memref_slice %arg14[%add3A_848, %dma_start3A_975] : memref<2304x128xf32, #tpu.memory_space<vmem_shared>> -> memref<16x128xf32, #tpu.memory_space<vmem_shared>>
      tpu.enqueue_dma source(%arg11 : memref<16x128xf32, #tpu.memory_space<vmem>>) target(%dma_start3A_976 : memref<16x128xf32, #tpu.memory_space<vmem_shared>>) target_semaphore(%run_scoped3A : memref<!tpu.dma_semaphore, #tpu.memory_space<semaphore_mem>>)
      %dma_wait3A = arith.constant 0 : i32
      %dma_wait3A_977 = tpu.memref_slice %arg14[%add3A_848, %dma_wait3A] : memref<2304x128xf32, #tpu.memory_space<vmem_shared>> -> memref<16x128xf32, #tpu.memory_space<vmem_shared>>
      %dma_wait3A_978 = arith.constant 0 : i32
      %dma_wait3A_979 = tpu.memref_slice %arg14[%add3A_848, %dma_wait3A_978] : memref<2304x128xf32, #tpu.memory_space<vmem_shared>> -> memref<16x128xf32, #tpu.memory_space<vmem_shared>>
      tpu.wait_dma2 semaphore(%run_scoped3A : memref<!tpu.dma_semaphore, #tpu.memory_space<semaphore_mem>>) src(%arg11 : memref<16x128xf32, #tpu.memory_space<vmem>>) dst(%dma_wait3A_979 : memref<16x128xf32, #tpu.memory_space<vmem_shared>>)
      tpu.yield
    }) : () -> ()
    %mul3A_849 = arith.constant 144 : i32
    %mul3A_850 = arith.muli %arg1, %mul3A_849 : i32
    %add3A_851 = arith.constant 48 : i32
    %add3A_852 = arith.addi %mul3A_850, %add3A_851 : i32
    "tpu.region"() ({
      %run_scoped3A = tpu.sem_alloc : memref<!tpu.dma_semaphore, #tpu.memory_space<semaphore_mem>>
      %dma_start3A_973 = tpu.memref_slice %arg15[%add3A_852] : memref<2304xf32, #tpu.memory_space<vmem_shared>> -> memref<16xf32, #tpu.memory_space<vmem_shared>>
      %dma_start3A_974 = tpu.memref_slice %arg15[%add3A_852] : memref<2304xf32, #tpu.memory_space<vmem_shared>> -> memref<16xf32, #tpu.memory_space<vmem_shared>>
      tpu.enqueue_dma source(%arg12 : memref<16xf32, #tpu.memory_space<vmem>>) target(%dma_start3A_974 : memref<16xf32, #tpu.memory_space<vmem_shared>>) target_semaphore(%run_scoped3A : memref<!tpu.dma_semaphore, #tpu.memory_space<semaphore_mem>>)
      %dma_wait3A = tpu.memref_slice %arg15[%add3A_852] : memref<2304xf32, #tpu.memory_space<vmem_shared>> -> memref<16xf32, #tpu.memory_space<vmem_shared>>
      %dma_wait3A_975 = tpu.memref_slice %arg15[%add3A_852] : memref<2304xf32, #tpu.memory_space<vmem_shared>> -> memref<16xf32, #tpu.memory_space<vmem_shared>>
      tpu.wait_dma2 semaphore(%run_scoped3A : memref<!tpu.dma_semaphore, #tpu.memory_space<semaphore_mem>>) src(%arg12 : memref<16xf32, #tpu.memory_space<vmem>>) dst(%dma_wait3A_975 : memref<16xf32, #tpu.memory_space<vmem_shared>>)
      tpu.yield
    }) : () -> ()
    %mul3A_853 = arith.constant 144 : i32
    %mul3A_854 = arith.muli %arg1, %mul3A_853 : i32
    %add3A_855 = arith.constant 64 : i32
    %add3A_856 = arith.addi %mul3A_854, %add3A_855 : i32
    "tpu.region"() ({
      %run_scoped3A = tpu.sem_alloc : memref<!tpu.dma_semaphore, #tpu.memory_space<semaphore_mem>>
      %dma_start3A_973 = arith.constant 0 : i32
      %dma_start3A_974 = tpu.memref_slice %arg14[%add3A_856, %dma_start3A_973] : memref<2304x128xf32, #tpu.memory_space<vmem_shared>> -> memref<16x128xf32, #tpu.memory_space<vmem_shared>>
      %dma_start3A_975 = arith.constant 0 : i32
      %dma_start3A_976 = tpu.memref_slice %arg14[%add3A_856, %dma_start3A_975] : memref<2304x128xf32, #tpu.memory_space<vmem_shared>> -> memref<16x128xf32, #tpu.memory_space<vmem_shared>>
      tpu.enqueue_dma source(%arg11 : memref<16x128xf32, #tpu.memory_space<vmem>>) target(%dma_start3A_976 : memref<16x128xf32, #tpu.memory_space<vmem_shared>>) target_semaphore(%run_scoped3A : memref<!tpu.dma_semaphore, #tpu.memory_space<semaphore_mem>>)
      %dma_wait3A = arith.constant 0 : i32
      %dma_wait3A_977 = tpu.memref_slice %arg14[%add3A_856, %dma_wait3A] : memref<2304x128xf32, #tpu.memory_space<vmem_shared>> -> memref<16x128xf32, #tpu.memory_space<vmem_shared>>
      %dma_wait3A_978 = arith.constant 0 : i32
      %dma_wait3A_979 = tpu.memref_slice %arg14[%add3A_856, %dma_wait3A_978] : memref<2304x128xf32, #tpu.memory_space<vmem_shared>> -> memref<16x128xf32, #tpu.memory_space<vmem_shared>>
      tpu.wait_dma2 semaphore(%run_scoped3A : memref<!tpu.dma_semaphore, #tpu.memory_space<semaphore_mem>>) src(%arg11 : memref<16x128xf32, #tpu.memory_space<vmem>>) dst(%dma_wait3A_979 : memref<16x128xf32, #tpu.memory_space<vmem_shared>>)
      tpu.yield
    }) : () -> ()
    %mul3A_857 = arith.constant 144 : i32
    %mul3A_858 = arith.muli %arg1, %mul3A_857 : i32
    %add3A_859 = arith.constant 64 : i32
    %add3A_860 = arith.addi %mul3A_858, %add3A_859 : i32
    "tpu.region"() ({
      %run_scoped3A = tpu.sem_alloc : memref<!tpu.dma_semaphore, #tpu.memory_space<semaphore_mem>>
      %dma_start3A_973 = tpu.memref_slice %arg15[%add3A_860] : memref<2304xf32, #tpu.memory_space<vmem_shared>> -> memref<16xf32, #tpu.memory_space<vmem_shared>>
      %dma_start3A_974 = tpu.memref_slice %arg15[%add3A_860] : memref<2304xf32, #tpu.memory_space<vmem_shared>> -> memref<16xf32, #tpu.memory_space<vmem_shared>>
      tpu.enqueue_dma source(%arg12 : memref<16xf32, #tpu.memory_space<vmem>>) target(%dma_start3A_974 : memref<16xf32, #tpu.memory_space<vmem_shared>>) target_semaphore(%run_scoped3A : memref<!tpu.dma_semaphore, #tpu.memory_space<semaphore_mem>>)
      %dma_wait3A = tpu.memref_slice %arg15[%add3A_860] : memref<2304xf32, #tpu.memory_space<vmem_shared>> -> memref<16xf32, #tpu.memory_space<vmem_shared>>
      %dma_wait3A_975 = tpu.memref_slice %arg15[%add3A_860] : memref<2304xf32, #tpu.memory_space<vmem_shared>> -> memref<16xf32, #tpu.memory_space<vmem_shared>>
      tpu.wait_dma2 semaphore(%run_scoped3A : memref<!tpu.dma_semaphore, #tpu.memory_space<semaphore_mem>>) src(%arg12 : memref<16xf32, #tpu.memory_space<vmem>>) dst(%dma_wait3A_975 : memref<16xf32, #tpu.memory_space<vmem_shared>>)
      tpu.yield
    }) : () -> ()
    %mul3A_861 = arith.constant 144 : i32
    %mul3A_862 = arith.muli %arg1, %mul3A_861 : i32
    %add3A_863 = arith.constant 80 : i32
    %add3A_864 = arith.addi %mul3A_862, %add3A_863 : i32
    "tpu.region"() ({
      %run_scoped3A = tpu.sem_alloc : memref<!tpu.dma_semaphore, #tpu.memory_space<semaphore_mem>>
      %dma_start3A_973 = arith.constant 0 : i32
      %dma_start3A_974 = tpu.memref_slice %arg14[%add3A_864, %dma_start3A_973] : memref<2304x128xf32, #tpu.memory_space<vmem_shared>> -> memref<16x128xf32, #tpu.memory_space<vmem_shared>>
      %dma_start3A_975 = arith.constant 0 : i32
      %dma_start3A_976 = tpu.memref_slice %arg14[%add3A_864, %dma_start3A_975] : memref<2304x128xf32, #tpu.memory_space<vmem_shared>> -> memref<16x128xf32, #tpu.memory_space<vmem_shared>>
      tpu.enqueue_dma source(%arg11 : memref<16x128xf32, #tpu.memory_space<vmem>>) target(%dma_start3A_976 : memref<16x128xf32, #tpu.memory_space<vmem_shared>>) target_semaphore(%run_scoped3A : memref<!tpu.dma_semaphore, #tpu.memory_space<semaphore_mem>>)
      %dma_wait3A = arith.constant 0 : i32
      %dma_wait3A_977 = tpu.memref_slice %arg14[%add3A_864, %dma_wait3A] : memref<2304x128xf32, #tpu.memory_space<vmem_shared>> -> memref<16x128xf32, #tpu.memory_space<vmem_shared>>
      %dma_wait3A_978 = arith.constant 0 : i32
      %dma_wait3A_979 = tpu.memref_slice %arg14[%add3A_864, %dma_wait3A_978] : memref<2304x128xf32, #tpu.memory_space<vmem_shared>> -> memref<16x128xf32, #tpu.memory_space<vmem_shared>>
      tpu.wait_dma2 semaphore(%run_scoped3A : memref<!tpu.dma_semaphore, #tpu.memory_space<semaphore_mem>>) src(%arg11 : memref<16x128xf32, #tpu.memory_space<vmem>>) dst(%dma_wait3A_979 : memref<16x128xf32, #tpu.memory_space<vmem_shared>>)
      tpu.yield
    }) : () -> ()
    %mul3A_865 = arith.constant 144 : i32
    %mul3A_866 = arith.muli %arg1, %mul3A_865 : i32
    %add3A_867 = arith.constant 80 : i32
    %add3A_868 = arith.addi %mul3A_866, %add3A_867 : i32
    "tpu.region"() ({
      %run_scoped3A = tpu.sem_alloc : memref<!tpu.dma_semaphore, #tpu.memory_space<semaphore_mem>>
      %dma_start3A_973 = tpu.memref_slice %arg15[%add3A_868] : memref<2304xf32, #tpu.memory_space<vmem_shared>> -> memref<16xf32, #tpu.memory_space<vmem_shared>>
      %dma_start3A_974 = tpu.memref_slice %arg15[%add3A_868] : memref<2304xf32, #tpu.memory_space<vmem_shared>> -> memref<16xf32, #tpu.memory_space<vmem_shared>>
      tpu.enqueue_dma source(%arg12 : memref<16xf32, #tpu.memory_space<vmem>>) target(%dma_start3A_974 : memref<16xf32, #tpu.memory_space<vmem_shared>>) target_semaphore(%run_scoped3A : memref<!tpu.dma_semaphore, #tpu.memory_space<semaphore_mem>>)
      %dma_wait3A = tpu.memref_slice %arg15[%add3A_868] : memref<2304xf32, #tpu.memory_space<vmem_shared>> -> memref<16xf32, #tpu.memory_space<vmem_shared>>
      %dma_wait3A_975 = tpu.memref_slice %arg15[%add3A_868] : memref<2304xf32, #tpu.memory_space<vmem_shared>> -> memref<16xf32, #tpu.memory_space<vmem_shared>>
      tpu.wait_dma2 semaphore(%run_scoped3A : memref<!tpu.dma_semaphore, #tpu.memory_space<semaphore_mem>>) src(%arg12 : memref<16xf32, #tpu.memory_space<vmem>>) dst(%dma_wait3A_975 : memref<16xf32, #tpu.memory_space<vmem_shared>>)
      tpu.yield
    }) : () -> ()
    %mul3A_869 = arith.constant 144 : i32
    %mul3A_870 = arith.muli %arg1, %mul3A_869 : i32
    %add3A_871 = arith.constant 96 : i32
    %add3A_872 = arith.addi %mul3A_870, %add3A_871 : i32
    "tpu.region"() ({
      %run_scoped3A = tpu.sem_alloc : memref<!tpu.dma_semaphore, #tpu.memory_space<semaphore_mem>>
      %dma_start3A_973 = arith.constant 0 : i32
      %dma_start3A_974 = tpu.memref_slice %arg14[%add3A_872, %dma_start3A_973] : memref<2304x128xf32, #tpu.memory_space<vmem_shared>> -> memref<16x128xf32, #tpu.memory_space<vmem_shared>>
      %dma_start3A_975 = arith.constant 0 : i32
      %dma_start3A_976 = tpu.memref_slice %arg14[%add3A_872, %dma_start3A_975] : memref<2304x128xf32, #tpu.memory_space<vmem_shared>> -> memref<16x128xf32, #tpu.memory_space<vmem_shared>>
      tpu.enqueue_dma source(%arg11 : memref<16x128xf32, #tpu.memory_space<vmem>>) target(%dma_start3A_976 : memref<16x128xf32, #tpu.memory_space<vmem_shared>>) target_semaphore(%run_scoped3A : memref<!tpu.dma_semaphore, #tpu.memory_space<semaphore_mem>>)
      %dma_wait3A = arith.constant 0 : i32
      %dma_wait3A_977 = tpu.memref_slice %arg14[%add3A_872, %dma_wait3A] : memref<2304x128xf32, #tpu.memory_space<vmem_shared>> -> memref<16x128xf32, #tpu.memory_space<vmem_shared>>
      %dma_wait3A_978 = arith.constant 0 : i32
      %dma_wait3A_979 = tpu.memref_slice %arg14[%add3A_872, %dma_wait3A_978] : memref<2304x128xf32, #tpu.memory_space<vmem_shared>> -> memref<16x128xf32, #tpu.memory_space<vmem_shared>>
      tpu.wait_dma2 semaphore(%run_scoped3A : memref<!tpu.dma_semaphore, #tpu.memory_space<semaphore_mem>>) src(%arg11 : memref<16x128xf32, #tpu.memory_space<vmem>>) dst(%dma_wait3A_979 : memref<16x128xf32, #tpu.memory_space<vmem_shared>>)
      tpu.yield
    }) : () -> ()
    %mul3A_873 = arith.constant 144 : i32
    %mul3A_874 = arith.muli %arg1, %mul3A_873 : i32
    %add3A_875 = arith.constant 96 : i32
    %add3A_876 = arith.addi %mul3A_874, %add3A_875 : i32
    "tpu.region"() ({
      %run_scoped3A = tpu.sem_alloc : memref<!tpu.dma_semaphore, #tpu.memory_space<semaphore_mem>>
      %dma_start3A_973 = tpu.memref_slice %arg15[%add3A_876] : memref<2304xf32, #tpu.memory_space<vmem_shared>> -> memref<16xf32, #tpu.memory_space<vmem_shared>>
      %dma_start3A_974 = tpu.memref_slice %arg15[%add3A_876] : memref<2304xf32, #tpu.memory_space<vmem_shared>> -> memref<16xf32, #tpu.memory_space<vmem_shared>>
      tpu.enqueue_dma source(%arg12 : memref<16xf32, #tpu.memory_space<vmem>>) target(%dma_start3A_974 : memref<16xf32, #tpu.memory_space<vmem_shared>>) target_semaphore(%run_scoped3A : memref<!tpu.dma_semaphore, #tpu.memory_space<semaphore_mem>>)
      %dma_wait3A = tpu.memref_slice %arg15[%add3A_876] : memref<2304xf32, #tpu.memory_space<vmem_shared>> -> memref<16xf32, #tpu.memory_space<vmem_shared>>
      %dma_wait3A_975 = tpu.memref_slice %arg15[%add3A_876] : memref<2304xf32, #tpu.memory_space<vmem_shared>> -> memref<16xf32, #tpu.memory_space<vmem_shared>>
      tpu.wait_dma2 semaphore(%run_scoped3A : memref<!tpu.dma_semaphore, #tpu.memory_space<semaphore_mem>>) src(%arg12 : memref<16xf32, #tpu.memory_space<vmem>>) dst(%dma_wait3A_975 : memref<16xf32, #tpu.memory_space<vmem_shared>>)
      tpu.yield
    }) : () -> ()
    %mul3A_877 = arith.constant 144 : i32
    %mul3A_878 = arith.muli %arg1, %mul3A_877 : i32
    %add3A_879 = arith.constant 112 : i32
    %add3A_880 = arith.addi %mul3A_878, %add3A_879 : i32
    "tpu.region"() ({
      %run_scoped3A = tpu.sem_alloc : memref<!tpu.dma_semaphore, #tpu.memory_space<semaphore_mem>>
      %dma_start3A_973 = arith.constant 0 : i32
      %dma_start3A_974 = tpu.memref_slice %arg14[%add3A_880, %dma_start3A_973] : memref<2304x128xf32, #tpu.memory_space<vmem_shared>> -> memref<16x128xf32, #tpu.memory_space<vmem_shared>>
      %dma_start3A_975 = arith.constant 0 : i32
      %dma_start3A_976 = tpu.memref_slice %arg14[%add3A_880, %dma_start3A_975] : memref<2304x128xf32, #tpu.memory_space<vmem_shared>> -> memref<16x128xf32, #tpu.memory_space<vmem_shared>>
      tpu.enqueue_dma source(%arg11 : memref<16x128xf32, #tpu.memory_space<vmem>>) target(%dma_start3A_976 : memref<16x128xf32, #tpu.memory_space<vmem_shared>>) target_semaphore(%run_scoped3A : memref<!tpu.dma_semaphore, #tpu.memory_space<semaphore_mem>>)
      %dma_wait3A = arith.constant 0 : i32
      %dma_wait3A_977 = tpu.memref_slice %arg14[%add3A_880, %dma_wait3A] : memref<2304x128xf32, #tpu.memory_space<vmem_shared>> -> memref<16x128xf32, #tpu.memory_space<vmem_shared>>
      %dma_wait3A_978 = arith.constant 0 : i32
      %dma_wait3A_979 = tpu.memref_slice %arg14[%add3A_880, %dma_wait3A_978] : memref<2304x128xf32, #tpu.memory_space<vmem_shared>> -> memref<16x128xf32, #tpu.memory_space<vmem_shared>>
      tpu.wait_dma2 semaphore(%run_scoped3A : memref<!tpu.dma_semaphore, #tpu.memory_space<semaphore_mem>>) src(%arg11 : memref<16x128xf32, #tpu.memory_space<vmem>>) dst(%dma_wait3A_979 : memref<16x128xf32, #tpu.memory_space<vmem_shared>>)
      tpu.yield
    }) : () -> ()
    %mul3A_881 = arith.constant 144 : i32
    %mul3A_882 = arith.muli %arg1, %mul3A_881 : i32
    %add3A_883 = arith.constant 112 : i32
    %add3A_884 = arith.addi %mul3A_882, %add3A_883 : i32
    "tpu.region"() ({
      %run_scoped3A = tpu.sem_alloc : memref<!tpu.dma_semaphore, #tpu.memory_space<semaphore_mem>>
      %dma_start3A_973 = tpu.memref_slice %arg15[%add3A_884] : memref<2304xf32, #tpu.memory_space<vmem_shared>> -> memref<16xf32, #tpu.memory_space<vmem_shared>>
      %dma_start3A_974 = tpu.memref_slice %arg15[%add3A_884] : memref<2304xf32, #tpu.memory_space<vmem_shared>> -> memref<16xf32, #tpu.memory_space<vmem_shared>>
      tpu.enqueue_dma source(%arg12 : memref<16xf32, #tpu.memory_space<vmem>>) target(%dma_start3A_974 : memref<16xf32, #tpu.memory_space<vmem_shared>>) target_semaphore(%run_scoped3A : memref<!tpu.dma_semaphore, #tpu.memory_space<semaphore_mem>>)
      %dma_wait3A = tpu.memref_slice %arg15[%add3A_884] : memref<2304xf32, #tpu.memory_space<vmem_shared>> -> memref<16xf32, #tpu.memory_space<vmem_shared>>
      %dma_wait3A_975 = tpu.memref_slice %arg15[%add3A_884] : memref<2304xf32, #tpu.memory_space<vmem_shared>> -> memref<16xf32, #tpu.memory_space<vmem_shared>>
      tpu.wait_dma2 semaphore(%run_scoped3A : memref<!tpu.dma_semaphore, #tpu.memory_space<semaphore_mem>>) src(%arg12 : memref<16xf32, #tpu.memory_space<vmem>>) dst(%dma_wait3A_975 : memref<16xf32, #tpu.memory_space<vmem_shared>>)
      tpu.yield
    }) : () -> ()
    %mul3A_885 = arith.constant 144 : i32
    %mul3A_886 = arith.muli %arg1, %mul3A_885 : i32
    %add3A_887 = arith.constant 128 : i32
    %add3A_888 = arith.addi %mul3A_886, %add3A_887 : i32
    "tpu.region"() ({
      %run_scoped3A = tpu.sem_alloc : memref<!tpu.dma_semaphore, #tpu.memory_space<semaphore_mem>>
      %dma_start3A_973 = arith.constant 0 : i32
      %dma_start3A_974 = tpu.memref_slice %arg14[%add3A_888, %dma_start3A_973] : memref<2304x128xf32, #tpu.memory_space<vmem_shared>> -> memref<16x128xf32, #tpu.memory_space<vmem_shared>>
      %dma_start3A_975 = arith.constant 0 : i32
      %dma_start3A_976 = tpu.memref_slice %arg14[%add3A_888, %dma_start3A_975] : memref<2304x128xf32, #tpu.memory_space<vmem_shared>> -> memref<16x128xf32, #tpu.memory_space<vmem_shared>>
      tpu.enqueue_dma source(%arg11 : memref<16x128xf32, #tpu.memory_space<vmem>>) target(%dma_start3A_976 : memref<16x128xf32, #tpu.memory_space<vmem_shared>>) target_semaphore(%run_scoped3A : memref<!tpu.dma_semaphore, #tpu.memory_space<semaphore_mem>>)
      %dma_wait3A = arith.constant 0 : i32
      %dma_wait3A_977 = tpu.memref_slice %arg14[%add3A_888, %dma_wait3A] : memref<2304x128xf32, #tpu.memory_space<vmem_shared>> -> memref<16x128xf32, #tpu.memory_space<vmem_shared>>
      %dma_wait3A_978 = arith.constant 0 : i32
      %dma_wait3A_979 = tpu.memref_slice %arg14[%add3A_888, %dma_wait3A_978] : memref<2304x128xf32, #tpu.memory_space<vmem_shared>> -> memref<16x128xf32, #tpu.memory_space<vmem_shared>>
      tpu.wait_dma2 semaphore(%run_scoped3A : memref<!tpu.dma_semaphore, #tpu.memory_space<semaphore_mem>>) src(%arg11 : memref<16x128xf32, #tpu.memory_space<vmem>>) dst(%dma_wait3A_979 : memref<16x128xf32, #tpu.memory_space<vmem_shared>>)
      tpu.yield
    }) : () -> ()
    %mul3A_889 = arith.constant 144 : i32
    %mul3A_890 = arith.muli %arg1, %mul3A_889 : i32
    %add3A_891 = arith.constant 128 : i32
    %add3A_892 = arith.addi %mul3A_890, %add3A_891 : i32
    "tpu.region"() ({
      %run_scoped3A = tpu.sem_alloc : memref<!tpu.dma_semaphore, #tpu.memory_space<semaphore_mem>>
      %dma_start3A_973 = tpu.memref_slice %arg15[%add3A_892] : memref<2304xf32, #tpu.memory_space<vmem_shared>> -> memref<16xf32, #tpu.memory_space<vmem_shared>>
      %dma_start3A_974 = tpu.memref_slice %arg15[%add3A_892] : memref<2304xf32, #tpu.memory_space<vmem_shared>> -> memref<16xf32, #tpu.memory_space<vmem_shared>>
      tpu.enqueue_dma source(%arg12 : memref<16xf32, #tpu.memory_space<vmem>>) target(%dma_start3A_974 : memref<16xf32, #tpu.memory_space<vmem_shared>>) target_semaphore(%run_scoped3A : memref<!tpu.dma_semaphore, #tpu.memory_space<semaphore_mem>>)
      %dma_wait3A = tpu.memref_slice %arg15[%add3A_892] : memref<2304xf32, #tpu.memory_space<vmem_shared>> -> memref<16xf32, #tpu.memory_space<vmem_shared>>
      %dma_wait3A_975 = tpu.memref_slice %arg15[%add3A_892] : memref<2304xf32, #tpu.memory_space<vmem_shared>> -> memref<16xf32, #tpu.memory_space<vmem_shared>>
      tpu.wait_dma2 semaphore(%run_scoped3A : memref<!tpu.dma_semaphore, #tpu.memory_space<semaphore_mem>>) src(%arg12 : memref<16xf32, #tpu.memory_space<vmem>>) dst(%dma_wait3A_975 : memref<16xf32, #tpu.memory_space<vmem_shared>>)
      tpu.yield
    }) : () -> ()
    %mul3A_893 = arith.constant 80 : i32
    %mul3A_894 = arith.muli %add3A, %mul3A_893 : i32
    "tpu.region"() ({
      %run_scoped3A = tpu.sem_alloc : memref<!tpu.dma_semaphore, #tpu.memory_space<semaphore_mem>>
      %dma_start3A_973 = arith.constant 0 : i32
      %dma_start3A_974 = tpu.memref_slice %arg3[%mul3A_894, %dma_start3A_973] : memref<2560x128xi32, #tpu.memory_space<hbm>> -> memref<80x128xi32, #tpu.memory_space<hbm>>
      %dma_start3A_975 = arith.constant 0 : i32
      %dma_start3A_976 = tpu.memref_slice %arg3[%mul3A_894, %dma_start3A_975] : memref<2560x128xi32, #tpu.memory_space<hbm>> -> memref<80x128xi32, #tpu.memory_space<hbm>>
      tpu.enqueue_dma source(%dma_start3A_976 : memref<80x128xi32, #tpu.memory_space<hbm>>) target(%arg7 : memref<80x128xi32, #tpu.memory_space<vmem>>) target_semaphore(%run_scoped3A : memref<!tpu.dma_semaphore, #tpu.memory_space<semaphore_mem>>)
      %dma_wait3A = arith.constant 0 : i32
      %dma_wait3A_977 = tpu.memref_slice %arg3[%mul3A_894, %dma_wait3A] : memref<2560x128xi32, #tpu.memory_space<hbm>> -> memref<80x128xi32, #tpu.memory_space<hbm>>
      %dma_wait3A_978 = arith.constant 0 : i32
      %dma_wait3A_979 = tpu.memref_slice %arg3[%mul3A_894, %dma_wait3A_978] : memref<2560x128xi32, #tpu.memory_space<hbm>> -> memref<80x128xi32, #tpu.memory_space<hbm>>
      tpu.wait_dma2 semaphore(%run_scoped3A : memref<!tpu.dma_semaphore, #tpu.memory_space<semaphore_mem>>) src(%dma_wait3A_979 : memref<80x128xi32, #tpu.memory_space<hbm>>) dst(%arg7 : memref<80x128xi32, #tpu.memory_space<vmem>>)
      tpu.yield
    }) : () -> ()
    %mul3A_895 = arith.constant 80 : i32
    %mul3A_896 = arith.muli %add3A, %mul3A_895 : i32
    "tpu.region"() ({
      %run_scoped3A = tpu.sem_alloc : memref<!tpu.dma_semaphore, #tpu.memory_space<semaphore_mem>>
      %dma_start3A_973 = arith.constant 0 : i32
      %dma_start3A_974 = tpu.memref_slice %arg4[%mul3A_896, %dma_start3A_973] : memref<2560x128xi32, #tpu.memory_space<hbm>> -> memref<80x128xi32, #tpu.memory_space<hbm>>
      %dma_start3A_975 = arith.constant 0 : i32
      %dma_start3A_976 = tpu.memref_slice %arg4[%mul3A_896, %dma_start3A_975] : memref<2560x128xi32, #tpu.memory_space<hbm>> -> memref<80x128xi32, #tpu.memory_space<hbm>>
      tpu.enqueue_dma source(%dma_start3A_976 : memref<80x128xi32, #tpu.memory_space<hbm>>) target(%arg8 : memref<80x128xi32, #tpu.memory_space<vmem>>) target_semaphore(%run_scoped3A : memref<!tpu.dma_semaphore, #tpu.memory_space<semaphore_mem>>)
      %dma_wait3A = arith.constant 0 : i32
      %dma_wait3A_977 = tpu.memref_slice %arg4[%mul3A_896, %dma_wait3A] : memref<2560x128xi32, #tpu.memory_space<hbm>> -> memref<80x128xi32, #tpu.memory_space<hbm>>
      %dma_wait3A_978 = arith.constant 0 : i32
      %dma_wait3A_979 = tpu.memref_slice %arg4[%mul3A_896, %dma_wait3A_978] : memref<2560x128xi32, #tpu.memory_space<hbm>> -> memref<80x128xi32, #tpu.memory_space<hbm>>
      tpu.wait_dma2 semaphore(%run_scoped3A : memref<!tpu.dma_semaphore, #tpu.memory_space<semaphore_mem>>) src(%dma_wait3A_979 : memref<80x128xi32, #tpu.memory_space<hbm>>) dst(%arg8 : memref<80x128xi32, #tpu.memory_space<vmem>>)
      tpu.yield
    }) : () -> ()
    %barrier3A = arith.constant 0 : index
    tpu.barrier barrier_id(%barrier3A)
    %dma_start3A = arith.constant 0 : i32
    %dma_start3A_897 = arith.constant 0 : i32
    %dma_start3A_898 = arith.constant 0 : i32
    %dma_start3A_899 = arith.constant 0 : i32
    %dma_start3A_900 = tpu.memref_slice %arg9[%dma_start3A_897, %dma_start3A_898, %dma_start3A_899] : memref<5x128x128xf32, #tpu.memory_space<vmem>> -> memref<1x128x128xf32, #tpu.memory_space<vmem>>
    %dma_start3A_901 = tpu.memref_squeeze %dma_start3A_900 : memref<1x128x128xf32, #tpu.memory_space<vmem>> -> memref<128x128xf32, #tpu.memory_space<vmem>>
    %dma_start3A_902 = arith.constant 0 : i32
    %dma_start3A_903 = tpu.memref_slice %arg7[%dma_start3A, %dma_start3A_902] : memref<80x128xi32, #tpu.memory_space<vmem>> -> memref<1x128xi32, #tpu.memory_space<vmem>>
    %dma_start3A_904 = tpu.memref_squeeze %dma_start3A_903 : memref<1x128xi32, #tpu.memory_space<vmem>> -> memref<128xi32, #tpu.memory_space<vmem>>
    %dma_start3A_905 = arith.constant 0 : i32
    %dma_start3A_906 = arith.constant 0 : i32
    %dma_start3A_907 = tpu.memref_slice %arg2[%dma_start3A_905, %dma_start3A_906] : memref<10000x128xf32, #tpu.memory_space<hbm>> -> memref<10000x128xf32, #tpu.memory_space<hbm>>
    tpu.enqueue_indirect_dma source(%dma_start3A_907 : memref<10000x128xf32, #tpu.memory_space<hbm>>) target(%dma_start3A_901 : memref<128x128xf32, #tpu.memory_space<vmem>>) offsets(%dma_start3A_904 : memref<128xi32, #tpu.memory_space<vmem>>) semaphore(%arg16 : memref<!tpu.dma_semaphore, #tpu.memory_space<semaphore_mem>>)
    %dma_start3A_908 = arith.constant 1 : i32
    %dma_start3A_909 = arith.constant 1 : i32
    %dma_start3A_910 = arith.constant 0 : i32
    %dma_start3A_911 = arith.constant 0 : i32
    %dma_start3A_912 = tpu.memref_slice %arg9[%dma_start3A_909, %dma_start3A_910, %dma_start3A_911] : memref<5x128x128xf32, #tpu.memory_space<vmem>> -> memref<1x128x128xf32, #tpu.memory_space<vmem>>
    %dma_start3A_913 = tpu.memref_squeeze %dma_start3A_912 : memref<1x128x128xf32, #tpu.memory_space<vmem>> -> memref<128x128xf32, #tpu.memory_space<vmem>>
    %dma_start3A_914 = arith.constant 0 : i32
    %dma_start3A_915 = tpu.memref_slice %arg7[%dma_start3A_908, %dma_start3A_914] : memref<80x128xi32, #tpu.memory_space<vmem>> -> memref<1x128xi32, #tpu.memory_space<vmem>>
    %dma_start3A_916 = tpu.memref_squeeze %dma_start3A_915 : memref<1x128xi32, #tpu.memory_space<vmem>> -> memref<128xi32, #tpu.memory_space<vmem>>
    %dma_start3A_917 = arith.constant 0 : i32
    %dma_start3A_918 = arith.constant 0 : i32
    %dma_start3A_919 = tpu.memref_slice %arg2[%dma_start3A_917, %dma_start3A_918] : memref<10000x128xf32, #tpu.memory_space<hbm>> -> memref<10000x128xf32, #tpu.memory_space<hbm>>
    tpu.enqueue_indirect_dma source(%dma_start3A_919 : memref<10000x128xf32, #tpu.memory_space<hbm>>) target(%dma_start3A_913 : memref<128x128xf32, #tpu.memory_space<vmem>>) offsets(%dma_start3A_916 : memref<128xi32, #tpu.memory_space<vmem>>) semaphore(%arg17 : memref<!tpu.dma_semaphore, #tpu.memory_space<semaphore_mem>>)
    %dma_start3A_920 = arith.constant 2 : i32
    %dma_start3A_921 = arith.constant 2 : i32
    %dma_start3A_922 = arith.constant 0 : i32
    %dma_start3A_923 = arith.constant 0 : i32
    %dma_start3A_924 = tpu.memref_slice %arg9[%dma_start3A_921, %dma_start3A_922, %dma_start3A_923] : memref<5x128x128xf32, #tpu.memory_space<vmem>> -> memref<1x128x128xf32, #tpu.memory_space<vmem>>
    %dma_start3A_925 = tpu.memref_squeeze %dma_start3A_924 : memref<1x128x128xf32, #tpu.memory_space<vmem>> -> memref<128x128xf32, #tpu.memory_space<vmem>>
    %dma_start3A_926 = arith.constant 0 : i32
    %dma_start3A_927 = tpu.memref_slice %arg7[%dma_start3A_920, %dma_start3A_926] : memref<80x128xi32, #tpu.memory_space<vmem>> -> memref<1x128xi32, #tpu.memory_space<vmem>>
    %dma_start3A_928 = tpu.memref_squeeze %dma_start3A_927 : memref<1x128xi32, #tpu.memory_space<vmem>> -> memref<128xi32, #tpu.memory_space<vmem>>
    %dma_start3A_929 = arith.constant 0 : i32
    %dma_start3A_930 = arith.constant 0 : i32
    %dma_start3A_931 = tpu.memref_slice %arg2[%dma_start3A_929, %dma_start3A_930] : memref<10000x128xf32, #tpu.memory_space<hbm>> -> memref<10000x128xf32, #tpu.memory_space<hbm>>
    tpu.enqueue_indirect_dma source(%dma_start3A_931 : memref<10000x128xf32, #tpu.memory_space<hbm>>) target(%dma_start3A_925 : memref<128x128xf32, #tpu.memory_space<vmem>>) offsets(%dma_start3A_928 : memref<128xi32, #tpu.memory_space<vmem>>) semaphore(%arg18 : memref<!tpu.dma_semaphore, #tpu.memory_space<semaphore_mem>>)
    %dma_start3A_932 = arith.constant 3 : i32
    %dma_start3A_933 = arith.constant 3 : i32
    %dma_start3A_934 = arith.constant 0 : i32
    %dma_start3A_935 = arith.constant 0 : i32
    %dma_start3A_936 = tpu.memref_slice %arg9[%dma_start3A_933, %dma_start3A_934, %dma_start3A_935] : memref<5x128x128xf32, #tpu.memory_space<vmem>> -> memref<1x128x128xf32, #tpu.memory_space<vmem>>
    %dma_start3A_937 = tpu.memref_squeeze %dma_start3A_936 : memref<1x128x128xf32, #tpu.memory_space<vmem>> -> memref<128x128xf32, #tpu.memory_space<vmem>>
    %dma_start3A_938 = arith.constant 0 : i32
    %dma_start3A_939 = tpu.memref_slice %arg7[%dma_start3A_932, %dma_start3A_938] : memref<80x128xi32, #tpu.memory_space<vmem>> -> memref<1x128xi32, #tpu.memory_space<vmem>>
    %dma_start3A_940 = tpu.memref_squeeze %dma_start3A_939 : memref<1x128xi32, #tpu.memory_space<vmem>> -> memref<128xi32, #tpu.memory_space<vmem>>
    %dma_start3A_941 = arith.constant 0 : i32
    %dma_start3A_942 = arith.constant 0 : i32
    %dma_start3A_943 = tpu.memref_slice %arg2[%dma_start3A_941, %dma_start3A_942] : memref<10000x128xf32, #tpu.memory_space<hbm>> -> memref<10000x128xf32, #tpu.memory_space<hbm>>
    tpu.enqueue_indirect_dma source(%dma_start3A_943 : memref<10000x128xf32, #tpu.memory_space<hbm>>) target(%dma_start3A_937 : memref<128x128xf32, #tpu.memory_space<vmem>>) offsets(%dma_start3A_940 : memref<128xi32, #tpu.memory_space<vmem>>) semaphore(%arg19 : memref<!tpu.dma_semaphore, #tpu.memory_space<semaphore_mem>>)
    %dma_start3A_944 = arith.constant 4 : i32
    %dma_start3A_945 = arith.constant 4 : i32
    %dma_start3A_946 = arith.constant 0 : i32
    %dma_start3A_947 = arith.constant 0 : i32
    %dma_start3A_948 = tpu.memref_slice %arg9[%dma_start3A_945, %dma_start3A_946, %dma_start3A_947] : memref<5x128x128xf32, #tpu.memory_space<vmem>> -> memref<1x128x128xf32, #tpu.memory_space<vmem>>
    %dma_start3A_949 = tpu.memref_squeeze %dma_start3A_948 : memref<1x128x128xf32, #tpu.memory_space<vmem>> -> memref<128x128xf32, #tpu.memory_space<vmem>>
    %dma_start3A_950 = arith.constant 0 : i32
    %dma_start3A_951 = tpu.memref_slice %arg7[%dma_start3A_944, %dma_start3A_950] : memref<80x128xi32, #tpu.memory_space<vmem>> -> memref<1x128xi32, #tpu.memory_space<vmem>>
    %dma_start3A_952 = tpu.memref_squeeze %dma_start3A_951 : memref<1x128xi32, #tpu.memory_space<vmem>> -> memref<128xi32, #tpu.memory_space<vmem>>
    %dma_start3A_953 = arith.constant 0 : i32
    %dma_start3A_954 = arith.constant 0 : i32
    %dma_start3A_955 = tpu.memref_slice %arg2[%dma_start3A_953, %dma_start3A_954] : memref<10000x128xf32, #tpu.memory_space<hbm>> -> memref<10000x128xf32, #tpu.memory_space<hbm>>
    tpu.enqueue_indirect_dma source(%dma_start3A_955 : memref<10000x128xf32, #tpu.memory_space<hbm>>) target(%dma_start3A_949 : memref<128x128xf32, #tpu.memory_space<vmem>>) offsets(%dma_start3A_952 : memref<128xi32, #tpu.memory_space<vmem>>) semaphore(%arg20 : memref<!tpu.dma_semaphore, #tpu.memory_space<semaphore_mem>>)
    %scan3A = arith.constant 0 : i32
    %scan3A_956 = arith.constant 0 : i32
    %scan3A_957 = arith.constant 16 : i32
    %scan3A_958 = arith.addi %scan3A_956, %scan3A_957 : i32
    %scan3A_959 = arith.constant 1 : i32
    scf.for %scan3A_973 = %scan3A_956 to %scan3A_958 step %scan3A_959  : i32 {
      %mul3A_974 = arith.constant 5 : i32
      %mul3A_975 = arith.muli %mul3A_974, %scan3A_973 : i32
      %add3A_976 = arith.constant 0 : i32
      %add3A_977 = arith.addi %mul3A_975, %add3A_976 : i32
      %dma_wait3A = arith.constant 0 : i32
      %dma_wait3A_978 = arith.constant 0 : i32
      %dma_wait3A_979 = arith.constant 0 : i32
      %dma_wait3A_980 = tpu.memref_slice %arg9[%dma_wait3A, %dma_wait3A_978, %dma_wait3A_979] : memref<5x128x128xf32, #tpu.memory_space<vmem>> -> memref<1x128x128xf32, #tpu.memory_space<vmem>>
      %dma_wait3A_981 = tpu.memref_squeeze %dma_wait3A_980 : memref<1x128x128xf32, #tpu.memory_space<vmem>> -> memref<128x128xf32, #tpu.memory_space<vmem>>
      %dma_wait3A_982 = arith.constant 0 : i32
      %dma_wait3A_983 = tpu.memref_slice %arg7[%add3A_977, %dma_wait3A_982] : memref<80x128xi32, #tpu.memory_space<vmem>> -> memref<1x128xi32, #tpu.memory_space<vmem>>
      %dma_wait3A_984 = tpu.memref_squeeze %dma_wait3A_983 : memref<1x128xi32, #tpu.memory_space<vmem>> -> memref<128xi32, #tpu.memory_space<vmem>>
      %dma_wait3A_985 = arith.constant 0 : i32
      %dma_wait3A_986 = arith.constant 0 : i32
      %dma_wait3A_987 = tpu.memref_slice %arg2[%dma_wait3A_985, %dma_wait3A_986] : memref<10000x128xf32, #tpu.memory_space<hbm>> -> memref<10000x128xf32, #tpu.memory_space<hbm>>
      tpu.wait_indirect_dma semaphore(%arg16 : memref<!tpu.dma_semaphore, #tpu.memory_space<semaphore_mem>>) src(%dma_wait3A_987 : memref<10000x128xf32, #tpu.memory_space<hbm>>) dst(%dma_wait3A_981 : memref<128x128xf32, #tpu.memory_space<vmem>>)
      %run_scoped3A = arith.constant 0 : i32
      "tpu.region"() ({
        %run_scoped3A_1084 = tpu.sem_alloc : memref<!tpu.dma_semaphore, #tpu.memory_space<semaphore_mem>>
        %dma_start3A_1085 = arith.constant 0 : i32
        %dma_start3A_1086 = arith.constant 0 : i32
        %dma_start3A_1087 = tpu.memref_slice %arg9[%run_scoped3A, %dma_start3A_1085, %dma_start3A_1086] : memref<5x128x128xf32, #tpu.memory_space<vmem>> -> memref<1x128x128xf32, #tpu.memory_space<vmem>>
        %dma_start3A_1088 = tpu.memref_squeeze %dma_start3A_1087 : memref<1x128x128xf32, #tpu.memory_space<vmem>> -> memref<128x128xf32, #tpu.memory_space<vmem>>
        %dma_start3A_1089 = arith.constant 0 : i32
        %dma_start3A_1090 = tpu.memref_slice %arg8[%add3A_977, %dma_start3A_1089] : memref<80x128xi32, #tpu.memory_space<vmem>> -> memref<1x128xi32, #tpu.memory_space<vmem>>
        %dma_start3A_1091 = tpu.memref_squeeze %dma_start3A_1090 : memref<1x128xi32, #tpu.memory_space<vmem>> -> memref<128xi32, #tpu.memory_space<vmem>>
        %dma_start3A_1092 = arith.constant 0 : i32
        %dma_start3A_1093 = arith.constant 0 : i32
        %dma_start3A_1094 = tpu.memref_slice %arg14[%dma_start3A_1092, %dma_start3A_1093] : memref<2304x128xf32, #tpu.memory_space<vmem_shared>> -> memref<2304x128xf32, #tpu.memory_space<vmem_shared>>
        tpu.enqueue_indirect_dma source(%dma_start3A_1088 : memref<128x128xf32, #tpu.memory_space<vmem>>) target(%dma_start3A_1094 : memref<2304x128xf32, #tpu.memory_space<vmem_shared>>) offsets(%dma_start3A_1091 : memref<128xi32, #tpu.memory_space<vmem>>) semaphore(%run_scoped3A_1084 : memref<!tpu.dma_semaphore, #tpu.memory_space<semaphore_mem>>) {add = true}
        %dma_wait3A_1095 = arith.constant 0 : i32
        %dma_wait3A_1096 = arith.constant 0 : i32
        %dma_wait3A_1097 = tpu.memref_slice %arg9[%run_scoped3A, %dma_wait3A_1095, %dma_wait3A_1096] : memref<5x128x128xf32, #tpu.memory_space<vmem>> -> memref<1x128x128xf32, #tpu.memory_space<vmem>>
        %dma_wait3A_1098 = tpu.memref_squeeze %dma_wait3A_1097 : memref<1x128x128xf32, #tpu.memory_space<vmem>> -> memref<128x128xf32, #tpu.memory_space<vmem>>
        %dma_wait3A_1099 = arith.constant 0 : i32
        %dma_wait3A_1100 = tpu.memref_slice %arg8[%add3A_977, %dma_wait3A_1099] : memref<80x128xi32, #tpu.memory_space<vmem>> -> memref<1x128xi32, #tpu.memory_space<vmem>>
        %dma_wait3A_1101 = tpu.memref_squeeze %dma_wait3A_1100 : memref<1x128xi32, #tpu.memory_space<vmem>> -> memref<128xi32, #tpu.memory_space<vmem>>
        %dma_wait3A_1102 = arith.constant 0 : i32
        %dma_wait3A_1103 = arith.constant 0 : i32
        %dma_wait3A_1104 = tpu.memref_slice %arg14[%dma_wait3A_1102, %dma_wait3A_1103] : memref<2304x128xf32, #tpu.memory_space<vmem_shared>> -> memref<2304x128xf32, #tpu.memory_space<vmem_shared>>
        tpu.wait_indirect_dma semaphore(%run_scoped3A_1084 : memref<!tpu.dma_semaphore, #tpu.memory_space<semaphore_mem>>) src(%dma_wait3A_1098 : memref<128x128xf32, #tpu.memory_space<vmem>>) dst(%dma_wait3A_1104 : memref<2304x128xf32, #tpu.memory_space<vmem_shared>>)
        tpu.yield
      }) : () -> ()
      "tpu.region"() ({
        %run_scoped3A_1084 = tpu.sem_alloc : memref<!tpu.dma_semaphore, #tpu.memory_space<semaphore_mem>>
        %dma_start3A_1085 = arith.constant 0 : i32
        %dma_start3A_1086 = tpu.memref_slice %arg8[%add3A_977, %dma_start3A_1085] : memref<80x128xi32, #tpu.memory_space<vmem>> -> memref<1x128xi32, #tpu.memory_space<vmem>>
        %dma_start3A_1087 = tpu.memref_squeeze %dma_start3A_1086 : memref<1x128xi32, #tpu.memory_space<vmem>> -> memref<128xi32, #tpu.memory_space<vmem>>
        %dma_start3A_1088 = arith.constant 0 : i32
        %dma_start3A_1089 = tpu.memref_slice %arg15[%dma_start3A_1088] : memref<2304xf32, #tpu.memory_space<vmem_shared>> -> memref<2304xf32, #tpu.memory_space<vmem_shared>>
        tpu.enqueue_indirect_dma source(%arg10 : memref<128xf32, #tpu.memory_space<vmem>>) target(%dma_start3A_1089 : memref<2304xf32, #tpu.memory_space<vmem_shared>>) offsets(%dma_start3A_1087 : memref<128xi32, #tpu.memory_space<vmem>>) semaphore(%run_scoped3A_1084 : memref<!tpu.dma_semaphore, #tpu.memory_space<semaphore_mem>>) {add = true}
        %dma_wait3A_1090 = arith.constant 0 : i32
        %dma_wait3A_1091 = tpu.memref_slice %arg8[%add3A_977, %dma_wait3A_1090] : memref<80x128xi32, #tpu.memory_space<vmem>> -> memref<1x128xi32, #tpu.memory_space<vmem>>
        %dma_wait3A_1092 = tpu.memref_squeeze %dma_wait3A_1091 : memref<1x128xi32, #tpu.memory_space<vmem>> -> memref<128xi32, #tpu.memory_space<vmem>>
        %dma_wait3A_1093 = arith.constant 0 : i32
        %dma_wait3A_1094 = tpu.memref_slice %arg15[%dma_wait3A_1093] : memref<2304xf32, #tpu.memory_space<vmem_shared>> -> memref<2304xf32, #tpu.memory_space<vmem_shared>>
        tpu.wait_indirect_dma semaphore(%run_scoped3A_1084 : memref<!tpu.dma_semaphore, #tpu.memory_space<semaphore_mem>>) src(%arg10 : memref<128xf32, #tpu.memory_space<vmem>>) dst(%dma_wait3A_1094 : memref<2304xf32, #tpu.memory_space<vmem_shared>>)
        tpu.yield
      }) : () -> ()
      %add3A_988 = arith.constant 5 : i32
      %add3A_989 = arith.addi %add3A_977, %add3A_988 : i32
      %lt3A = arith.constant 80 : i32
      %lt3A_990 = arith.cmpi slt, %add3A_989, %lt3A : i32
      %convert_element_type3A = arith.extui %lt3A_990 : i1 to i32
      %cond3A = arith.constant 0 : i32
      %cond3A_991 = arith.cmpi ne, %convert_element_type3A, %cond3A : i32
      scf.if %cond3A_991 {
        %add3A_1084 = arith.constant 5 : i32
        %add3A_1085 = arith.addi %add3A_977, %add3A_1084 : i32
        %dma_start3A_1086 = arith.constant 0 : i32
        %dma_start3A_1087 = arith.constant 0 : i32
        %dma_start3A_1088 = arith.constant 0 : i32
        %dma_start3A_1089 = tpu.memref_slice %arg9[%dma_start3A_1086, %dma_start3A_1087, %dma_start3A_1088] : memref<5x128x128xf32, #tpu.memory_space<vmem>> -> memref<1x128x128xf32, #tpu.memory_space<vmem>>
        %dma_start3A_1090 = tpu.memref_squeeze %dma_start3A_1089 : memref<1x128x128xf32, #tpu.memory_space<vmem>> -> memref<128x128xf32, #tpu.memory_space<vmem>>
        %dma_start3A_1091 = arith.constant 0 : i32
        %dma_start3A_1092 = tpu.memref_slice %arg7[%add3A_1085, %dma_start3A_1091] : memref<80x128xi32, #tpu.memory_space<vmem>> -> memref<1x128xi32, #tpu.memory_space<vmem>>
        %dma_start3A_1093 = tpu.memref_squeeze %dma_start3A_1092 : memref<1x128xi32, #tpu.memory_space<vmem>> -> memref<128xi32, #tpu.memory_space<vmem>>
        %dma_start3A_1094 = arith.constant 0 : i32
        %dma_start3A_1095 = arith.constant 0 : i32
        %dma_start3A_1096 = tpu.memref_slice %arg2[%dma_start3A_1094, %dma_start3A_1095] : memref<10000x128xf32, #tpu.memory_space<hbm>> -> memref<10000x128xf32, #tpu.memory_space<hbm>>
        tpu.enqueue_indirect_dma source(%dma_start3A_1096 : memref<10000x128xf32, #tpu.memory_space<hbm>>) target(%dma_start3A_1090 : memref<128x128xf32, #tpu.memory_space<vmem>>) offsets(%dma_start3A_1093 : memref<128xi32, #tpu.memory_space<vmem>>) semaphore(%arg16 : memref<!tpu.dma_semaphore, #tpu.memory_space<semaphore_mem>>)
      } else {
      }
      %mul3A_992 = arith.constant 5 : i32
      %mul3A_993 = arith.muli %mul3A_992, %scan3A_973 : i32
      %add3A_994 = arith.constant 1 : i32
      %add3A_995 = arith.addi %mul3A_993, %add3A_994 : i32
      %dma_wait3A_996 = arith.constant 1 : i32
      %dma_wait3A_997 = arith.constant 0 : i32
      %dma_wait3A_998 = arith.constant 0 : i32
      %dma_wait3A_999 = tpu.memref_slice %arg9[%dma_wait3A_996, %dma_wait3A_997, %dma_wait3A_998] : memref<5x128x128xf32, #tpu.memory_space<vmem>> -> memref<1x128x128xf32, #tpu.memory_space<vmem>>
      %dma_wait3A_1000 = tpu.memref_squeeze %dma_wait3A_999 : memref<1x128x128xf32, #tpu.memory_space<vmem>> -> memref<128x128xf32, #tpu.memory_space<vmem>>
      %dma_wait3A_1001 = arith.constant 0 : i32
      %dma_wait3A_1002 = tpu.memref_slice %arg7[%add3A_995, %dma_wait3A_1001] : memref<80x128xi32, #tpu.memory_space<vmem>> -> memref<1x128xi32, #tpu.memory_space<vmem>>
      %dma_wait3A_1003 = tpu.memref_squeeze %dma_wait3A_1002 : memref<1x128xi32, #tpu.memory_space<vmem>> -> memref<128xi32, #tpu.memory_space<vmem>>
      %dma_wait3A_1004 = arith.constant 0 : i32
      %dma_wait3A_1005 = arith.constant 0 : i32
      %dma_wait3A_1006 = tpu.memref_slice %arg2[%dma_wait3A_1004, %dma_wait3A_1005] : memref<10000x128xf32, #tpu.memory_space<hbm>> -> memref<10000x128xf32, #tpu.memory_space<hbm>>
      tpu.wait_indirect_dma semaphore(%arg17 : memref<!tpu.dma_semaphore, #tpu.memory_space<semaphore_mem>>) src(%dma_wait3A_1006 : memref<10000x128xf32, #tpu.memory_space<hbm>>) dst(%dma_wait3A_1000 : memref<128x128xf32, #tpu.memory_space<vmem>>)
      %run_scoped3A_1007 = arith.constant 1 : i32
      "tpu.region"() ({
        %run_scoped3A_1084 = tpu.sem_alloc : memref<!tpu.dma_semaphore, #tpu.memory_space<semaphore_mem>>
        %dma_start3A_1085 = arith.constant 0 : i32
        %dma_start3A_1086 = arith.constant 0 : i32
        %dma_start3A_1087 = tpu.memref_slice %arg9[%run_scoped3A_1007, %dma_start3A_1085, %dma_start3A_1086] : memref<5x128x128xf32, #tpu.memory_space<vmem>> -> memref<1x128x128xf32, #tpu.memory_space<vmem>>
        %dma_start3A_1088 = tpu.memref_squeeze %dma_start3A_1087 : memref<1x128x128xf32, #tpu.memory_space<vmem>> -> memref<128x128xf32, #tpu.memory_space<vmem>>
        %dma_start3A_1089 = arith.constant 0 : i32
        %dma_start3A_1090 = tpu.memref_slice %arg8[%add3A_995, %dma_start3A_1089] : memref<80x128xi32, #tpu.memory_space<vmem>> -> memref<1x128xi32, #tpu.memory_space<vmem>>
        %dma_start3A_1091 = tpu.memref_squeeze %dma_start3A_1090 : memref<1x128xi32, #tpu.memory_space<vmem>> -> memref<128xi32, #tpu.memory_space<vmem>>
        %dma_start3A_1092 = arith.constant 0 : i32
        %dma_start3A_1093 = arith.constant 0 : i32
        %dma_start3A_1094 = tpu.memref_slice %arg14[%dma_start3A_1092, %dma_start3A_1093] : memref<2304x128xf32, #tpu.memory_space<vmem_shared>> -> memref<2304x128xf32, #tpu.memory_space<vmem_shared>>
        tpu.enqueue_indirect_dma source(%dma_start3A_1088 : memref<128x128xf32, #tpu.memory_space<vmem>>) target(%dma_start3A_1094 : memref<2304x128xf32, #tpu.memory_space<vmem_shared>>) offsets(%dma_start3A_1091 : memref<128xi32, #tpu.memory_space<vmem>>) semaphore(%run_scoped3A_1084 : memref<!tpu.dma_semaphore, #tpu.memory_space<semaphore_mem>>) {add = true}
        %dma_wait3A_1095 = arith.constant 0 : i32
        %dma_wait3A_1096 = arith.constant 0 : i32
        %dma_wait3A_1097 = tpu.memref_slice %arg9[%run_scoped3A_1007, %dma_wait3A_1095, %dma_wait3A_1096] : memref<5x128x128xf32, #tpu.memory_space<vmem>> -> memref<1x128x128xf32, #tpu.memory_space<vmem>>
        %dma_wait3A_1098 = tpu.memref_squeeze %dma_wait3A_1097 : memref<1x128x128xf32, #tpu.memory_space<vmem>> -> memref<128x128xf32, #tpu.memory_space<vmem>>
        %dma_wait3A_1099 = arith.constant 0 : i32
        %dma_wait3A_1100 = tpu.memref_slice %arg8[%add3A_995, %dma_wait3A_1099] : memref<80x128xi32, #tpu.memory_space<vmem>> -> memref<1x128xi32, #tpu.memory_space<vmem>>
        %dma_wait3A_1101 = tpu.memref_squeeze %dma_wait3A_1100 : memref<1x128xi32, #tpu.memory_space<vmem>> -> memref<128xi32, #tpu.memory_space<vmem>>
        %dma_wait3A_1102 = arith.constant 0 : i32
        %dma_wait3A_1103 = arith.constant 0 : i32
        %dma_wait3A_1104 = tpu.memref_slice %arg14[%dma_wait3A_1102, %dma_wait3A_1103] : memref<2304x128xf32, #tpu.memory_space<vmem_shared>> -> memref<2304x128xf32, #tpu.memory_space<vmem_shared>>
        tpu.wait_indirect_dma semaphore(%run_scoped3A_1084 : memref<!tpu.dma_semaphore, #tpu.memory_space<semaphore_mem>>) src(%dma_wait3A_1098 : memref<128x128xf32, #tpu.memory_space<vmem>>) dst(%dma_wait3A_1104 : memref<2304x128xf32, #tpu.memory_space<vmem_shared>>)
        tpu.yield
      }) : () -> ()
      "tpu.region"() ({
        %run_scoped3A_1084 = tpu.sem_alloc : memref<!tpu.dma_semaphore, #tpu.memory_space<semaphore_mem>>
        %dma_start3A_1085 = arith.constant 0 : i32
        %dma_start3A_1086 = tpu.memref_slice %arg8[%add3A_995, %dma_start3A_1085] : memref<80x128xi32, #tpu.memory_space<vmem>> -> memref<1x128xi32, #tpu.memory_space<vmem>>
        %dma_start3A_1087 = tpu.memref_squeeze %dma_start3A_1086 : memref<1x128xi32, #tpu.memory_space<vmem>> -> memref<128xi32, #tpu.memory_space<vmem>>
        %dma_start3A_1088 = arith.constant 0 : i32
        %dma_start3A_1089 = tpu.memref_slice %arg15[%dma_start3A_1088] : memref<2304xf32, #tpu.memory_space<vmem_shared>> -> memref<2304xf32, #tpu.memory_space<vmem_shared>>
        tpu.enqueue_indirect_dma source(%arg10 : memref<128xf32, #tpu.memory_space<vmem>>) target(%dma_start3A_1089 : memref<2304xf32, #tpu.memory_space<vmem_shared>>) offsets(%dma_start3A_1087 : memref<128xi32, #tpu.memory_space<vmem>>) semaphore(%run_scoped3A_1084 : memref<!tpu.dma_semaphore, #tpu.memory_space<semaphore_mem>>) {add = true}
        %dma_wait3A_1090 = arith.constant 0 : i32
        %dma_wait3A_1091 = tpu.memref_slice %arg8[%add3A_995, %dma_wait3A_1090] : memref<80x128xi32, #tpu.memory_space<vmem>> -> memref<1x128xi32, #tpu.memory_space<vmem>>
        %dma_wait3A_1092 = tpu.memref_squeeze %dma_wait3A_1091 : memref<1x128xi32, #tpu.memory_space<vmem>> -> memref<128xi32, #tpu.memory_space<vmem>>
        %dma_wait3A_1093 = arith.constant 0 : i32
        %dma_wait3A_1094 = tpu.memref_slice %arg15[%dma_wait3A_1093] : memref<2304xf32, #tpu.memory_space<vmem_shared>> -> memref<2304xf32, #tpu.memory_space<vmem_shared>>
        tpu.wait_indirect_dma semaphore(%run_scoped3A_1084 : memref<!tpu.dma_semaphore, #tpu.memory_space<semaphore_mem>>) src(%arg10 : memref<128xf32, #tpu.memory_space<vmem>>) dst(%dma_wait3A_1094 : memref<2304xf32, #tpu.memory_space<vmem_shared>>)
        tpu.yield
      }) : () -> ()
      %add3A_1008 = arith.constant 5 : i32
      %add3A_1009 = arith.addi %add3A_995, %add3A_1008 : i32
      %lt3A_1010 = arith.constant 80 : i32
      %lt3A_1011 = arith.cmpi slt, %add3A_1009, %lt3A_1010 : i32
      %convert_element_type3A_1012 = arith.extui %lt3A_1011 : i1 to i32
      %cond3A_1013 = arith.constant 0 : i32
      %cond3A_1014 = arith.cmpi ne, %convert_element_type3A_1012, %cond3A_1013 : i32
      scf.if %cond3A_1014 {
        %add3A_1084 = arith.constant 5 : i32
        %add3A_1085 = arith.addi %add3A_995, %add3A_1084 : i32
        %dma_start3A_1086 = arith.constant 1 : i32
        %dma_start3A_1087 = arith.constant 0 : i32
        %dma_start3A_1088 = arith.constant 0 : i32
        %dma_start3A_1089 = tpu.memref_slice %arg9[%dma_start3A_1086, %dma_start3A_1087, %dma_start3A_1088] : memref<5x128x128xf32, #tpu.memory_space<vmem>> -> memref<1x128x128xf32, #tpu.memory_space<vmem>>
        %dma_start3A_1090 = tpu.memref_squeeze %dma_start3A_1089 : memref<1x128x128xf32, #tpu.memory_space<vmem>> -> memref<128x128xf32, #tpu.memory_space<vmem>>
        %dma_start3A_1091 = arith.constant 0 : i32
        %dma_start3A_1092 = tpu.memref_slice %arg7[%add3A_1085, %dma_start3A_1091] : memref<80x128xi32, #tpu.memory_space<vmem>> -> memref<1x128xi32, #tpu.memory_space<vmem>>
        %dma_start3A_1093 = tpu.memref_squeeze %dma_start3A_1092 : memref<1x128xi32, #tpu.memory_space<vmem>> -> memref<128xi32, #tpu.memory_space<vmem>>
        %dma_start3A_1094 = arith.constant 0 : i32
        %dma_start3A_1095 = arith.constant 0 : i32
        %dma_start3A_1096 = tpu.memref_slice %arg2[%dma_start3A_1094, %dma_start3A_1095] : memref<10000x128xf32, #tpu.memory_space<hbm>> -> memref<10000x128xf32, #tpu.memory_space<hbm>>
        tpu.enqueue_indirect_dma source(%dma_start3A_1096 : memref<10000x128xf32, #tpu.memory_space<hbm>>) target(%dma_start3A_1090 : memref<128x128xf32, #tpu.memory_space<vmem>>) offsets(%dma_start3A_1093 : memref<128xi32, #tpu.memory_space<vmem>>) semaphore(%arg17 : memref<!tpu.dma_semaphore, #tpu.memory_space<semaphore_mem>>)
      } else {
      }
      %mul3A_1015 = arith.constant 5 : i32
      %mul3A_1016 = arith.muli %mul3A_1015, %scan3A_973 : i32
      %add3A_1017 = arith.constant 2 : i32
      %add3A_1018 = arith.addi %mul3A_1016, %add3A_1017 : i32
      %dma_wait3A_1019 = arith.constant 2 : i32
      %dma_wait3A_1020 = arith.constant 0 : i32
      %dma_wait3A_1021 = arith.constant 0 : i32
      %dma_wait3A_1022 = tpu.memref_slice %arg9[%dma_wait3A_1019, %dma_wait3A_1020, %dma_wait3A_1021] : memref<5x128x128xf32, #tpu.memory_space<vmem>> -> memref<1x128x128xf32, #tpu.memory_space<vmem>>
      %dma_wait3A_1023 = tpu.memref_squeeze %dma_wait3A_1022 : memref<1x128x128xf32, #tpu.memory_space<vmem>> -> memref<128x128xf32, #tpu.memory_space<vmem>>
      %dma_wait3A_1024 = arith.constant 0 : i32
      %dma_wait3A_1025 = tpu.memref_slice %arg7[%add3A_1018, %dma_wait3A_1024] : memref<80x128xi32, #tpu.memory_space<vmem>> -> memref<1x128xi32, #tpu.memory_space<vmem>>
      %dma_wait3A_1026 = tpu.memref_squeeze %dma_wait3A_1025 : memref<1x128xi32, #tpu.memory_space<vmem>> -> memref<128xi32, #tpu.memory_space<vmem>>
      %dma_wait3A_1027 = arith.constant 0 : i32
      %dma_wait3A_1028 = arith.constant 0 : i32
      %dma_wait3A_1029 = tpu.memref_slice %arg2[%dma_wait3A_1027, %dma_wait3A_1028] : memref<10000x128xf32, #tpu.memory_space<hbm>> -> memref<10000x128xf32, #tpu.memory_space<hbm>>
      tpu.wait_indirect_dma semaphore(%arg18 : memref<!tpu.dma_semaphore, #tpu.memory_space<semaphore_mem>>) src(%dma_wait3A_1029 : memref<10000x128xf32, #tpu.memory_space<hbm>>) dst(%dma_wait3A_1023 : memref<128x128xf32, #tpu.memory_space<vmem>>)
      %run_scoped3A_1030 = arith.constant 2 : i32
      "tpu.region"() ({
        %run_scoped3A_1084 = tpu.sem_alloc : memref<!tpu.dma_semaphore, #tpu.memory_space<semaphore_mem>>
        %dma_start3A_1085 = arith.constant 0 : i32
        %dma_start3A_1086 = arith.constant 0 : i32
        %dma_start3A_1087 = tpu.memref_slice %arg9[%run_scoped3A_1030, %dma_start3A_1085, %dma_start3A_1086] : memref<5x128x128xf32, #tpu.memory_space<vmem>> -> memref<1x128x128xf32, #tpu.memory_space<vmem>>
        %dma_start3A_1088 = tpu.memref_squeeze %dma_start3A_1087 : memref<1x128x128xf32, #tpu.memory_space<vmem>> -> memref<128x128xf32, #tpu.memory_space<vmem>>
        %dma_start3A_1089 = arith.constant 0 : i32
        %dma_start3A_1090 = tpu.memref_slice %arg8[%add3A_1018, %dma_start3A_1089] : memref<80x128xi32, #tpu.memory_space<vmem>> -> memref<1x128xi32, #tpu.memory_space<vmem>>
        %dma_start3A_1091 = tpu.memref_squeeze %dma_start3A_1090 : memref<1x128xi32, #tpu.memory_space<vmem>> -> memref<128xi32, #tpu.memory_space<vmem>>
        %dma_start3A_1092 = arith.constant 0 : i32
        %dma_start3A_1093 = arith.constant 0 : i32
        %dma_start3A_1094 = tpu.memref_slice %arg14[%dma_start3A_1092, %dma_start3A_1093] : memref<2304x128xf32, #tpu.memory_space<vmem_shared>> -> memref<2304x128xf32, #tpu.memory_space<vmem_shared>>
        tpu.enqueue_indirect_dma source(%dma_start3A_1088 : memref<128x128xf32, #tpu.memory_space<vmem>>) target(%dma_start3A_1094 : memref<2304x128xf32, #tpu.memory_space<vmem_shared>>) offsets(%dma_start3A_1091 : memref<128xi32, #tpu.memory_space<vmem>>) semaphore(%run_scoped3A_1084 : memref<!tpu.dma_semaphore, #tpu.memory_space<semaphore_mem>>) {add = true}
        %dma_wait3A_1095 = arith.constant 0 : i32
        %dma_wait3A_1096 = arith.constant 0 : i32
        %dma_wait3A_1097 = tpu.memref_slice %arg9[%run_scoped3A_1030, %dma_wait3A_1095, %dma_wait3A_1096] : memref<5x128x128xf32, #tpu.memory_space<vmem>> -> memref<1x128x128xf32, #tpu.memory_space<vmem>>
        %dma_wait3A_1098 = tpu.memref_squeeze %dma_wait3A_1097 : memref<1x128x128xf32, #tpu.memory_space<vmem>> -> memref<128x128xf32, #tpu.memory_space<vmem>>
        %dma_wait3A_1099 = arith.constant 0 : i32
        %dma_wait3A_1100 = tpu.memref_slice %arg8[%add3A_1018, %dma_wait3A_1099] : memref<80x128xi32, #tpu.memory_space<vmem>> -> memref<1x128xi32, #tpu.memory_space<vmem>>
        %dma_wait3A_1101 = tpu.memref_squeeze %dma_wait3A_1100 : memref<1x128xi32, #tpu.memory_space<vmem>> -> memref<128xi32, #tpu.memory_space<vmem>>
        %dma_wait3A_1102 = arith.constant 0 : i32
        %dma_wait3A_1103 = arith.constant 0 : i32
        %dma_wait3A_1104 = tpu.memref_slice %arg14[%dma_wait3A_1102, %dma_wait3A_1103] : memref<2304x128xf32, #tpu.memory_space<vmem_shared>> -> memref<2304x128xf32, #tpu.memory_space<vmem_shared>>
        tpu.wait_indirect_dma semaphore(%run_scoped3A_1084 : memref<!tpu.dma_semaphore, #tpu.memory_space<semaphore_mem>>) src(%dma_wait3A_1098 : memref<128x128xf32, #tpu.memory_space<vmem>>) dst(%dma_wait3A_1104 : memref<2304x128xf32, #tpu.memory_space<vmem_shared>>)
        tpu.yield
      }) : () -> ()
      "tpu.region"() ({
        %run_scoped3A_1084 = tpu.sem_alloc : memref<!tpu.dma_semaphore, #tpu.memory_space<semaphore_mem>>
        %dma_start3A_1085 = arith.constant 0 : i32
        %dma_start3A_1086 = tpu.memref_slice %arg8[%add3A_1018, %dma_start3A_1085] : memref<80x128xi32, #tpu.memory_space<vmem>> -> memref<1x128xi32, #tpu.memory_space<vmem>>
        %dma_start3A_1087 = tpu.memref_squeeze %dma_start3A_1086 : memref<1x128xi32, #tpu.memory_space<vmem>> -> memref<128xi32, #tpu.memory_space<vmem>>
        %dma_start3A_1088 = arith.constant 0 : i32
        %dma_start3A_1089 = tpu.memref_slice %arg15[%dma_start3A_1088] : memref<2304xf32, #tpu.memory_space<vmem_shared>> -> memref<2304xf32, #tpu.memory_space<vmem_shared>>
        tpu.enqueue_indirect_dma source(%arg10 : memref<128xf32, #tpu.memory_space<vmem>>) target(%dma_start3A_1089 : memref<2304xf32, #tpu.memory_space<vmem_shared>>) offsets(%dma_start3A_1087 : memref<128xi32, #tpu.memory_space<vmem>>) semaphore(%run_scoped3A_1084 : memref<!tpu.dma_semaphore, #tpu.memory_space<semaphore_mem>>) {add = true}
        %dma_wait3A_1090 = arith.constant 0 : i32
        %dma_wait3A_1091 = tpu.memref_slice %arg8[%add3A_1018, %dma_wait3A_1090] : memref<80x128xi32, #tpu.memory_space<vmem>> -> memref<1x128xi32, #tpu.memory_space<vmem>>
        %dma_wait3A_1092 = tpu.memref_squeeze %dma_wait3A_1091 : memref<1x128xi32, #tpu.memory_space<vmem>> -> memref<128xi32, #tpu.memory_space<vmem>>
        %dma_wait3A_1093 = arith.constant 0 : i32
        %dma_wait3A_1094 = tpu.memref_slice %arg15[%dma_wait3A_1093] : memref<2304xf32, #tpu.memory_space<vmem_shared>> -> memref<2304xf32, #tpu.memory_space<vmem_shared>>
        tpu.wait_indirect_dma semaphore(%run_scoped3A_1084 : memref<!tpu.dma_semaphore, #tpu.memory_space<semaphore_mem>>) src(%arg10 : memref<128xf32, #tpu.memory_space<vmem>>) dst(%dma_wait3A_1094 : memref<2304xf32, #tpu.memory_space<vmem_shared>>)
        tpu.yield
      }) : () -> ()
      %add3A_1031 = arith.constant 5 : i32
      %add3A_1032 = arith.addi %add3A_1018, %add3A_1031 : i32
      %lt3A_1033 = arith.constant 80 : i32
      %lt3A_1034 = arith.cmpi slt, %add3A_1032, %lt3A_1033 : i32
      %convert_element_type3A_1035 = arith.extui %lt3A_1034 : i1 to i32
      %cond3A_1036 = arith.constant 0 : i32
      %cond3A_1037 = arith.cmpi ne, %convert_element_type3A_1035, %cond3A_1036 : i32
      scf.if %cond3A_1037 {
        %add3A_1084 = arith.constant 5 : i32
        %add3A_1085 = arith.addi %add3A_1018, %add3A_1084 : i32
        %dma_start3A_1086 = arith.constant 2 : i32
        %dma_start3A_1087 = arith.constant 0 : i32
        %dma_start3A_1088 = arith.constant 0 : i32
        %dma_start3A_1089 = tpu.memref_slice %arg9[%dma_start3A_1086, %dma_start3A_1087, %dma_start3A_1088] : memref<5x128x128xf32, #tpu.memory_space<vmem>> -> memref<1x128x128xf32, #tpu.memory_space<vmem>>
        %dma_start3A_1090 = tpu.memref_squeeze %dma_start3A_1089 : memref<1x128x128xf32, #tpu.memory_space<vmem>> -> memref<128x128xf32, #tpu.memory_space<vmem>>
        %dma_start3A_1091 = arith.constant 0 : i32
        %dma_start3A_1092 = tpu.memref_slice %arg7[%add3A_1085, %dma_start3A_1091] : memref<80x128xi32, #tpu.memory_space<vmem>> -> memref<1x128xi32, #tpu.memory_space<vmem>>
        %dma_start3A_1093 = tpu.memref_squeeze %dma_start3A_1092 : memref<1x128xi32, #tpu.memory_space<vmem>> -> memref<128xi32, #tpu.memory_space<vmem>>
        %dma_start3A_1094 = arith.constant 0 : i32
        %dma_start3A_1095 = arith.constant 0 : i32
        %dma_start3A_1096 = tpu.memref_slice %arg2[%dma_start3A_1094, %dma_start3A_1095] : memref<10000x128xf32, #tpu.memory_space<hbm>> -> memref<10000x128xf32, #tpu.memory_space<hbm>>
        tpu.enqueue_indirect_dma source(%dma_start3A_1096 : memref<10000x128xf32, #tpu.memory_space<hbm>>) target(%dma_start3A_1090 : memref<128x128xf32, #tpu.memory_space<vmem>>) offsets(%dma_start3A_1093 : memref<128xi32, #tpu.memory_space<vmem>>) semaphore(%arg18 : memref<!tpu.dma_semaphore, #tpu.memory_space<semaphore_mem>>)
      } else {
      }
      %mul3A_1038 = arith.constant 5 : i32
      %mul3A_1039 = arith.muli %mul3A_1038, %scan3A_973 : i32
      %add3A_1040 = arith.constant 3 : i32
      %add3A_1041 = arith.addi %mul3A_1039, %add3A_1040 : i32
      %dma_wait3A_1042 = arith.constant 3 : i32
      %dma_wait3A_1043 = arith.constant 0 : i32
      %dma_wait3A_1044 = arith.constant 0 : i32
      %dma_wait3A_1045 = tpu.memref_slice %arg9[%dma_wait3A_1042, %dma_wait3A_1043, %dma_wait3A_1044] : memref<5x128x128xf32, #tpu.memory_space<vmem>> -> memref<1x128x128xf32, #tpu.memory_space<vmem>>
      %dma_wait3A_1046 = tpu.memref_squeeze %dma_wait3A_1045 : memref<1x128x128xf32, #tpu.memory_space<vmem>> -> memref<128x128xf32, #tpu.memory_space<vmem>>
      %dma_wait3A_1047 = arith.constant 0 : i32
      %dma_wait3A_1048 = tpu.memref_slice %arg7[%add3A_1041, %dma_wait3A_1047] : memref<80x128xi32, #tpu.memory_space<vmem>> -> memref<1x128xi32, #tpu.memory_space<vmem>>
      %dma_wait3A_1049 = tpu.memref_squeeze %dma_wait3A_1048 : memref<1x128xi32, #tpu.memory_space<vmem>> -> memref<128xi32, #tpu.memory_space<vmem>>
      %dma_wait3A_1050 = arith.constant 0 : i32
      %dma_wait3A_1051 = arith.constant 0 : i32
      %dma_wait3A_1052 = tpu.memref_slice %arg2[%dma_wait3A_1050, %dma_wait3A_1051] : memref<10000x128xf32, #tpu.memory_space<hbm>> -> memref<10000x128xf32, #tpu.memory_space<hbm>>
      tpu.wait_indirect_dma semaphore(%arg19 : memref<!tpu.dma_semaphore, #tpu.memory_space<semaphore_mem>>) src(%dma_wait3A_1052 : memref<10000x128xf32, #tpu.memory_space<hbm>>) dst(%dma_wait3A_1046 : memref<128x128xf32, #tpu.memory_space<vmem>>)
      %run_scoped3A_1053 = arith.constant 3 : i32
      "tpu.region"() ({
        %run_scoped3A_1084 = tpu.sem_alloc : memref<!tpu.dma_semaphore, #tpu.memory_space<semaphore_mem>>
        %dma_start3A_1085 = arith.constant 0 : i32
        %dma_start3A_1086 = arith.constant 0 : i32
        %dma_start3A_1087 = tpu.memref_slice %arg9[%run_scoped3A_1053, %dma_start3A_1085, %dma_start3A_1086] : memref<5x128x128xf32, #tpu.memory_space<vmem>> -> memref<1x128x128xf32, #tpu.memory_space<vmem>>
        %dma_start3A_1088 = tpu.memref_squeeze %dma_start3A_1087 : memref<1x128x128xf32, #tpu.memory_space<vmem>> -> memref<128x128xf32, #tpu.memory_space<vmem>>
        %dma_start3A_1089 = arith.constant 0 : i32
        %dma_start3A_1090 = tpu.memref_slice %arg8[%add3A_1041, %dma_start3A_1089] : memref<80x128xi32, #tpu.memory_space<vmem>> -> memref<1x128xi32, #tpu.memory_space<vmem>>
        %dma_start3A_1091 = tpu.memref_squeeze %dma_start3A_1090 : memref<1x128xi32, #tpu.memory_space<vmem>> -> memref<128xi32, #tpu.memory_space<vmem>>
        %dma_start3A_1092 = arith.constant 0 : i32
        %dma_start3A_1093 = arith.constant 0 : i32
        %dma_start3A_1094 = tpu.memref_slice %arg14[%dma_start3A_1092, %dma_start3A_1093] : memref<2304x128xf32, #tpu.memory_space<vmem_shared>> -> memref<2304x128xf32, #tpu.memory_space<vmem_shared>>
        tpu.enqueue_indirect_dma source(%dma_start3A_1088 : memref<128x128xf32, #tpu.memory_space<vmem>>) target(%dma_start3A_1094 : memref<2304x128xf32, #tpu.memory_space<vmem_shared>>) offsets(%dma_start3A_1091 : memref<128xi32, #tpu.memory_space<vmem>>) semaphore(%run_scoped3A_1084 : memref<!tpu.dma_semaphore, #tpu.memory_space<semaphore_mem>>) {add = true}
        %dma_wait3A_1095 = arith.constant 0 : i32
        %dma_wait3A_1096 = arith.constant 0 : i32
        %dma_wait3A_1097 = tpu.memref_slice %arg9[%run_scoped3A_1053, %dma_wait3A_1095, %dma_wait3A_1096] : memref<5x128x128xf32, #tpu.memory_space<vmem>> -> memref<1x128x128xf32, #tpu.memory_space<vmem>>
        %dma_wait3A_1098 = tpu.memref_squeeze %dma_wait3A_1097 : memref<1x128x128xf32, #tpu.memory_space<vmem>> -> memref<128x128xf32, #tpu.memory_space<vmem>>
        %dma_wait3A_1099 = arith.constant 0 : i32
        %dma_wait3A_1100 = tpu.memref_slice %arg8[%add3A_1041, %dma_wait3A_1099] : memref<80x128xi32, #tpu.memory_space<vmem>> -> memref<1x128xi32, #tpu.memory_space<vmem>>
        %dma_wait3A_1101 = tpu.memref_squeeze %dma_wait3A_1100 : memref<1x128xi32, #tpu.memory_space<vmem>> -> memref<128xi32, #tpu.memory_space<vmem>>
        %dma_wait3A_1102 = arith.constant 0 : i32
        %dma_wait3A_1103 = arith.constant 0 : i32
        %dma_wait3A_1104 = tpu.memref_slice %arg14[%dma_wait3A_1102, %dma_wait3A_1103] : memref<2304x128xf32, #tpu.memory_space<vmem_shared>> -> memref<2304x128xf32, #tpu.memory_space<vmem_shared>>
        tpu.wait_indirect_dma semaphore(%run_scoped3A_1084 : memref<!tpu.dma_semaphore, #tpu.memory_space<semaphore_mem>>) src(%dma_wait3A_1098 : memref<128x128xf32, #tpu.memory_space<vmem>>) dst(%dma_wait3A_1104 : memref<2304x128xf32, #tpu.memory_space<vmem_shared>>)
        tpu.yield
      }) : () -> ()
      "tpu.region"() ({
        %run_scoped3A_1084 = tpu.sem_alloc : memref<!tpu.dma_semaphore, #tpu.memory_space<semaphore_mem>>
        %dma_start3A_1085 = arith.constant 0 : i32
        %dma_start3A_1086 = tpu.memref_slice %arg8[%add3A_1041, %dma_start3A_1085] : memref<80x128xi32, #tpu.memory_space<vmem>> -> memref<1x128xi32, #tpu.memory_space<vmem>>
        %dma_start3A_1087 = tpu.memref_squeeze %dma_start3A_1086 : memref<1x128xi32, #tpu.memory_space<vmem>> -> memref<128xi32, #tpu.memory_space<vmem>>
        %dma_start3A_1088 = arith.constant 0 : i32
        %dma_start3A_1089 = tpu.memref_slice %arg15[%dma_start3A_1088] : memref<2304xf32, #tpu.memory_space<vmem_shared>> -> memref<2304xf32, #tpu.memory_space<vmem_shared>>
        tpu.enqueue_indirect_dma source(%arg10 : memref<128xf32, #tpu.memory_space<vmem>>) target(%dma_start3A_1089 : memref<2304xf32, #tpu.memory_space<vmem_shared>>) offsets(%dma_start3A_1087 : memref<128xi32, #tpu.memory_space<vmem>>) semaphore(%run_scoped3A_1084 : memref<!tpu.dma_semaphore, #tpu.memory_space<semaphore_mem>>) {add = true}
        %dma_wait3A_1090 = arith.constant 0 : i32
        %dma_wait3A_1091 = tpu.memref_slice %arg8[%add3A_1041, %dma_wait3A_1090] : memref<80x128xi32, #tpu.memory_space<vmem>> -> memref<1x128xi32, #tpu.memory_space<vmem>>
        %dma_wait3A_1092 = tpu.memref_squeeze %dma_wait3A_1091 : memref<1x128xi32, #tpu.memory_space<vmem>> -> memref<128xi32, #tpu.memory_space<vmem>>
        %dma_wait3A_1093 = arith.constant 0 : i32
        %dma_wait3A_1094 = tpu.memref_slice %arg15[%dma_wait3A_1093] : memref<2304xf32, #tpu.memory_space<vmem_shared>> -> memref<2304xf32, #tpu.memory_space<vmem_shared>>
        tpu.wait_indirect_dma semaphore(%run_scoped3A_1084 : memref<!tpu.dma_semaphore, #tpu.memory_space<semaphore_mem>>) src(%arg10 : memref<128xf32, #tpu.memory_space<vmem>>) dst(%dma_wait3A_1094 : memref<2304xf32, #tpu.memory_space<vmem_shared>>)
        tpu.yield
      }) : () -> ()
      %add3A_1054 = arith.constant 5 : i32
      %add3A_1055 = arith.addi %add3A_1041, %add3A_1054 : i32
      %lt3A_1056 = arith.constant 80 : i32
      %lt3A_1057 = arith.cmpi slt, %add3A_1055, %lt3A_1056 : i32
      %convert_element_type3A_1058 = arith.extui %lt3A_1057 : i1 to i32
      %cond3A_1059 = arith.constant 0 : i32
      %cond3A_1060 = arith.cmpi ne, %convert_element_type3A_1058, %cond3A_1059 : i32
      scf.if %cond3A_1060 {
        %add3A_1084 = arith.constant 5 : i32
        %add3A_1085 = arith.addi %add3A_1041, %add3A_1084 : i32
        %dma_start3A_1086 = arith.constant 3 : i32
        %dma_start3A_1087 = arith.constant 0 : i32
        %dma_start3A_1088 = arith.constant 0 : i32
        %dma_start3A_1089 = tpu.memref_slice %arg9[%dma_start3A_1086, %dma_start3A_1087, %dma_start3A_1088] : memref<5x128x128xf32, #tpu.memory_space<vmem>> -> memref<1x128x128xf32, #tpu.memory_space<vmem>>
        %dma_start3A_1090 = tpu.memref_squeeze %dma_start3A_1089 : memref<1x128x128xf32, #tpu.memory_space<vmem>> -> memref<128x128xf32, #tpu.memory_space<vmem>>
        %dma_start3A_1091 = arith.constant 0 : i32
        %dma_start3A_1092 = tpu.memref_slice %arg7[%add3A_1085, %dma_start3A_1091] : memref<80x128xi32, #tpu.memory_space<vmem>> -> memref<1x128xi32, #tpu.memory_space<vmem>>
        %dma_start3A_1093 = tpu.memref_squeeze %dma_start3A_1092 : memref<1x128xi32, #tpu.memory_space<vmem>> -> memref<128xi32, #tpu.memory_space<vmem>>
        %dma_start3A_1094 = arith.constant 0 : i32
        %dma_start3A_1095 = arith.constant 0 : i32
        %dma_start3A_1096 = tpu.memref_slice %arg2[%dma_start3A_1094, %dma_start3A_1095] : memref<10000x128xf32, #tpu.memory_space<hbm>> -> memref<10000x128xf32, #tpu.memory_space<hbm>>
        tpu.enqueue_indirect_dma source(%dma_start3A_1096 : memref<10000x128xf32, #tpu.memory_space<hbm>>) target(%dma_start3A_1090 : memref<128x128xf32, #tpu.memory_space<vmem>>) offsets(%dma_start3A_1093 : memref<128xi32, #tpu.memory_space<vmem>>) semaphore(%arg19 : memref<!tpu.dma_semaphore, #tpu.memory_space<semaphore_mem>>)
      } else {
      }
      %mul3A_1061 = arith.constant 5 : i32
      %mul3A_1062 = arith.muli %mul3A_1061, %scan3A_973 : i32
      %add3A_1063 = arith.constant 4 : i32
      %add3A_1064 = arith.addi %mul3A_1062, %add3A_1063 : i32
      %dma_wait3A_1065 = arith.constant 4 : i32
      %dma_wait3A_1066 = arith.constant 0 : i32
      %dma_wait3A_1067 = arith.constant 0 : i32
      %dma_wait3A_1068 = tpu.memref_slice %arg9[%dma_wait3A_1065, %dma_wait3A_1066, %dma_wait3A_1067] : memref<5x128x128xf32, #tpu.memory_space<vmem>> -> memref<1x128x128xf32, #tpu.memory_space<vmem>>
      %dma_wait3A_1069 = tpu.memref_squeeze %dma_wait3A_1068 : memref<1x128x128xf32, #tpu.memory_space<vmem>> -> memref<128x128xf32, #tpu.memory_space<vmem>>
      %dma_wait3A_1070 = arith.constant 0 : i32
      %dma_wait3A_1071 = tpu.memref_slice %arg7[%add3A_1064, %dma_wait3A_1070] : memref<80x128xi32, #tpu.memory_space<vmem>> -> memref<1x128xi32, #tpu.memory_space<vmem>>
      %dma_wait3A_1072 = tpu.memref_squeeze %dma_wait3A_1071 : memref<1x128xi32, #tpu.memory_space<vmem>> -> memref<128xi32, #tpu.memory_space<vmem>>
      %dma_wait3A_1073 = arith.constant 0 : i32
      %dma_wait3A_1074 = arith.constant 0 : i32
      %dma_wait3A_1075 = tpu.memref_slice %arg2[%dma_wait3A_1073, %dma_wait3A_1074] : memref<10000x128xf32, #tpu.memory_space<hbm>> -> memref<10000x128xf32, #tpu.memory_space<hbm>>
      tpu.wait_indirect_dma semaphore(%arg20 : memref<!tpu.dma_semaphore, #tpu.memory_space<semaphore_mem>>) src(%dma_wait3A_1075 : memref<10000x128xf32, #tpu.memory_space<hbm>>) dst(%dma_wait3A_1069 : memref<128x128xf32, #tpu.memory_space<vmem>>)
      %run_scoped3A_1076 = arith.constant 4 : i32
      "tpu.region"() ({
        %run_scoped3A_1084 = tpu.sem_alloc : memref<!tpu.dma_semaphore, #tpu.memory_space<semaphore_mem>>
        %dma_start3A_1085 = arith.constant 0 : i32
        %dma_start3A_1086 = arith.constant 0 : i32
        %dma_start3A_1087 = tpu.memref_slice %arg9[%run_scoped3A_1076, %dma_start3A_1085, %dma_start3A_1086] : memref<5x128x128xf32, #tpu.memory_space<vmem>> -> memref<1x128x128xf32, #tpu.memory_space<vmem>>
        %dma_start3A_1088 = tpu.memref_squeeze %dma_start3A_1087 : memref<1x128x128xf32, #tpu.memory_space<vmem>> -> memref<128x128xf32, #tpu.memory_space<vmem>>
        %dma_start3A_1089 = arith.constant 0 : i32
        %dma_start3A_1090 = tpu.memref_slice %arg8[%add3A_1064, %dma_start3A_1089] : memref<80x128xi32, #tpu.memory_space<vmem>> -> memref<1x128xi32, #tpu.memory_space<vmem>>
        %dma_start3A_1091 = tpu.memref_squeeze %dma_start3A_1090 : memref<1x128xi32, #tpu.memory_space<vmem>> -> memref<128xi32, #tpu.memory_space<vmem>>
        %dma_start3A_1092 = arith.constant 0 : i32
        %dma_start3A_1093 = arith.constant 0 : i32
        %dma_start3A_1094 = tpu.memref_slice %arg14[%dma_start3A_1092, %dma_start3A_1093] : memref<2304x128xf32, #tpu.memory_space<vmem_shared>> -> memref<2304x128xf32, #tpu.memory_space<vmem_shared>>
        tpu.enqueue_indirect_dma source(%dma_start3A_1088 : memref<128x128xf32, #tpu.memory_space<vmem>>) target(%dma_start3A_1094 : memref<2304x128xf32, #tpu.memory_space<vmem_shared>>) offsets(%dma_start3A_1091 : memref<128xi32, #tpu.memory_space<vmem>>) semaphore(%run_scoped3A_1084 : memref<!tpu.dma_semaphore, #tpu.memory_space<semaphore_mem>>) {add = true}
        %dma_wait3A_1095 = arith.constant 0 : i32
        %dma_wait3A_1096 = arith.constant 0 : i32
        %dma_wait3A_1097 = tpu.memref_slice %arg9[%run_scoped3A_1076, %dma_wait3A_1095, %dma_wait3A_1096] : memref<5x128x128xf32, #tpu.memory_space<vmem>> -> memref<1x128x128xf32, #tpu.memory_space<vmem>>
        %dma_wait3A_1098 = tpu.memref_squeeze %dma_wait3A_1097 : memref<1x128x128xf32, #tpu.memory_space<vmem>> -> memref<128x128xf32, #tpu.memory_space<vmem>>
        %dma_wait3A_1099 = arith.constant 0 : i32
        %dma_wait3A_1100 = tpu.memref_slice %arg8[%add3A_1064, %dma_wait3A_1099] : memref<80x128xi32, #tpu.memory_space<vmem>> -> memref<1x128xi32, #tpu.memory_space<vmem>>
        %dma_wait3A_1101 = tpu.memref_squeeze %dma_wait3A_1100 : memref<1x128xi32, #tpu.memory_space<vmem>> -> memref<128xi32, #tpu.memory_space<vmem>>
        %dma_wait3A_1102 = arith.constant 0 : i32
        %dma_wait3A_1103 = arith.constant 0 : i32
        %dma_wait3A_1104 = tpu.memref_slice %arg14[%dma_wait3A_1102, %dma_wait3A_1103] : memref<2304x128xf32, #tpu.memory_space<vmem_shared>> -> memref<2304x128xf32, #tpu.memory_space<vmem_shared>>
        tpu.wait_indirect_dma semaphore(%run_scoped3A_1084 : memref<!tpu.dma_semaphore, #tpu.memory_space<semaphore_mem>>) src(%dma_wait3A_1098 : memref<128x128xf32, #tpu.memory_space<vmem>>) dst(%dma_wait3A_1104 : memref<2304x128xf32, #tpu.memory_space<vmem_shared>>)
        tpu.yield
      }) : () -> ()
      "tpu.region"() ({
        %run_scoped3A_1084 = tpu.sem_alloc : memref<!tpu.dma_semaphore, #tpu.memory_space<semaphore_mem>>
        %dma_start3A_1085 = arith.constant 0 : i32
        %dma_start3A_1086 = tpu.memref_slice %arg8[%add3A_1064, %dma_start3A_1085] : memref<80x128xi32, #tpu.memory_space<vmem>> -> memref<1x128xi32, #tpu.memory_space<vmem>>
        %dma_start3A_1087 = tpu.memref_squeeze %dma_start3A_1086 : memref<1x128xi32, #tpu.memory_space<vmem>> -> memref<128xi32, #tpu.memory_space<vmem>>
        %dma_start3A_1088 = arith.constant 0 : i32
        %dma_start3A_1089 = tpu.memref_slice %arg15[%dma_start3A_1088] : memref<2304xf32, #tpu.memory_space<vmem_shared>> -> memref<2304xf32, #tpu.memory_space<vmem_shared>>
        tpu.enqueue_indirect_dma source(%arg10 : memref<128xf32, #tpu.memory_space<vmem>>) target(%dma_start3A_1089 : memref<2304xf32, #tpu.memory_space<vmem_shared>>) offsets(%dma_start3A_1087 : memref<128xi32, #tpu.memory_space<vmem>>) semaphore(%run_scoped3A_1084 : memref<!tpu.dma_semaphore, #tpu.memory_space<semaphore_mem>>) {add = true}
        %dma_wait3A_1090 = arith.constant 0 : i32
        %dma_wait3A_1091 = tpu.memref_slice %arg8[%add3A_1064, %dma_wait3A_1090] : memref<80x128xi32, #tpu.memory_space<vmem>> -> memref<1x128xi32, #tpu.memory_space<vmem>>
        %dma_wait3A_1092 = tpu.memref_squeeze %dma_wait3A_1091 : memref<1x128xi32, #tpu.memory_space<vmem>> -> memref<128xi32, #tpu.memory_space<vmem>>
        %dma_wait3A_1093 = arith.constant 0 : i32
        %dma_wait3A_1094 = tpu.memref_slice %arg15[%dma_wait3A_1093] : memref<2304xf32, #tpu.memory_space<vmem_shared>> -> memref<2304xf32, #tpu.memory_space<vmem_shared>>
        tpu.wait_indirect_dma semaphore(%run_scoped3A_1084 : memref<!tpu.dma_semaphore, #tpu.memory_space<semaphore_mem>>) src(%arg10 : memref<128xf32, #tpu.memory_space<vmem>>) dst(%dma_wait3A_1094 : memref<2304xf32, #tpu.memory_space<vmem_shared>>)
        tpu.yield
      }) : () -> ()
      %add3A_1077 = arith.constant 5 : i32
      %add3A_1078 = arith.addi %add3A_1064, %add3A_1077 : i32
      %lt3A_1079 = arith.constant 80 : i32
      %lt3A_1080 = arith.cmpi slt, %add3A_1078, %lt3A_1079 : i32
      %convert_element_type3A_1081 = arith.extui %lt3A_1080 : i1 to i32
      %cond3A_1082 = arith.constant 0 : i32
      %cond3A_1083 = arith.cmpi ne, %convert_element_type3A_1081, %cond3A_1082 : i32
      scf.if %cond3A_1083 {
        %add3A_1084 = arith.constant 5 : i32
        %add3A_1085 = arith.addi %add3A_1064, %add3A_1084 : i32
        %dma_start3A_1086 = arith.constant 4 : i32
        %dma_start3A_1087 = arith.constant 0 : i32
        %dma_start3A_1088 = arith.constant 0 : i32
        %dma_start3A_1089 = tpu.memref_slice %arg9[%dma_start3A_1086, %dma_start3A_1087, %dma_start3A_1088] : memref<5x128x128xf32, #tpu.memory_space<vmem>> -> memref<1x128x128xf32, #tpu.memory_space<vmem>>
        %dma_start3A_1090 = tpu.memref_squeeze %dma_start3A_1089 : memref<1x128x128xf32, #tpu.memory_space<vmem>> -> memref<128x128xf32, #tpu.memory_space<vmem>>
        %dma_start3A_1091 = arith.constant 0 : i32
        %dma_start3A_1092 = tpu.memref_slice %arg7[%add3A_1085, %dma_start3A_1091] : memref<80x128xi32, #tpu.memory_space<vmem>> -> memref<1x128xi32, #tpu.memory_space<vmem>>
        %dma_start3A_1093 = tpu.memref_squeeze %dma_start3A_1092 : memref<1x128xi32, #tpu.memory_space<vmem>> -> memref<128xi32, #tpu.memory_space<vmem>>
        %dma_start3A_1094 = arith.constant 0 : i32
        %dma_start3A_1095 = arith.constant 0 : i32
        %dma_start3A_1096 = tpu.memref_slice %arg2[%dma_start3A_1094, %dma_start3A_1095] : memref<10000x128xf32, #tpu.memory_space<hbm>> -> memref<10000x128xf32, #tpu.memory_space<hbm>>
        tpu.enqueue_indirect_dma source(%dma_start3A_1096 : memref<10000x128xf32, #tpu.memory_space<hbm>>) target(%dma_start3A_1090 : memref<128x128xf32, #tpu.memory_space<vmem>>) offsets(%dma_start3A_1093 : memref<128xi32, #tpu.memory_space<vmem>>) semaphore(%arg20 : memref<!tpu.dma_semaphore, #tpu.memory_space<semaphore_mem>>)
      } else {
      }
    }
    %scan3A_960 = arith.constant 16 : i32
    %barrier3A_961 = arith.constant 0 : index
    tpu.barrier barrier_id(%barrier3A_961)
    %mul3A_962 = arith.constant 144 : i32
    %mul3A_963 = arith.muli %arg1, %mul3A_962 : i32
    %mul3A_964 = arith.constant 144 : i32
    %mul3A_965 = arith.muli %arg1, %mul3A_964 : i32
    "tpu.region"() ({
      %run_scoped3A = tpu.sem_alloc : memref<!tpu.dma_semaphore, #tpu.memory_space<semaphore_mem>>
      %dma_start3A_973 = arith.constant 0 : i32
      %dma_start3A_974 = tpu.memref_slice %arg5[%arg0, %mul3A_965, %dma_start3A_973] : memref<2x2304x128xf32, #tpu.memory_space<hbm>> -> memref<1x144x128xf32, #tpu.memory_space<hbm>>
      %dma_start3A_975 = tpu.memref_squeeze %dma_start3A_974 : memref<1x144x128xf32, #tpu.memory_space<hbm>> -> memref<144x128xf32, #tpu.memory_space<hbm>>
      %dma_start3A_976 = arith.constant 0 : i32
      %dma_start3A_977 = tpu.memref_slice %arg14[%mul3A_963, %dma_start3A_976] : memref<2304x128xf32, #tpu.memory_space<vmem_shared>> -> memref<144x128xf32, #tpu.memory_space<vmem_shared>>
      tpu.enqueue_dma source(%dma_start3A_977 : memref<144x128xf32, #tpu.memory_space<vmem_shared>>) target(%dma_start3A_975 : memref<144x128xf32, #tpu.memory_space<hbm>>) target_semaphore(%run_scoped3A : memref<!tpu.dma_semaphore, #tpu.memory_space<semaphore_mem>>)
      %dma_wait3A = arith.constant 0 : i32
      %dma_wait3A_978 = tpu.memref_slice %arg5[%arg0, %mul3A_965, %dma_wait3A] : memref<2x2304x128xf32, #tpu.memory_space<hbm>> -> memref<1x144x128xf32, #tpu.memory_space<hbm>>
      %dma_wait3A_979 = tpu.memref_squeeze %dma_wait3A_978 : memref<1x144x128xf32, #tpu.memory_space<hbm>> -> memref<144x128xf32, #tpu.memory_space<hbm>>
      %dma_wait3A_980 = arith.constant 0 : i32
      %dma_wait3A_981 = tpu.memref_slice %arg14[%mul3A_963, %dma_wait3A_980] : memref<2304x128xf32, #tpu.memory_space<vmem_shared>> -> memref<144x128xf32, #tpu.memory_space<vmem_shared>>
      tpu.wait_dma2 semaphore(%run_scoped3A : memref<!tpu.dma_semaphore, #tpu.memory_space<semaphore_mem>>) src(%dma_wait3A_981 : memref<144x128xf32, #tpu.memory_space<vmem_shared>>) dst(%dma_wait3A_979 : memref<144x128xf32, #tpu.memory_space<hbm>>)
      tpu.yield
    }) : () -> ()
    %mul3A_966 = arith.constant 144 : i32
    %mul3A_967 = arith.muli %arg1, %mul3A_966 : i32
    "tpu.region"() ({
      %run_scoped3A = tpu.sem_alloc : memref<!tpu.dma_semaphore, #tpu.memory_space<semaphore_mem>>
      %dma_start3A_973 = tpu.memref_slice %arg15[%mul3A_967] : memref<2304xf32, #tpu.memory_space<vmem_shared>> -> memref<144xf32, #tpu.memory_space<vmem_shared>>
      %dma_start3A_974 = tpu.memref_slice %arg15[%mul3A_967] : memref<2304xf32, #tpu.memory_space<vmem_shared>> -> memref<144xf32, #tpu.memory_space<vmem_shared>>
      tpu.enqueue_dma source(%dma_start3A_974 : memref<144xf32, #tpu.memory_space<vmem_shared>>) target(%arg13 : memref<144xf32, #tpu.memory_space<vmem>>) target_semaphore(%run_scoped3A : memref<!tpu.dma_semaphore, #tpu.memory_space<semaphore_mem>>)
      %dma_wait3A = tpu.memref_slice %arg15[%mul3A_967] : memref<2304xf32, #tpu.memory_space<vmem_shared>> -> memref<144xf32, #tpu.memory_space<vmem_shared>>
      %dma_wait3A_975 = tpu.memref_slice %arg15[%mul3A_967] : memref<2304xf32, #tpu.memory_space<vmem_shared>> -> memref<144xf32, #tpu.memory_space<vmem_shared>>
      tpu.wait_dma2 semaphore(%run_scoped3A : memref<!tpu.dma_semaphore, #tpu.memory_space<semaphore_mem>>) src(%dma_wait3A_975 : memref<144xf32, #tpu.memory_space<vmem_shared>>) dst(%arg13 : memref<144xf32, #tpu.memory_space<vmem>>)
      tpu.yield
    }) : () -> ()
    %mul3A_968 = arith.constant 2304 : i32
    %mul3A_969 = arith.muli %arg0, %mul3A_968 : i32
    %mul3A_970 = arith.constant 144 : i32
    %mul3A_971 = arith.muli %arg1, %mul3A_970 : i32
    %add3A_972 = arith.addi %mul3A_969, %mul3A_971 : i32
    "tpu.region"() ({
      %run_scoped3A = tpu.sem_alloc : memref<!tpu.dma_semaphore, #tpu.memory_space<semaphore_mem>>
      %dma_start3A_973 = tpu.memref_slice %arg6[%add3A_972] : memref<4608xf32, #tpu.memory_space<hbm>> -> memref<144xf32, #tpu.memory_space<hbm>>
      %dma_start3A_974 = tpu.memref_slice %arg6[%add3A_972] : memref<4608xf32, #tpu.memory_space<hbm>> -> memref<144xf32, #tpu.memory_space<hbm>>
      tpu.enqueue_dma source(%arg13 : memref<144xf32, #tpu.memory_space<vmem>>) target(%dma_start3A_974 : memref<144xf32, #tpu.memory_space<hbm>>) target_semaphore(%run_scoped3A : memref<!tpu.dma_semaphore, #tpu.memory_space<semaphore_mem>>)
      %dma_wait3A = tpu.memref_slice %arg6[%add3A_972] : memref<4608xf32, #tpu.memory_space<hbm>> -> memref<144xf32, #tpu.memory_space<hbm>>
      %dma_wait3A_975 = tpu.memref_slice %arg6[%add3A_972] : memref<4608xf32, #tpu.memory_space<hbm>> -> memref<144xf32, #tpu.memory_space<hbm>>
      tpu.wait_dma2 semaphore(%run_scoped3A : memref<!tpu.dma_semaphore, #tpu.memory_space<semaphore_mem>>) src(%arg13 : memref<144xf32, #tpu.memory_space<vmem>>) dst(%dma_wait3A_975 : memref<144xf32, #tpu.memory_space<hbm>>)
      tpu.yield
    }) : () -> ()
    return
  }
}

#map = affine_map<(d0, d1) -> (0, 0)>
#map1 = affine_map<(d0, d1) -> (0, 0, 0)>
#map2 = affine_map<(d0, d1) -> (0)>
module attributes {stable_mosaic.version = 14 : i64} {
  func.func @seg_sum(%arg0: i32, %arg1: i32, %arg2: memref<2048x128xf32, #tpu.memory_space<hbm>>, %arg3: memref<256x128xi32, #tpu.memory_space<hbm>>, %arg4: memref<256x128xi32, #tpu.memory_space<hbm>>, %arg5: memref<2x768x128xf32, #tpu.memory_space<hbm>>, %arg6: memref<1536xf32, #tpu.memory_space<hbm>>, %arg7: memref<8x128xi32, #tpu.memory_space<vmem>>, %arg8: memref<8x128xi32, #tpu.memory_space<vmem>>, %arg9: memref<4x128x128xf32, #tpu.memory_space<vmem>>, %arg10: memref<128xf32, #tpu.memory_space<vmem>>, %arg11: memref<16x128xf32, #tpu.memory_space<vmem>>, %arg12: memref<16xf32, #tpu.memory_space<vmem>>, %arg13: memref<48xf32, #tpu.memory_space<vmem>>, %arg14: memref<768x128xf32, #tpu.memory_space<vmem_shared>>, %arg15: memref<768xf32, #tpu.memory_space<vmem_shared>>, %arg16: memref<!tpu.dma_semaphore, #tpu.memory_space<semaphore_mem>>, %arg17: memref<!tpu.dma_semaphore, #tpu.memory_space<semaphore_mem>>, %arg18: memref<!tpu.dma_semaphore, #tpu.memory_space<semaphore_mem>>, %arg19: memref<!tpu.dma_semaphore, #tpu.memory_space<semaphore_mem>>) attributes {dimension_semantics = [#tpu.dimension_semantics<core_parallel>, #tpu.dimension_semantics<subcore_parallel>], iteration_bounds = array<i64: 2, 16>, scalar_prefetch = 0 : i64, scratch_operands = 13 : i64, tpu.core_type = #tpu.core_type<sc_vector_subcore>, window_params = [{transform_indices = #map}, {transform_indices = #map}, {transform_indices = #map}, {transform_indices = #map1}, {transform_indices = #map2}]} {
    %mul3A = arith.constant 16 : i32
    %mul3A_0 = arith.muli %arg0, %mul3A : i32
    %add3A = arith.addi %mul3A_0, %arg1 : i32
    %broadcast_in_dim3A = arith.constant 0.000000e+00 : f32
    %broadcast_in_dim3A_1 = vector.broadcast %broadcast_in_dim3A : f32 to vector<16xf32>
    %swap3A = arith.constant 0 : i32
    %swap3A_2 = arith.index_cast %swap3A : i32 to index
    %swap3A_3 = arith.constant 0 : index
    %swap3A_4 = tpu.vector_load %arg11[%swap3A_2, %swap3A_3] {strides = array<i32>} : memref<16x128xf32, #tpu.memory_space<vmem>>, vector<1x16xf32>,
    %swap3A_5 = vector.shape_cast %swap3A_4 : vector<1x16xf32> to vector<16xf32>
    %swap3A_6 = vector.shape_cast %broadcast_in_dim3A_1 : vector<16xf32> to vector<1x16xf32>
    tpu.vector_store %arg11[%swap3A_2, %swap3A_3], %swap3A_6 {strides = array<i32>} : memref<16x128xf32, #tpu.memory_space<vmem>>, vector<1x16xf32>,
    %swap3A_7 = arith.constant 0 : i32
    %swap3A_8 = arith.index_cast %swap3A_7 : i32 to index
    %swap3A_9 = arith.constant 16 : index
    %swap3A_10 = tpu.vector_load %arg11[%swap3A_8, %swap3A_9] {strides = array<i32>} : memref<16x128xf32, #tpu.memory_space<vmem>>, vector<1x16xf32>,
    %swap3A_11 = vector.shape_cast %swap3A_10 : vector<1x16xf32> to vector<16xf32>
    %swap3A_12 = vector.shape_cast %broadcast_in_dim3A_1 : vector<16xf32> to vector<1x16xf32>
    tpu.vector_store %arg11[%swap3A_8, %swap3A_9], %swap3A_12 {strides = array<i32>} : memref<16x128xf32, #tpu.memory_space<vmem>>, vector<1x16xf32>,
    %swap3A_13 = arith.constant 0 : i32
    %swap3A_14 = arith.index_cast %swap3A_13 : i32 to index
    %swap3A_15 = arith.constant 32 : index
    %swap3A_16 = tpu.vector_load %arg11[%swap3A_14, %swap3A_15] {strides = array<i32>} : memref<16x128xf32, #tpu.memory_space<vmem>>, vector<1x16xf32>,
    %swap3A_17 = vector.shape_cast %swap3A_16 : vector<1x16xf32> to vector<16xf32>
    %swap3A_18 = vector.shape_cast %broadcast_in_dim3A_1 : vector<16xf32> to vector<1x16xf32>
    tpu.vector_store %arg11[%swap3A_14, %swap3A_15], %swap3A_18 {strides = array<i32>} : memref<16x128xf32, #tpu.memory_space<vmem>>, vector<1x16xf32>,
    %swap3A_19 = arith.constant 0 : i32
    %swap3A_20 = arith.index_cast %swap3A_19 : i32 to index
    %swap3A_21 = arith.constant 48 : index
    %swap3A_22 = tpu.vector_load %arg11[%swap3A_20, %swap3A_21] {strides = array<i32>} : memref<16x128xf32, #tpu.memory_space<vmem>>, vector<1x16xf32>,
    %swap3A_23 = vector.shape_cast %swap3A_22 : vector<1x16xf32> to vector<16xf32>
    %swap3A_24 = vector.shape_cast %broadcast_in_dim3A_1 : vector<16xf32> to vector<1x16xf32>
    tpu.vector_store %arg11[%swap3A_20, %swap3A_21], %swap3A_24 {strides = array<i32>} : memref<16x128xf32, #tpu.memory_space<vmem>>, vector<1x16xf32>,
    %swap3A_25 = arith.constant 0 : i32
    %swap3A_26 = arith.index_cast %swap3A_25 : i32 to index
    %swap3A_27 = arith.constant 64 : index
    %swap3A_28 = tpu.vector_load %arg11[%swap3A_26, %swap3A_27] {strides = array<i32>} : memref<16x128xf32, #tpu.memory_space<vmem>>, vector<1x16xf32>,
    %swap3A_29 = vector.shape_cast %swap3A_28 : vector<1x16xf32> to vector<16xf32>
    %swap3A_30 = vector.shape_cast %broadcast_in_dim3A_1 : vector<16xf32> to vector<1x16xf32>
    tpu.vector_store %arg11[%swap3A_26, %swap3A_27], %swap3A_30 {strides = array<i32>} : memref<16x128xf32, #tpu.memory_space<vmem>>, vector<1x16xf32>,
    %swap3A_31 = arith.constant 0 : i32
    %swap3A_32 = arith.index_cast %swap3A_31 : i32 to index
    %swap3A_33 = arith.constant 80 : index
    %swap3A_34 = tpu.vector_load %arg11[%swap3A_32, %swap3A_33] {strides = array<i32>} : memref<16x128xf32, #tpu.memory_space<vmem>>, vector<1x16xf32>,
    %swap3A_35 = vector.shape_cast %swap3A_34 : vector<1x16xf32> to vector<16xf32>
    %swap3A_36 = vector.shape_cast %broadcast_in_dim3A_1 : vector<16xf32> to vector<1x16xf32>
    tpu.vector_store %arg11[%swap3A_32, %swap3A_33], %swap3A_36 {strides = array<i32>} : memref<16x128xf32, #tpu.memory_space<vmem>>, vector<1x16xf32>,
    %swap3A_37 = arith.constant 0 : i32
    %swap3A_38 = arith.index_cast %swap3A_37 : i32 to index
    %swap3A_39 = arith.constant 96 : index
    %swap3A_40 = tpu.vector_load %arg11[%swap3A_38, %swap3A_39] {strides = array<i32>} : memref<16x128xf32, #tpu.memory_space<vmem>>, vector<1x16xf32>,
    %swap3A_41 = vector.shape_cast %swap3A_40 : vector<1x16xf32> to vector<16xf32>
    %swap3A_42 = vector.shape_cast %broadcast_in_dim3A_1 : vector<16xf32> to vector<1x16xf32>
    tpu.vector_store %arg11[%swap3A_38, %swap3A_39], %swap3A_42 {strides = array<i32>} : memref<16x128xf32, #tpu.memory_space<vmem>>, vector<1x16xf32>,
    %swap3A_43 = arith.constant 0 : i32
    %swap3A_44 = arith.index_cast %swap3A_43 : i32 to index
    %swap3A_45 = arith.constant 112 : index
    %swap3A_46 = tpu.vector_load %arg11[%swap3A_44, %swap3A_45] {strides = array<i32>} : memref<16x128xf32, #tpu.memory_space<vmem>>, vector<1x16xf32>,
    %swap3A_47 = vector.shape_cast %swap3A_46 : vector<1x16xf32> to vector<16xf32>
    %swap3A_48 = vector.shape_cast %broadcast_in_dim3A_1 : vector<16xf32> to vector<1x16xf32>
    tpu.vector_store %arg11[%swap3A_44, %swap3A_45], %swap3A_48 {strides = array<i32>} : memref<16x128xf32, #tpu.memory_space<vmem>>, vector<1x16xf32>,
    %swap3A_49 = arith.constant 1 : i32
    %swap3A_50 = arith.index_cast %swap3A_49 : i32 to index
    %swap3A_51 = arith.constant 0 : index
    %swap3A_52 = tpu.vector_load %arg11[%swap3A_50, %swap3A_51] {strides = array<i32>} : memref<16x128xf32, #tpu.memory_space<vmem>>, vector<1x16xf32>,
    %swap3A_53 = vector.shape_cast %swap3A_52 : vector<1x16xf32> to vector<16xf32>
    %swap3A_54 = vector.shape_cast %broadcast_in_dim3A_1 : vector<16xf32> to vector<1x16xf32>
    tpu.vector_store %arg11[%swap3A_50, %swap3A_51], %swap3A_54 {strides = array<i32>} : memref<16x128xf32, #tpu.memory_space<vmem>>, vector<1x16xf32>,
    %swap3A_55 = arith.constant 1 : i32
    %swap3A_56 = arith.index_cast %swap3A_55 : i32 to index
    %swap3A_57 = arith.constant 16 : index
    %swap3A_58 = tpu.vector_load %arg11[%swap3A_56, %swap3A_57] {strides = array<i32>} : memref<16x128xf32, #tpu.memory_space<vmem>>, vector<1x16xf32>,
    %swap3A_59 = vector.shape_cast %swap3A_58 : vector<1x16xf32> to vector<16xf32>
    %swap3A_60 = vector.shape_cast %broadcast_in_dim3A_1 : vector<16xf32> to vector<1x16xf32>
    tpu.vector_store %arg11[%swap3A_56, %swap3A_57], %swap3A_60 {strides = array<i32>} : memref<16x128xf32, #tpu.memory_space<vmem>>, vector<1x16xf32>,
    %swap3A_61 = arith.constant 1 : i32
    %swap3A_62 = arith.index_cast %swap3A_61 : i32 to index
    %swap3A_63 = arith.constant 32 : index
    %swap3A_64 = tpu.vector_load %arg11[%swap3A_62, %swap3A_63] {strides = array<i32>} : memref<16x128xf32, #tpu.memory_space<vmem>>, vector<1x16xf32>,
    %swap3A_65 = vector.shape_cast %swap3A_64 : vector<1x16xf32> to vector<16xf32>
    %swap3A_66 = vector.shape_cast %broadcast_in_dim3A_1 : vector<16xf32> to vector<1x16xf32>
    tpu.vector_store %arg11[%swap3A_62, %swap3A_63], %swap3A_66 {strides = array<i32>} : memref<16x128xf32, #tpu.memory_space<vmem>>, vector<1x16xf32>,
    %swap3A_67 = arith.constant 1 : i32
    %swap3A_68 = arith.index_cast %swap3A_67 : i32 to index
    %swap3A_69 = arith.constant 48 : index
    %swap3A_70 = tpu.vector_load %arg11[%swap3A_68, %swap3A_69] {strides = array<i32>} : memref<16x128xf32, #tpu.memory_space<vmem>>, vector<1x16xf32>,
    %swap3A_71 = vector.shape_cast %swap3A_70 : vector<1x16xf32> to vector<16xf32>
    %swap3A_72 = vector.shape_cast %broadcast_in_dim3A_1 : vector<16xf32> to vector<1x16xf32>
    tpu.vector_store %arg11[%swap3A_68, %swap3A_69], %swap3A_72 {strides = array<i32>} : memref<16x128xf32, #tpu.memory_space<vmem>>, vector<1x16xf32>,
    %swap3A_73 = arith.constant 1 : i32
    %swap3A_74 = arith.index_cast %swap3A_73 : i32 to index
    %swap3A_75 = arith.constant 64 : index
    %swap3A_76 = tpu.vector_load %arg11[%swap3A_74, %swap3A_75] {strides = array<i32>} : memref<16x128xf32, #tpu.memory_space<vmem>>, vector<1x16xf32>,
    %swap3A_77 = vector.shape_cast %swap3A_76 : vector<1x16xf32> to vector<16xf32>
    %swap3A_78 = vector.shape_cast %broadcast_in_dim3A_1 : vector<16xf32> to vector<1x16xf32>
    tpu.vector_store %arg11[%swap3A_74, %swap3A_75], %swap3A_78 {strides = array<i32>} : memref<16x128xf32, #tpu.memory_space<vmem>>, vector<1x16xf32>,
    %swap3A_79 = arith.constant 1 : i32
    %swap3A_80 = arith.index_cast %swap3A_79 : i32 to index
    %swap3A_81 = arith.constant 80 : index
    %swap3A_82 = tpu.vector_load %arg11[%swap3A_80, %swap3A_81] {strides = array<i32>} : memref<16x128xf32, #tpu.memory_space<vmem>>, vector<1x16xf32>,
    %swap3A_83 = vector.shape_cast %swap3A_82 : vector<1x16xf32> to vector<16xf32>
    %swap3A_84 = vector.shape_cast %broadcast_in_dim3A_1 : vector<16xf32> to vector<1x16xf32>
    tpu.vector_store %arg11[%swap3A_80, %swap3A_81], %swap3A_84 {strides = array<i32>} : memref<16x128xf32, #tpu.memory_space<vmem>>, vector<1x16xf32>,
    %swap3A_85 = arith.constant 1 : i32
    %swap3A_86 = arith.index_cast %swap3A_85 : i32 to index
    %swap3A_87 = arith.constant 96 : index
    %swap3A_88 = tpu.vector_load %arg11[%swap3A_86, %swap3A_87] {strides = array<i32>} : memref<16x128xf32, #tpu.memory_space<vmem>>, vector<1x16xf32>,
    %swap3A_89 = vector.shape_cast %swap3A_88 : vector<1x16xf32> to vector<16xf32>
    %swap3A_90 = vector.shape_cast %broadcast_in_dim3A_1 : vector<16xf32> to vector<1x16xf32>
    tpu.vector_store %arg11[%swap3A_86, %swap3A_87], %swap3A_90 {strides = array<i32>} : memref<16x128xf32, #tpu.memory_space<vmem>>, vector<1x16xf32>,
    %swap3A_91 = arith.constant 1 : i32
    %swap3A_92 = arith.index_cast %swap3A_91 : i32 to index
    %swap3A_93 = arith.constant 112 : index
    %swap3A_94 = tpu.vector_load %arg11[%swap3A_92, %swap3A_93] {strides = array<i32>} : memref<16x128xf32, #tpu.memory_space<vmem>>, vector<1x16xf32>,
    %swap3A_95 = vector.shape_cast %swap3A_94 : vector<1x16xf32> to vector<16xf32>
    %swap3A_96 = vector.shape_cast %broadcast_in_dim3A_1 : vector<16xf32> to vector<1x16xf32>
    tpu.vector_store %arg11[%swap3A_92, %swap3A_93], %swap3A_96 {strides = array<i32>} : memref<16x128xf32, #tpu.memory_space<vmem>>, vector<1x16xf32>,
    %swap3A_97 = arith.constant 2 : i32
    %swap3A_98 = arith.index_cast %swap3A_97 : i32 to index
    %swap3A_99 = arith.constant 0 : index
    %swap3A_100 = tpu.vector_load %arg11[%swap3A_98, %swap3A_99] {strides = array<i32>} : memref<16x128xf32, #tpu.memory_space<vmem>>, vector<1x16xf32>,
    %swap3A_101 = vector.shape_cast %swap3A_100 : vector<1x16xf32> to vector<16xf32>
    %swap3A_102 = vector.shape_cast %broadcast_in_dim3A_1 : vector<16xf32> to vector<1x16xf32>
    tpu.vector_store %arg11[%swap3A_98, %swap3A_99], %swap3A_102 {strides = array<i32>} : memref<16x128xf32, #tpu.memory_space<vmem>>, vector<1x16xf32>,
    %swap3A_103 = arith.constant 2 : i32
    %swap3A_104 = arith.index_cast %swap3A_103 : i32 to index
    %swap3A_105 = arith.constant 16 : index
    %swap3A_106 = tpu.vector_load %arg11[%swap3A_104, %swap3A_105] {strides = array<i32>} : memref<16x128xf32, #tpu.memory_space<vmem>>, vector<1x16xf32>,
    %swap3A_107 = vector.shape_cast %swap3A_106 : vector<1x16xf32> to vector<16xf32>
    %swap3A_108 = vector.shape_cast %broadcast_in_dim3A_1 : vector<16xf32> to vector<1x16xf32>
    tpu.vector_store %arg11[%swap3A_104, %swap3A_105], %swap3A_108 {strides = array<i32>} : memref<16x128xf32, #tpu.memory_space<vmem>>, vector<1x16xf32>,
    %swap3A_109 = arith.constant 2 : i32
    %swap3A_110 = arith.index_cast %swap3A_109 : i32 to index
    %swap3A_111 = arith.constant 32 : index
    %swap3A_112 = tpu.vector_load %arg11[%swap3A_110, %swap3A_111] {strides = array<i32>} : memref<16x128xf32, #tpu.memory_space<vmem>>, vector<1x16xf32>,
    %swap3A_113 = vector.shape_cast %swap3A_112 : vector<1x16xf32> to vector<16xf32>
    %swap3A_114 = vector.shape_cast %broadcast_in_dim3A_1 : vector<16xf32> to vector<1x16xf32>
    tpu.vector_store %arg11[%swap3A_110, %swap3A_111], %swap3A_114 {strides = array<i32>} : memref<16x128xf32, #tpu.memory_space<vmem>>, vector<1x16xf32>,
    %swap3A_115 = arith.constant 2 : i32
    %swap3A_116 = arith.index_cast %swap3A_115 : i32 to index
    %swap3A_117 = arith.constant 48 : index
    %swap3A_118 = tpu.vector_load %arg11[%swap3A_116, %swap3A_117] {strides = array<i32>} : memref<16x128xf32, #tpu.memory_space<vmem>>, vector<1x16xf32>,
    %swap3A_119 = vector.shape_cast %swap3A_118 : vector<1x16xf32> to vector<16xf32>
    %swap3A_120 = vector.shape_cast %broadcast_in_dim3A_1 : vector<16xf32> to vector<1x16xf32>
    tpu.vector_store %arg11[%swap3A_116, %swap3A_117], %swap3A_120 {strides = array<i32>} : memref<16x128xf32, #tpu.memory_space<vmem>>, vector<1x16xf32>,
    %swap3A_121 = arith.constant 2 : i32
    %swap3A_122 = arith.index_cast %swap3A_121 : i32 to index
    %swap3A_123 = arith.constant 64 : index
    %swap3A_124 = tpu.vector_load %arg11[%swap3A_122, %swap3A_123] {strides = array<i32>} : memref<16x128xf32, #tpu.memory_space<vmem>>, vector<1x16xf32>,
    %swap3A_125 = vector.shape_cast %swap3A_124 : vector<1x16xf32> to vector<16xf32>
    %swap3A_126 = vector.shape_cast %broadcast_in_dim3A_1 : vector<16xf32> to vector<1x16xf32>
    tpu.vector_store %arg11[%swap3A_122, %swap3A_123], %swap3A_126 {strides = array<i32>} : memref<16x128xf32, #tpu.memory_space<vmem>>, vector<1x16xf32>,
    %swap3A_127 = arith.constant 2 : i32
    %swap3A_128 = arith.index_cast %swap3A_127 : i32 to index
    %swap3A_129 = arith.constant 80 : index
    %swap3A_130 = tpu.vector_load %arg11[%swap3A_128, %swap3A_129] {strides = array<i32>} : memref<16x128xf32, #tpu.memory_space<vmem>>, vector<1x16xf32>,
    %swap3A_131 = vector.shape_cast %swap3A_130 : vector<1x16xf32> to vector<16xf32>
    %swap3A_132 = vector.shape_cast %broadcast_in_dim3A_1 : vector<16xf32> to vector<1x16xf32>
    tpu.vector_store %arg11[%swap3A_128, %swap3A_129], %swap3A_132 {strides = array<i32>} : memref<16x128xf32, #tpu.memory_space<vmem>>, vector<1x16xf32>,
    %swap3A_133 = arith.constant 2 : i32
    %swap3A_134 = arith.index_cast %swap3A_133 : i32 to index
    %swap3A_135 = arith.constant 96 : index
    %swap3A_136 = tpu.vector_load %arg11[%swap3A_134, %swap3A_135] {strides = array<i32>} : memref<16x128xf32, #tpu.memory_space<vmem>>, vector<1x16xf32>,
    %swap3A_137 = vector.shape_cast %swap3A_136 : vector<1x16xf32> to vector<16xf32>
    %swap3A_138 = vector.shape_cast %broadcast_in_dim3A_1 : vector<16xf32> to vector<1x16xf32>
    tpu.vector_store %arg11[%swap3A_134, %swap3A_135], %swap3A_138 {strides = array<i32>} : memref<16x128xf32, #tpu.memory_space<vmem>>, vector<1x16xf32>,
    %swap3A_139 = arith.constant 2 : i32
    %swap3A_140 = arith.index_cast %swap3A_139 : i32 to index
    %swap3A_141 = arith.constant 112 : index
    %swap3A_142 = tpu.vector_load %arg11[%swap3A_140, %swap3A_141] {strides = array<i32>} : memref<16x128xf32, #tpu.memory_space<vmem>>, vector<1x16xf32>,
    %swap3A_143 = vector.shape_cast %swap3A_142 : vector<1x16xf32> to vector<16xf32>
    %swap3A_144 = vector.shape_cast %broadcast_in_dim3A_1 : vector<16xf32> to vector<1x16xf32>
    tpu.vector_store %arg11[%swap3A_140, %swap3A_141], %swap3A_144 {strides = array<i32>} : memref<16x128xf32, #tpu.memory_space<vmem>>, vector<1x16xf32>,
    %swap3A_145 = arith.constant 3 : i32
    %swap3A_146 = arith.index_cast %swap3A_145 : i32 to index
    %swap3A_147 = arith.constant 0 : index
    %swap3A_148 = tpu.vector_load %arg11[%swap3A_146, %swap3A_147] {strides = array<i32>} : memref<16x128xf32, #tpu.memory_space<vmem>>, vector<1x16xf32>,
    %swap3A_149 = vector.shape_cast %swap3A_148 : vector<1x16xf32> to vector<16xf32>
    %swap3A_150 = vector.shape_cast %broadcast_in_dim3A_1 : vector<16xf32> to vector<1x16xf32>
    tpu.vector_store %arg11[%swap3A_146, %swap3A_147], %swap3A_150 {strides = array<i32>} : memref<16x128xf32, #tpu.memory_space<vmem>>, vector<1x16xf32>,
    %swap3A_151 = arith.constant 3 : i32
    %swap3A_152 = arith.index_cast %swap3A_151 : i32 to index
    %swap3A_153 = arith.constant 16 : index
    %swap3A_154 = tpu.vector_load %arg11[%swap3A_152, %swap3A_153] {strides = array<i32>} : memref<16x128xf32, #tpu.memory_space<vmem>>, vector<1x16xf32>,
    %swap3A_155 = vector.shape_cast %swap3A_154 : vector<1x16xf32> to vector<16xf32>
    %swap3A_156 = vector.shape_cast %broadcast_in_dim3A_1 : vector<16xf32> to vector<1x16xf32>
    tpu.vector_store %arg11[%swap3A_152, %swap3A_153], %swap3A_156 {strides = array<i32>} : memref<16x128xf32, #tpu.memory_space<vmem>>, vector<1x16xf32>,
    %swap3A_157 = arith.constant 3 : i32
    %swap3A_158 = arith.index_cast %swap3A_157 : i32 to index
    %swap3A_159 = arith.constant 32 : index
    %swap3A_160 = tpu.vector_load %arg11[%swap3A_158, %swap3A_159] {strides = array<i32>} : memref<16x128xf32, #tpu.memory_space<vmem>>, vector<1x16xf32>,
    %swap3A_161 = vector.shape_cast %swap3A_160 : vector<1x16xf32> to vector<16xf32>
    %swap3A_162 = vector.shape_cast %broadcast_in_dim3A_1 : vector<16xf32> to vector<1x16xf32>
    tpu.vector_store %arg11[%swap3A_158, %swap3A_159], %swap3A_162 {strides = array<i32>} : memref<16x128xf32, #tpu.memory_space<vmem>>, vector<1x16xf32>,
    %swap3A_163 = arith.constant 3 : i32
    %swap3A_164 = arith.index_cast %swap3A_163 : i32 to index
    %swap3A_165 = arith.constant 48 : index
    %swap3A_166 = tpu.vector_load %arg11[%swap3A_164, %swap3A_165] {strides = array<i32>} : memref<16x128xf32, #tpu.memory_space<vmem>>, vector<1x16xf32>,
    %swap3A_167 = vector.shape_cast %swap3A_166 : vector<1x16xf32> to vector<16xf32>
    %swap3A_168 = vector.shape_cast %broadcast_in_dim3A_1 : vector<16xf32> to vector<1x16xf32>
    tpu.vector_store %arg11[%swap3A_164, %swap3A_165], %swap3A_168 {strides = array<i32>} : memref<16x128xf32, #tpu.memory_space<vmem>>, vector<1x16xf32>,
    %swap3A_169 = arith.constant 3 : i32
    %swap3A_170 = arith.index_cast %swap3A_169 : i32 to index
    %swap3A_171 = arith.constant 64 : index
    %swap3A_172 = tpu.vector_load %arg11[%swap3A_170, %swap3A_171] {strides = array<i32>} : memref<16x128xf32, #tpu.memory_space<vmem>>, vector<1x16xf32>,
    %swap3A_173 = vector.shape_cast %swap3A_172 : vector<1x16xf32> to vector<16xf32>
    %swap3A_174 = vector.shape_cast %broadcast_in_dim3A_1 : vector<16xf32> to vector<1x16xf32>
    tpu.vector_store %arg11[%swap3A_170, %swap3A_171], %swap3A_174 {strides = array<i32>} : memref<16x128xf32, #tpu.memory_space<vmem>>, vector<1x16xf32>,
    %swap3A_175 = arith.constant 3 : i32
    %swap3A_176 = arith.index_cast %swap3A_175 : i32 to index
    %swap3A_177 = arith.constant 80 : index
    %swap3A_178 = tpu.vector_load %arg11[%swap3A_176, %swap3A_177] {strides = array<i32>} : memref<16x128xf32, #tpu.memory_space<vmem>>, vector<1x16xf32>,
    %swap3A_179 = vector.shape_cast %swap3A_178 : vector<1x16xf32> to vector<16xf32>
    %swap3A_180 = vector.shape_cast %broadcast_in_dim3A_1 : vector<16xf32> to vector<1x16xf32>
    tpu.vector_store %arg11[%swap3A_176, %swap3A_177], %swap3A_180 {strides = array<i32>} : memref<16x128xf32, #tpu.memory_space<vmem>>, vector<1x16xf32>,
    %swap3A_181 = arith.constant 3 : i32
    %swap3A_182 = arith.index_cast %swap3A_181 : i32 to index
    %swap3A_183 = arith.constant 96 : index
    %swap3A_184 = tpu.vector_load %arg11[%swap3A_182, %swap3A_183] {strides = array<i32>} : memref<16x128xf32, #tpu.memory_space<vmem>>, vector<1x16xf32>,
    %swap3A_185 = vector.shape_cast %swap3A_184 : vector<1x16xf32> to vector<16xf32>
    %swap3A_186 = vector.shape_cast %broadcast_in_dim3A_1 : vector<16xf32> to vector<1x16xf32>
    tpu.vector_store %arg11[%swap3A_182, %swap3A_183], %swap3A_186 {strides = array<i32>} : memref<16x128xf32, #tpu.memory_space<vmem>>, vector<1x16xf32>,
    %swap3A_187 = arith.constant 3 : i32
    %swap3A_188 = arith.index_cast %swap3A_187 : i32 to index
    %swap3A_189 = arith.constant 112 : index
    %swap3A_190 = tpu.vector_load %arg11[%swap3A_188, %swap3A_189] {strides = array<i32>} : memref<16x128xf32, #tpu.memory_space<vmem>>, vector<1x16xf32>,
    %swap3A_191 = vector.shape_cast %swap3A_190 : vector<1x16xf32> to vector<16xf32>
    %swap3A_192 = vector.shape_cast %broadcast_in_dim3A_1 : vector<16xf32> to vector<1x16xf32>
    tpu.vector_store %arg11[%swap3A_188, %swap3A_189], %swap3A_192 {strides = array<i32>} : memref<16x128xf32, #tpu.memory_space<vmem>>, vector<1x16xf32>,
    %swap3A_193 = arith.constant 4 : i32
    %swap3A_194 = arith.index_cast %swap3A_193 : i32 to index
    %swap3A_195 = arith.constant 0 : index
    %swap3A_196 = tpu.vector_load %arg11[%swap3A_194, %swap3A_195] {strides = array<i32>} : memref<16x128xf32, #tpu.memory_space<vmem>>, vector<1x16xf32>,
    %swap3A_197 = vector.shape_cast %swap3A_196 : vector<1x16xf32> to vector<16xf32>
    %swap3A_198 = vector.shape_cast %broadcast_in_dim3A_1 : vector<16xf32> to vector<1x16xf32>
    tpu.vector_store %arg11[%swap3A_194, %swap3A_195], %swap3A_198 {strides = array<i32>} : memref<16x128xf32, #tpu.memory_space<vmem>>, vector<1x16xf32>,
    %swap3A_199 = arith.constant 4 : i32
    %swap3A_200 = arith.index_cast %swap3A_199 : i32 to index
    %swap3A_201 = arith.constant 16 : index
    %swap3A_202 = tpu.vector_load %arg11[%swap3A_200, %swap3A_201] {strides = array<i32>} : memref<16x128xf32, #tpu.memory_space<vmem>>, vector<1x16xf32>,
    %swap3A_203 = vector.shape_cast %swap3A_202 : vector<1x16xf32> to vector<16xf32>
    %swap3A_204 = vector.shape_cast %broadcast_in_dim3A_1 : vector<16xf32> to vector<1x16xf32>
    tpu.vector_store %arg11[%swap3A_200, %swap3A_201], %swap3A_204 {strides = array<i32>} : memref<16x128xf32, #tpu.memory_space<vmem>>, vector<1x16xf32>,
    %swap3A_205 = arith.constant 4 : i32
    %swap3A_206 = arith.index_cast %swap3A_205 : i32 to index
    %swap3A_207 = arith.constant 32 : index
    %swap3A_208 = tpu.vector_load %arg11[%swap3A_206, %swap3A_207] {strides = array<i32>} : memref<16x128xf32, #tpu.memory_space<vmem>>, vector<1x16xf32>,
    %swap3A_209 = vector.shape_cast %swap3A_208 : vector<1x16xf32> to vector<16xf32>
    %swap3A_210 = vector.shape_cast %broadcast_in_dim3A_1 : vector<16xf32> to vector<1x16xf32>
    tpu.vector_store %arg11[%swap3A_206, %swap3A_207], %swap3A_210 {strides = array<i32>} : memref<16x128xf32, #tpu.memory_space<vmem>>, vector<1x16xf32>,
    %swap3A_211 = arith.constant 4 : i32
    %swap3A_212 = arith.index_cast %swap3A_211 : i32 to index
    %swap3A_213 = arith.constant 48 : index
    %swap3A_214 = tpu.vector_load %arg11[%swap3A_212, %swap3A_213] {strides = array<i32>} : memref<16x128xf32, #tpu.memory_space<vmem>>, vector<1x16xf32>,
    %swap3A_215 = vector.shape_cast %swap3A_214 : vector<1x16xf32> to vector<16xf32>
    %swap3A_216 = vector.shape_cast %broadcast_in_dim3A_1 : vector<16xf32> to vector<1x16xf32>
    tpu.vector_store %arg11[%swap3A_212, %swap3A_213], %swap3A_216 {strides = array<i32>} : memref<16x128xf32, #tpu.memory_space<vmem>>, vector<1x16xf32>,
    %swap3A_217 = arith.constant 4 : i32
    %swap3A_218 = arith.index_cast %swap3A_217 : i32 to index
    %swap3A_219 = arith.constant 64 : index
    %swap3A_220 = tpu.vector_load %arg11[%swap3A_218, %swap3A_219] {strides = array<i32>} : memref<16x128xf32, #tpu.memory_space<vmem>>, vector<1x16xf32>,
    %swap3A_221 = vector.shape_cast %swap3A_220 : vector<1x16xf32> to vector<16xf32>
    %swap3A_222 = vector.shape_cast %broadcast_in_dim3A_1 : vector<16xf32> to vector<1x16xf32>
    tpu.vector_store %arg11[%swap3A_218, %swap3A_219], %swap3A_222 {strides = array<i32>} : memref<16x128xf32, #tpu.memory_space<vmem>>, vector<1x16xf32>,
    %swap3A_223 = arith.constant 4 : i32
    %swap3A_224 = arith.index_cast %swap3A_223 : i32 to index
    %swap3A_225 = arith.constant 80 : index
    %swap3A_226 = tpu.vector_load %arg11[%swap3A_224, %swap3A_225] {strides = array<i32>} : memref<16x128xf32, #tpu.memory_space<vmem>>, vector<1x16xf32>,
    %swap3A_227 = vector.shape_cast %swap3A_226 : vector<1x16xf32> to vector<16xf32>
    %swap3A_228 = vector.shape_cast %broadcast_in_dim3A_1 : vector<16xf32> to vector<1x16xf32>
    tpu.vector_store %arg11[%swap3A_224, %swap3A_225], %swap3A_228 {strides = array<i32>} : memref<16x128xf32, #tpu.memory_space<vmem>>, vector<1x16xf32>,
    %swap3A_229 = arith.constant 4 : i32
    %swap3A_230 = arith.index_cast %swap3A_229 : i32 to index
    %swap3A_231 = arith.constant 96 : index
    %swap3A_232 = tpu.vector_load %arg11[%swap3A_230, %swap3A_231] {strides = array<i32>} : memref<16x128xf32, #tpu.memory_space<vmem>>, vector<1x16xf32>,
    %swap3A_233 = vector.shape_cast %swap3A_232 : vector<1x16xf32> to vector<16xf32>
    %swap3A_234 = vector.shape_cast %broadcast_in_dim3A_1 : vector<16xf32> to vector<1x16xf32>
    tpu.vector_store %arg11[%swap3A_230, %swap3A_231], %swap3A_234 {strides = array<i32>} : memref<16x128xf32, #tpu.memory_space<vmem>>, vector<1x16xf32>,
    %swap3A_235 = arith.constant 4 : i32
    %swap3A_236 = arith.index_cast %swap3A_235 : i32 to index
    %swap3A_237 = arith.constant 112 : index
    %swap3A_238 = tpu.vector_load %arg11[%swap3A_236, %swap3A_237] {strides = array<i32>} : memref<16x128xf32, #tpu.memory_space<vmem>>, vector<1x16xf32>,
    %swap3A_239 = vector.shape_cast %swap3A_238 : vector<1x16xf32> to vector<16xf32>
    %swap3A_240 = vector.shape_cast %broadcast_in_dim3A_1 : vector<16xf32> to vector<1x16xf32>
    tpu.vector_store %arg11[%swap3A_236, %swap3A_237], %swap3A_240 {strides = array<i32>} : memref<16x128xf32, #tpu.memory_space<vmem>>, vector<1x16xf32>,
    %swap3A_241 = arith.constant 5 : i32
    %swap3A_242 = arith.index_cast %swap3A_241 : i32 to index
    %swap3A_243 = arith.constant 0 : index
    %swap3A_244 = tpu.vector_load %arg11[%swap3A_242, %swap3A_243] {strides = array<i32>} : memref<16x128xf32, #tpu.memory_space<vmem>>, vector<1x16xf32>,
    %swap3A_245 = vector.shape_cast %swap3A_244 : vector<1x16xf32> to vector<16xf32>
    %swap3A_246 = vector.shape_cast %broadcast_in_dim3A_1 : vector<16xf32> to vector<1x16xf32>
    tpu.vector_store %arg11[%swap3A_242, %swap3A_243], %swap3A_246 {strides = array<i32>} : memref<16x128xf32, #tpu.memory_space<vmem>>, vector<1x16xf32>,
    %swap3A_247 = arith.constant 5 : i32
    %swap3A_248 = arith.index_cast %swap3A_247 : i32 to index
    %swap3A_249 = arith.constant 16 : index
    %swap3A_250 = tpu.vector_load %arg11[%swap3A_248, %swap3A_249] {strides = array<i32>} : memref<16x128xf32, #tpu.memory_space<vmem>>, vector<1x16xf32>,
    %swap3A_251 = vector.shape_cast %swap3A_250 : vector<1x16xf32> to vector<16xf32>
    %swap3A_252 = vector.shape_cast %broadcast_in_dim3A_1 : vector<16xf32> to vector<1x16xf32>
    tpu.vector_store %arg11[%swap3A_248, %swap3A_249], %swap3A_252 {strides = array<i32>} : memref<16x128xf32, #tpu.memory_space<vmem>>, vector<1x16xf32>,
    %swap3A_253 = arith.constant 5 : i32
    %swap3A_254 = arith.index_cast %swap3A_253 : i32 to index
    %swap3A_255 = arith.constant 32 : index
    %swap3A_256 = tpu.vector_load %arg11[%swap3A_254, %swap3A_255] {strides = array<i32>} : memref<16x128xf32, #tpu.memory_space<vmem>>, vector<1x16xf32>,
    %swap3A_257 = vector.shape_cast %swap3A_256 : vector<1x16xf32> to vector<16xf32>
    %swap3A_258 = vector.shape_cast %broadcast_in_dim3A_1 : vector<16xf32> to vector<1x16xf32>
    tpu.vector_store %arg11[%swap3A_254, %swap3A_255], %swap3A_258 {strides = array<i32>} : memref<16x128xf32, #tpu.memory_space<vmem>>, vector<1x16xf32>,
    %swap3A_259 = arith.constant 5 : i32
    %swap3A_260 = arith.index_cast %swap3A_259 : i32 to index
    %swap3A_261 = arith.constant 48 : index
    %swap3A_262 = tpu.vector_load %arg11[%swap3A_260, %swap3A_261] {strides = array<i32>} : memref<16x128xf32, #tpu.memory_space<vmem>>, vector<1x16xf32>,
    %swap3A_263 = vector.shape_cast %swap3A_262 : vector<1x16xf32> to vector<16xf32>
    %swap3A_264 = vector.shape_cast %broadcast_in_dim3A_1 : vector<16xf32> to vector<1x16xf32>
    tpu.vector_store %arg11[%swap3A_260, %swap3A_261], %swap3A_264 {strides = array<i32>} : memref<16x128xf32, #tpu.memory_space<vmem>>, vector<1x16xf32>,
    %swap3A_265 = arith.constant 5 : i32
    %swap3A_266 = arith.index_cast %swap3A_265 : i32 to index
    %swap3A_267 = arith.constant 64 : index
    %swap3A_268 = tpu.vector_load %arg11[%swap3A_266, %swap3A_267] {strides = array<i32>} : memref<16x128xf32, #tpu.memory_space<vmem>>, vector<1x16xf32>,
    %swap3A_269 = vector.shape_cast %swap3A_268 : vector<1x16xf32> to vector<16xf32>
    %swap3A_270 = vector.shape_cast %broadcast_in_dim3A_1 : vector<16xf32> to vector<1x16xf32>
    tpu.vector_store %arg11[%swap3A_266, %swap3A_267], %swap3A_270 {strides = array<i32>} : memref<16x128xf32, #tpu.memory_space<vmem>>, vector<1x16xf32>,
    %swap3A_271 = arith.constant 5 : i32
    %swap3A_272 = arith.index_cast %swap3A_271 : i32 to index
    %swap3A_273 = arith.constant 80 : index
    %swap3A_274 = tpu.vector_load %arg11[%swap3A_272, %swap3A_273] {strides = array<i32>} : memref<16x128xf32, #tpu.memory_space<vmem>>, vector<1x16xf32>,
    %swap3A_275 = vector.shape_cast %swap3A_274 : vector<1x16xf32> to vector<16xf32>
    %swap3A_276 = vector.shape_cast %broadcast_in_dim3A_1 : vector<16xf32> to vector<1x16xf32>
    tpu.vector_store %arg11[%swap3A_272, %swap3A_273], %swap3A_276 {strides = array<i32>} : memref<16x128xf32, #tpu.memory_space<vmem>>, vector<1x16xf32>,
    %swap3A_277 = arith.constant 5 : i32
    %swap3A_278 = arith.index_cast %swap3A_277 : i32 to index
    %swap3A_279 = arith.constant 96 : index
    %swap3A_280 = tpu.vector_load %arg11[%swap3A_278, %swap3A_279] {strides = array<i32>} : memref<16x128xf32, #tpu.memory_space<vmem>>, vector<1x16xf32>,
    %swap3A_281 = vector.shape_cast %swap3A_280 : vector<1x16xf32> to vector<16xf32>
    %swap3A_282 = vector.shape_cast %broadcast_in_dim3A_1 : vector<16xf32> to vector<1x16xf32>
    tpu.vector_store %arg11[%swap3A_278, %swap3A_279], %swap3A_282 {strides = array<i32>} : memref<16x128xf32, #tpu.memory_space<vmem>>, vector<1x16xf32>,
    %swap3A_283 = arith.constant 5 : i32
    %swap3A_284 = arith.index_cast %swap3A_283 : i32 to index
    %swap3A_285 = arith.constant 112 : index
    %swap3A_286 = tpu.vector_load %arg11[%swap3A_284, %swap3A_285] {strides = array<i32>} : memref<16x128xf32, #tpu.memory_space<vmem>>, vector<1x16xf32>,
    %swap3A_287 = vector.shape_cast %swap3A_286 : vector<1x16xf32> to vector<16xf32>
    %swap3A_288 = vector.shape_cast %broadcast_in_dim3A_1 : vector<16xf32> to vector<1x16xf32>
    tpu.vector_store %arg11[%swap3A_284, %swap3A_285], %swap3A_288 {strides = array<i32>} : memref<16x128xf32, #tpu.memory_space<vmem>>, vector<1x16xf32>,
    %swap3A_289 = arith.constant 6 : i32
    %swap3A_290 = arith.index_cast %swap3A_289 : i32 to index
    %swap3A_291 = arith.constant 0 : index
    %swap3A_292 = tpu.vector_load %arg11[%swap3A_290, %swap3A_291] {strides = array<i32>} : memref<16x128xf32, #tpu.memory_space<vmem>>, vector<1x16xf32>,
    %swap3A_293 = vector.shape_cast %swap3A_292 : vector<1x16xf32> to vector<16xf32>
    %swap3A_294 = vector.shape_cast %broadcast_in_dim3A_1 : vector<16xf32> to vector<1x16xf32>
    tpu.vector_store %arg11[%swap3A_290, %swap3A_291], %swap3A_294 {strides = array<i32>} : memref<16x128xf32, #tpu.memory_space<vmem>>, vector<1x16xf32>,
    %swap3A_295 = arith.constant 6 : i32
    %swap3A_296 = arith.index_cast %swap3A_295 : i32 to index
    %swap3A_297 = arith.constant 16 : index
    %swap3A_298 = tpu.vector_load %arg11[%swap3A_296, %swap3A_297] {strides = array<i32>} : memref<16x128xf32, #tpu.memory_space<vmem>>, vector<1x16xf32>,
    %swap3A_299 = vector.shape_cast %swap3A_298 : vector<1x16xf32> to vector<16xf32>
    %swap3A_300 = vector.shape_cast %broadcast_in_dim3A_1 : vector<16xf32> to vector<1x16xf32>
    tpu.vector_store %arg11[%swap3A_296, %swap3A_297], %swap3A_300 {strides = array<i32>} : memref<16x128xf32, #tpu.memory_space<vmem>>, vector<1x16xf32>,
    %swap3A_301 = arith.constant 6 : i32
    %swap3A_302 = arith.index_cast %swap3A_301 : i32 to index
    %swap3A_303 = arith.constant 32 : index
    %swap3A_304 = tpu.vector_load %arg11[%swap3A_302, %swap3A_303] {strides = array<i32>} : memref<16x128xf32, #tpu.memory_space<vmem>>, vector<1x16xf32>,
    %swap3A_305 = vector.shape_cast %swap3A_304 : vector<1x16xf32> to vector<16xf32>
    %swap3A_306 = vector.shape_cast %broadcast_in_dim3A_1 : vector<16xf32> to vector<1x16xf32>
    tpu.vector_store %arg11[%swap3A_302, %swap3A_303], %swap3A_306 {strides = array<i32>} : memref<16x128xf32, #tpu.memory_space<vmem>>, vector<1x16xf32>,
    %swap3A_307 = arith.constant 6 : i32
    %swap3A_308 = arith.index_cast %swap3A_307 : i32 to index
    %swap3A_309 = arith.constant 48 : index
    %swap3A_310 = tpu.vector_load %arg11[%swap3A_308, %swap3A_309] {strides = array<i32>} : memref<16x128xf32, #tpu.memory_space<vmem>>, vector<1x16xf32>,
    %swap3A_311 = vector.shape_cast %swap3A_310 : vector<1x16xf32> to vector<16xf32>
    %swap3A_312 = vector.shape_cast %broadcast_in_dim3A_1 : vector<16xf32> to vector<1x16xf32>
    tpu.vector_store %arg11[%swap3A_308, %swap3A_309], %swap3A_312 {strides = array<i32>} : memref<16x128xf32, #tpu.memory_space<vmem>>, vector<1x16xf32>,
    %swap3A_313 = arith.constant 6 : i32
    %swap3A_314 = arith.index_cast %swap3A_313 : i32 to index
    %swap3A_315 = arith.constant 64 : index
    %swap3A_316 = tpu.vector_load %arg11[%swap3A_314, %swap3A_315] {strides = array<i32>} : memref<16x128xf32, #tpu.memory_space<vmem>>, vector<1x16xf32>,
    %swap3A_317 = vector.shape_cast %swap3A_316 : vector<1x16xf32> to vector<16xf32>
    %swap3A_318 = vector.shape_cast %broadcast_in_dim3A_1 : vector<16xf32> to vector<1x16xf32>
    tpu.vector_store %arg11[%swap3A_314, %swap3A_315], %swap3A_318 {strides = array<i32>} : memref<16x128xf32, #tpu.memory_space<vmem>>, vector<1x16xf32>,
    %swap3A_319 = arith.constant 6 : i32
    %swap3A_320 = arith.index_cast %swap3A_319 : i32 to index
    %swap3A_321 = arith.constant 80 : index
    %swap3A_322 = tpu.vector_load %arg11[%swap3A_320, %swap3A_321] {strides = array<i32>} : memref<16x128xf32, #tpu.memory_space<vmem>>, vector<1x16xf32>,
    %swap3A_323 = vector.shape_cast %swap3A_322 : vector<1x16xf32> to vector<16xf32>
    %swap3A_324 = vector.shape_cast %broadcast_in_dim3A_1 : vector<16xf32> to vector<1x16xf32>
    tpu.vector_store %arg11[%swap3A_320, %swap3A_321], %swap3A_324 {strides = array<i32>} : memref<16x128xf32, #tpu.memory_space<vmem>>, vector<1x16xf32>,
    %swap3A_325 = arith.constant 6 : i32
    %swap3A_326 = arith.index_cast %swap3A_325 : i32 to index
    %swap3A_327 = arith.constant 96 : index
    %swap3A_328 = tpu.vector_load %arg11[%swap3A_326, %swap3A_327] {strides = array<i32>} : memref<16x128xf32, #tpu.memory_space<vmem>>, vector<1x16xf32>,
    %swap3A_329 = vector.shape_cast %swap3A_328 : vector<1x16xf32> to vector<16xf32>
    %swap3A_330 = vector.shape_cast %broadcast_in_dim3A_1 : vector<16xf32> to vector<1x16xf32>
    tpu.vector_store %arg11[%swap3A_326, %swap3A_327], %swap3A_330 {strides = array<i32>} : memref<16x128xf32, #tpu.memory_space<vmem>>, vector<1x16xf32>,
    %swap3A_331 = arith.constant 6 : i32
    %swap3A_332 = arith.index_cast %swap3A_331 : i32 to index
    %swap3A_333 = arith.constant 112 : index
    %swap3A_334 = tpu.vector_load %arg11[%swap3A_332, %swap3A_333] {strides = array<i32>} : memref<16x128xf32, #tpu.memory_space<vmem>>, vector<1x16xf32>,
    %swap3A_335 = vector.shape_cast %swap3A_334 : vector<1x16xf32> to vector<16xf32>
    %swap3A_336 = vector.shape_cast %broadcast_in_dim3A_1 : vector<16xf32> to vector<1x16xf32>
    tpu.vector_store %arg11[%swap3A_332, %swap3A_333], %swap3A_336 {strides = array<i32>} : memref<16x128xf32, #tpu.memory_space<vmem>>, vector<1x16xf32>,
    %swap3A_337 = arith.constant 7 : i32
    %swap3A_338 = arith.index_cast %swap3A_337 : i32 to index
    %swap3A_339 = arith.constant 0 : index
    %swap3A_340 = tpu.vector_load %arg11[%swap3A_338, %swap3A_339] {strides = array<i32>} : memref<16x128xf32, #tpu.memory_space<vmem>>, vector<1x16xf32>,
    %swap3A_341 = vector.shape_cast %swap3A_340 : vector<1x16xf32> to vector<16xf32>
    %swap3A_342 = vector.shape_cast %broadcast_in_dim3A_1 : vector<16xf32> to vector<1x16xf32>
    tpu.vector_store %arg11[%swap3A_338, %swap3A_339], %swap3A_342 {strides = array<i32>} : memref<16x128xf32, #tpu.memory_space<vmem>>, vector<1x16xf32>,
    %swap3A_343 = arith.constant 7 : i32
    %swap3A_344 = arith.index_cast %swap3A_343 : i32 to index
    %swap3A_345 = arith.constant 16 : index
    %swap3A_346 = tpu.vector_load %arg11[%swap3A_344, %swap3A_345] {strides = array<i32>} : memref<16x128xf32, #tpu.memory_space<vmem>>, vector<1x16xf32>,
    %swap3A_347 = vector.shape_cast %swap3A_346 : vector<1x16xf32> to vector<16xf32>
    %swap3A_348 = vector.shape_cast %broadcast_in_dim3A_1 : vector<16xf32> to vector<1x16xf32>
    tpu.vector_store %arg11[%swap3A_344, %swap3A_345], %swap3A_348 {strides = array<i32>} : memref<16x128xf32, #tpu.memory_space<vmem>>, vector<1x16xf32>,
    %swap3A_349 = arith.constant 7 : i32
    %swap3A_350 = arith.index_cast %swap3A_349 : i32 to index
    %swap3A_351 = arith.constant 32 : index
    %swap3A_352 = tpu.vector_load %arg11[%swap3A_350, %swap3A_351] {strides = array<i32>} : memref<16x128xf32, #tpu.memory_space<vmem>>, vector<1x16xf32>,
    %swap3A_353 = vector.shape_cast %swap3A_352 : vector<1x16xf32> to vector<16xf32>
    %swap3A_354 = vector.shape_cast %broadcast_in_dim3A_1 : vector<16xf32> to vector<1x16xf32>
    tpu.vector_store %arg11[%swap3A_350, %swap3A_351], %swap3A_354 {strides = array<i32>} : memref<16x128xf32, #tpu.memory_space<vmem>>, vector<1x16xf32>,
    %swap3A_355 = arith.constant 7 : i32
    %swap3A_356 = arith.index_cast %swap3A_355 : i32 to index
    %swap3A_357 = arith.constant 48 : index
    %swap3A_358 = tpu.vector_load %arg11[%swap3A_356, %swap3A_357] {strides = array<i32>} : memref<16x128xf32, #tpu.memory_space<vmem>>, vector<1x16xf32>,
    %swap3A_359 = vector.shape_cast %swap3A_358 : vector<1x16xf32> to vector<16xf32>
    %swap3A_360 = vector.shape_cast %broadcast_in_dim3A_1 : vector<16xf32> to vector<1x16xf32>
    tpu.vector_store %arg11[%swap3A_356, %swap3A_357], %swap3A_360 {strides = array<i32>} : memref<16x128xf32, #tpu.memory_space<vmem>>, vector<1x16xf32>,
    %swap3A_361 = arith.constant 7 : i32
    %swap3A_362 = arith.index_cast %swap3A_361 : i32 to index
    %swap3A_363 = arith.constant 64 : index
    %swap3A_364 = tpu.vector_load %arg11[%swap3A_362, %swap3A_363] {strides = array<i32>} : memref<16x128xf32, #tpu.memory_space<vmem>>, vector<1x16xf32>,
    %swap3A_365 = vector.shape_cast %swap3A_364 : vector<1x16xf32> to vector<16xf32>
    %swap3A_366 = vector.shape_cast %broadcast_in_dim3A_1 : vector<16xf32> to vector<1x16xf32>
    tpu.vector_store %arg11[%swap3A_362, %swap3A_363], %swap3A_366 {strides = array<i32>} : memref<16x128xf32, #tpu.memory_space<vmem>>, vector<1x16xf32>,
    %swap3A_367 = arith.constant 7 : i32
    %swap3A_368 = arith.index_cast %swap3A_367 : i32 to index
    %swap3A_369 = arith.constant 80 : index
    %swap3A_370 = tpu.vector_load %arg11[%swap3A_368, %swap3A_369] {strides = array<i32>} : memref<16x128xf32, #tpu.memory_space<vmem>>, vector<1x16xf32>,
    %swap3A_371 = vector.shape_cast %swap3A_370 : vector<1x16xf32> to vector<16xf32>
    %swap3A_372 = vector.shape_cast %broadcast_in_dim3A_1 : vector<16xf32> to vector<1x16xf32>
    tpu.vector_store %arg11[%swap3A_368, %swap3A_369], %swap3A_372 {strides = array<i32>} : memref<16x128xf32, #tpu.memory_space<vmem>>, vector<1x16xf32>,
    %swap3A_373 = arith.constant 7 : i32
    %swap3A_374 = arith.index_cast %swap3A_373 : i32 to index
    %swap3A_375 = arith.constant 96 : index
    %swap3A_376 = tpu.vector_load %arg11[%swap3A_374, %swap3A_375] {strides = array<i32>} : memref<16x128xf32, #tpu.memory_space<vmem>>, vector<1x16xf32>,
    %swap3A_377 = vector.shape_cast %swap3A_376 : vector<1x16xf32> to vector<16xf32>
    %swap3A_378 = vector.shape_cast %broadcast_in_dim3A_1 : vector<16xf32> to vector<1x16xf32>
    tpu.vector_store %arg11[%swap3A_374, %swap3A_375], %swap3A_378 {strides = array<i32>} : memref<16x128xf32, #tpu.memory_space<vmem>>, vector<1x16xf32>,
    %swap3A_379 = arith.constant 7 : i32
    %swap3A_380 = arith.index_cast %swap3A_379 : i32 to index
    %swap3A_381 = arith.constant 112 : index
    %swap3A_382 = tpu.vector_load %arg11[%swap3A_380, %swap3A_381] {strides = array<i32>} : memref<16x128xf32, #tpu.memory_space<vmem>>, vector<1x16xf32>,
    %swap3A_383 = vector.shape_cast %swap3A_382 : vector<1x16xf32> to vector<16xf32>
    %swap3A_384 = vector.shape_cast %broadcast_in_dim3A_1 : vector<16xf32> to vector<1x16xf32>
    tpu.vector_store %arg11[%swap3A_380, %swap3A_381], %swap3A_384 {strides = array<i32>} : memref<16x128xf32, #tpu.memory_space<vmem>>, vector<1x16xf32>,
    %swap3A_385 = arith.constant 8 : i32
    %swap3A_386 = arith.index_cast %swap3A_385 : i32 to index
    %swap3A_387 = arith.constant 0 : index
    %swap3A_388 = tpu.vector_load %arg11[%swap3A_386, %swap3A_387] {strides = array<i32>} : memref<16x128xf32, #tpu.memory_space<vmem>>, vector<1x16xf32>,
    %swap3A_389 = vector.shape_cast %swap3A_388 : vector<1x16xf32> to vector<16xf32>
    %swap3A_390 = vector.shape_cast %broadcast_in_dim3A_1 : vector<16xf32> to vector<1x16xf32>
    tpu.vector_store %arg11[%swap3A_386, %swap3A_387], %swap3A_390 {strides = array<i32>} : memref<16x128xf32, #tpu.memory_space<vmem>>, vector<1x16xf32>,
    %swap3A_391 = arith.constant 8 : i32
    %swap3A_392 = arith.index_cast %swap3A_391 : i32 to index
    %swap3A_393 = arith.constant 16 : index
    %swap3A_394 = tpu.vector_load %arg11[%swap3A_392, %swap3A_393] {strides = array<i32>} : memref<16x128xf32, #tpu.memory_space<vmem>>, vector<1x16xf32>,
    %swap3A_395 = vector.shape_cast %swap3A_394 : vector<1x16xf32> to vector<16xf32>
    %swap3A_396 = vector.shape_cast %broadcast_in_dim3A_1 : vector<16xf32> to vector<1x16xf32>
    tpu.vector_store %arg11[%swap3A_392, %swap3A_393], %swap3A_396 {strides = array<i32>} : memref<16x128xf32, #tpu.memory_space<vmem>>, vector<1x16xf32>,
    %swap3A_397 = arith.constant 8 : i32
    %swap3A_398 = arith.index_cast %swap3A_397 : i32 to index
    %swap3A_399 = arith.constant 32 : index
    %swap3A_400 = tpu.vector_load %arg11[%swap3A_398, %swap3A_399] {strides = array<i32>} : memref<16x128xf32, #tpu.memory_space<vmem>>, vector<1x16xf32>,
    %swap3A_401 = vector.shape_cast %swap3A_400 : vector<1x16xf32> to vector<16xf32>
    %swap3A_402 = vector.shape_cast %broadcast_in_dim3A_1 : vector<16xf32> to vector<1x16xf32>
    tpu.vector_store %arg11[%swap3A_398, %swap3A_399], %swap3A_402 {strides = array<i32>} : memref<16x128xf32, #tpu.memory_space<vmem>>, vector<1x16xf32>,
    %swap3A_403 = arith.constant 8 : i32
    %swap3A_404 = arith.index_cast %swap3A_403 : i32 to index
    %swap3A_405 = arith.constant 48 : index
    %swap3A_406 = tpu.vector_load %arg11[%swap3A_404, %swap3A_405] {strides = array<i32>} : memref<16x128xf32, #tpu.memory_space<vmem>>, vector<1x16xf32>,
    %swap3A_407 = vector.shape_cast %swap3A_406 : vector<1x16xf32> to vector<16xf32>
    %swap3A_408 = vector.shape_cast %broadcast_in_dim3A_1 : vector<16xf32> to vector<1x16xf32>
    tpu.vector_store %arg11[%swap3A_404, %swap3A_405], %swap3A_408 {strides = array<i32>} : memref<16x128xf32, #tpu.memory_space<vmem>>, vector<1x16xf32>,
    %swap3A_409 = arith.constant 8 : i32
    %swap3A_410 = arith.index_cast %swap3A_409 : i32 to index
    %swap3A_411 = arith.constant 64 : index
    %swap3A_412 = tpu.vector_load %arg11[%swap3A_410, %swap3A_411] {strides = array<i32>} : memref<16x128xf32, #tpu.memory_space<vmem>>, vector<1x16xf32>,
    %swap3A_413 = vector.shape_cast %swap3A_412 : vector<1x16xf32> to vector<16xf32>
    %swap3A_414 = vector.shape_cast %broadcast_in_dim3A_1 : vector<16xf32> to vector<1x16xf32>
    tpu.vector_store %arg11[%swap3A_410, %swap3A_411], %swap3A_414 {strides = array<i32>} : memref<16x128xf32, #tpu.memory_space<vmem>>, vector<1x16xf32>,
    %swap3A_415 = arith.constant 8 : i32
    %swap3A_416 = arith.index_cast %swap3A_415 : i32 to index
    %swap3A_417 = arith.constant 80 : index
    %swap3A_418 = tpu.vector_load %arg11[%swap3A_416, %swap3A_417] {strides = array<i32>} : memref<16x128xf32, #tpu.memory_space<vmem>>, vector<1x16xf32>,
    %swap3A_419 = vector.shape_cast %swap3A_418 : vector<1x16xf32> to vector<16xf32>
    %swap3A_420 = vector.shape_cast %broadcast_in_dim3A_1 : vector<16xf32> to vector<1x16xf32>
    tpu.vector_store %arg11[%swap3A_416, %swap3A_417], %swap3A_420 {strides = array<i32>} : memref<16x128xf32, #tpu.memory_space<vmem>>, vector<1x16xf32>,
    %swap3A_421 = arith.constant 8 : i32
    %swap3A_422 = arith.index_cast %swap3A_421 : i32 to index
    %swap3A_423 = arith.constant 96 : index
    %swap3A_424 = tpu.vector_load %arg11[%swap3A_422, %swap3A_423] {strides = array<i32>} : memref<16x128xf32, #tpu.memory_space<vmem>>, vector<1x16xf32>,
    %swap3A_425 = vector.shape_cast %swap3A_424 : vector<1x16xf32> to vector<16xf32>
    %swap3A_426 = vector.shape_cast %broadcast_in_dim3A_1 : vector<16xf32> to vector<1x16xf32>
    tpu.vector_store %arg11[%swap3A_422, %swap3A_423], %swap3A_426 {strides = array<i32>} : memref<16x128xf32, #tpu.memory_space<vmem>>, vector<1x16xf32>,
    %swap3A_427 = arith.constant 8 : i32
    %swap3A_428 = arith.index_cast %swap3A_427 : i32 to index
    %swap3A_429 = arith.constant 112 : index
    %swap3A_430 = tpu.vector_load %arg11[%swap3A_428, %swap3A_429] {strides = array<i32>} : memref<16x128xf32, #tpu.memory_space<vmem>>, vector<1x16xf32>,
    %swap3A_431 = vector.shape_cast %swap3A_430 : vector<1x16xf32> to vector<16xf32>
    %swap3A_432 = vector.shape_cast %broadcast_in_dim3A_1 : vector<16xf32> to vector<1x16xf32>
    tpu.vector_store %arg11[%swap3A_428, %swap3A_429], %swap3A_432 {strides = array<i32>} : memref<16x128xf32, #tpu.memory_space<vmem>>, vector<1x16xf32>,
    %swap3A_433 = arith.constant 9 : i32
    %swap3A_434 = arith.index_cast %swap3A_433 : i32 to index
    %swap3A_435 = arith.constant 0 : index
    %swap3A_436 = tpu.vector_load %arg11[%swap3A_434, %swap3A_435] {strides = array<i32>} : memref<16x128xf32, #tpu.memory_space<vmem>>, vector<1x16xf32>,
    %swap3A_437 = vector.shape_cast %swap3A_436 : vector<1x16xf32> to vector<16xf32>
    %swap3A_438 = vector.shape_cast %broadcast_in_dim3A_1 : vector<16xf32> to vector<1x16xf32>
    tpu.vector_store %arg11[%swap3A_434, %swap3A_435], %swap3A_438 {strides = array<i32>} : memref<16x128xf32, #tpu.memory_space<vmem>>, vector<1x16xf32>,
    %swap3A_439 = arith.constant 9 : i32
    %swap3A_440 = arith.index_cast %swap3A_439 : i32 to index
    %swap3A_441 = arith.constant 16 : index
    %swap3A_442 = tpu.vector_load %arg11[%swap3A_440, %swap3A_441] {strides = array<i32>} : memref<16x128xf32, #tpu.memory_space<vmem>>, vector<1x16xf32>,
    %swap3A_443 = vector.shape_cast %swap3A_442 : vector<1x16xf32> to vector<16xf32>
    %swap3A_444 = vector.shape_cast %broadcast_in_dim3A_1 : vector<16xf32> to vector<1x16xf32>
    tpu.vector_store %arg11[%swap3A_440, %swap3A_441], %swap3A_444 {strides = array<i32>} : memref<16x128xf32, #tpu.memory_space<vmem>>, vector<1x16xf32>,
    %swap3A_445 = arith.constant 9 : i32
    %swap3A_446 = arith.index_cast %swap3A_445 : i32 to index
    %swap3A_447 = arith.constant 32 : index
    %swap3A_448 = tpu.vector_load %arg11[%swap3A_446, %swap3A_447] {strides = array<i32>} : memref<16x128xf32, #tpu.memory_space<vmem>>, vector<1x16xf32>,
    %swap3A_449 = vector.shape_cast %swap3A_448 : vector<1x16xf32> to vector<16xf32>
    %swap3A_450 = vector.shape_cast %broadcast_in_dim3A_1 : vector<16xf32> to vector<1x16xf32>
    tpu.vector_store %arg11[%swap3A_446, %swap3A_447], %swap3A_450 {strides = array<i32>} : memref<16x128xf32, #tpu.memory_space<vmem>>, vector<1x16xf32>,
    %swap3A_451 = arith.constant 9 : i32
    %swap3A_452 = arith.index_cast %swap3A_451 : i32 to index
    %swap3A_453 = arith.constant 48 : index
    %swap3A_454 = tpu.vector_load %arg11[%swap3A_452, %swap3A_453] {strides = array<i32>} : memref<16x128xf32, #tpu.memory_space<vmem>>, vector<1x16xf32>,
    %swap3A_455 = vector.shape_cast %swap3A_454 : vector<1x16xf32> to vector<16xf32>
    %swap3A_456 = vector.shape_cast %broadcast_in_dim3A_1 : vector<16xf32> to vector<1x16xf32>
    tpu.vector_store %arg11[%swap3A_452, %swap3A_453], %swap3A_456 {strides = array<i32>} : memref<16x128xf32, #tpu.memory_space<vmem>>, vector<1x16xf32>,
    %swap3A_457 = arith.constant 9 : i32
    %swap3A_458 = arith.index_cast %swap3A_457 : i32 to index
    %swap3A_459 = arith.constant 64 : index
    %swap3A_460 = tpu.vector_load %arg11[%swap3A_458, %swap3A_459] {strides = array<i32>} : memref<16x128xf32, #tpu.memory_space<vmem>>, vector<1x16xf32>,
    %swap3A_461 = vector.shape_cast %swap3A_460 : vector<1x16xf32> to vector<16xf32>
    %swap3A_462 = vector.shape_cast %broadcast_in_dim3A_1 : vector<16xf32> to vector<1x16xf32>
    tpu.vector_store %arg11[%swap3A_458, %swap3A_459], %swap3A_462 {strides = array<i32>} : memref<16x128xf32, #tpu.memory_space<vmem>>, vector<1x16xf32>,
    %swap3A_463 = arith.constant 9 : i32
    %swap3A_464 = arith.index_cast %swap3A_463 : i32 to index
    %swap3A_465 = arith.constant 80 : index
    %swap3A_466 = tpu.vector_load %arg11[%swap3A_464, %swap3A_465] {strides = array<i32>} : memref<16x128xf32, #tpu.memory_space<vmem>>, vector<1x16xf32>,
    %swap3A_467 = vector.shape_cast %swap3A_466 : vector<1x16xf32> to vector<16xf32>
    %swap3A_468 = vector.shape_cast %broadcast_in_dim3A_1 : vector<16xf32> to vector<1x16xf32>
    tpu.vector_store %arg11[%swap3A_464, %swap3A_465], %swap3A_468 {strides = array<i32>} : memref<16x128xf32, #tpu.memory_space<vmem>>, vector<1x16xf32>,
    %swap3A_469 = arith.constant 9 : i32
    %swap3A_470 = arith.index_cast %swap3A_469 : i32 to index
    %swap3A_471 = arith.constant 96 : index
    %swap3A_472 = tpu.vector_load %arg11[%swap3A_470, %swap3A_471] {strides = array<i32>} : memref<16x128xf32, #tpu.memory_space<vmem>>, vector<1x16xf32>,
    %swap3A_473 = vector.shape_cast %swap3A_472 : vector<1x16xf32> to vector<16xf32>
    %swap3A_474 = vector.shape_cast %broadcast_in_dim3A_1 : vector<16xf32> to vector<1x16xf32>
    tpu.vector_store %arg11[%swap3A_470, %swap3A_471], %swap3A_474 {strides = array<i32>} : memref<16x128xf32, #tpu.memory_space<vmem>>, vector<1x16xf32>,
    %swap3A_475 = arith.constant 9 : i32
    %swap3A_476 = arith.index_cast %swap3A_475 : i32 to index
    %swap3A_477 = arith.constant 112 : index
    %swap3A_478 = tpu.vector_load %arg11[%swap3A_476, %swap3A_477] {strides = array<i32>} : memref<16x128xf32, #tpu.memory_space<vmem>>, vector<1x16xf32>,
    %swap3A_479 = vector.shape_cast %swap3A_478 : vector<1x16xf32> to vector<16xf32>
    %swap3A_480 = vector.shape_cast %broadcast_in_dim3A_1 : vector<16xf32> to vector<1x16xf32>
    tpu.vector_store %arg11[%swap3A_476, %swap3A_477], %swap3A_480 {strides = array<i32>} : memref<16x128xf32, #tpu.memory_space<vmem>>, vector<1x16xf32>,
    %swap3A_481 = arith.constant 10 : i32
    %swap3A_482 = arith.index_cast %swap3A_481 : i32 to index
    %swap3A_483 = arith.constant 0 : index
    %swap3A_484 = tpu.vector_load %arg11[%swap3A_482, %swap3A_483] {strides = array<i32>} : memref<16x128xf32, #tpu.memory_space<vmem>>, vector<1x16xf32>,
    %swap3A_485 = vector.shape_cast %swap3A_484 : vector<1x16xf32> to vector<16xf32>
    %swap3A_486 = vector.shape_cast %broadcast_in_dim3A_1 : vector<16xf32> to vector<1x16xf32>
    tpu.vector_store %arg11[%swap3A_482, %swap3A_483], %swap3A_486 {strides = array<i32>} : memref<16x128xf32, #tpu.memory_space<vmem>>, vector<1x16xf32>,
    %swap3A_487 = arith.constant 10 : i32
    %swap3A_488 = arith.index_cast %swap3A_487 : i32 to index
    %swap3A_489 = arith.constant 16 : index
    %swap3A_490 = tpu.vector_load %arg11[%swap3A_488, %swap3A_489] {strides = array<i32>} : memref<16x128xf32, #tpu.memory_space<vmem>>, vector<1x16xf32>,
    %swap3A_491 = vector.shape_cast %swap3A_490 : vector<1x16xf32> to vector<16xf32>
    %swap3A_492 = vector.shape_cast %broadcast_in_dim3A_1 : vector<16xf32> to vector<1x16xf32>
    tpu.vector_store %arg11[%swap3A_488, %swap3A_489], %swap3A_492 {strides = array<i32>} : memref<16x128xf32, #tpu.memory_space<vmem>>, vector<1x16xf32>,
    %swap3A_493 = arith.constant 10 : i32
    %swap3A_494 = arith.index_cast %swap3A_493 : i32 to index
    %swap3A_495 = arith.constant 32 : index
    %swap3A_496 = tpu.vector_load %arg11[%swap3A_494, %swap3A_495] {strides = array<i32>} : memref<16x128xf32, #tpu.memory_space<vmem>>, vector<1x16xf32>,
    %swap3A_497 = vector.shape_cast %swap3A_496 : vector<1x16xf32> to vector<16xf32>
    %swap3A_498 = vector.shape_cast %broadcast_in_dim3A_1 : vector<16xf32> to vector<1x16xf32>
    tpu.vector_store %arg11[%swap3A_494, %swap3A_495], %swap3A_498 {strides = array<i32>} : memref<16x128xf32, #tpu.memory_space<vmem>>, vector<1x16xf32>,
    %swap3A_499 = arith.constant 10 : i32
    %swap3A_500 = arith.index_cast %swap3A_499 : i32 to index
    %swap3A_501 = arith.constant 48 : index
    %swap3A_502 = tpu.vector_load %arg11[%swap3A_500, %swap3A_501] {strides = array<i32>} : memref<16x128xf32, #tpu.memory_space<vmem>>, vector<1x16xf32>,
    %swap3A_503 = vector.shape_cast %swap3A_502 : vector<1x16xf32> to vector<16xf32>
    %swap3A_504 = vector.shape_cast %broadcast_in_dim3A_1 : vector<16xf32> to vector<1x16xf32>
    tpu.vector_store %arg11[%swap3A_500, %swap3A_501], %swap3A_504 {strides = array<i32>} : memref<16x128xf32, #tpu.memory_space<vmem>>, vector<1x16xf32>,
    %swap3A_505 = arith.constant 10 : i32
    %swap3A_506 = arith.index_cast %swap3A_505 : i32 to index
    %swap3A_507 = arith.constant 64 : index
    %swap3A_508 = tpu.vector_load %arg11[%swap3A_506, %swap3A_507] {strides = array<i32>} : memref<16x128xf32, #tpu.memory_space<vmem>>, vector<1x16xf32>,
    %swap3A_509 = vector.shape_cast %swap3A_508 : vector<1x16xf32> to vector<16xf32>
    %swap3A_510 = vector.shape_cast %broadcast_in_dim3A_1 : vector<16xf32> to vector<1x16xf32>
    tpu.vector_store %arg11[%swap3A_506, %swap3A_507], %swap3A_510 {strides = array<i32>} : memref<16x128xf32, #tpu.memory_space<vmem>>, vector<1x16xf32>,
    %swap3A_511 = arith.constant 10 : i32
    %swap3A_512 = arith.index_cast %swap3A_511 : i32 to index
    %swap3A_513 = arith.constant 80 : index
    %swap3A_514 = tpu.vector_load %arg11[%swap3A_512, %swap3A_513] {strides = array<i32>} : memref<16x128xf32, #tpu.memory_space<vmem>>, vector<1x16xf32>,
    %swap3A_515 = vector.shape_cast %swap3A_514 : vector<1x16xf32> to vector<16xf32>
    %swap3A_516 = vector.shape_cast %broadcast_in_dim3A_1 : vector<16xf32> to vector<1x16xf32>
    tpu.vector_store %arg11[%swap3A_512, %swap3A_513], %swap3A_516 {strides = array<i32>} : memref<16x128xf32, #tpu.memory_space<vmem>>, vector<1x16xf32>,
    %swap3A_517 = arith.constant 10 : i32
    %swap3A_518 = arith.index_cast %swap3A_517 : i32 to index
    %swap3A_519 = arith.constant 96 : index
    %swap3A_520 = tpu.vector_load %arg11[%swap3A_518, %swap3A_519] {strides = array<i32>} : memref<16x128xf32, #tpu.memory_space<vmem>>, vector<1x16xf32>,
    %swap3A_521 = vector.shape_cast %swap3A_520 : vector<1x16xf32> to vector<16xf32>
    %swap3A_522 = vector.shape_cast %broadcast_in_dim3A_1 : vector<16xf32> to vector<1x16xf32>
    tpu.vector_store %arg11[%swap3A_518, %swap3A_519], %swap3A_522 {strides = array<i32>} : memref<16x128xf32, #tpu.memory_space<vmem>>, vector<1x16xf32>,
    %swap3A_523 = arith.constant 10 : i32
    %swap3A_524 = arith.index_cast %swap3A_523 : i32 to index
    %swap3A_525 = arith.constant 112 : index
    %swap3A_526 = tpu.vector_load %arg11[%swap3A_524, %swap3A_525] {strides = array<i32>} : memref<16x128xf32, #tpu.memory_space<vmem>>, vector<1x16xf32>,
    %swap3A_527 = vector.shape_cast %swap3A_526 : vector<1x16xf32> to vector<16xf32>
    %swap3A_528 = vector.shape_cast %broadcast_in_dim3A_1 : vector<16xf32> to vector<1x16xf32>
    tpu.vector_store %arg11[%swap3A_524, %swap3A_525], %swap3A_528 {strides = array<i32>} : memref<16x128xf32, #tpu.memory_space<vmem>>, vector<1x16xf32>,
    %swap3A_529 = arith.constant 11 : i32
    %swap3A_530 = arith.index_cast %swap3A_529 : i32 to index
    %swap3A_531 = arith.constant 0 : index
    %swap3A_532 = tpu.vector_load %arg11[%swap3A_530, %swap3A_531] {strides = array<i32>} : memref<16x128xf32, #tpu.memory_space<vmem>>, vector<1x16xf32>,
    %swap3A_533 = vector.shape_cast %swap3A_532 : vector<1x16xf32> to vector<16xf32>
    %swap3A_534 = vector.shape_cast %broadcast_in_dim3A_1 : vector<16xf32> to vector<1x16xf32>
    tpu.vector_store %arg11[%swap3A_530, %swap3A_531], %swap3A_534 {strides = array<i32>} : memref<16x128xf32, #tpu.memory_space<vmem>>, vector<1x16xf32>,
    %swap3A_535 = arith.constant 11 : i32
    %swap3A_536 = arith.index_cast %swap3A_535 : i32 to index
    %swap3A_537 = arith.constant 16 : index
    %swap3A_538 = tpu.vector_load %arg11[%swap3A_536, %swap3A_537] {strides = array<i32>} : memref<16x128xf32, #tpu.memory_space<vmem>>, vector<1x16xf32>,
    %swap3A_539 = vector.shape_cast %swap3A_538 : vector<1x16xf32> to vector<16xf32>
    %swap3A_540 = vector.shape_cast %broadcast_in_dim3A_1 : vector<16xf32> to vector<1x16xf32>
    tpu.vector_store %arg11[%swap3A_536, %swap3A_537], %swap3A_540 {strides = array<i32>} : memref<16x128xf32, #tpu.memory_space<vmem>>, vector<1x16xf32>,
    %swap3A_541 = arith.constant 11 : i32
    %swap3A_542 = arith.index_cast %swap3A_541 : i32 to index
    %swap3A_543 = arith.constant 32 : index
    %swap3A_544 = tpu.vector_load %arg11[%swap3A_542, %swap3A_543] {strides = array<i32>} : memref<16x128xf32, #tpu.memory_space<vmem>>, vector<1x16xf32>,
    %swap3A_545 = vector.shape_cast %swap3A_544 : vector<1x16xf32> to vector<16xf32>
    %swap3A_546 = vector.shape_cast %broadcast_in_dim3A_1 : vector<16xf32> to vector<1x16xf32>
    tpu.vector_store %arg11[%swap3A_542, %swap3A_543], %swap3A_546 {strides = array<i32>} : memref<16x128xf32, #tpu.memory_space<vmem>>, vector<1x16xf32>,
    %swap3A_547 = arith.constant 11 : i32
    %swap3A_548 = arith.index_cast %swap3A_547 : i32 to index
    %swap3A_549 = arith.constant 48 : index
    %swap3A_550 = tpu.vector_load %arg11[%swap3A_548, %swap3A_549] {strides = array<i32>} : memref<16x128xf32, #tpu.memory_space<vmem>>, vector<1x16xf32>,
    %swap3A_551 = vector.shape_cast %swap3A_550 : vector<1x16xf32> to vector<16xf32>
    %swap3A_552 = vector.shape_cast %broadcast_in_dim3A_1 : vector<16xf32> to vector<1x16xf32>
    tpu.vector_store %arg11[%swap3A_548, %swap3A_549], %swap3A_552 {strides = array<i32>} : memref<16x128xf32, #tpu.memory_space<vmem>>, vector<1x16xf32>,
    %swap3A_553 = arith.constant 11 : i32
    %swap3A_554 = arith.index_cast %swap3A_553 : i32 to index
    %swap3A_555 = arith.constant 64 : index
    %swap3A_556 = tpu.vector_load %arg11[%swap3A_554, %swap3A_555] {strides = array<i32>} : memref<16x128xf32, #tpu.memory_space<vmem>>, vector<1x16xf32>,
    %swap3A_557 = vector.shape_cast %swap3A_556 : vector<1x16xf32> to vector<16xf32>
    %swap3A_558 = vector.shape_cast %broadcast_in_dim3A_1 : vector<16xf32> to vector<1x16xf32>
    tpu.vector_store %arg11[%swap3A_554, %swap3A_555], %swap3A_558 {strides = array<i32>} : memref<16x128xf32, #tpu.memory_space<vmem>>, vector<1x16xf32>,
    %swap3A_559 = arith.constant 11 : i32
    %swap3A_560 = arith.index_cast %swap3A_559 : i32 to index
    %swap3A_561 = arith.constant 80 : index
    %swap3A_562 = tpu.vector_load %arg11[%swap3A_560, %swap3A_561] {strides = array<i32>} : memref<16x128xf32, #tpu.memory_space<vmem>>, vector<1x16xf32>,
    %swap3A_563 = vector.shape_cast %swap3A_562 : vector<1x16xf32> to vector<16xf32>
    %swap3A_564 = vector.shape_cast %broadcast_in_dim3A_1 : vector<16xf32> to vector<1x16xf32>
    tpu.vector_store %arg11[%swap3A_560, %swap3A_561], %swap3A_564 {strides = array<i32>} : memref<16x128xf32, #tpu.memory_space<vmem>>, vector<1x16xf32>,
    %swap3A_565 = arith.constant 11 : i32
    %swap3A_566 = arith.index_cast %swap3A_565 : i32 to index
    %swap3A_567 = arith.constant 96 : index
    %swap3A_568 = tpu.vector_load %arg11[%swap3A_566, %swap3A_567] {strides = array<i32>} : memref<16x128xf32, #tpu.memory_space<vmem>>, vector<1x16xf32>,
    %swap3A_569 = vector.shape_cast %swap3A_568 : vector<1x16xf32> to vector<16xf32>
    %swap3A_570 = vector.shape_cast %broadcast_in_dim3A_1 : vector<16xf32> to vector<1x16xf32>
    tpu.vector_store %arg11[%swap3A_566, %swap3A_567], %swap3A_570 {strides = array<i32>} : memref<16x128xf32, #tpu.memory_space<vmem>>, vector<1x16xf32>,
    %swap3A_571 = arith.constant 11 : i32
    %swap3A_572 = arith.index_cast %swap3A_571 : i32 to index
    %swap3A_573 = arith.constant 112 : index
    %swap3A_574 = tpu.vector_load %arg11[%swap3A_572, %swap3A_573] {strides = array<i32>} : memref<16x128xf32, #tpu.memory_space<vmem>>, vector<1x16xf32>,
    %swap3A_575 = vector.shape_cast %swap3A_574 : vector<1x16xf32> to vector<16xf32>
    %swap3A_576 = vector.shape_cast %broadcast_in_dim3A_1 : vector<16xf32> to vector<1x16xf32>
    tpu.vector_store %arg11[%swap3A_572, %swap3A_573], %swap3A_576 {strides = array<i32>} : memref<16x128xf32, #tpu.memory_space<vmem>>, vector<1x16xf32>,
    %swap3A_577 = arith.constant 12 : i32
    %swap3A_578 = arith.index_cast %swap3A_577 : i32 to index
    %swap3A_579 = arith.constant 0 : index
    %swap3A_580 = tpu.vector_load %arg11[%swap3A_578, %swap3A_579] {strides = array<i32>} : memref<16x128xf32, #tpu.memory_space<vmem>>, vector<1x16xf32>,
    %swap3A_581 = vector.shape_cast %swap3A_580 : vector<1x16xf32> to vector<16xf32>
    %swap3A_582 = vector.shape_cast %broadcast_in_dim3A_1 : vector<16xf32> to vector<1x16xf32>
    tpu.vector_store %arg11[%swap3A_578, %swap3A_579], %swap3A_582 {strides = array<i32>} : memref<16x128xf32, #tpu.memory_space<vmem>>, vector<1x16xf32>,
    %swap3A_583 = arith.constant 12 : i32
    %swap3A_584 = arith.index_cast %swap3A_583 : i32 to index
    %swap3A_585 = arith.constant 16 : index
    %swap3A_586 = tpu.vector_load %arg11[%swap3A_584, %swap3A_585] {strides = array<i32>} : memref<16x128xf32, #tpu.memory_space<vmem>>, vector<1x16xf32>,
    %swap3A_587 = vector.shape_cast %swap3A_586 : vector<1x16xf32> to vector<16xf32>
    %swap3A_588 = vector.shape_cast %broadcast_in_dim3A_1 : vector<16xf32> to vector<1x16xf32>
    tpu.vector_store %arg11[%swap3A_584, %swap3A_585], %swap3A_588 {strides = array<i32>} : memref<16x128xf32, #tpu.memory_space<vmem>>, vector<1x16xf32>,
    %swap3A_589 = arith.constant 12 : i32
    %swap3A_590 = arith.index_cast %swap3A_589 : i32 to index
    %swap3A_591 = arith.constant 32 : index
    %swap3A_592 = tpu.vector_load %arg11[%swap3A_590, %swap3A_591] {strides = array<i32>} : memref<16x128xf32, #tpu.memory_space<vmem>>, vector<1x16xf32>,
    %swap3A_593 = vector.shape_cast %swap3A_592 : vector<1x16xf32> to vector<16xf32>
    %swap3A_594 = vector.shape_cast %broadcast_in_dim3A_1 : vector<16xf32> to vector<1x16xf32>
    tpu.vector_store %arg11[%swap3A_590, %swap3A_591], %swap3A_594 {strides = array<i32>} : memref<16x128xf32, #tpu.memory_space<vmem>>, vector<1x16xf32>,
    %swap3A_595 = arith.constant 12 : i32
    %swap3A_596 = arith.index_cast %swap3A_595 : i32 to index
    %swap3A_597 = arith.constant 48 : index
    %swap3A_598 = tpu.vector_load %arg11[%swap3A_596, %swap3A_597] {strides = array<i32>} : memref<16x128xf32, #tpu.memory_space<vmem>>, vector<1x16xf32>,
    %swap3A_599 = vector.shape_cast %swap3A_598 : vector<1x16xf32> to vector<16xf32>
    %swap3A_600 = vector.shape_cast %broadcast_in_dim3A_1 : vector<16xf32> to vector<1x16xf32>
    tpu.vector_store %arg11[%swap3A_596, %swap3A_597], %swap3A_600 {strides = array<i32>} : memref<16x128xf32, #tpu.memory_space<vmem>>, vector<1x16xf32>,
    %swap3A_601 = arith.constant 12 : i32
    %swap3A_602 = arith.index_cast %swap3A_601 : i32 to index
    %swap3A_603 = arith.constant 64 : index
    %swap3A_604 = tpu.vector_load %arg11[%swap3A_602, %swap3A_603] {strides = array<i32>} : memref<16x128xf32, #tpu.memory_space<vmem>>, vector<1x16xf32>,
    %swap3A_605 = vector.shape_cast %swap3A_604 : vector<1x16xf32> to vector<16xf32>
    %swap3A_606 = vector.shape_cast %broadcast_in_dim3A_1 : vector<16xf32> to vector<1x16xf32>
    tpu.vector_store %arg11[%swap3A_602, %swap3A_603], %swap3A_606 {strides = array<i32>} : memref<16x128xf32, #tpu.memory_space<vmem>>, vector<1x16xf32>,
    %swap3A_607 = arith.constant 12 : i32
    %swap3A_608 = arith.index_cast %swap3A_607 : i32 to index
    %swap3A_609 = arith.constant 80 : index
    %swap3A_610 = tpu.vector_load %arg11[%swap3A_608, %swap3A_609] {strides = array<i32>} : memref<16x128xf32, #tpu.memory_space<vmem>>, vector<1x16xf32>,
    %swap3A_611 = vector.shape_cast %swap3A_610 : vector<1x16xf32> to vector<16xf32>
    %swap3A_612 = vector.shape_cast %broadcast_in_dim3A_1 : vector<16xf32> to vector<1x16xf32>
    tpu.vector_store %arg11[%swap3A_608, %swap3A_609], %swap3A_612 {strides = array<i32>} : memref<16x128xf32, #tpu.memory_space<vmem>>, vector<1x16xf32>,
    %swap3A_613 = arith.constant 12 : i32
    %swap3A_614 = arith.index_cast %swap3A_613 : i32 to index
    %swap3A_615 = arith.constant 96 : index
    %swap3A_616 = tpu.vector_load %arg11[%swap3A_614, %swap3A_615] {strides = array<i32>} : memref<16x128xf32, #tpu.memory_space<vmem>>, vector<1x16xf32>,
    %swap3A_617 = vector.shape_cast %swap3A_616 : vector<1x16xf32> to vector<16xf32>
    %swap3A_618 = vector.shape_cast %broadcast_in_dim3A_1 : vector<16xf32> to vector<1x16xf32>
    tpu.vector_store %arg11[%swap3A_614, %swap3A_615], %swap3A_618 {strides = array<i32>} : memref<16x128xf32, #tpu.memory_space<vmem>>, vector<1x16xf32>,
    %swap3A_619 = arith.constant 12 : i32
    %swap3A_620 = arith.index_cast %swap3A_619 : i32 to index
    %swap3A_621 = arith.constant 112 : index
    %swap3A_622 = tpu.vector_load %arg11[%swap3A_620, %swap3A_621] {strides = array<i32>} : memref<16x128xf32, #tpu.memory_space<vmem>>, vector<1x16xf32>,
    %swap3A_623 = vector.shape_cast %swap3A_622 : vector<1x16xf32> to vector<16xf32>
    %swap3A_624 = vector.shape_cast %broadcast_in_dim3A_1 : vector<16xf32> to vector<1x16xf32>
    tpu.vector_store %arg11[%swap3A_620, %swap3A_621], %swap3A_624 {strides = array<i32>} : memref<16x128xf32, #tpu.memory_space<vmem>>, vector<1x16xf32>,
    %swap3A_625 = arith.constant 13 : i32
    %swap3A_626 = arith.index_cast %swap3A_625 : i32 to index
    %swap3A_627 = arith.constant 0 : index
    %swap3A_628 = tpu.vector_load %arg11[%swap3A_626, %swap3A_627] {strides = array<i32>} : memref<16x128xf32, #tpu.memory_space<vmem>>, vector<1x16xf32>,
    %swap3A_629 = vector.shape_cast %swap3A_628 : vector<1x16xf32> to vector<16xf32>
    %swap3A_630 = vector.shape_cast %broadcast_in_dim3A_1 : vector<16xf32> to vector<1x16xf32>
    tpu.vector_store %arg11[%swap3A_626, %swap3A_627], %swap3A_630 {strides = array<i32>} : memref<16x128xf32, #tpu.memory_space<vmem>>, vector<1x16xf32>,
    %swap3A_631 = arith.constant 13 : i32
    %swap3A_632 = arith.index_cast %swap3A_631 : i32 to index
    %swap3A_633 = arith.constant 16 : index
    %swap3A_634 = tpu.vector_load %arg11[%swap3A_632, %swap3A_633] {strides = array<i32>} : memref<16x128xf32, #tpu.memory_space<vmem>>, vector<1x16xf32>,
    %swap3A_635 = vector.shape_cast %swap3A_634 : vector<1x16xf32> to vector<16xf32>
    %swap3A_636 = vector.shape_cast %broadcast_in_dim3A_1 : vector<16xf32> to vector<1x16xf32>
    tpu.vector_store %arg11[%swap3A_632, %swap3A_633], %swap3A_636 {strides = array<i32>} : memref<16x128xf32, #tpu.memory_space<vmem>>, vector<1x16xf32>,
    %swap3A_637 = arith.constant 13 : i32
    %swap3A_638 = arith.index_cast %swap3A_637 : i32 to index
    %swap3A_639 = arith.constant 32 : index
    %swap3A_640 = tpu.vector_load %arg11[%swap3A_638, %swap3A_639] {strides = array<i32>} : memref<16x128xf32, #tpu.memory_space<vmem>>, vector<1x16xf32>,
    %swap3A_641 = vector.shape_cast %swap3A_640 : vector<1x16xf32> to vector<16xf32>
    %swap3A_642 = vector.shape_cast %broadcast_in_dim3A_1 : vector<16xf32> to vector<1x16xf32>
    tpu.vector_store %arg11[%swap3A_638, %swap3A_639], %swap3A_642 {strides = array<i32>} : memref<16x128xf32, #tpu.memory_space<vmem>>, vector<1x16xf32>,
    %swap3A_643 = arith.constant 13 : i32
    %swap3A_644 = arith.index_cast %swap3A_643 : i32 to index
    %swap3A_645 = arith.constant 48 : index
    %swap3A_646 = tpu.vector_load %arg11[%swap3A_644, %swap3A_645] {strides = array<i32>} : memref<16x128xf32, #tpu.memory_space<vmem>>, vector<1x16xf32>,
    %swap3A_647 = vector.shape_cast %swap3A_646 : vector<1x16xf32> to vector<16xf32>
    %swap3A_648 = vector.shape_cast %broadcast_in_dim3A_1 : vector<16xf32> to vector<1x16xf32>
    tpu.vector_store %arg11[%swap3A_644, %swap3A_645], %swap3A_648 {strides = array<i32>} : memref<16x128xf32, #tpu.memory_space<vmem>>, vector<1x16xf32>,
    %swap3A_649 = arith.constant 13 : i32
    %swap3A_650 = arith.index_cast %swap3A_649 : i32 to index
    %swap3A_651 = arith.constant 64 : index
    %swap3A_652 = tpu.vector_load %arg11[%swap3A_650, %swap3A_651] {strides = array<i32>} : memref<16x128xf32, #tpu.memory_space<vmem>>, vector<1x16xf32>,
    %swap3A_653 = vector.shape_cast %swap3A_652 : vector<1x16xf32> to vector<16xf32>
    %swap3A_654 = vector.shape_cast %broadcast_in_dim3A_1 : vector<16xf32> to vector<1x16xf32>
    tpu.vector_store %arg11[%swap3A_650, %swap3A_651], %swap3A_654 {strides = array<i32>} : memref<16x128xf32, #tpu.memory_space<vmem>>, vector<1x16xf32>,
    %swap3A_655 = arith.constant 13 : i32
    %swap3A_656 = arith.index_cast %swap3A_655 : i32 to index
    %swap3A_657 = arith.constant 80 : index
    %swap3A_658 = tpu.vector_load %arg11[%swap3A_656, %swap3A_657] {strides = array<i32>} : memref<16x128xf32, #tpu.memory_space<vmem>>, vector<1x16xf32>,
    %swap3A_659 = vector.shape_cast %swap3A_658 : vector<1x16xf32> to vector<16xf32>
    %swap3A_660 = vector.shape_cast %broadcast_in_dim3A_1 : vector<16xf32> to vector<1x16xf32>
    tpu.vector_store %arg11[%swap3A_656, %swap3A_657], %swap3A_660 {strides = array<i32>} : memref<16x128xf32, #tpu.memory_space<vmem>>, vector<1x16xf32>,
    %swap3A_661 = arith.constant 13 : i32
    %swap3A_662 = arith.index_cast %swap3A_661 : i32 to index
    %swap3A_663 = arith.constant 96 : index
    %swap3A_664 = tpu.vector_load %arg11[%swap3A_662, %swap3A_663] {strides = array<i32>} : memref<16x128xf32, #tpu.memory_space<vmem>>, vector<1x16xf32>,
    %swap3A_665 = vector.shape_cast %swap3A_664 : vector<1x16xf32> to vector<16xf32>
    %swap3A_666 = vector.shape_cast %broadcast_in_dim3A_1 : vector<16xf32> to vector<1x16xf32>
    tpu.vector_store %arg11[%swap3A_662, %swap3A_663], %swap3A_666 {strides = array<i32>} : memref<16x128xf32, #tpu.memory_space<vmem>>, vector<1x16xf32>,
    %swap3A_667 = arith.constant 13 : i32
    %swap3A_668 = arith.index_cast %swap3A_667 : i32 to index
    %swap3A_669 = arith.constant 112 : index
    %swap3A_670 = tpu.vector_load %arg11[%swap3A_668, %swap3A_669] {strides = array<i32>} : memref<16x128xf32, #tpu.memory_space<vmem>>, vector<1x16xf32>,
    %swap3A_671 = vector.shape_cast %swap3A_670 : vector<1x16xf32> to vector<16xf32>
    %swap3A_672 = vector.shape_cast %broadcast_in_dim3A_1 : vector<16xf32> to vector<1x16xf32>
    tpu.vector_store %arg11[%swap3A_668, %swap3A_669], %swap3A_672 {strides = array<i32>} : memref<16x128xf32, #tpu.memory_space<vmem>>, vector<1x16xf32>,
    %swap3A_673 = arith.constant 14 : i32
    %swap3A_674 = arith.index_cast %swap3A_673 : i32 to index
    %swap3A_675 = arith.constant 0 : index
    %swap3A_676 = tpu.vector_load %arg11[%swap3A_674, %swap3A_675] {strides = array<i32>} : memref<16x128xf32, #tpu.memory_space<vmem>>, vector<1x16xf32>,
    %swap3A_677 = vector.shape_cast %swap3A_676 : vector<1x16xf32> to vector<16xf32>
    %swap3A_678 = vector.shape_cast %broadcast_in_dim3A_1 : vector<16xf32> to vector<1x16xf32>
    tpu.vector_store %arg11[%swap3A_674, %swap3A_675], %swap3A_678 {strides = array<i32>} : memref<16x128xf32, #tpu.memory_space<vmem>>, vector<1x16xf32>,
    %swap3A_679 = arith.constant 14 : i32
    %swap3A_680 = arith.index_cast %swap3A_679 : i32 to index
    %swap3A_681 = arith.constant 16 : index
    %swap3A_682 = tpu.vector_load %arg11[%swap3A_680, %swap3A_681] {strides = array<i32>} : memref<16x128xf32, #tpu.memory_space<vmem>>, vector<1x16xf32>,
    %swap3A_683 = vector.shape_cast %swap3A_682 : vector<1x16xf32> to vector<16xf32>
    %swap3A_684 = vector.shape_cast %broadcast_in_dim3A_1 : vector<16xf32> to vector<1x16xf32>
    tpu.vector_store %arg11[%swap3A_680, %swap3A_681], %swap3A_684 {strides = array<i32>} : memref<16x128xf32, #tpu.memory_space<vmem>>, vector<1x16xf32>,
    %swap3A_685 = arith.constant 14 : i32
    %swap3A_686 = arith.index_cast %swap3A_685 : i32 to index
    %swap3A_687 = arith.constant 32 : index
    %swap3A_688 = tpu.vector_load %arg11[%swap3A_686, %swap3A_687] {strides = array<i32>} : memref<16x128xf32, #tpu.memory_space<vmem>>, vector<1x16xf32>,
    %swap3A_689 = vector.shape_cast %swap3A_688 : vector<1x16xf32> to vector<16xf32>
    %swap3A_690 = vector.shape_cast %broadcast_in_dim3A_1 : vector<16xf32> to vector<1x16xf32>
    tpu.vector_store %arg11[%swap3A_686, %swap3A_687], %swap3A_690 {strides = array<i32>} : memref<16x128xf32, #tpu.memory_space<vmem>>, vector<1x16xf32>,
    %swap3A_691 = arith.constant 14 : i32
    %swap3A_692 = arith.index_cast %swap3A_691 : i32 to index
    %swap3A_693 = arith.constant 48 : index
    %swap3A_694 = tpu.vector_load %arg11[%swap3A_692, %swap3A_693] {strides = array<i32>} : memref<16x128xf32, #tpu.memory_space<vmem>>, vector<1x16xf32>,
    %swap3A_695 = vector.shape_cast %swap3A_694 : vector<1x16xf32> to vector<16xf32>
    %swap3A_696 = vector.shape_cast %broadcast_in_dim3A_1 : vector<16xf32> to vector<1x16xf32>
    tpu.vector_store %arg11[%swap3A_692, %swap3A_693], %swap3A_696 {strides = array<i32>} : memref<16x128xf32, #tpu.memory_space<vmem>>, vector<1x16xf32>,
    %swap3A_697 = arith.constant 14 : i32
    %swap3A_698 = arith.index_cast %swap3A_697 : i32 to index
    %swap3A_699 = arith.constant 64 : index
    %swap3A_700 = tpu.vector_load %arg11[%swap3A_698, %swap3A_699] {strides = array<i32>} : memref<16x128xf32, #tpu.memory_space<vmem>>, vector<1x16xf32>,
    %swap3A_701 = vector.shape_cast %swap3A_700 : vector<1x16xf32> to vector<16xf32>
    %swap3A_702 = vector.shape_cast %broadcast_in_dim3A_1 : vector<16xf32> to vector<1x16xf32>
    tpu.vector_store %arg11[%swap3A_698, %swap3A_699], %swap3A_702 {strides = array<i32>} : memref<16x128xf32, #tpu.memory_space<vmem>>, vector<1x16xf32>,
    %swap3A_703 = arith.constant 14 : i32
    %swap3A_704 = arith.index_cast %swap3A_703 : i32 to index
    %swap3A_705 = arith.constant 80 : index
    %swap3A_706 = tpu.vector_load %arg11[%swap3A_704, %swap3A_705] {strides = array<i32>} : memref<16x128xf32, #tpu.memory_space<vmem>>, vector<1x16xf32>,
    %swap3A_707 = vector.shape_cast %swap3A_706 : vector<1x16xf32> to vector<16xf32>
    %swap3A_708 = vector.shape_cast %broadcast_in_dim3A_1 : vector<16xf32> to vector<1x16xf32>
    tpu.vector_store %arg11[%swap3A_704, %swap3A_705], %swap3A_708 {strides = array<i32>} : memref<16x128xf32, #tpu.memory_space<vmem>>, vector<1x16xf32>,
    %swap3A_709 = arith.constant 14 : i32
    %swap3A_710 = arith.index_cast %swap3A_709 : i32 to index
    %swap3A_711 = arith.constant 96 : index
    %swap3A_712 = tpu.vector_load %arg11[%swap3A_710, %swap3A_711] {strides = array<i32>} : memref<16x128xf32, #tpu.memory_space<vmem>>, vector<1x16xf32>,
    %swap3A_713 = vector.shape_cast %swap3A_712 : vector<1x16xf32> to vector<16xf32>
    %swap3A_714 = vector.shape_cast %broadcast_in_dim3A_1 : vector<16xf32> to vector<1x16xf32>
    tpu.vector_store %arg11[%swap3A_710, %swap3A_711], %swap3A_714 {strides = array<i32>} : memref<16x128xf32, #tpu.memory_space<vmem>>, vector<1x16xf32>,
    %swap3A_715 = arith.constant 14 : i32
    %swap3A_716 = arith.index_cast %swap3A_715 : i32 to index
    %swap3A_717 = arith.constant 112 : index
    %swap3A_718 = tpu.vector_load %arg11[%swap3A_716, %swap3A_717] {strides = array<i32>} : memref<16x128xf32, #tpu.memory_space<vmem>>, vector<1x16xf32>,
    %swap3A_719 = vector.shape_cast %swap3A_718 : vector<1x16xf32> to vector<16xf32>
    %swap3A_720 = vector.shape_cast %broadcast_in_dim3A_1 : vector<16xf32> to vector<1x16xf32>
    tpu.vector_store %arg11[%swap3A_716, %swap3A_717], %swap3A_720 {strides = array<i32>} : memref<16x128xf32, #tpu.memory_space<vmem>>, vector<1x16xf32>,
    %swap3A_721 = arith.constant 15 : i32
    %swap3A_722 = arith.index_cast %swap3A_721 : i32 to index
    %swap3A_723 = arith.constant 0 : index
    %swap3A_724 = tpu.vector_load %arg11[%swap3A_722, %swap3A_723] {strides = array<i32>} : memref<16x128xf32, #tpu.memory_space<vmem>>, vector<1x16xf32>,
    %swap3A_725 = vector.shape_cast %swap3A_724 : vector<1x16xf32> to vector<16xf32>
    %swap3A_726 = vector.shape_cast %broadcast_in_dim3A_1 : vector<16xf32> to vector<1x16xf32>
    tpu.vector_store %arg11[%swap3A_722, %swap3A_723], %swap3A_726 {strides = array<i32>} : memref<16x128xf32, #tpu.memory_space<vmem>>, vector<1x16xf32>,
    %swap3A_727 = arith.constant 15 : i32
    %swap3A_728 = arith.index_cast %swap3A_727 : i32 to index
    %swap3A_729 = arith.constant 16 : index
    %swap3A_730 = tpu.vector_load %arg11[%swap3A_728, %swap3A_729] {strides = array<i32>} : memref<16x128xf32, #tpu.memory_space<vmem>>, vector<1x16xf32>,
    %swap3A_731 = vector.shape_cast %swap3A_730 : vector<1x16xf32> to vector<16xf32>
    %swap3A_732 = vector.shape_cast %broadcast_in_dim3A_1 : vector<16xf32> to vector<1x16xf32>
    tpu.vector_store %arg11[%swap3A_728, %swap3A_729], %swap3A_732 {strides = array<i32>} : memref<16x128xf32, #tpu.memory_space<vmem>>, vector<1x16xf32>,
    %swap3A_733 = arith.constant 15 : i32
    %swap3A_734 = arith.index_cast %swap3A_733 : i32 to index
    %swap3A_735 = arith.constant 32 : index
    %swap3A_736 = tpu.vector_load %arg11[%swap3A_734, %swap3A_735] {strides = array<i32>} : memref<16x128xf32, #tpu.memory_space<vmem>>, vector<1x16xf32>,
    %swap3A_737 = vector.shape_cast %swap3A_736 : vector<1x16xf32> to vector<16xf32>
    %swap3A_738 = vector.shape_cast %broadcast_in_dim3A_1 : vector<16xf32> to vector<1x16xf32>
    tpu.vector_store %arg11[%swap3A_734, %swap3A_735], %swap3A_738 {strides = array<i32>} : memref<16x128xf32, #tpu.memory_space<vmem>>, vector<1x16xf32>,
    %swap3A_739 = arith.constant 15 : i32
    %swap3A_740 = arith.index_cast %swap3A_739 : i32 to index
    %swap3A_741 = arith.constant 48 : index
    %swap3A_742 = tpu.vector_load %arg11[%swap3A_740, %swap3A_741] {strides = array<i32>} : memref<16x128xf32, #tpu.memory_space<vmem>>, vector<1x16xf32>,
    %swap3A_743 = vector.shape_cast %swap3A_742 : vector<1x16xf32> to vector<16xf32>
    %swap3A_744 = vector.shape_cast %broadcast_in_dim3A_1 : vector<16xf32> to vector<1x16xf32>
    tpu.vector_store %arg11[%swap3A_740, %swap3A_741], %swap3A_744 {strides = array<i32>} : memref<16x128xf32, #tpu.memory_space<vmem>>, vector<1x16xf32>,
    %swap3A_745 = arith.constant 15 : i32
    %swap3A_746 = arith.index_cast %swap3A_745 : i32 to index
    %swap3A_747 = arith.constant 64 : index
    %swap3A_748 = tpu.vector_load %arg11[%swap3A_746, %swap3A_747] {strides = array<i32>} : memref<16x128xf32, #tpu.memory_space<vmem>>, vector<1x16xf32>,
    %swap3A_749 = vector.shape_cast %swap3A_748 : vector<1x16xf32> to vector<16xf32>
    %swap3A_750 = vector.shape_cast %broadcast_in_dim3A_1 : vector<16xf32> to vector<1x16xf32>
    tpu.vector_store %arg11[%swap3A_746, %swap3A_747], %swap3A_750 {strides = array<i32>} : memref<16x128xf32, #tpu.memory_space<vmem>>, vector<1x16xf32>,
    %swap3A_751 = arith.constant 15 : i32
    %swap3A_752 = arith.index_cast %swap3A_751 : i32 to index
    %swap3A_753 = arith.constant 80 : index
    %swap3A_754 = tpu.vector_load %arg11[%swap3A_752, %swap3A_753] {strides = array<i32>} : memref<16x128xf32, #tpu.memory_space<vmem>>, vector<1x16xf32>,
    %swap3A_755 = vector.shape_cast %swap3A_754 : vector<1x16xf32> to vector<16xf32>
    %swap3A_756 = vector.shape_cast %broadcast_in_dim3A_1 : vector<16xf32> to vector<1x16xf32>
    tpu.vector_store %arg11[%swap3A_752, %swap3A_753], %swap3A_756 {strides = array<i32>} : memref<16x128xf32, #tpu.memory_space<vmem>>, vector<1x16xf32>,
    %swap3A_757 = arith.constant 15 : i32
    %swap3A_758 = arith.index_cast %swap3A_757 : i32 to index
    %swap3A_759 = arith.constant 96 : index
    %swap3A_760 = tpu.vector_load %arg11[%swap3A_758, %swap3A_759] {strides = array<i32>} : memref<16x128xf32, #tpu.memory_space<vmem>>, vector<1x16xf32>,
    %swap3A_761 = vector.shape_cast %swap3A_760 : vector<1x16xf32> to vector<16xf32>
    %swap3A_762 = vector.shape_cast %broadcast_in_dim3A_1 : vector<16xf32> to vector<1x16xf32>
    tpu.vector_store %arg11[%swap3A_758, %swap3A_759], %swap3A_762 {strides = array<i32>} : memref<16x128xf32, #tpu.memory_space<vmem>>, vector<1x16xf32>,
    %swap3A_763 = arith.constant 15 : i32
    %swap3A_764 = arith.index_cast %swap3A_763 : i32 to index
    %swap3A_765 = arith.constant 112 : index
    %swap3A_766 = tpu.vector_load %arg11[%swap3A_764, %swap3A_765] {strides = array<i32>} : memref<16x128xf32, #tpu.memory_space<vmem>>, vector<1x16xf32>,
    %swap3A_767 = vector.shape_cast %swap3A_766 : vector<1x16xf32> to vector<16xf32>
    %swap3A_768 = vector.shape_cast %broadcast_in_dim3A_1 : vector<16xf32> to vector<1x16xf32>
    tpu.vector_store %arg11[%swap3A_764, %swap3A_765], %swap3A_768 {strides = array<i32>} : memref<16x128xf32, #tpu.memory_space<vmem>>, vector<1x16xf32>,
    %swap3A_769 = arith.constant 0 : index
    %swap3A_770 = tpu.vector_load %arg12[%swap3A_769] {strides = array<i32>} : memref<16xf32, #tpu.memory_space<vmem>>, vector<16xf32>,
    %swap3A_771 = vector.shape_cast %swap3A_770 : vector<16xf32> to vector<16xf32>
    %swap3A_772 = vector.shape_cast %broadcast_in_dim3A_1 : vector<16xf32> to vector<16xf32>
    tpu.vector_store %arg12[%swap3A_769], %swap3A_772 {strides = array<i32>} : memref<16xf32, #tpu.memory_space<vmem>>, vector<16xf32>,
    %broadcast_in_dim3A_773 = arith.constant 1.000000e+00 : f32
    %broadcast_in_dim3A_774 = vector.broadcast %broadcast_in_dim3A_773 : f32 to vector<16xf32>
    %swap3A_775 = arith.constant 0 : index
    %swap3A_776 = tpu.vector_load %arg10[%swap3A_775] {strides = array<i32>} : memref<128xf32, #tpu.memory_space<vmem>>, vector<16xf32>,
    %swap3A_777 = vector.shape_cast %swap3A_776 : vector<16xf32> to vector<16xf32>
    %swap3A_778 = vector.shape_cast %broadcast_in_dim3A_774 : vector<16xf32> to vector<16xf32>
    tpu.vector_store %arg10[%swap3A_775], %swap3A_778 {strides = array<i32>} : memref<128xf32, #tpu.memory_space<vmem>>, vector<16xf32>,
    %broadcast_in_dim3A_779 = arith.constant 1.000000e+00 : f32
    %broadcast_in_dim3A_780 = vector.broadcast %broadcast_in_dim3A_779 : f32 to vector<16xf32>
    %swap3A_781 = arith.constant 16 : index
    %swap3A_782 = tpu.vector_load %arg10[%swap3A_781] {strides = array<i32>} : memref<128xf32, #tpu.memory_space<vmem>>, vector<16xf32>,
    %swap3A_783 = vector.shape_cast %swap3A_782 : vector<16xf32> to vector<16xf32>
    %swap3A_784 = vector.shape_cast %broadcast_in_dim3A_780 : vector<16xf32> to vector<16xf32>
    tpu.vector_store %arg10[%swap3A_781], %swap3A_784 {strides = array<i32>} : memref<128xf32, #tpu.memory_space<vmem>>, vector<16xf32>,
    %broadcast_in_dim3A_785 = arith.constant 1.000000e+00 : f32
    %broadcast_in_dim3A_786 = vector.broadcast %broadcast_in_dim3A_785 : f32 to vector<16xf32>
    %swap3A_787 = arith.constant 32 : index
    %swap3A_788 = tpu.vector_load %arg10[%swap3A_787] {strides = array<i32>} : memref<128xf32, #tpu.memory_space<vmem>>, vector<16xf32>,
    %swap3A_789 = vector.shape_cast %swap3A_788 : vector<16xf32> to vector<16xf32>
    %swap3A_790 = vector.shape_cast %broadcast_in_dim3A_786 : vector<16xf32> to vector<16xf32>
    tpu.vector_store %arg10[%swap3A_787], %swap3A_790 {strides = array<i32>} : memref<128xf32, #tpu.memory_space<vmem>>, vector<16xf32>,
    %broadcast_in_dim3A_791 = arith.constant 1.000000e+00 : f32
    %broadcast_in_dim3A_792 = vector.broadcast %broadcast_in_dim3A_791 : f32 to vector<16xf32>
    %swap3A_793 = arith.constant 48 : index
    %swap3A_794 = tpu.vector_load %arg10[%swap3A_793] {strides = array<i32>} : memref<128xf32, #tpu.memory_space<vmem>>, vector<16xf32>,
    %swap3A_795 = vector.shape_cast %swap3A_794 : vector<16xf32> to vector<16xf32>
    %swap3A_796 = vector.shape_cast %broadcast_in_dim3A_792 : vector<16xf32> to vector<16xf32>
    tpu.vector_store %arg10[%swap3A_793], %swap3A_796 {strides = array<i32>} : memref<128xf32, #tpu.memory_space<vmem>>, vector<16xf32>,
    %broadcast_in_dim3A_797 = arith.constant 1.000000e+00 : f32
    %broadcast_in_dim3A_798 = vector.broadcast %broadcast_in_dim3A_797 : f32 to vector<16xf32>
    %swap3A_799 = arith.constant 64 : index
    %swap3A_800 = tpu.vector_load %arg10[%swap3A_799] {strides = array<i32>} : memref<128xf32, #tpu.memory_space<vmem>>, vector<16xf32>,
    %swap3A_801 = vector.shape_cast %swap3A_800 : vector<16xf32> to vector<16xf32>
    %swap3A_802 = vector.shape_cast %broadcast_in_dim3A_798 : vector<16xf32> to vector<16xf32>
    tpu.vector_store %arg10[%swap3A_799], %swap3A_802 {strides = array<i32>} : memref<128xf32, #tpu.memory_space<vmem>>, vector<16xf32>,
    %broadcast_in_dim3A_803 = arith.constant 1.000000e+00 : f32
    %broadcast_in_dim3A_804 = vector.broadcast %broadcast_in_dim3A_803 : f32 to vector<16xf32>
    %swap3A_805 = arith.constant 80 : index
    %swap3A_806 = tpu.vector_load %arg10[%swap3A_805] {strides = array<i32>} : memref<128xf32, #tpu.memory_space<vmem>>, vector<16xf32>,
    %swap3A_807 = vector.shape_cast %swap3A_806 : vector<16xf32> to vector<16xf32>
    %swap3A_808 = vector.shape_cast %broadcast_in_dim3A_804 : vector<16xf32> to vector<16xf32>
    tpu.vector_store %arg10[%swap3A_805], %swap3A_808 {strides = array<i32>} : memref<128xf32, #tpu.memory_space<vmem>>, vector<16xf32>,
    %broadcast_in_dim3A_809 = arith.constant 1.000000e+00 : f32
    %broadcast_in_dim3A_810 = vector.broadcast %broadcast_in_dim3A_809 : f32 to vector<16xf32>
    %swap3A_811 = arith.constant 96 : index
    %swap3A_812 = tpu.vector_load %arg10[%swap3A_811] {strides = array<i32>} : memref<128xf32, #tpu.memory_space<vmem>>, vector<16xf32>,
    %swap3A_813 = vector.shape_cast %swap3A_812 : vector<16xf32> to vector<16xf32>
    %swap3A_814 = vector.shape_cast %broadcast_in_dim3A_810 : vector<16xf32> to vector<16xf32>
    tpu.vector_store %arg10[%swap3A_811], %swap3A_814 {strides = array<i32>} : memref<128xf32, #tpu.memory_space<vmem>>, vector<16xf32>,
    %broadcast_in_dim3A_815 = arith.constant 1.000000e+00 : f32
    %broadcast_in_dim3A_816 = vector.broadcast %broadcast_in_dim3A_815 : f32 to vector<16xf32>
    %swap3A_817 = arith.constant 112 : index
    %swap3A_818 = tpu.vector_load %arg10[%swap3A_817] {strides = array<i32>} : memref<128xf32, #tpu.memory_space<vmem>>, vector<16xf32>,
    %swap3A_819 = vector.shape_cast %swap3A_818 : vector<16xf32> to vector<16xf32>
    %swap3A_820 = vector.shape_cast %broadcast_in_dim3A_816 : vector<16xf32> to vector<16xf32>
    tpu.vector_store %arg10[%swap3A_817], %swap3A_820 {strides = array<i32>} : memref<128xf32, #tpu.memory_space<vmem>>, vector<16xf32>,
    %mul3A_821 = arith.constant 48 : i32
    %mul3A_822 = arith.muli %arg1, %mul3A_821 : i32
    %add3A_823 = arith.constant 0 : i32
    %add3A_824 = arith.addi %mul3A_822, %add3A_823 : i32
    "tpu.region"() ({
      %run_scoped3A = tpu.sem_alloc : memref<!tpu.dma_semaphore, #tpu.memory_space<semaphore_mem>>
      %dma_start3A_913 = arith.constant 0 : i32
      %dma_start3A_914 = tpu.memref_slice %arg14[%add3A_824, %dma_start3A_913] : memref<768x128xf32, #tpu.memory_space<vmem_shared>> -> memref<16x128xf32, #tpu.memory_space<vmem_shared>>
      %dma_start3A_915 = arith.constant 0 : i32
      %dma_start3A_916 = tpu.memref_slice %arg14[%add3A_824, %dma_start3A_915] : memref<768x128xf32, #tpu.memory_space<vmem_shared>> -> memref<16x128xf32, #tpu.memory_space<vmem_shared>>
      tpu.enqueue_dma source(%arg11 : memref<16x128xf32, #tpu.memory_space<vmem>>) target(%dma_start3A_916 : memref<16x128xf32, #tpu.memory_space<vmem_shared>>) target_semaphore(%run_scoped3A : memref<!tpu.dma_semaphore, #tpu.memory_space<semaphore_mem>>)
      %dma_wait3A = arith.constant 0 : i32
      %dma_wait3A_917 = tpu.memref_slice %arg14[%add3A_824, %dma_wait3A] : memref<768x128xf32, #tpu.memory_space<vmem_shared>> -> memref<16x128xf32, #tpu.memory_space<vmem_shared>>
      %dma_wait3A_918 = arith.constant 0 : i32
      %dma_wait3A_919 = tpu.memref_slice %arg14[%add3A_824, %dma_wait3A_918] : memref<768x128xf32, #tpu.memory_space<vmem_shared>> -> memref<16x128xf32, #tpu.memory_space<vmem_shared>>
      tpu.wait_dma2 semaphore(%run_scoped3A : memref<!tpu.dma_semaphore, #tpu.memory_space<semaphore_mem>>) src(%arg11 : memref<16x128xf32, #tpu.memory_space<vmem>>) dst(%dma_wait3A_919 : memref<16x128xf32, #tpu.memory_space<vmem_shared>>)
      tpu.yield
    }) : () -> ()
    %mul3A_825 = arith.constant 48 : i32
    %mul3A_826 = arith.muli %arg1, %mul3A_825 : i32
    %add3A_827 = arith.constant 0 : i32
    %add3A_828 = arith.addi %mul3A_826, %add3A_827 : i32
    "tpu.region"() ({
      %run_scoped3A = tpu.sem_alloc : memref<!tpu.dma_semaphore, #tpu.memory_space<semaphore_mem>>
      %dma_start3A_913 = tpu.memref_slice %arg15[%add3A_828] : memref<768xf32, #tpu.memory_space<vmem_shared>> -> memref<16xf32, #tpu.memory_space<vmem_shared>>
      %dma_start3A_914 = tpu.memref_slice %arg15[%add3A_828] : memref<768xf32, #tpu.memory_space<vmem_shared>> -> memref<16xf32, #tpu.memory_space<vmem_shared>>
      tpu.enqueue_dma source(%arg12 : memref<16xf32, #tpu.memory_space<vmem>>) target(%dma_start3A_914 : memref<16xf32, #tpu.memory_space<vmem_shared>>) target_semaphore(%run_scoped3A : memref<!tpu.dma_semaphore, #tpu.memory_space<semaphore_mem>>)
      %dma_wait3A = tpu.memref_slice %arg15[%add3A_828] : memref<768xf32, #tpu.memory_space<vmem_shared>> -> memref<16xf32, #tpu.memory_space<vmem_shared>>
      %dma_wait3A_915 = tpu.memref_slice %arg15[%add3A_828] : memref<768xf32, #tpu.memory_space<vmem_shared>> -> memref<16xf32, #tpu.memory_space<vmem_shared>>
      tpu.wait_dma2 semaphore(%run_scoped3A : memref<!tpu.dma_semaphore, #tpu.memory_space<semaphore_mem>>) src(%arg12 : memref<16xf32, #tpu.memory_space<vmem>>) dst(%dma_wait3A_915 : memref<16xf32, #tpu.memory_space<vmem_shared>>)
      tpu.yield
    }) : () -> ()
    %mul3A_829 = arith.constant 48 : i32
    %mul3A_830 = arith.muli %arg1, %mul3A_829 : i32
    %add3A_831 = arith.constant 16 : i32
    %add3A_832 = arith.addi %mul3A_830, %add3A_831 : i32
    "tpu.region"() ({
      %run_scoped3A = tpu.sem_alloc : memref<!tpu.dma_semaphore, #tpu.memory_space<semaphore_mem>>
      %dma_start3A_913 = arith.constant 0 : i32
      %dma_start3A_914 = tpu.memref_slice %arg14[%add3A_832, %dma_start3A_913] : memref<768x128xf32, #tpu.memory_space<vmem_shared>> -> memref<16x128xf32, #tpu.memory_space<vmem_shared>>
      %dma_start3A_915 = arith.constant 0 : i32
      %dma_start3A_916 = tpu.memref_slice %arg14[%add3A_832, %dma_start3A_915] : memref<768x128xf32, #tpu.memory_space<vmem_shared>> -> memref<16x128xf32, #tpu.memory_space<vmem_shared>>
      tpu.enqueue_dma source(%arg11 : memref<16x128xf32, #tpu.memory_space<vmem>>) target(%dma_start3A_916 : memref<16x128xf32, #tpu.memory_space<vmem_shared>>) target_semaphore(%run_scoped3A : memref<!tpu.dma_semaphore, #tpu.memory_space<semaphore_mem>>)
      %dma_wait3A = arith.constant 0 : i32
      %dma_wait3A_917 = tpu.memref_slice %arg14[%add3A_832, %dma_wait3A] : memref<768x128xf32, #tpu.memory_space<vmem_shared>> -> memref<16x128xf32, #tpu.memory_space<vmem_shared>>
      %dma_wait3A_918 = arith.constant 0 : i32
      %dma_wait3A_919 = tpu.memref_slice %arg14[%add3A_832, %dma_wait3A_918] : memref<768x128xf32, #tpu.memory_space<vmem_shared>> -> memref<16x128xf32, #tpu.memory_space<vmem_shared>>
      tpu.wait_dma2 semaphore(%run_scoped3A : memref<!tpu.dma_semaphore, #tpu.memory_space<semaphore_mem>>) src(%arg11 : memref<16x128xf32, #tpu.memory_space<vmem>>) dst(%dma_wait3A_919 : memref<16x128xf32, #tpu.memory_space<vmem_shared>>)
      tpu.yield
    }) : () -> ()
    %mul3A_833 = arith.constant 48 : i32
    %mul3A_834 = arith.muli %arg1, %mul3A_833 : i32
    %add3A_835 = arith.constant 16 : i32
    %add3A_836 = arith.addi %mul3A_834, %add3A_835 : i32
    "tpu.region"() ({
      %run_scoped3A = tpu.sem_alloc : memref<!tpu.dma_semaphore, #tpu.memory_space<semaphore_mem>>
      %dma_start3A_913 = tpu.memref_slice %arg15[%add3A_836] : memref<768xf32, #tpu.memory_space<vmem_shared>> -> memref<16xf32, #tpu.memory_space<vmem_shared>>
      %dma_start3A_914 = tpu.memref_slice %arg15[%add3A_836] : memref<768xf32, #tpu.memory_space<vmem_shared>> -> memref<16xf32, #tpu.memory_space<vmem_shared>>
      tpu.enqueue_dma source(%arg12 : memref<16xf32, #tpu.memory_space<vmem>>) target(%dma_start3A_914 : memref<16xf32, #tpu.memory_space<vmem_shared>>) target_semaphore(%run_scoped3A : memref<!tpu.dma_semaphore, #tpu.memory_space<semaphore_mem>>)
      %dma_wait3A = tpu.memref_slice %arg15[%add3A_836] : memref<768xf32, #tpu.memory_space<vmem_shared>> -> memref<16xf32, #tpu.memory_space<vmem_shared>>
      %dma_wait3A_915 = tpu.memref_slice %arg15[%add3A_836] : memref<768xf32, #tpu.memory_space<vmem_shared>> -> memref<16xf32, #tpu.memory_space<vmem_shared>>
      tpu.wait_dma2 semaphore(%run_scoped3A : memref<!tpu.dma_semaphore, #tpu.memory_space<semaphore_mem>>) src(%arg12 : memref<16xf32, #tpu.memory_space<vmem>>) dst(%dma_wait3A_915 : memref<16xf32, #tpu.memory_space<vmem_shared>>)
      tpu.yield
    }) : () -> ()
    %mul3A_837 = arith.constant 48 : i32
    %mul3A_838 = arith.muli %arg1, %mul3A_837 : i32
    %add3A_839 = arith.constant 32 : i32
    %add3A_840 = arith.addi %mul3A_838, %add3A_839 : i32
    "tpu.region"() ({
      %run_scoped3A = tpu.sem_alloc : memref<!tpu.dma_semaphore, #tpu.memory_space<semaphore_mem>>
      %dma_start3A_913 = arith.constant 0 : i32
      %dma_start3A_914 = tpu.memref_slice %arg14[%add3A_840, %dma_start3A_913] : memref<768x128xf32, #tpu.memory_space<vmem_shared>> -> memref<16x128xf32, #tpu.memory_space<vmem_shared>>
      %dma_start3A_915 = arith.constant 0 : i32
      %dma_start3A_916 = tpu.memref_slice %arg14[%add3A_840, %dma_start3A_915] : memref<768x128xf32, #tpu.memory_space<vmem_shared>> -> memref<16x128xf32, #tpu.memory_space<vmem_shared>>
      tpu.enqueue_dma source(%arg11 : memref<16x128xf32, #tpu.memory_space<vmem>>) target(%dma_start3A_916 : memref<16x128xf32, #tpu.memory_space<vmem_shared>>) target_semaphore(%run_scoped3A : memref<!tpu.dma_semaphore, #tpu.memory_space<semaphore_mem>>)
      %dma_wait3A = arith.constant 0 : i32
      %dma_wait3A_917 = tpu.memref_slice %arg14[%add3A_840, %dma_wait3A] : memref<768x128xf32, #tpu.memory_space<vmem_shared>> -> memref<16x128xf32, #tpu.memory_space<vmem_shared>>
      %dma_wait3A_918 = arith.constant 0 : i32
      %dma_wait3A_919 = tpu.memref_slice %arg14[%add3A_840, %dma_wait3A_918] : memref<768x128xf32, #tpu.memory_space<vmem_shared>> -> memref<16x128xf32, #tpu.memory_space<vmem_shared>>
      tpu.wait_dma2 semaphore(%run_scoped3A : memref<!tpu.dma_semaphore, #tpu.memory_space<semaphore_mem>>) src(%arg11 : memref<16x128xf32, #tpu.memory_space<vmem>>) dst(%dma_wait3A_919 : memref<16x128xf32, #tpu.memory_space<vmem_shared>>)
      tpu.yield
    }) : () -> ()
    %mul3A_841 = arith.constant 48 : i32
    %mul3A_842 = arith.muli %arg1, %mul3A_841 : i32
    %add3A_843 = arith.constant 32 : i32
    %add3A_844 = arith.addi %mul3A_842, %add3A_843 : i32
    "tpu.region"() ({
      %run_scoped3A = tpu.sem_alloc : memref<!tpu.dma_semaphore, #tpu.memory_space<semaphore_mem>>
      %dma_start3A_913 = tpu.memref_slice %arg15[%add3A_844] : memref<768xf32, #tpu.memory_space<vmem_shared>> -> memref<16xf32, #tpu.memory_space<vmem_shared>>
      %dma_start3A_914 = tpu.memref_slice %arg15[%add3A_844] : memref<768xf32, #tpu.memory_space<vmem_shared>> -> memref<16xf32, #tpu.memory_space<vmem_shared>>
      tpu.enqueue_dma source(%arg12 : memref<16xf32, #tpu.memory_space<vmem>>) target(%dma_start3A_914 : memref<16xf32, #tpu.memory_space<vmem_shared>>) target_semaphore(%run_scoped3A : memref<!tpu.dma_semaphore, #tpu.memory_space<semaphore_mem>>)
      %dma_wait3A = tpu.memref_slice %arg15[%add3A_844] : memref<768xf32, #tpu.memory_space<vmem_shared>> -> memref<16xf32, #tpu.memory_space<vmem_shared>>
      %dma_wait3A_915 = tpu.memref_slice %arg15[%add3A_844] : memref<768xf32, #tpu.memory_space<vmem_shared>> -> memref<16xf32, #tpu.memory_space<vmem_shared>>
      tpu.wait_dma2 semaphore(%run_scoped3A : memref<!tpu.dma_semaphore, #tpu.memory_space<semaphore_mem>>) src(%arg12 : memref<16xf32, #tpu.memory_space<vmem>>) dst(%dma_wait3A_915 : memref<16xf32, #tpu.memory_space<vmem_shared>>)
      tpu.yield
    }) : () -> ()
    %mul3A_845 = arith.constant 8 : i32
    %mul3A_846 = arith.muli %add3A, %mul3A_845 : i32
    "tpu.region"() ({
      %run_scoped3A = tpu.sem_alloc : memref<!tpu.dma_semaphore, #tpu.memory_space<semaphore_mem>>
      %dma_start3A_913 = arith.constant 0 : i32
      %dma_start3A_914 = tpu.memref_slice %arg3[%mul3A_846, %dma_start3A_913] : memref<256x128xi32, #tpu.memory_space<hbm>> -> memref<8x128xi32, #tpu.memory_space<hbm>>
      %dma_start3A_915 = arith.constant 0 : i32
      %dma_start3A_916 = tpu.memref_slice %arg3[%mul3A_846, %dma_start3A_915] : memref<256x128xi32, #tpu.memory_space<hbm>> -> memref<8x128xi32, #tpu.memory_space<hbm>>
      tpu.enqueue_dma source(%dma_start3A_916 : memref<8x128xi32, #tpu.memory_space<hbm>>) target(%arg7 : memref<8x128xi32, #tpu.memory_space<vmem>>) target_semaphore(%run_scoped3A : memref<!tpu.dma_semaphore, #tpu.memory_space<semaphore_mem>>)
      %dma_wait3A = arith.constant 0 : i32
      %dma_wait3A_917 = tpu.memref_slice %arg3[%mul3A_846, %dma_wait3A] : memref<256x128xi32, #tpu.memory_space<hbm>> -> memref<8x128xi32, #tpu.memory_space<hbm>>
      %dma_wait3A_918 = arith.constant 0 : i32
      %dma_wait3A_919 = tpu.memref_slice %arg3[%mul3A_846, %dma_wait3A_918] : memref<256x128xi32, #tpu.memory_space<hbm>> -> memref<8x128xi32, #tpu.memory_space<hbm>>
      tpu.wait_dma2 semaphore(%run_scoped3A : memref<!tpu.dma_semaphore, #tpu.memory_space<semaphore_mem>>) src(%dma_wait3A_919 : memref<8x128xi32, #tpu.memory_space<hbm>>) dst(%arg7 : memref<8x128xi32, #tpu.memory_space<vmem>>)
      tpu.yield
    }) : () -> ()
    %mul3A_847 = arith.constant 8 : i32
    %mul3A_848 = arith.muli %add3A, %mul3A_847 : i32
    "tpu.region"() ({
      %run_scoped3A = tpu.sem_alloc : memref<!tpu.dma_semaphore, #tpu.memory_space<semaphore_mem>>
      %dma_start3A_913 = arith.constant 0 : i32
      %dma_start3A_914 = tpu.memref_slice %arg4[%mul3A_848, %dma_start3A_913] : memref<256x128xi32, #tpu.memory_space<hbm>> -> memref<8x128xi32, #tpu.memory_space<hbm>>
      %dma_start3A_915 = arith.constant 0 : i32
      %dma_start3A_916 = tpu.memref_slice %arg4[%mul3A_848, %dma_start3A_915] : memref<256x128xi32, #tpu.memory_space<hbm>> -> memref<8x128xi32, #tpu.memory_space<hbm>>
      tpu.enqueue_dma source(%dma_start3A_916 : memref<8x128xi32, #tpu.memory_space<hbm>>) target(%arg8 : memref<8x128xi32, #tpu.memory_space<vmem>>) target_semaphore(%run_scoped3A : memref<!tpu.dma_semaphore, #tpu.memory_space<semaphore_mem>>)
      %dma_wait3A = arith.constant 0 : i32
      %dma_wait3A_917 = tpu.memref_slice %arg4[%mul3A_848, %dma_wait3A] : memref<256x128xi32, #tpu.memory_space<hbm>> -> memref<8x128xi32, #tpu.memory_space<hbm>>
      %dma_wait3A_918 = arith.constant 0 : i32
      %dma_wait3A_919 = tpu.memref_slice %arg4[%mul3A_848, %dma_wait3A_918] : memref<256x128xi32, #tpu.memory_space<hbm>> -> memref<8x128xi32, #tpu.memory_space<hbm>>
      tpu.wait_dma2 semaphore(%run_scoped3A : memref<!tpu.dma_semaphore, #tpu.memory_space<semaphore_mem>>) src(%dma_wait3A_919 : memref<8x128xi32, #tpu.memory_space<hbm>>) dst(%arg8 : memref<8x128xi32, #tpu.memory_space<vmem>>)
      tpu.yield
    }) : () -> ()
    %barrier3A = arith.constant 0 : index
    tpu.barrier barrier_id(%barrier3A)
    %dma_start3A = arith.constant 0 : i32
    %dma_start3A_849 = arith.constant 0 : i32
    %dma_start3A_850 = arith.constant 0 : i32
    %dma_start3A_851 = arith.constant 0 : i32
    %dma_start3A_852 = tpu.memref_slice %arg9[%dma_start3A_849, %dma_start3A_850, %dma_start3A_851] : memref<4x128x128xf32, #tpu.memory_space<vmem>> -> memref<1x128x128xf32, #tpu.memory_space<vmem>>
    %dma_start3A_853 = tpu.memref_squeeze %dma_start3A_852 : memref<1x128x128xf32, #tpu.memory_space<vmem>> -> memref<128x128xf32, #tpu.memory_space<vmem>>
    %dma_start3A_854 = arith.constant 0 : i32
    %dma_start3A_855 = tpu.memref_slice %arg7[%dma_start3A, %dma_start3A_854] : memref<8x128xi32, #tpu.memory_space<vmem>> -> memref<1x128xi32, #tpu.memory_space<vmem>>
    %dma_start3A_856 = tpu.memref_squeeze %dma_start3A_855 : memref<1x128xi32, #tpu.memory_space<vmem>> -> memref<128xi32, #tpu.memory_space<vmem>>
    %dma_start3A_857 = arith.constant 0 : i32
    %dma_start3A_858 = arith.constant 0 : i32
    %dma_start3A_859 = tpu.memref_slice %arg2[%dma_start3A_857, %dma_start3A_858] : memref<2048x128xf32, #tpu.memory_space<hbm>> -> memref<2048x128xf32, #tpu.memory_space<hbm>>
    tpu.enqueue_indirect_dma source(%dma_start3A_859 : memref<2048x128xf32, #tpu.memory_space<hbm>>) target(%dma_start3A_853 : memref<128x128xf32, #tpu.memory_space<vmem>>) offsets(%dma_start3A_856 : memref<128xi32, #tpu.memory_space<vmem>>) semaphore(%arg16 : memref<!tpu.dma_semaphore, #tpu.memory_space<semaphore_mem>>)
    %dma_start3A_860 = arith.constant 1 : i32
    %dma_start3A_861 = arith.constant 1 : i32
    %dma_start3A_862 = arith.constant 0 : i32
    %dma_start3A_863 = arith.constant 0 : i32
    %dma_start3A_864 = tpu.memref_slice %arg9[%dma_start3A_861, %dma_start3A_862, %dma_start3A_863] : memref<4x128x128xf32, #tpu.memory_space<vmem>> -> memref<1x128x128xf32, #tpu.memory_space<vmem>>
    %dma_start3A_865 = tpu.memref_squeeze %dma_start3A_864 : memref<1x128x128xf32, #tpu.memory_space<vmem>> -> memref<128x128xf32, #tpu.memory_space<vmem>>
    %dma_start3A_866 = arith.constant 0 : i32
    %dma_start3A_867 = tpu.memref_slice %arg7[%dma_start3A_860, %dma_start3A_866] : memref<8x128xi32, #tpu.memory_space<vmem>> -> memref<1x128xi32, #tpu.memory_space<vmem>>
    %dma_start3A_868 = tpu.memref_squeeze %dma_start3A_867 : memref<1x128xi32, #tpu.memory_space<vmem>> -> memref<128xi32, #tpu.memory_space<vmem>>
    %dma_start3A_869 = arith.constant 0 : i32
    %dma_start3A_870 = arith.constant 0 : i32
    %dma_start3A_871 = tpu.memref_slice %arg2[%dma_start3A_869, %dma_start3A_870] : memref<2048x128xf32, #tpu.memory_space<hbm>> -> memref<2048x128xf32, #tpu.memory_space<hbm>>
    tpu.enqueue_indirect_dma source(%dma_start3A_871 : memref<2048x128xf32, #tpu.memory_space<hbm>>) target(%dma_start3A_865 : memref<128x128xf32, #tpu.memory_space<vmem>>) offsets(%dma_start3A_868 : memref<128xi32, #tpu.memory_space<vmem>>) semaphore(%arg17 : memref<!tpu.dma_semaphore, #tpu.memory_space<semaphore_mem>>)
    %dma_start3A_872 = arith.constant 2 : i32
    %dma_start3A_873 = arith.constant 2 : i32
    %dma_start3A_874 = arith.constant 0 : i32
    %dma_start3A_875 = arith.constant 0 : i32
    %dma_start3A_876 = tpu.memref_slice %arg9[%dma_start3A_873, %dma_start3A_874, %dma_start3A_875] : memref<4x128x128xf32, #tpu.memory_space<vmem>> -> memref<1x128x128xf32, #tpu.memory_space<vmem>>
    %dma_start3A_877 = tpu.memref_squeeze %dma_start3A_876 : memref<1x128x128xf32, #tpu.memory_space<vmem>> -> memref<128x128xf32, #tpu.memory_space<vmem>>
    %dma_start3A_878 = arith.constant 0 : i32
    %dma_start3A_879 = tpu.memref_slice %arg7[%dma_start3A_872, %dma_start3A_878] : memref<8x128xi32, #tpu.memory_space<vmem>> -> memref<1x128xi32, #tpu.memory_space<vmem>>
    %dma_start3A_880 = tpu.memref_squeeze %dma_start3A_879 : memref<1x128xi32, #tpu.memory_space<vmem>> -> memref<128xi32, #tpu.memory_space<vmem>>
    %dma_start3A_881 = arith.constant 0 : i32
    %dma_start3A_882 = arith.constant 0 : i32
    %dma_start3A_883 = tpu.memref_slice %arg2[%dma_start3A_881, %dma_start3A_882] : memref<2048x128xf32, #tpu.memory_space<hbm>> -> memref<2048x128xf32, #tpu.memory_space<hbm>>
    tpu.enqueue_indirect_dma source(%dma_start3A_883 : memref<2048x128xf32, #tpu.memory_space<hbm>>) target(%dma_start3A_877 : memref<128x128xf32, #tpu.memory_space<vmem>>) offsets(%dma_start3A_880 : memref<128xi32, #tpu.memory_space<vmem>>) semaphore(%arg18 : memref<!tpu.dma_semaphore, #tpu.memory_space<semaphore_mem>>)
    %dma_start3A_884 = arith.constant 3 : i32
    %dma_start3A_885 = arith.constant 3 : i32
    %dma_start3A_886 = arith.constant 0 : i32
    %dma_start3A_887 = arith.constant 0 : i32
    %dma_start3A_888 = tpu.memref_slice %arg9[%dma_start3A_885, %dma_start3A_886, %dma_start3A_887] : memref<4x128x128xf32, #tpu.memory_space<vmem>> -> memref<1x128x128xf32, #tpu.memory_space<vmem>>
    %dma_start3A_889 = tpu.memref_squeeze %dma_start3A_888 : memref<1x128x128xf32, #tpu.memory_space<vmem>> -> memref<128x128xf32, #tpu.memory_space<vmem>>
    %dma_start3A_890 = arith.constant 0 : i32
    %dma_start3A_891 = tpu.memref_slice %arg7[%dma_start3A_884, %dma_start3A_890] : memref<8x128xi32, #tpu.memory_space<vmem>> -> memref<1x128xi32, #tpu.memory_space<vmem>>
    %dma_start3A_892 = tpu.memref_squeeze %dma_start3A_891 : memref<1x128xi32, #tpu.memory_space<vmem>> -> memref<128xi32, #tpu.memory_space<vmem>>
    %dma_start3A_893 = arith.constant 0 : i32
    %dma_start3A_894 = arith.constant 0 : i32
    %dma_start3A_895 = tpu.memref_slice %arg2[%dma_start3A_893, %dma_start3A_894] : memref<2048x128xf32, #tpu.memory_space<hbm>> -> memref<2048x128xf32, #tpu.memory_space<hbm>>
    tpu.enqueue_indirect_dma source(%dma_start3A_895 : memref<2048x128xf32, #tpu.memory_space<hbm>>) target(%dma_start3A_889 : memref<128x128xf32, #tpu.memory_space<vmem>>) offsets(%dma_start3A_892 : memref<128xi32, #tpu.memory_space<vmem>>) semaphore(%arg19 : memref<!tpu.dma_semaphore, #tpu.memory_space<semaphore_mem>>)
    %scan3A = arith.constant 0 : i32
    %scan3A_896 = arith.constant 0 : i32
    %scan3A_897 = arith.constant 2 : i32
    %scan3A_898 = arith.addi %scan3A_896, %scan3A_897 : i32
    %scan3A_899 = arith.constant 1 : i32
    scf.for %scan3A_913 = %scan3A_896 to %scan3A_898 step %scan3A_899  : i32 {
      %mul3A_914 = arith.constant 4 : i32
      %mul3A_915 = arith.muli %mul3A_914, %scan3A_913 : i32
      %add3A_916 = arith.constant 0 : i32
      %add3A_917 = arith.addi %mul3A_915, %add3A_916 : i32
      %dma_wait3A = arith.constant 0 : i32
      %dma_wait3A_918 = arith.constant 0 : i32
      %dma_wait3A_919 = arith.constant 0 : i32
      %dma_wait3A_920 = tpu.memref_slice %arg9[%dma_wait3A, %dma_wait3A_918, %dma_wait3A_919] : memref<4x128x128xf32, #tpu.memory_space<vmem>> -> memref<1x128x128xf32, #tpu.memory_space<vmem>>
      %dma_wait3A_921 = tpu.memref_squeeze %dma_wait3A_920 : memref<1x128x128xf32, #tpu.memory_space<vmem>> -> memref<128x128xf32, #tpu.memory_space<vmem>>
      %dma_wait3A_922 = arith.constant 0 : i32
      %dma_wait3A_923 = tpu.memref_slice %arg7[%add3A_917, %dma_wait3A_922] : memref<8x128xi32, #tpu.memory_space<vmem>> -> memref<1x128xi32, #tpu.memory_space<vmem>>
      %dma_wait3A_924 = tpu.memref_squeeze %dma_wait3A_923 : memref<1x128xi32, #tpu.memory_space<vmem>> -> memref<128xi32, #tpu.memory_space<vmem>>
      %dma_wait3A_925 = arith.constant 0 : i32
      %dma_wait3A_926 = arith.constant 0 : i32
      %dma_wait3A_927 = tpu.memref_slice %arg2[%dma_wait3A_925, %dma_wait3A_926] : memref<2048x128xf32, #tpu.memory_space<hbm>> -> memref<2048x128xf32, #tpu.memory_space<hbm>>
      tpu.wait_indirect_dma semaphore(%arg16 : memref<!tpu.dma_semaphore, #tpu.memory_space<semaphore_mem>>) src(%dma_wait3A_927 : memref<2048x128xf32, #tpu.memory_space<hbm>>) dst(%dma_wait3A_921 : memref<128x128xf32, #tpu.memory_space<vmem>>)
      %run_scoped3A = arith.constant 0 : i32
      "tpu.region"() ({
        %run_scoped3A_1001 = tpu.sem_alloc : memref<!tpu.dma_semaphore, #tpu.memory_space<semaphore_mem>>
        %dma_start3A_1002 = arith.constant 0 : i32
        %dma_start3A_1003 = arith.constant 0 : i32
        %dma_start3A_1004 = tpu.memref_slice %arg9[%run_scoped3A, %dma_start3A_1002, %dma_start3A_1003] : memref<4x128x128xf32, #tpu.memory_space<vmem>> -> memref<1x128x128xf32, #tpu.memory_space<vmem>>
        %dma_start3A_1005 = tpu.memref_squeeze %dma_start3A_1004 : memref<1x128x128xf32, #tpu.memory_space<vmem>> -> memref<128x128xf32, #tpu.memory_space<vmem>>
        %dma_start3A_1006 = arith.constant 0 : i32
        %dma_start3A_1007 = tpu.memref_slice %arg8[%add3A_917, %dma_start3A_1006] : memref<8x128xi32, #tpu.memory_space<vmem>> -> memref<1x128xi32, #tpu.memory_space<vmem>>
        %dma_start3A_1008 = tpu.memref_squeeze %dma_start3A_1007 : memref<1x128xi32, #tpu.memory_space<vmem>> -> memref<128xi32, #tpu.memory_space<vmem>>
        %dma_start3A_1009 = arith.constant 0 : i32
        %dma_start3A_1010 = arith.constant 0 : i32
        %dma_start3A_1011 = tpu.memref_slice %arg14[%dma_start3A_1009, %dma_start3A_1010] : memref<768x128xf32, #tpu.memory_space<vmem_shared>> -> memref<768x128xf32, #tpu.memory_space<vmem_shared>>
        tpu.enqueue_indirect_dma source(%dma_start3A_1005 : memref<128x128xf32, #tpu.memory_space<vmem>>) target(%dma_start3A_1011 : memref<768x128xf32, #tpu.memory_space<vmem_shared>>) offsets(%dma_start3A_1008 : memref<128xi32, #tpu.memory_space<vmem>>) semaphore(%run_scoped3A_1001 : memref<!tpu.dma_semaphore, #tpu.memory_space<semaphore_mem>>) {add = true}
        %dma_wait3A_1012 = arith.constant 0 : i32
        %dma_wait3A_1013 = arith.constant 0 : i32
        %dma_wait3A_1014 = tpu.memref_slice %arg9[%run_scoped3A, %dma_wait3A_1012, %dma_wait3A_1013] : memref<4x128x128xf32, #tpu.memory_space<vmem>> -> memref<1x128x128xf32, #tpu.memory_space<vmem>>
        %dma_wait3A_1015 = tpu.memref_squeeze %dma_wait3A_1014 : memref<1x128x128xf32, #tpu.memory_space<vmem>> -> memref<128x128xf32, #tpu.memory_space<vmem>>
        %dma_wait3A_1016 = arith.constant 0 : i32
        %dma_wait3A_1017 = tpu.memref_slice %arg8[%add3A_917, %dma_wait3A_1016] : memref<8x128xi32, #tpu.memory_space<vmem>> -> memref<1x128xi32, #tpu.memory_space<vmem>>
        %dma_wait3A_1018 = tpu.memref_squeeze %dma_wait3A_1017 : memref<1x128xi32, #tpu.memory_space<vmem>> -> memref<128xi32, #tpu.memory_space<vmem>>
        %dma_wait3A_1019 = arith.constant 0 : i32
        %dma_wait3A_1020 = arith.constant 0 : i32
        %dma_wait3A_1021 = tpu.memref_slice %arg14[%dma_wait3A_1019, %dma_wait3A_1020] : memref<768x128xf32, #tpu.memory_space<vmem_shared>> -> memref<768x128xf32, #tpu.memory_space<vmem_shared>>
        tpu.wait_indirect_dma semaphore(%run_scoped3A_1001 : memref<!tpu.dma_semaphore, #tpu.memory_space<semaphore_mem>>) src(%dma_wait3A_1015 : memref<128x128xf32, #tpu.memory_space<vmem>>) dst(%dma_wait3A_1021 : memref<768x128xf32, #tpu.memory_space<vmem_shared>>)
        tpu.yield
      }) : () -> ()
      "tpu.region"() ({
        %run_scoped3A_1001 = tpu.sem_alloc : memref<!tpu.dma_semaphore, #tpu.memory_space<semaphore_mem>>
        %dma_start3A_1002 = arith.constant 0 : i32
        %dma_start3A_1003 = tpu.memref_slice %arg8[%add3A_917, %dma_start3A_1002] : memref<8x128xi32, #tpu.memory_space<vmem>> -> memref<1x128xi32, #tpu.memory_space<vmem>>
        %dma_start3A_1004 = tpu.memref_squeeze %dma_start3A_1003 : memref<1x128xi32, #tpu.memory_space<vmem>> -> memref<128xi32, #tpu.memory_space<vmem>>
        %dma_start3A_1005 = arith.constant 0 : i32
        %dma_start3A_1006 = tpu.memref_slice %arg15[%dma_start3A_1005] : memref<768xf32, #tpu.memory_space<vmem_shared>> -> memref<768xf32, #tpu.memory_space<vmem_shared>>
        tpu.enqueue_indirect_dma source(%arg10 : memref<128xf32, #tpu.memory_space<vmem>>) target(%dma_start3A_1006 : memref<768xf32, #tpu.memory_space<vmem_shared>>) offsets(%dma_start3A_1004 : memref<128xi32, #tpu.memory_space<vmem>>) semaphore(%run_scoped3A_1001 : memref<!tpu.dma_semaphore, #tpu.memory_space<semaphore_mem>>) {add = true}
        %dma_wait3A_1007 = arith.constant 0 : i32
        %dma_wait3A_1008 = tpu.memref_slice %arg8[%add3A_917, %dma_wait3A_1007] : memref<8x128xi32, #tpu.memory_space<vmem>> -> memref<1x128xi32, #tpu.memory_space<vmem>>
        %dma_wait3A_1009 = tpu.memref_squeeze %dma_wait3A_1008 : memref<1x128xi32, #tpu.memory_space<vmem>> -> memref<128xi32, #tpu.memory_space<vmem>>
        %dma_wait3A_1010 = arith.constant 0 : i32
        %dma_wait3A_1011 = tpu.memref_slice %arg15[%dma_wait3A_1010] : memref<768xf32, #tpu.memory_space<vmem_shared>> -> memref<768xf32, #tpu.memory_space<vmem_shared>>
        tpu.wait_indirect_dma semaphore(%run_scoped3A_1001 : memref<!tpu.dma_semaphore, #tpu.memory_space<semaphore_mem>>) src(%arg10 : memref<128xf32, #tpu.memory_space<vmem>>) dst(%dma_wait3A_1011 : memref<768xf32, #tpu.memory_space<vmem_shared>>)
        tpu.yield
      }) : () -> ()
      %add3A_928 = arith.constant 4 : i32
      %add3A_929 = arith.addi %add3A_917, %add3A_928 : i32
      %lt3A = arith.constant 8 : i32
      %lt3A_930 = arith.cmpi slt, %add3A_929, %lt3A : i32
      %convert_element_type3A = arith.extui %lt3A_930 : i1 to i32
      %cond3A = arith.constant 0 : i32
      %cond3A_931 = arith.cmpi ne, %convert_element_type3A, %cond3A : i32
      scf.if %cond3A_931 {
        %add3A_1001 = arith.constant 4 : i32
        %add3A_1002 = arith.addi %add3A_917, %add3A_1001 : i32
        %dma_start3A_1003 = arith.constant 0 : i32
        %dma_start3A_1004 = arith.constant 0 : i32
        %dma_start3A_1005 = arith.constant 0 : i32
        %dma_start3A_1006 = tpu.memref_slice %arg9[%dma_start3A_1003, %dma_start3A_1004, %dma_start3A_1005] : memref<4x128x128xf32, #tpu.memory_space<vmem>> -> memref<1x128x128xf32, #tpu.memory_space<vmem>>
        %dma_start3A_1007 = tpu.memref_squeeze %dma_start3A_1006 : memref<1x128x128xf32, #tpu.memory_space<vmem>> -> memref<128x128xf32, #tpu.memory_space<vmem>>
        %dma_start3A_1008 = arith.constant 0 : i32
        %dma_start3A_1009 = tpu.memref_slice %arg7[%add3A_1002, %dma_start3A_1008] : memref<8x128xi32, #tpu.memory_space<vmem>> -> memref<1x128xi32, #tpu.memory_space<vmem>>
        %dma_start3A_1010 = tpu.memref_squeeze %dma_start3A_1009 : memref<1x128xi32, #tpu.memory_space<vmem>> -> memref<128xi32, #tpu.memory_space<vmem>>
        %dma_start3A_1011 = arith.constant 0 : i32
        %dma_start3A_1012 = arith.constant 0 : i32
        %dma_start3A_1013 = tpu.memref_slice %arg2[%dma_start3A_1011, %dma_start3A_1012] : memref<2048x128xf32, #tpu.memory_space<hbm>> -> memref<2048x128xf32, #tpu.memory_space<hbm>>
        tpu.enqueue_indirect_dma source(%dma_start3A_1013 : memref<2048x128xf32, #tpu.memory_space<hbm>>) target(%dma_start3A_1007 : memref<128x128xf32, #tpu.memory_space<vmem>>) offsets(%dma_start3A_1010 : memref<128xi32, #tpu.memory_space<vmem>>) semaphore(%arg16 : memref<!tpu.dma_semaphore, #tpu.memory_space<semaphore_mem>>)
      } else {
      }
      %mul3A_932 = arith.constant 4 : i32
      %mul3A_933 = arith.muli %mul3A_932, %scan3A_913 : i32
      %add3A_934 = arith.constant 1 : i32
      %add3A_935 = arith.addi %mul3A_933, %add3A_934 : i32
      %dma_wait3A_936 = arith.constant 1 : i32
      %dma_wait3A_937 = arith.constant 0 : i32
      %dma_wait3A_938 = arith.constant 0 : i32
      %dma_wait3A_939 = tpu.memref_slice %arg9[%dma_wait3A_936, %dma_wait3A_937, %dma_wait3A_938] : memref<4x128x128xf32, #tpu.memory_space<vmem>> -> memref<1x128x128xf32, #tpu.memory_space<vmem>>
      %dma_wait3A_940 = tpu.memref_squeeze %dma_wait3A_939 : memref<1x128x128xf32, #tpu.memory_space<vmem>> -> memref<128x128xf32, #tpu.memory_space<vmem>>
      %dma_wait3A_941 = arith.constant 0 : i32
      %dma_wait3A_942 = tpu.memref_slice %arg7[%add3A_935, %dma_wait3A_941] : memref<8x128xi32, #tpu.memory_space<vmem>> -> memref<1x128xi32, #tpu.memory_space<vmem>>
      %dma_wait3A_943 = tpu.memref_squeeze %dma_wait3A_942 : memref<1x128xi32, #tpu.memory_space<vmem>> -> memref<128xi32, #tpu.memory_space<vmem>>
      %dma_wait3A_944 = arith.constant 0 : i32
      %dma_wait3A_945 = arith.constant 0 : i32
      %dma_wait3A_946 = tpu.memref_slice %arg2[%dma_wait3A_944, %dma_wait3A_945] : memref<2048x128xf32, #tpu.memory_space<hbm>> -> memref<2048x128xf32, #tpu.memory_space<hbm>>
      tpu.wait_indirect_dma semaphore(%arg17 : memref<!tpu.dma_semaphore, #tpu.memory_space<semaphore_mem>>) src(%dma_wait3A_946 : memref<2048x128xf32, #tpu.memory_space<hbm>>) dst(%dma_wait3A_940 : memref<128x128xf32, #tpu.memory_space<vmem>>)
      %run_scoped3A_947 = arith.constant 1 : i32
      "tpu.region"() ({
        %run_scoped3A_1001 = tpu.sem_alloc : memref<!tpu.dma_semaphore, #tpu.memory_space<semaphore_mem>>
        %dma_start3A_1002 = arith.constant 0 : i32
        %dma_start3A_1003 = arith.constant 0 : i32
        %dma_start3A_1004 = tpu.memref_slice %arg9[%run_scoped3A_947, %dma_start3A_1002, %dma_start3A_1003] : memref<4x128x128xf32, #tpu.memory_space<vmem>> -> memref<1x128x128xf32, #tpu.memory_space<vmem>>
        %dma_start3A_1005 = tpu.memref_squeeze %dma_start3A_1004 : memref<1x128x128xf32, #tpu.memory_space<vmem>> -> memref<128x128xf32, #tpu.memory_space<vmem>>
        %dma_start3A_1006 = arith.constant 0 : i32
        %dma_start3A_1007 = tpu.memref_slice %arg8[%add3A_935, %dma_start3A_1006] : memref<8x128xi32, #tpu.memory_space<vmem>> -> memref<1x128xi32, #tpu.memory_space<vmem>>
        %dma_start3A_1008 = tpu.memref_squeeze %dma_start3A_1007 : memref<1x128xi32, #tpu.memory_space<vmem>> -> memref<128xi32, #tpu.memory_space<vmem>>
        %dma_start3A_1009 = arith.constant 0 : i32
        %dma_start3A_1010 = arith.constant 0 : i32
        %dma_start3A_1011 = tpu.memref_slice %arg14[%dma_start3A_1009, %dma_start3A_1010] : memref<768x128xf32, #tpu.memory_space<vmem_shared>> -> memref<768x128xf32, #tpu.memory_space<vmem_shared>>
        tpu.enqueue_indirect_dma source(%dma_start3A_1005 : memref<128x128xf32, #tpu.memory_space<vmem>>) target(%dma_start3A_1011 : memref<768x128xf32, #tpu.memory_space<vmem_shared>>) offsets(%dma_start3A_1008 : memref<128xi32, #tpu.memory_space<vmem>>) semaphore(%run_scoped3A_1001 : memref<!tpu.dma_semaphore, #tpu.memory_space<semaphore_mem>>) {add = true}
        %dma_wait3A_1012 = arith.constant 0 : i32
        %dma_wait3A_1013 = arith.constant 0 : i32
        %dma_wait3A_1014 = tpu.memref_slice %arg9[%run_scoped3A_947, %dma_wait3A_1012, %dma_wait3A_1013] : memref<4x128x128xf32, #tpu.memory_space<vmem>> -> memref<1x128x128xf32, #tpu.memory_space<vmem>>
        %dma_wait3A_1015 = tpu.memref_squeeze %dma_wait3A_1014 : memref<1x128x128xf32, #tpu.memory_space<vmem>> -> memref<128x128xf32, #tpu.memory_space<vmem>>
        %dma_wait3A_1016 = arith.constant 0 : i32
        %dma_wait3A_1017 = tpu.memref_slice %arg8[%add3A_935, %dma_wait3A_1016] : memref<8x128xi32, #tpu.memory_space<vmem>> -> memref<1x128xi32, #tpu.memory_space<vmem>>
        %dma_wait3A_1018 = tpu.memref_squeeze %dma_wait3A_1017 : memref<1x128xi32, #tpu.memory_space<vmem>> -> memref<128xi32, #tpu.memory_space<vmem>>
        %dma_wait3A_1019 = arith.constant 0 : i32
        %dma_wait3A_1020 = arith.constant 0 : i32
        %dma_wait3A_1021 = tpu.memref_slice %arg14[%dma_wait3A_1019, %dma_wait3A_1020] : memref<768x128xf32, #tpu.memory_space<vmem_shared>> -> memref<768x128xf32, #tpu.memory_space<vmem_shared>>
        tpu.wait_indirect_dma semaphore(%run_scoped3A_1001 : memref<!tpu.dma_semaphore, #tpu.memory_space<semaphore_mem>>) src(%dma_wait3A_1015 : memref<128x128xf32, #tpu.memory_space<vmem>>) dst(%dma_wait3A_1021 : memref<768x128xf32, #tpu.memory_space<vmem_shared>>)
        tpu.yield
      }) : () -> ()
      "tpu.region"() ({
        %run_scoped3A_1001 = tpu.sem_alloc : memref<!tpu.dma_semaphore, #tpu.memory_space<semaphore_mem>>
        %dma_start3A_1002 = arith.constant 0 : i32
        %dma_start3A_1003 = tpu.memref_slice %arg8[%add3A_935, %dma_start3A_1002] : memref<8x128xi32, #tpu.memory_space<vmem>> -> memref<1x128xi32, #tpu.memory_space<vmem>>
        %dma_start3A_1004 = tpu.memref_squeeze %dma_start3A_1003 : memref<1x128xi32, #tpu.memory_space<vmem>> -> memref<128xi32, #tpu.memory_space<vmem>>
        %dma_start3A_1005 = arith.constant 0 : i32
        %dma_start3A_1006 = tpu.memref_slice %arg15[%dma_start3A_1005] : memref<768xf32, #tpu.memory_space<vmem_shared>> -> memref<768xf32, #tpu.memory_space<vmem_shared>>
        tpu.enqueue_indirect_dma source(%arg10 : memref<128xf32, #tpu.memory_space<vmem>>) target(%dma_start3A_1006 : memref<768xf32, #tpu.memory_space<vmem_shared>>) offsets(%dma_start3A_1004 : memref<128xi32, #tpu.memory_space<vmem>>) semaphore(%run_scoped3A_1001 : memref<!tpu.dma_semaphore, #tpu.memory_space<semaphore_mem>>) {add = true}
        %dma_wait3A_1007 = arith.constant 0 : i32
        %dma_wait3A_1008 = tpu.memref_slice %arg8[%add3A_935, %dma_wait3A_1007] : memref<8x128xi32, #tpu.memory_space<vmem>> -> memref<1x128xi32, #tpu.memory_space<vmem>>
        %dma_wait3A_1009 = tpu.memref_squeeze %dma_wait3A_1008 : memref<1x128xi32, #tpu.memory_space<vmem>> -> memref<128xi32, #tpu.memory_space<vmem>>
        %dma_wait3A_1010 = arith.constant 0 : i32
        %dma_wait3A_1011 = tpu.memref_slice %arg15[%dma_wait3A_1010] : memref<768xf32, #tpu.memory_space<vmem_shared>> -> memref<768xf32, #tpu.memory_space<vmem_shared>>
        tpu.wait_indirect_dma semaphore(%run_scoped3A_1001 : memref<!tpu.dma_semaphore, #tpu.memory_space<semaphore_mem>>) src(%arg10 : memref<128xf32, #tpu.memory_space<vmem>>) dst(%dma_wait3A_1011 : memref<768xf32, #tpu.memory_space<vmem_shared>>)
        tpu.yield
      }) : () -> ()
      %add3A_948 = arith.constant 4 : i32
      %add3A_949 = arith.addi %add3A_935, %add3A_948 : i32
      %lt3A_950 = arith.constant 8 : i32
      %lt3A_951 = arith.cmpi slt, %add3A_949, %lt3A_950 : i32
      %convert_element_type3A_952 = arith.extui %lt3A_951 : i1 to i32
      %cond3A_953 = arith.constant 0 : i32
      %cond3A_954 = arith.cmpi ne, %convert_element_type3A_952, %cond3A_953 : i32
      scf.if %cond3A_954 {
        %add3A_1001 = arith.constant 4 : i32
        %add3A_1002 = arith.addi %add3A_935, %add3A_1001 : i32
        %dma_start3A_1003 = arith.constant 1 : i32
        %dma_start3A_1004 = arith.constant 0 : i32
        %dma_start3A_1005 = arith.constant 0 : i32
        %dma_start3A_1006 = tpu.memref_slice %arg9[%dma_start3A_1003, %dma_start3A_1004, %dma_start3A_1005] : memref<4x128x128xf32, #tpu.memory_space<vmem>> -> memref<1x128x128xf32, #tpu.memory_space<vmem>>
        %dma_start3A_1007 = tpu.memref_squeeze %dma_start3A_1006 : memref<1x128x128xf32, #tpu.memory_space<vmem>> -> memref<128x128xf32, #tpu.memory_space<vmem>>
        %dma_start3A_1008 = arith.constant 0 : i32
        %dma_start3A_1009 = tpu.memref_slice %arg7[%add3A_1002, %dma_start3A_1008] : memref<8x128xi32, #tpu.memory_space<vmem>> -> memref<1x128xi32, #tpu.memory_space<vmem>>
        %dma_start3A_1010 = tpu.memref_squeeze %dma_start3A_1009 : memref<1x128xi32, #tpu.memory_space<vmem>> -> memref<128xi32, #tpu.memory_space<vmem>>
        %dma_start3A_1011 = arith.constant 0 : i32
        %dma_start3A_1012 = arith.constant 0 : i32
        %dma_start3A_1013 = tpu.memref_slice %arg2[%dma_start3A_1011, %dma_start3A_1012] : memref<2048x128xf32, #tpu.memory_space<hbm>> -> memref<2048x128xf32, #tpu.memory_space<hbm>>
        tpu.enqueue_indirect_dma source(%dma_start3A_1013 : memref<2048x128xf32, #tpu.memory_space<hbm>>) target(%dma_start3A_1007 : memref<128x128xf32, #tpu.memory_space<vmem>>) offsets(%dma_start3A_1010 : memref<128xi32, #tpu.memory_space<vmem>>) semaphore(%arg17 : memref<!tpu.dma_semaphore, #tpu.memory_space<semaphore_mem>>)
      } else {
      }
      %mul3A_955 = arith.constant 4 : i32
      %mul3A_956 = arith.muli %mul3A_955, %scan3A_913 : i32
      %add3A_957 = arith.constant 2 : i32
      %add3A_958 = arith.addi %mul3A_956, %add3A_957 : i32
      %dma_wait3A_959 = arith.constant 2 : i32
      %dma_wait3A_960 = arith.constant 0 : i32
      %dma_wait3A_961 = arith.constant 0 : i32
      %dma_wait3A_962 = tpu.memref_slice %arg9[%dma_wait3A_959, %dma_wait3A_960, %dma_wait3A_961] : memref<4x128x128xf32, #tpu.memory_space<vmem>> -> memref<1x128x128xf32, #tpu.memory_space<vmem>>
      %dma_wait3A_963 = tpu.memref_squeeze %dma_wait3A_962 : memref<1x128x128xf32, #tpu.memory_space<vmem>> -> memref<128x128xf32, #tpu.memory_space<vmem>>
      %dma_wait3A_964 = arith.constant 0 : i32
      %dma_wait3A_965 = tpu.memref_slice %arg7[%add3A_958, %dma_wait3A_964] : memref<8x128xi32, #tpu.memory_space<vmem>> -> memref<1x128xi32, #tpu.memory_space<vmem>>
      %dma_wait3A_966 = tpu.memref_squeeze %dma_wait3A_965 : memref<1x128xi32, #tpu.memory_space<vmem>> -> memref<128xi32, #tpu.memory_space<vmem>>
      %dma_wait3A_967 = arith.constant 0 : i32
      %dma_wait3A_968 = arith.constant 0 : i32
      %dma_wait3A_969 = tpu.memref_slice %arg2[%dma_wait3A_967, %dma_wait3A_968] : memref<2048x128xf32, #tpu.memory_space<hbm>> -> memref<2048x128xf32, #tpu.memory_space<hbm>>
      tpu.wait_indirect_dma semaphore(%arg18 : memref<!tpu.dma_semaphore, #tpu.memory_space<semaphore_mem>>) src(%dma_wait3A_969 : memref<2048x128xf32, #tpu.memory_space<hbm>>) dst(%dma_wait3A_963 : memref<128x128xf32, #tpu.memory_space<vmem>>)
      %run_scoped3A_970 = arith.constant 2 : i32
      "tpu.region"() ({
        %run_scoped3A_1001 = tpu.sem_alloc : memref<!tpu.dma_semaphore, #tpu.memory_space<semaphore_mem>>
        %dma_start3A_1002 = arith.constant 0 : i32
        %dma_start3A_1003 = arith.constant 0 : i32
        %dma_start3A_1004 = tpu.memref_slice %arg9[%run_scoped3A_970, %dma_start3A_1002, %dma_start3A_1003] : memref<4x128x128xf32, #tpu.memory_space<vmem>> -> memref<1x128x128xf32, #tpu.memory_space<vmem>>
        %dma_start3A_1005 = tpu.memref_squeeze %dma_start3A_1004 : memref<1x128x128xf32, #tpu.memory_space<vmem>> -> memref<128x128xf32, #tpu.memory_space<vmem>>
        %dma_start3A_1006 = arith.constant 0 : i32
        %dma_start3A_1007 = tpu.memref_slice %arg8[%add3A_958, %dma_start3A_1006] : memref<8x128xi32, #tpu.memory_space<vmem>> -> memref<1x128xi32, #tpu.memory_space<vmem>>
        %dma_start3A_1008 = tpu.memref_squeeze %dma_start3A_1007 : memref<1x128xi32, #tpu.memory_space<vmem>> -> memref<128xi32, #tpu.memory_space<vmem>>
        %dma_start3A_1009 = arith.constant 0 : i32
        %dma_start3A_1010 = arith.constant 0 : i32
        %dma_start3A_1011 = tpu.memref_slice %arg14[%dma_start3A_1009, %dma_start3A_1010] : memref<768x128xf32, #tpu.memory_space<vmem_shared>> -> memref<768x128xf32, #tpu.memory_space<vmem_shared>>
        tpu.enqueue_indirect_dma source(%dma_start3A_1005 : memref<128x128xf32, #tpu.memory_space<vmem>>) target(%dma_start3A_1011 : memref<768x128xf32, #tpu.memory_space<vmem_shared>>) offsets(%dma_start3A_1008 : memref<128xi32, #tpu.memory_space<vmem>>) semaphore(%run_scoped3A_1001 : memref<!tpu.dma_semaphore, #tpu.memory_space<semaphore_mem>>) {add = true}
        %dma_wait3A_1012 = arith.constant 0 : i32
        %dma_wait3A_1013 = arith.constant 0 : i32
        %dma_wait3A_1014 = tpu.memref_slice %arg9[%run_scoped3A_970, %dma_wait3A_1012, %dma_wait3A_1013] : memref<4x128x128xf32, #tpu.memory_space<vmem>> -> memref<1x128x128xf32, #tpu.memory_space<vmem>>
        %dma_wait3A_1015 = tpu.memref_squeeze %dma_wait3A_1014 : memref<1x128x128xf32, #tpu.memory_space<vmem>> -> memref<128x128xf32, #tpu.memory_space<vmem>>
        %dma_wait3A_1016 = arith.constant 0 : i32
        %dma_wait3A_1017 = tpu.memref_slice %arg8[%add3A_958, %dma_wait3A_1016] : memref<8x128xi32, #tpu.memory_space<vmem>> -> memref<1x128xi32, #tpu.memory_space<vmem>>
        %dma_wait3A_1018 = tpu.memref_squeeze %dma_wait3A_1017 : memref<1x128xi32, #tpu.memory_space<vmem>> -> memref<128xi32, #tpu.memory_space<vmem>>
        %dma_wait3A_1019 = arith.constant 0 : i32
        %dma_wait3A_1020 = arith.constant 0 : i32
        %dma_wait3A_1021 = tpu.memref_slice %arg14[%dma_wait3A_1019, %dma_wait3A_1020] : memref<768x128xf32, #tpu.memory_space<vmem_shared>> -> memref<768x128xf32, #tpu.memory_space<vmem_shared>>
        tpu.wait_indirect_dma semaphore(%run_scoped3A_1001 : memref<!tpu.dma_semaphore, #tpu.memory_space<semaphore_mem>>) src(%dma_wait3A_1015 : memref<128x128xf32, #tpu.memory_space<vmem>>) dst(%dma_wait3A_1021 : memref<768x128xf32, #tpu.memory_space<vmem_shared>>)
        tpu.yield
      }) : () -> ()
      "tpu.region"() ({
        %run_scoped3A_1001 = tpu.sem_alloc : memref<!tpu.dma_semaphore, #tpu.memory_space<semaphore_mem>>
        %dma_start3A_1002 = arith.constant 0 : i32
        %dma_start3A_1003 = tpu.memref_slice %arg8[%add3A_958, %dma_start3A_1002] : memref<8x128xi32, #tpu.memory_space<vmem>> -> memref<1x128xi32, #tpu.memory_space<vmem>>
        %dma_start3A_1004 = tpu.memref_squeeze %dma_start3A_1003 : memref<1x128xi32, #tpu.memory_space<vmem>> -> memref<128xi32, #tpu.memory_space<vmem>>
        %dma_start3A_1005 = arith.constant 0 : i32
        %dma_start3A_1006 = tpu.memref_slice %arg15[%dma_start3A_1005] : memref<768xf32, #tpu.memory_space<vmem_shared>> -> memref<768xf32, #tpu.memory_space<vmem_shared>>
        tpu.enqueue_indirect_dma source(%arg10 : memref<128xf32, #tpu.memory_space<vmem>>) target(%dma_start3A_1006 : memref<768xf32, #tpu.memory_space<vmem_shared>>) offsets(%dma_start3A_1004 : memref<128xi32, #tpu.memory_space<vmem>>) semaphore(%run_scoped3A_1001 : memref<!tpu.dma_semaphore, #tpu.memory_space<semaphore_mem>>) {add = true}
        %dma_wait3A_1007 = arith.constant 0 : i32
        %dma_wait3A_1008 = tpu.memref_slice %arg8[%add3A_958, %dma_wait3A_1007] : memref<8x128xi32, #tpu.memory_space<vmem>> -> memref<1x128xi32, #tpu.memory_space<vmem>>
        %dma_wait3A_1009 = tpu.memref_squeeze %dma_wait3A_1008 : memref<1x128xi32, #tpu.memory_space<vmem>> -> memref<128xi32, #tpu.memory_space<vmem>>
        %dma_wait3A_1010 = arith.constant 0 : i32
        %dma_wait3A_1011 = tpu.memref_slice %arg15[%dma_wait3A_1010] : memref<768xf32, #tpu.memory_space<vmem_shared>> -> memref<768xf32, #tpu.memory_space<vmem_shared>>
        tpu.wait_indirect_dma semaphore(%run_scoped3A_1001 : memref<!tpu.dma_semaphore, #tpu.memory_space<semaphore_mem>>) src(%arg10 : memref<128xf32, #tpu.memory_space<vmem>>) dst(%dma_wait3A_1011 : memref<768xf32, #tpu.memory_space<vmem_shared>>)
        tpu.yield
      }) : () -> ()
      %add3A_971 = arith.constant 4 : i32
      %add3A_972 = arith.addi %add3A_958, %add3A_971 : i32
      %lt3A_973 = arith.constant 8 : i32
      %lt3A_974 = arith.cmpi slt, %add3A_972, %lt3A_973 : i32
      %convert_element_type3A_975 = arith.extui %lt3A_974 : i1 to i32
      %cond3A_976 = arith.constant 0 : i32
      %cond3A_977 = arith.cmpi ne, %convert_element_type3A_975, %cond3A_976 : i32
      scf.if %cond3A_977 {
        %add3A_1001 = arith.constant 4 : i32
        %add3A_1002 = arith.addi %add3A_958, %add3A_1001 : i32
        %dma_start3A_1003 = arith.constant 2 : i32
        %dma_start3A_1004 = arith.constant 0 : i32
        %dma_start3A_1005 = arith.constant 0 : i32
        %dma_start3A_1006 = tpu.memref_slice %arg9[%dma_start3A_1003, %dma_start3A_1004, %dma_start3A_1005] : memref<4x128x128xf32, #tpu.memory_space<vmem>> -> memref<1x128x128xf32, #tpu.memory_space<vmem>>
        %dma_start3A_1007 = tpu.memref_squeeze %dma_start3A_1006 : memref<1x128x128xf32, #tpu.memory_space<vmem>> -> memref<128x128xf32, #tpu.memory_space<vmem>>
        %dma_start3A_1008 = arith.constant 0 : i32
        %dma_start3A_1009 = tpu.memref_slice %arg7[%add3A_1002, %dma_start3A_1008] : memref<8x128xi32, #tpu.memory_space<vmem>> -> memref<1x128xi32, #tpu.memory_space<vmem>>
        %dma_start3A_1010 = tpu.memref_squeeze %dma_start3A_1009 : memref<1x128xi32, #tpu.memory_space<vmem>> -> memref<128xi32, #tpu.memory_space<vmem>>
        %dma_start3A_1011 = arith.constant 0 : i32
        %dma_start3A_1012 = arith.constant 0 : i32
        %dma_start3A_1013 = tpu.memref_slice %arg2[%dma_start3A_1011, %dma_start3A_1012] : memref<2048x128xf32, #tpu.memory_space<hbm>> -> memref<2048x128xf32, #tpu.memory_space<hbm>>
        tpu.enqueue_indirect_dma source(%dma_start3A_1013 : memref<2048x128xf32, #tpu.memory_space<hbm>>) target(%dma_start3A_1007 : memref<128x128xf32, #tpu.memory_space<vmem>>) offsets(%dma_start3A_1010 : memref<128xi32, #tpu.memory_space<vmem>>) semaphore(%arg18 : memref<!tpu.dma_semaphore, #tpu.memory_space<semaphore_mem>>)
      } else {
      }
      %mul3A_978 = arith.constant 4 : i32
      %mul3A_979 = arith.muli %mul3A_978, %scan3A_913 : i32
      %add3A_980 = arith.constant 3 : i32
      %add3A_981 = arith.addi %mul3A_979, %add3A_980 : i32
      %dma_wait3A_982 = arith.constant 3 : i32
      %dma_wait3A_983 = arith.constant 0 : i32
      %dma_wait3A_984 = arith.constant 0 : i32
      %dma_wait3A_985 = tpu.memref_slice %arg9[%dma_wait3A_982, %dma_wait3A_983, %dma_wait3A_984] : memref<4x128x128xf32, #tpu.memory_space<vmem>> -> memref<1x128x128xf32, #tpu.memory_space<vmem>>
      %dma_wait3A_986 = tpu.memref_squeeze %dma_wait3A_985 : memref<1x128x128xf32, #tpu.memory_space<vmem>> -> memref<128x128xf32, #tpu.memory_space<vmem>>
      %dma_wait3A_987 = arith.constant 0 : i32
      %dma_wait3A_988 = tpu.memref_slice %arg7[%add3A_981, %dma_wait3A_987] : memref<8x128xi32, #tpu.memory_space<vmem>> -> memref<1x128xi32, #tpu.memory_space<vmem>>
      %dma_wait3A_989 = tpu.memref_squeeze %dma_wait3A_988 : memref<1x128xi32, #tpu.memory_space<vmem>> -> memref<128xi32, #tpu.memory_space<vmem>>
      %dma_wait3A_990 = arith.constant 0 : i32
      %dma_wait3A_991 = arith.constant 0 : i32
      %dma_wait3A_992 = tpu.memref_slice %arg2[%dma_wait3A_990, %dma_wait3A_991] : memref<2048x128xf32, #tpu.memory_space<hbm>> -> memref<2048x128xf32, #tpu.memory_space<hbm>>
      tpu.wait_indirect_dma semaphore(%arg19 : memref<!tpu.dma_semaphore, #tpu.memory_space<semaphore_mem>>) src(%dma_wait3A_992 : memref<2048x128xf32, #tpu.memory_space<hbm>>) dst(%dma_wait3A_986 : memref<128x128xf32, #tpu.memory_space<vmem>>)
      %run_scoped3A_993 = arith.constant 3 : i32
      "tpu.region"() ({
        %run_scoped3A_1001 = tpu.sem_alloc : memref<!tpu.dma_semaphore, #tpu.memory_space<semaphore_mem>>
        %dma_start3A_1002 = arith.constant 0 : i32
        %dma_start3A_1003 = arith.constant 0 : i32
        %dma_start3A_1004 = tpu.memref_slice %arg9[%run_scoped3A_993, %dma_start3A_1002, %dma_start3A_1003] : memref<4x128x128xf32, #tpu.memory_space<vmem>> -> memref<1x128x128xf32, #tpu.memory_space<vmem>>
        %dma_start3A_1005 = tpu.memref_squeeze %dma_start3A_1004 : memref<1x128x128xf32, #tpu.memory_space<vmem>> -> memref<128x128xf32, #tpu.memory_space<vmem>>
        %dma_start3A_1006 = arith.constant 0 : i32
        %dma_start3A_1007 = tpu.memref_slice %arg8[%add3A_981, %dma_start3A_1006] : memref<8x128xi32, #tpu.memory_space<vmem>> -> memref<1x128xi32, #tpu.memory_space<vmem>>
        %dma_start3A_1008 = tpu.memref_squeeze %dma_start3A_1007 : memref<1x128xi32, #tpu.memory_space<vmem>> -> memref<128xi32, #tpu.memory_space<vmem>>
        %dma_start3A_1009 = arith.constant 0 : i32
        %dma_start3A_1010 = arith.constant 0 : i32
        %dma_start3A_1011 = tpu.memref_slice %arg14[%dma_start3A_1009, %dma_start3A_1010] : memref<768x128xf32, #tpu.memory_space<vmem_shared>> -> memref<768x128xf32, #tpu.memory_space<vmem_shared>>
        tpu.enqueue_indirect_dma source(%dma_start3A_1005 : memref<128x128xf32, #tpu.memory_space<vmem>>) target(%dma_start3A_1011 : memref<768x128xf32, #tpu.memory_space<vmem_shared>>) offsets(%dma_start3A_1008 : memref<128xi32, #tpu.memory_space<vmem>>) semaphore(%run_scoped3A_1001 : memref<!tpu.dma_semaphore, #tpu.memory_space<semaphore_mem>>) {add = true}
        %dma_wait3A_1012 = arith.constant 0 : i32
        %dma_wait3A_1013 = arith.constant 0 : i32
        %dma_wait3A_1014 = tpu.memref_slice %arg9[%run_scoped3A_993, %dma_wait3A_1012, %dma_wait3A_1013] : memref<4x128x128xf32, #tpu.memory_space<vmem>> -> memref<1x128x128xf32, #tpu.memory_space<vmem>>
        %dma_wait3A_1015 = tpu.memref_squeeze %dma_wait3A_1014 : memref<1x128x128xf32, #tpu.memory_space<vmem>> -> memref<128x128xf32, #tpu.memory_space<vmem>>
        %dma_wait3A_1016 = arith.constant 0 : i32
        %dma_wait3A_1017 = tpu.memref_slice %arg8[%add3A_981, %dma_wait3A_1016] : memref<8x128xi32, #tpu.memory_space<vmem>> -> memref<1x128xi32, #tpu.memory_space<vmem>>
        %dma_wait3A_1018 = tpu.memref_squeeze %dma_wait3A_1017 : memref<1x128xi32, #tpu.memory_space<vmem>> -> memref<128xi32, #tpu.memory_space<vmem>>
        %dma_wait3A_1019 = arith.constant 0 : i32
        %dma_wait3A_1020 = arith.constant 0 : i32
        %dma_wait3A_1021 = tpu.memref_slice %arg14[%dma_wait3A_1019, %dma_wait3A_1020] : memref<768x128xf32, #tpu.memory_space<vmem_shared>> -> memref<768x128xf32, #tpu.memory_space<vmem_shared>>
        tpu.wait_indirect_dma semaphore(%run_scoped3A_1001 : memref<!tpu.dma_semaphore, #tpu.memory_space<semaphore_mem>>) src(%dma_wait3A_1015 : memref<128x128xf32, #tpu.memory_space<vmem>>) dst(%dma_wait3A_1021 : memref<768x128xf32, #tpu.memory_space<vmem_shared>>)
        tpu.yield
      }) : () -> ()
      "tpu.region"() ({
        %run_scoped3A_1001 = tpu.sem_alloc : memref<!tpu.dma_semaphore, #tpu.memory_space<semaphore_mem>>
        %dma_start3A_1002 = arith.constant 0 : i32
        %dma_start3A_1003 = tpu.memref_slice %arg8[%add3A_981, %dma_start3A_1002] : memref<8x128xi32, #tpu.memory_space<vmem>> -> memref<1x128xi32, #tpu.memory_space<vmem>>
        %dma_start3A_1004 = tpu.memref_squeeze %dma_start3A_1003 : memref<1x128xi32, #tpu.memory_space<vmem>> -> memref<128xi32, #tpu.memory_space<vmem>>
        %dma_start3A_1005 = arith.constant 0 : i32
        %dma_start3A_1006 = tpu.memref_slice %arg15[%dma_start3A_1005] : memref<768xf32, #tpu.memory_space<vmem_shared>> -> memref<768xf32, #tpu.memory_space<vmem_shared>>
        tpu.enqueue_indirect_dma source(%arg10 : memref<128xf32, #tpu.memory_space<vmem>>) target(%dma_start3A_1006 : memref<768xf32, #tpu.memory_space<vmem_shared>>) offsets(%dma_start3A_1004 : memref<128xi32, #tpu.memory_space<vmem>>) semaphore(%run_scoped3A_1001 : memref<!tpu.dma_semaphore, #tpu.memory_space<semaphore_mem>>) {add = true}
        %dma_wait3A_1007 = arith.constant 0 : i32
        %dma_wait3A_1008 = tpu.memref_slice %arg8[%add3A_981, %dma_wait3A_1007] : memref<8x128xi32, #tpu.memory_space<vmem>> -> memref<1x128xi32, #tpu.memory_space<vmem>>
        %dma_wait3A_1009 = tpu.memref_squeeze %dma_wait3A_1008 : memref<1x128xi32, #tpu.memory_space<vmem>> -> memref<128xi32, #tpu.memory_space<vmem>>
        %dma_wait3A_1010 = arith.constant 0 : i32
        %dma_wait3A_1011 = tpu.memref_slice %arg15[%dma_wait3A_1010] : memref<768xf32, #tpu.memory_space<vmem_shared>> -> memref<768xf32, #tpu.memory_space<vmem_shared>>
        tpu.wait_indirect_dma semaphore(%run_scoped3A_1001 : memref<!tpu.dma_semaphore, #tpu.memory_space<semaphore_mem>>) src(%arg10 : memref<128xf32, #tpu.memory_space<vmem>>) dst(%dma_wait3A_1011 : memref<768xf32, #tpu.memory_space<vmem_shared>>)
        tpu.yield
      }) : () -> ()
      %add3A_994 = arith.constant 4 : i32
      %add3A_995 = arith.addi %add3A_981, %add3A_994 : i32
      %lt3A_996 = arith.constant 8 : i32
      %lt3A_997 = arith.cmpi slt, %add3A_995, %lt3A_996 : i32
      %convert_element_type3A_998 = arith.extui %lt3A_997 : i1 to i32
      %cond3A_999 = arith.constant 0 : i32
      %cond3A_1000 = arith.cmpi ne, %convert_element_type3A_998, %cond3A_999 : i32
      scf.if %cond3A_1000 {
        %add3A_1001 = arith.constant 4 : i32
        %add3A_1002 = arith.addi %add3A_981, %add3A_1001 : i32
        %dma_start3A_1003 = arith.constant 3 : i32
        %dma_start3A_1004 = arith.constant 0 : i32
        %dma_start3A_1005 = arith.constant 0 : i32
        %dma_start3A_1006 = tpu.memref_slice %arg9[%dma_start3A_1003, %dma_start3A_1004, %dma_start3A_1005] : memref<4x128x128xf32, #tpu.memory_space<vmem>> -> memref<1x128x128xf32, #tpu.memory_space<vmem>>
        %dma_start3A_1007 = tpu.memref_squeeze %dma_start3A_1006 : memref<1x128x128xf32, #tpu.memory_space<vmem>> -> memref<128x128xf32, #tpu.memory_space<vmem>>
        %dma_start3A_1008 = arith.constant 0 : i32
        %dma_start3A_1009 = tpu.memref_slice %arg7[%add3A_1002, %dma_start3A_1008] : memref<8x128xi32, #tpu.memory_space<vmem>> -> memref<1x128xi32, #tpu.memory_space<vmem>>
        %dma_start3A_1010 = tpu.memref_squeeze %dma_start3A_1009 : memref<1x128xi32, #tpu.memory_space<vmem>> -> memref<128xi32, #tpu.memory_space<vmem>>
        %dma_start3A_1011 = arith.constant 0 : i32
        %dma_start3A_1012 = arith.constant 0 : i32
        %dma_start3A_1013 = tpu.memref_slice %arg2[%dma_start3A_1011, %dma_start3A_1012] : memref<2048x128xf32, #tpu.memory_space<hbm>> -> memref<2048x128xf32, #tpu.memory_space<hbm>>
        tpu.enqueue_indirect_dma source(%dma_start3A_1013 : memref<2048x128xf32, #tpu.memory_space<hbm>>) target(%dma_start3A_1007 : memref<128x128xf32, #tpu.memory_space<vmem>>) offsets(%dma_start3A_1010 : memref<128xi32, #tpu.memory_space<vmem>>) semaphore(%arg19 : memref<!tpu.dma_semaphore, #tpu.memory_space<semaphore_mem>>)
      } else {
      }
    }
    %scan3A_900 = arith.constant 2 : i32
    %barrier3A_901 = arith.constant 0 : index
    tpu.barrier barrier_id(%barrier3A_901)
    %mul3A_902 = arith.constant 48 : i32
    %mul3A_903 = arith.muli %arg1, %mul3A_902 : i32
    %mul3A_904 = arith.constant 48 : i32
    %mul3A_905 = arith.muli %arg1, %mul3A_904 : i32
    "tpu.region"() ({
      %run_scoped3A = tpu.sem_alloc : memref<!tpu.dma_semaphore, #tpu.memory_space<semaphore_mem>>
      %dma_start3A_913 = arith.constant 0 : i32
      %dma_start3A_914 = tpu.memref_slice %arg5[%arg0, %mul3A_905, %dma_start3A_913] : memref<2x768x128xf32, #tpu.memory_space<hbm>> -> memref<1x48x128xf32, #tpu.memory_space<hbm>>
      %dma_start3A_915 = tpu.memref_squeeze %dma_start3A_914 : memref<1x48x128xf32, #tpu.memory_space<hbm>> -> memref<48x128xf32, #tpu.memory_space<hbm>>
      %dma_start3A_916 = arith.constant 0 : i32
      %dma_start3A_917 = tpu.memref_slice %arg14[%mul3A_903, %dma_start3A_916] : memref<768x128xf32, #tpu.memory_space<vmem_shared>> -> memref<48x128xf32, #tpu.memory_space<vmem_shared>>
      tpu.enqueue_dma source(%dma_start3A_917 : memref<48x128xf32, #tpu.memory_space<vmem_shared>>) target(%dma_start3A_915 : memref<48x128xf32, #tpu.memory_space<hbm>>) target_semaphore(%run_scoped3A : memref<!tpu.dma_semaphore, #tpu.memory_space<semaphore_mem>>)
      %dma_wait3A = arith.constant 0 : i32
      %dma_wait3A_918 = tpu.memref_slice %arg5[%arg0, %mul3A_905, %dma_wait3A] : memref<2x768x128xf32, #tpu.memory_space<hbm>> -> memref<1x48x128xf32, #tpu.memory_space<hbm>>
      %dma_wait3A_919 = tpu.memref_squeeze %dma_wait3A_918 : memref<1x48x128xf32, #tpu.memory_space<hbm>> -> memref<48x128xf32, #tpu.memory_space<hbm>>
      %dma_wait3A_920 = arith.constant 0 : i32
      %dma_wait3A_921 = tpu.memref_slice %arg14[%mul3A_903, %dma_wait3A_920] : memref<768x128xf32, #tpu.memory_space<vmem_shared>> -> memref<48x128xf32, #tpu.memory_space<vmem_shared>>
      tpu.wait_dma2 semaphore(%run_scoped3A : memref<!tpu.dma_semaphore, #tpu.memory_space<semaphore_mem>>) src(%dma_wait3A_921 : memref<48x128xf32, #tpu.memory_space<vmem_shared>>) dst(%dma_wait3A_919 : memref<48x128xf32, #tpu.memory_space<hbm>>)
      tpu.yield
    }) : () -> ()
    %mul3A_906 = arith.constant 48 : i32
    %mul3A_907 = arith.muli %arg1, %mul3A_906 : i32
    "tpu.region"() ({
      %run_scoped3A = tpu.sem_alloc : memref<!tpu.dma_semaphore, #tpu.memory_space<semaphore_mem>>
      %dma_start3A_913 = tpu.memref_slice %arg15[%mul3A_907] : memref<768xf32, #tpu.memory_space<vmem_shared>> -> memref<48xf32, #tpu.memory_space<vmem_shared>>
      %dma_start3A_914 = tpu.memref_slice %arg15[%mul3A_907] : memref<768xf32, #tpu.memory_space<vmem_shared>> -> memref<48xf32, #tpu.memory_space<vmem_shared>>
      tpu.enqueue_dma source(%dma_start3A_914 : memref<48xf32, #tpu.memory_space<vmem_shared>>) target(%arg13 : memref<48xf32, #tpu.memory_space<vmem>>) target_semaphore(%run_scoped3A : memref<!tpu.dma_semaphore, #tpu.memory_space<semaphore_mem>>)
      %dma_wait3A = tpu.memref_slice %arg15[%mul3A_907] : memref<768xf32, #tpu.memory_space<vmem_shared>> -> memref<48xf32, #tpu.memory_space<vmem_shared>>
      %dma_wait3A_915 = tpu.memref_slice %arg15[%mul3A_907] : memref<768xf32, #tpu.memory_space<vmem_shared>> -> memref<48xf32, #tpu.memory_space<vmem_shared>>
      tpu.wait_dma2 semaphore(%run_scoped3A : memref<!tpu.dma_semaphore, #tpu.memory_space<semaphore_mem>>) src(%dma_wait3A_915 : memref<48xf32, #tpu.memory_space<vmem_shared>>) dst(%arg13 : memref<48xf32, #tpu.memory_space<vmem>>)
      tpu.yield
    }) : () -> ()
    %mul3A_908 = arith.constant 768 : i32
    %mul3A_909 = arith.muli %arg0, %mul3A_908 : i32
    %mul3A_910 = arith.constant 48 : i32
    %mul3A_911 = arith.muli %arg1, %mul3A_910 : i32
    %add3A_912 = arith.addi %mul3A_909, %mul3A_911 : i32
    "tpu.region"() ({
      %run_scoped3A = tpu.sem_alloc : memref<!tpu.dma_semaphore, #tpu.memory_space<semaphore_mem>>
      %dma_start3A_913 = tpu.memref_slice %arg6[%add3A_912] : memref<1536xf32, #tpu.memory_space<hbm>> -> memref<48xf32, #tpu.memory_space<hbm>>
      %dma_start3A_914 = tpu.memref_slice %arg6[%add3A_912] : memref<1536xf32, #tpu.memory_space<hbm>> -> memref<48xf32, #tpu.memory_space<hbm>>
      tpu.enqueue_dma source(%arg13 : memref<48xf32, #tpu.memory_space<vmem>>) target(%dma_start3A_914 : memref<48xf32, #tpu.memory_space<hbm>>) target_semaphore(%run_scoped3A : memref<!tpu.dma_semaphore, #tpu.memory_space<semaphore_mem>>)
      %dma_wait3A = tpu.memref_slice %arg6[%add3A_912] : memref<1536xf32, #tpu.memory_space<hbm>> -> memref<48xf32, #tpu.memory_space<hbm>>
      %dma_wait3A_915 = tpu.memref_slice %arg6[%add3A_912] : memref<1536xf32, #tpu.memory_space<hbm>> -> memref<48xf32, #tpu.memory_space<hbm>>
      tpu.wait_dma2 semaphore(%run_scoped3A : memref<!tpu.dma_semaphore, #tpu.memory_space<semaphore_mem>>) src(%arg13 : memref<48xf32, #tpu.memory_space<vmem>>) dst(%dma_wait3A_915 : memref<48xf32, #tpu.memory_space<hbm>>)
      tpu.yield
    }) : () -> ()
    return
  }
}

module attributes {stable_mosaic.version = 14 : i64} {
  func.func @_tc1_body(%arg0: memref<2x2304x128xf32, #tpu.memory_space<vmem>>, %arg1: memref<2x2304xf32, #tpu.memory_space<vmem>>, %arg2: memref<2048x128xf32, #tpu.memory_space<vmem>>, %arg3: memref<128x128xf32, #tpu.memory_space<vmem>>, %arg4: memref<1x128xf32, #tpu.memory_space<vmem>>, %arg5: memref<128x128xf32, #tpu.memory_space<vmem>>, %arg6: memref<128x64xf32, #tpu.memory_space<vmem>>, %arg7: memref<2048x128xf32, #tpu.memory_space<vmem>>, %arg8: memref<512x64xf32, #tpu.memory_space<vmem>>) attributes {dimension_semantics = [], scalar_prefetch = 0 : i64, scratch_operands = 0 : i64, tpu.core_type = #tpu.core_type<tc>} {
    %get3A = arith.constant 0 : index
    %get3A_0 = arith.constant 0 : index
    %get3A_1 = arith.constant 0 : index
    %get3A_2 = vector.load %arg0[%get3A, %get3A_0, %get3A_1] : memref<2x2304x128xf32, #tpu.memory_space<vmem>>, vector<1x2048x128xf32>
    %get3A_3 = vector.shape_cast %get3A_2 : vector<1x2048x128xf32> to vector<2048x128xf32>
    %get3A_4 = arith.constant 1 : index
    %get3A_5 = arith.constant 0 : index
    %get3A_6 = arith.constant 0 : index
    %get3A_7 = vector.load %arg0[%get3A_4, %get3A_5, %get3A_6] : memref<2x2304x128xf32, #tpu.memory_space<vmem>>, vector<1x2048x128xf32>
    %get3A_8 = vector.shape_cast %get3A_7 : vector<1x2048x128xf32> to vector<2048x128xf32>
    %add3A = arith.addf %get3A_3, %get3A_8 : vector<2048x128xf32>
    %get3A_9 = arith.constant 0 : index
    %get3A_10 = arith.constant 0 : index
    %get3A_11 = vector.load %arg1[%get3A_9, %get3A_10] : memref<2x2304xf32, #tpu.memory_space<vmem>>, vector<1x2048xf32>
    %get3A_12 = vector.shape_cast %get3A_11 : vector<1x2048xf32> to vector<2048xf32>
    %get3A_13 = arith.constant 1 : index
    %get3A_14 = arith.constant 0 : index
    %get3A_15 = vector.load %arg1[%get3A_13, %get3A_14] : memref<2x2304xf32, #tpu.memory_space<vmem>>, vector<1x2048xf32>
    %get3A_16 = vector.shape_cast %get3A_15 : vector<1x2048xf32> to vector<2048xf32>
    %add3A_17 = arith.addf %get3A_12, %get3A_16 : vector<2048xf32>
    %max3A = arith.constant 1.000000e+00 : f32
    %max3A_18 = vector.broadcast %max3A : f32 to vector<2048xf32>
    %max3A_19 = arith.maximumf %add3A_17, %max3A_18 : vector<2048xf32>
    %broadcast_in_dim3A = vector.shape_cast %max3A_19 : vector<2048xf32> to vector<2048x1xf32>
    %div3A = vector.broadcast %broadcast_in_dim3A : vector<2048x1xf32> to vector<2048x128xf32>
    %div3A_20 = arith.divf %add3A, %div3A : vector<2048x128xf32>
    %get3A_21 = arith.constant 0 : index
    %get3A_22 = arith.constant 0 : index
    %get3A_23 = vector.load %arg3[%get3A_21, %get3A_22] : memref<128x128xf32, #tpu.memory_space<vmem>>, vector<128x128xf32>
    %dot_general3A = arith.constant dense<0.000000e+00> : vector<2048x128xf32>
    %dot_general3A_24 = tpu.matmul %div3A_20, %get3A_23, %dot_general3A {dimension_numbers = #tpu.dot_dimension_numbers<[1], [0], [0], [1], [0, 0, 1, 1], [], []>, transpose_lhs_hint = false} : vector<2048x128xf32>, vector<128x128xf32>, vector<2048x128xf32> -> vector<2048x128xf32>
    %get3A_25 = arith.constant 0 : index
    %get3A_26 = arith.constant 0 : index
    %get3A_27 = vector.load %arg4[%get3A_25, %get3A_26] : memref<1x128xf32, #tpu.memory_space<vmem>>, vector<1x128xf32>
    %add3A_28 = vector.broadcast %get3A_27 : vector<1x128xf32> to vector<2048x128xf32>
    %add3A_29 = arith.addf %dot_general3A_24, %add3A_28 : vector<2048x128xf32>
    %get3A_30 = arith.constant 0 : index
    %get3A_31 = arith.constant 0 : index
    %get3A_32 = vector.load %arg2[%get3A_30, %get3A_31] : memref<2048x128xf32, #tpu.memory_space<vmem>>, vector<2048x128xf32>
    %get3A_33 = arith.constant 0 : index
    %get3A_34 = arith.constant 0 : index
    %get3A_35 = vector.load %arg5[%get3A_33, %get3A_34] : memref<128x128xf32, #tpu.memory_space<vmem>>, vector<128x128xf32>
    %dot_general3A_36 = arith.constant dense<0.000000e+00> : vector<2048x128xf32>
    %dot_general3A_37 = tpu.matmul %get3A_32, %get3A_35, %dot_general3A_36 {dimension_numbers = #tpu.dot_dimension_numbers<[1], [0], [0], [1], [0, 0, 1, 1], [], []>, transpose_lhs_hint = false} : vector<2048x128xf32>, vector<128x128xf32>, vector<2048x128xf32> -> vector<2048x128xf32>
    %add3A_38 = arith.addf %add3A_29, %dot_general3A_37 : vector<2048x128xf32>
    %max3A_39 = arith.constant 0.000000e+00 : f32
    %max3A_40 = vector.broadcast %max3A_39 : f32 to vector<2048x128xf32>
    %max3A_41 = arith.maximumf %add3A_38, %max3A_40 : vector<2048x128xf32>
    %swap3A = arith.constant 0 : index
    %swap3A_42 = arith.constant 0 : index
    %swap3A_43 = vector.load %arg7[%swap3A, %swap3A_42] : memref<2048x128xf32, #tpu.memory_space<vmem>>, vector<2048x128xf32>
    tpu.vector_store %arg7[%swap3A, %swap3A_42], %max3A_41 {strides = array<i32>} : memref<2048x128xf32, #tpu.memory_space<vmem>>, vector<2048x128xf32>,
    %slice3A = vector.extract_strided_slice %max3A_41 {offsets = [0, 0], sizes = [512, 128], strides = [1, 1]} : vector<2048x128xf32> to vector<512x128xf32>
    %get3A_44 = arith.constant 0 : index
    %get3A_45 = arith.constant 0 : index
    %get3A_46 = vector.load %arg6[%get3A_44, %get3A_45] : memref<128x64xf32, #tpu.memory_space<vmem>>, vector<128x64xf32>
    %dot_general3A_47 = arith.constant dense<0.000000e+00> : vector<512x64xf32>
    %dot_general3A_48 = tpu.matmul %slice3A, %get3A_46, %dot_general3A_47 {dimension_numbers = #tpu.dot_dimension_numbers<[1], [0], [0], [1], [0, 0, 1, 1], [], []>, transpose_lhs_hint = false} : vector<512x128xf32>, vector<128x64xf32>, vector<512x64xf32> -> vector<512x64xf32>
    %swap3A_49 = arith.constant 0 : index
    %swap3A_50 = arith.constant 0 : index
    %swap3A_51 = vector.load %arg8[%swap3A_49, %swap3A_50] : memref<512x64xf32, #tpu.memory_space<vmem>>, vector<512x64xf32>
    tpu.vector_store %arg8[%swap3A_49, %swap3A_50], %dot_general3A_48 {strides = array<i32>} : memref<512x64xf32, #tpu.memory_space<vmem>>, vector<512x64xf32>,
    return
  }
}

module attributes {stable_mosaic.version = 14 : i64} {
  func.func @_tc2_body(%arg0: memref<2x768x128xf32, #tpu.memory_space<vmem>>, %arg1: memref<2x768xf32, #tpu.memory_space<vmem>>, %arg2: memref<512x64xf32, #tpu.memory_space<vmem>>, %arg3: memref<128x64xf32, #tpu.memory_space<vmem>>, %arg4: memref<1x64xf32, #tpu.memory_space<vmem>>, %arg5: memref<512x64xf32, #tpu.memory_space<vmem>>) attributes {dimension_semantics = [], scalar_prefetch = 0 : i64, scratch_operands = 0 : i64, tpu.core_type = #tpu.core_type<tc>} {
    %get3A = arith.constant 0 : index
    %get3A_0 = arith.constant 0 : index
    %get3A_1 = arith.constant 0 : index
    %get3A_2 = vector.load %arg0[%get3A, %get3A_0, %get3A_1] : memref<2x768x128xf32, #tpu.memory_space<vmem>>, vector<1x512x128xf32>
    %get3A_3 = vector.shape_cast %get3A_2 : vector<1x512x128xf32> to vector<512x128xf32>
    %get3A_4 = arith.constant 1 : index
    %get3A_5 = arith.constant 0 : index
    %get3A_6 = arith.constant 0 : index
    %get3A_7 = vector.load %arg0[%get3A_4, %get3A_5, %get3A_6] : memref<2x768x128xf32, #tpu.memory_space<vmem>>, vector<1x512x128xf32>
    %get3A_8 = vector.shape_cast %get3A_7 : vector<1x512x128xf32> to vector<512x128xf32>
    %add3A = arith.addf %get3A_3, %get3A_8 : vector<512x128xf32>
    %get3A_9 = arith.constant 0 : index
    %get3A_10 = arith.constant 0 : index
    %get3A_11 = vector.load %arg1[%get3A_9, %get3A_10] : memref<2x768xf32, #tpu.memory_space<vmem>>, vector<1x512xf32>
    %get3A_12 = vector.shape_cast %get3A_11 : vector<1x512xf32> to vector<512xf32>
    %get3A_13 = arith.constant 1 : index
    %get3A_14 = arith.constant 0 : index
    %get3A_15 = vector.load %arg1[%get3A_13, %get3A_14] : memref<2x768xf32, #tpu.memory_space<vmem>>, vector<1x512xf32>
    %get3A_16 = vector.shape_cast %get3A_15 : vector<1x512xf32> to vector<512xf32>
    %add3A_17 = arith.addf %get3A_12, %get3A_16 : vector<512xf32>
    %max3A = arith.constant 1.000000e+00 : f32
    %max3A_18 = vector.broadcast %max3A : f32 to vector<512xf32>
    %max3A_19 = arith.maximumf %add3A_17, %max3A_18 : vector<512xf32>
    %broadcast_in_dim3A = vector.shape_cast %max3A_19 : vector<512xf32> to vector<512x1xf32>
    %div3A = vector.broadcast %broadcast_in_dim3A : vector<512x1xf32> to vector<512x128xf32>
    %div3A_20 = arith.divf %add3A, %div3A : vector<512x128xf32>
    %get3A_21 = arith.constant 0 : index
    %get3A_22 = arith.constant 0 : index
    %get3A_23 = vector.load %arg3[%get3A_21, %get3A_22] : memref<128x64xf32, #tpu.memory_space<vmem>>, vector<128x64xf32>
    %dot_general3A = arith.constant dense<0.000000e+00> : vector<512x64xf32>
    %dot_general3A_24 = tpu.matmul %div3A_20, %get3A_23, %dot_general3A {dimension_numbers = #tpu.dot_dimension_numbers<[1], [0], [0], [1], [0, 0, 1, 1], [], []>, transpose_lhs_hint = false} : vector<512x128xf32>, vector<128x64xf32>, vector<512x64xf32> -> vector<512x64xf32>
    %get3A_25 = arith.constant 0 : index
    %get3A_26 = arith.constant 0 : index
    %get3A_27 = vector.load %arg4[%get3A_25, %get3A_26] : memref<1x64xf32, #tpu.memory_space<vmem>>, vector<1x64xf32>
    %add3A_28 = vector.broadcast %get3A_27 : vector<1x64xf32> to vector<512x64xf32>
    %add3A_29 = arith.addf %dot_general3A_24, %add3A_28 : vector<512x64xf32>
    %get3A_30 = arith.constant 0 : index
    %get3A_31 = arith.constant 0 : index
    %get3A_32 = vector.load %arg2[%get3A_30, %get3A_31] : memref<512x64xf32, #tpu.memory_space<vmem>>, vector<512x64xf32>
    %add3A_33 = arith.addf %add3A_29, %get3A_32 : vector<512x64xf32>
    %reduce_max3A = arith.constant dense<0xFF800000> : vector<512xf32>
    %reduce_max3A_34 = vector.multi_reduction <maximumf>, %add3A_33, %reduce_max3A [1] : vector<512x64xf32> to vector<512xf32>
    %broadcast_in_dim3A_35 = vector.shape_cast %reduce_max3A_34 : vector<512xf32> to vector<512x1xf32>
    %sub3A = vector.broadcast %broadcast_in_dim3A_35 : vector<512x1xf32> to vector<512x64xf32>
    %sub3A_36 = arith.subf %add3A_33, %sub3A : vector<512x64xf32>
    %exp3A = math.exp %sub3A_36 : vector<512x64xf32>
    %reduce_sum3A = arith.constant dense<0.000000e+00> : vector<512xf32>
    %reduce_sum3A_37 = vector.multi_reduction <add>, %exp3A, %reduce_sum3A [1] : vector<512x64xf32> to vector<512xf32>
    %broadcast_in_dim3A_38 = vector.shape_cast %reduce_sum3A_37 : vector<512xf32> to vector<512x1xf32>
    %log3A = math.log %broadcast_in_dim3A_38 : vector<512x1xf32>
    %sub3A_39 = vector.broadcast %broadcast_in_dim3A_35 : vector<512x1xf32> to vector<512x64xf32>
    %sub3A_40 = arith.subf %add3A_33, %sub3A_39 : vector<512x64xf32>
    %sub3A_41 = vector.broadcast %log3A : vector<512x1xf32> to vector<512x64xf32>
    %sub3A_42 = arith.subf %sub3A_40, %sub3A_41 : vector<512x64xf32>
    %swap3A = arith.constant 0 : index
    %swap3A_43 = arith.constant 0 : index
    %swap3A_44 = vector.load %arg5[%swap3A, %swap3A_43] : memref<512x64xf32, #tpu.memory_space<vmem>>, vector<512x64xf32>
    tpu.vector_store %arg5[%swap3A, %swap3A_43], %sub3A_42 {strides = array<i32>} : memref<512x64xf32, #tpu.memory_space<vmem>>, vector<512x64xf32>,
    return
  }
}

</mosaic_0001>

<sc_bundles>
// kernel: kernel.6.cloned.1.call-start
scs
__scs_entry_jumppad:
0x0: {  	(pc) =	sbr.rel $0x88, $3  }
0x1: {  	(tag) =	ssettag $0x0;
	lr =	simm.s32 $0x1  }
0x2: {  	[smem:$0x3F96] =	sst lr;
	_ =	strace $0xD0000000  }
0x3: {  	_ = 	snop  }
0x4: {  	_ = 	snop  }
0x5: {  	_ = 	snop  }
0x6: {  	_ = 	snop  }
0x7: {  	_ = 	snop  }
__scs_overlays_trampoline_lowered:
0x8: {  	[smem:$0x3FA5] =	sst s0  }
0x9: {  	[smem:$0x3FA6] =	sst s1  }
0xa: {  	[smem:$0x3FA7] =	sst s2  }
0xb: {  	[smem:$0x3FA8] =	sst s3  }
0xc: {  	[smem:$0x3FA9] =	sst s4  }
0xd: {  	[smem:$0x3FAA] =	sst s5  }
0xe: {  	[smem:$0x3FAB] =	sst s6  }
0xf: {  	[smem:$0x3FAC] =	sst s7  }
0x10: {  	[smem:$0x3FAD] =	sst s8  }
0x11: {  	[smem:$0x3FAE] =	sst s9;
	s0 =	simm.s32 @!p0 $0x0  }
0x12: {  	s1 =	sld [smem:$0x3F94];
	s0 =	simm.s32 @p0 $0x1  }
0x13: {  	[smem:$0x3FAF] =	sst s0;
	s0 =	simm.s32 @!p1 $0x0  }
0x14: {  	s2 =	sld [smem:$0x3F93];
	s0 =	simm.s32 @p1 $0x1  }
0x15: {  	[smem:$0x3FB0] =	sst s0;
	s0 =	simm.s32 @!p2 $0x0  }
0x16: {  	s3 =	sld [smem:$0x3FDB];
	s0 =	simm.s32 @p2 $0x1  }
0x17: {  	s4 =	simm.s32 $0x1BF5;
	[smem:$0x3FB2] =	sst s0  }
0x18: {  	s0 =	sld [smem:$0x3F95];
	_ =	swait.ge [sflag:s4], $0x0  }
0x19: {  	s7 =	sld [smem:$0x3F96]  }
0x1a: {  	s8 =	sadd.s32 $0xFFFFE003, lr  }
0x1b: {  	s9 =	sadd.s32 $0xFFFFFEF7, lr;
	s5 =	simm.s32 $0xFFFFFFFF;
	p2 =	slt.u32 s8, $0xFFFFF086  }
0x1c: {  	p1 =	slt.u32 s9, $0xF7A;
	s5 =	simm.s32 @!p2 $0x0  }
0x1d: {  	s5 =	simm.s32 @p1 $0x1;
	p0 =	seq.s32 s7, s2  }
0x1e: {  	s7 =	smul.u32 @!p0 $0xF7A, s2;
	p2 =	seq.s32 @!p0 s5, $0x0  }
0x1f: {  	s9 =	smul.u32 $0xF7A, s1;
	s8 =	simm.s32 @!p0 $0x1BF5;
	p2 =	por !p2, p0  }
0x20: {  	[sflag:s8] =	ssyncset.s32 @!p0 $0xFFFFF086;
	s6 =	sadd.s32 @!p0 s3, s7;
	s7 =	simm.s32 @!p0 $0x108  }
0x21: {  	s3 =	sadd.s32 s3, s9;
	s6 =	sadd.s32 @!p0 $0x88, s6;
	s7 =	simm.s32 @p2 $0x1082  }
0x22: {  	[simem:s7], [sflag:s8] =	dma.local @!p0 [hbm:s6], $0xF7A  }
0x23: {  	s9 =	sor.u32 $0xD0000000, s2;
	s6 =	simm.s32 $0x108;
	_ =	swait.ge @!p0 [sflag:s8], $0x0  }
0x24: {  	s3 =	sadd.s32 $0x88, s3;
	s6 =	simm.s32 @!p1 $0x1082;
	[sflag:s4] =	ssyncset.s32 $0xFFFFF086  }
0x25: {  	[simem:s6], [sflag:s4] =	dma.local [hbm:s3], $0xF7A  }
0x26: {  	[smem:$0x3F96] =	sst s1;
	(tag) =	ssettag s2;
	_ =	strace s9  }
0x27: {  	s1 =	sld [smem:$0x3FA6]  }
0x28: {  	s2 =	sld [smem:$0x3FA7]  }
0x29: {  	s4 =	sld [smem:$0x3FA9]  }
0x2a: {  	p0 =	seq.s32 s5, $0x0;
	s5 =	sld [smem:$0x3FAA]  }
0x2b: {  	s6 =	sld [smem:$0x3FAB]  }
0x2c: {  	s7 =	sld [smem:$0x3FAC]  }
0x2d: {  	s3 =	simm.s32 $0x108;
	s8 =	sld [smem:$0x3FAD]  }
0x2e: {  	s3 =	simm.s32 @!p0 $0x1082;
	s9 =	sld [smem:$0x3FAE]  }
0x2f: {  	lr =	sadd.s32 s0, s3;
	s0 =	sld [smem:$0x3FA5]  }
0x30: {  	s3 =	sld [smem:$0x3FA8]  }
0x31: {  	[smem:$0x3FB1] =	sst s10  }
0x32: {  	s10 =	sld [smem:$0x3FAF];
	_ =	sdelay $0x3  }
0x33: {  	p0 =	seq.s32 s10, $0x1;
	s10 =	sld [smem:$0x3FB1];
	_ =	sdelay $0x3  }
0x34: {  	[smem:$0x3FB1] =	sst s10  }
0x35: {  	s10 =	sld [smem:$0x3FB0];
	_ =	sdelay $0x3  }
0x36: {  	p1 =	seq.s32 s10, $0x1;
	s10 =	sld [smem:$0x3FB1];
	_ =	sdelay $0x3  }
0x37: {  	[smem:$0x3FB1] =	sst s10  }
0x38: {  	s10 =	sld [smem:$0x3FB2]  }
0x39: {  	_ = 	snop;
	(pc) =	sbr.ind lr, $3  }
0x3a: {  	_ = 	snop  }
0x3b: {  	_ = 	snop  }
0x3c: {  	p2 =	seq.s32 s10, $0x1;
	s10 =	sld [smem:$0x3FB1]  }
0x3d: {  	_ =	shalt  }
0x3e: {  	_ =	shalt  }
0x3f: {  	_ =	shalt  }
0x40: {  	_ =	shalt  }
0x41: {  	_ =	shalt  }
0x42: {  	_ =	shalt  }
0x43: {  	_ =	shalt  }
0x44: {  	_ =	shalt  }
0x45: {  	_ =	shalt  }
0x46: {  	_ =	shalt  }
0x47: {  	_ =	shalt  }
0x48: {  	_ =	shalt  }
0x49: {  	_ =	shalt  }
0x4a: {  	_ =	shalt  }
0x4b: {  	_ =	shalt  }
0x4c: {  	_ =	shalt  }
0x4d: {  	_ =	shalt  }
0x4e: {  	_ =	shalt  }
0x4f: {  	_ =	shalt  }
0x50: {  	_ =	shalt  }
0x51: {  	_ =	shalt  }
0x52: {  	_ =	shalt  }
0x53: {  	_ =	shalt  }
0x54: {  	_ =	shalt  }
0x55: {  	_ =	shalt  }
0x56: {  	_ =	shalt  }
0x57: {  	_ =	shalt  }
0x58: {  	_ =	shalt  }
0x59: {  	_ =	shalt  }
0x5a: {  	_ =	shalt  }
0x5b: {  	_ =	shalt  }
0x5c: {  	_ =	shalt  }
0x5d: {  	_ =	shalt  }
0x5e: {  	_ =	shalt  }
0x5f: {  	_ =	shalt  }
0x60: {  	_ =	shalt  }
0x61: {  	_ =	shalt  }
0x62: {  	_ =	shalt  }
0x63: {  	_ =	shalt  }
0x64: {  	_ =	shalt  }
0x65: {  	_ =	shalt  }
0x66: {  	_ =	shalt  }
0x67: {  	_ =	shalt  }
0x68: {  	_ =	shalt  }
0x69: {  	_ =	shalt  }
0x6a: {  	_ =	shalt  }
0x6b: {  	_ =	shalt  }
0x6c: {  	_ =	shalt  }
0x6d: {  	_ =	shalt  }
0x6e: {  	_ =	shalt  }
0x6f: {  	_ =	shalt  }
0x70: {  	_ =	shalt  }
0x71: {  	_ =	shalt  }
0x72: {  	_ =	shalt  }
0x73: {  	_ =	shalt  }
0x74: {  	_ =	shalt  }
0x75: {  	_ =	shalt  }
0x76: {  	_ =	shalt  }
0x77: {  	_ =	shalt  }
0x78: {  	_ =	shalt  }
0x79: {  	_ =	shalt  }
0x7a: {  	_ =	shalt  }
0x7b: {  	_ =	shalt  }
0x7c: {  	_ =	shalt  }
0x7d: {  	_ =	shalt  }
0x7e: {  	_ =	shalt  }
0x7f: {  	_ =	shalt  }
0x80: {  	_ =	shalt  }
0x81: {  	_ =	shalt  }
0x82: {  	_ =	shalt  }
0x83: {  	_ =	shalt  }
0x84: {  	_ =	shalt  }
0x85: {  	_ =	shalt  }
0x86: {  	_ =	shalt  }
0x87: {  	_ =	shalt  }
.Lfunc_end0:
.L_simem_size_0:
called_computation_lowered:
.L_overlay_start_0:
0x88: {  	s2 =	sld [smem:$0x3FD9]  }
0x89: {  	s3 =	sld [smem:$0x3FFE];
	_ =	sdelay $0x1  }
0x8a: {  	s1 =	srdreg.scid  }
0x8b: {  	s0 =	sand.u32 $0x1, s1  }
0x8c: {  	s17 =	sshll.u32 s0, $0xA;
	s2 =	sadd.s32 s3, s2  }
0x8d: {  	s2 =	sadd.s32 s2, s17  }
0x8e: {  	[smem:$0x3FBD] =	sst s2  }
0x8f: {  	_ = 	snop  }
0x90: {  	s2 =	sld [smem:$0x3FC9]  }
0x91: {  	s18 =	sld [smem:$0x3FD0];
	(tm) =	ssettm $0x1  }
0x92: {  	s4 =	sld [smem:$0x3FFB];
	_ =	sdelay $0x3  }
0x93: {  	_ =	strace s4  }
0x94: {  	s4 =	sld [smem:$0x3FFC];
	_ =	sdelay $0x3  }
0x95: {  	_ =	strace s4  }
0x96: {  	s4 =	sld [smem:$0x3FFD];
	_ =	sdelay $0x3  }
0x97: {  	_ =	strace s4  }
0x98: {  	_ =	strace $0x8FFFFFFF  }
0x99: {  	s19 =	sld [smem:$0x3FDB];
	_ =	sdelay $0x1  }
0x9a: {  	s5 =	simm.s32 $_scs_section_size  }
0x9b: {  	s6 =	simm.s32 $_size__tile_overlayer_lowered;
	s7 =	simm.s32 $_tile_overlayer_lowered  }
0x9c: {  	s22 =	simm.s32 $0x1BFF;
	s21 =	sshll.u32 s7, $0x1;
	s4 =	sadd.s32 s5, s19  }
0x9d: {  	s8 =	simm.s32 $0x0;
	s20 =	sshll.u32 s6, $0x1;
	s6 =	sadd.s32 s21, s4  }
0x9e: {  	[timem:s8], [sflag:s22] =	dma.local [hbm:s6], s20  }
0x9f: {  	_ =	swait.ge [sflag:s22], s20  }
0xa0: {  	s5 =	ssub.s32 $0x0, s20;
	[sflag:s22] =	ssyncset.done $0x0  }
0xa1: {  	[sflag:s22] =	ssyncadd.s32 s5;
	_ =	sdelay $0x1  }
0xa2: {  	s23 =	simm.s32 $0x1B8B  }
0xa3: {  	_ =	swait.ge [sflag:s23], $0x1  }
0xa4: {  	[sflag:s23] =	ssyncset.done $0x0  }
0xa5: {  	s25 =	simm.s32 $0x1B8E;
	s24 =	sld [smem:$0x3FFE];
	[sflag:s23] =	ssyncadd.s32 $0xFFFFFFFF  }
0xa6: {  	s26 =	simm.s32 $execute0_lowered;
	[smem:$0x3FD2] =	sst s25  }
0xa7: {  	s6 =	sshll.u32 s26, $0x1;
	_ =	strace $0x80000046;
	[dreg:$0x1] =	wrdreg $0xFFFFFFFF  }
0xa8: {  	s28 =	simm.s32 $_size_execute0_lowered;
	s4 =	sadd.s32 s4, s6;
	[dreg:$0x0] =	wrdreg $0x0  }
0xa9: {  	s6 =	sshll.u32 s28, $0x1;
	[dreg:$0x2] =	wrdreg s4  }
0xaa: {  	[dreg:$0x3] =	wrdreg s6  }
0xab: {  	[dreg:$0x4] =	wrdreg $0xC0  }
0xac: {  	_ =	task [dreg:s8], $0x5FFFF  }
0xad: {  	[dreg:$0x1] =	wrdreg $0xFFFFFFFF  }
0xae: {  	[dreg:$0x0] =	wrdreg $0x60  }
0xaf: {  	[dreg:$0x2] =	wrdreg s2  }
0xb0: {  	[dreg:$0x3] =	wrdreg s24  }
0xb1: {  	[dreg:$0x4] =	wrdreg s18  }
0xb2: {  	[dreg:$0x5] =	wrdreg $0x19A000  }
0xb3: {  	[dreg:$0x6] =	wrdreg $0x1E2000  }
0xb4: {  	[dreg:$0x7] =	wrdreg $0x9  }
0xb5: {  	_ =	task.clear_ibuf [dreg:s8], $0x8FFFF;
	_ =	strace $0x90000046  }
0xb6: {  	s29 =	simm.s32 $0x9;
	_ =	strace $0x80000048  }
0xb7: {  	_ =	swait.ge [sflag:s29], $0x1  }
0xb8: {  	[sflag:s29] =	ssyncadd.s32 $0xFFFFFFFF  }
0xb9: {  	_ =	strace $0x90000048  }
0xba: {  	_ =	sfence  }
0xbb: {  	s30 =	sld [smem:$0x0];
	_ =	sdelay $0x2  }
0xbc: {  	s31 =	sshll.u32 s1, $0xD;
	s1 =	sshrl.u32 s1, $0x2  }
0xbd: {  	s3 =	sand.u32 $0x4000, s31;
	s1 =	sadd.s32 s1, s30  }
0xbe: {  	s0 =	sor.u32 s3, s0;
	s1 =	sshll.u32 s1, $0x11  }
0xbf: {  	s0 =	sor.u32 s1, s0  }
0xc0: {  	s0 =	sadd.s32 $0x8F2B, s0  }
0xc1: {  	[sflag:s0] =	ssyncadd.remote.s32 $0x1  }
0xc2: {  	_ =	sfence.sel $0xFFFF  }
0xc3: {  	[dreg:$0x0] =	wrdreg $0xFFFFFFFF;
	(pc) =	sbr.abs _section_cstart, $3  }
0xc4: {  	[dreg:$0x1] =	wrdreg $0xFFFFFFFF  }
0xc5: {  	_ =	task.clear_ibuf [dreg:s8], $0x2FFFF;
	_ =	strace $0x9FFFFFFF  }
0xc6: {  	(tm) =	ssettm $0x7FFFFFFF  }
0xc7: {  	_ =	shalt  }
tec
execute0_lowered:
.L_overlay_start_1:
0x0: {  	(tag) =	ssettag $0x1  }
0x1: {  	s0 =	rddreg [dreg:$0x0];
	s1 =	srdreg.scid  }
0x2: {  	s2 =	rddreg [dreg:$0x1];
	s11 =	stileid.u32  }
0x3: {  	s8 =	rddreg [dreg:$0x2];
	s9 =	smul.u32 $0x4800, s11  }
0x4: {  	s3 =	rddreg [dreg:$0x3];
	s1 =	sand.u32 $0x1, s1;
	s18 =	smul.u32 $0x12000, s11  }
0x5: {  	s30 =	simm.s32 $0x19080;
	s31 =	simm.s32 $0x6;
	s7 =	smul.u32 $0x48000, s1  }
0x6: {  	s4 =	sshll.u32 s1, $0x4;
	s19 =	ssub.s32 $0x2, s1;
	s1 =	smul.u32 $0x900, s1  }
0x7: {  	s5 =	sor.u32 s11, s4;
	s4 =	rddreg [dreg:$0x4];
	s11 =	smul.u32 $0x90, s11  }
0x8: {  	s20 =	sshrl.u32 s19, $0x1;
	s6 =	smul.u32 $0x500, s5;
	s5 =	simm.s32 $0x0  }
0x9: {  	s17 =	sadd.s32 s9, s7;
	s7 =	sshrl.u32 s18, $0x2;
	s9 =	ssub.s32 s19, s20  }
0xa: {  	[smem:$0x7FF] =	sst s5;
	s12 =	sadd.s32 $0x10, s11;
	s14 =	sadd.s32 $0x20, s11  }
0xb: {  	s15 =	sadd.s32 $0x30, s11;
	s25 =	sadd.s32 $0x40, s11;
	s28 =	sadd.s32 $0x50, s11  }
0xc: {  	s1 =	sadd.s32 s11, s1;
	s16 =	sadd.s32 $0x60, s11;
	s18 =	sadd.s32 $0x70, s11  }
0xd: {  	s20 =	sadd.s32 $0x80, s11;
	_ =	strace $0x80000047;
	s10 =	sadd.s32 s6, s2  }
0xe: {  	s6 =	sshrl.u32 s17, $0x3;
	s13 =	sshll.u32 s12, $0x7;
	s21 =	sshll.u32 s14, $0x7  }
0xf: {  	s12 =	sadd.s32 s12, s4;
	s23 =	sshll.u32 s15, $0x7;
	s24 =	sadd.s32 s14, s4  }
0x10: {  	s26 =	sshll.u32 s25, $0x7;
	s15 =	sadd.s32 s15, s4;
	s29 =	sshll.u32 s28, $0x7  }
0x11: {  	s1 =	sshrl.u32 s1, $0x3;
	s17 =	sshll.u32 s16, $0x7;
	[dreg:$0x7] =	wrdreg s12  }
0x12: {  	s14 =	simm.s32 $0x19000;
	s2 =	sadd.s32 s6, s2;
	[dreg:$0x9] =	wrdreg s24  }
0x13: {  	s6 =	sadd.s32 s7, s3;
	s13 =	sadd.s32 s13, s3;
	[dreg:$0xb] =	wrdreg s15  }
0x14: {  	s7 =	sadd.s32 s11, s4;
	s22 =	sadd.s32 s21, s3;
	[dreg:$0x6] =	wrdreg s13  }
0x15: {  	s12 =	sadd.s32 s23, s3;
	s15 =	sadd.s32 s28, s4;
	[dreg:$0x8] =	wrdreg s22  }
0x16: {  	s1 =	sadd.s32 s8, s1;
	s19 =	sadd.s32 s17, s3;
	[dreg:$0xa] =	wrdreg s12  }
0x17: {  	s21 =	sshll.u32 s18, $0x7;
	s24 =	sadd.s32 s20, s4;
	[dreg:$0xf] =	wrdreg s15  }
0x18: {  	s8 =	simm.s32 $0x5000;
	s17 =	simm.s32 $0x4;
	[dreg:$0x10] =	wrdreg s1  }
0x19: {  	s13 =	sadd.s32 s26, s3;
	s12 =	sadd.s32 s25, s4;
	[dreg:$0x11] =	wrdreg s19  }
0x1a: {  	s11 =	sadd.s32 s21, s3;
	s22 =	sshll.u32 s20, $0x7;
	[dreg:$0x16] =	wrdreg s24  }
0x1b: {  	s1 =	sadd.s32 s18, s4;
	s25 =	sadd.s32 $0xC600, s10;
	[dreg:$0xc] =	wrdreg s13  }
0x1c: {  	s26 =	sadd.s32 $0x2600, s10;
	s28 =	sadd.s32 $0x16600, s2;
	[dreg:$0xd] =	wrdreg s12  }
0x1d: {  	s2 =	simm.s32 $0x19880;
	s10 =	simm.s32 $0xD000;
	[dreg:$0x13] =	wrdreg s11  }
0x1e: {  	s15 =	simm.s32 $0x2;
	s18 =	simm.s32 $0x5;
	[dreg:$0x14] =	wrdreg s1  }
0x1f: {  	s19 =	simm.s32 $0x4D80;
	s20 =	simm.s32 $0x4E00;
	[dreg:$0x17] =	wrdreg s25  }
0x20: {  	s21 =	simm.s32 $0x4E80;
	s24 =	simm.s32 $0x19900;
	[dreg:$0x18] =	wrdreg s26  }
0x21: {  	s13 =	sadd.s32 s29, s3;
	s12 =	sadd.s32 s16, s4;
	[dreg:$0x19] =	wrdreg s28  }
0x22: {  	s23 =	sadd.s32 s22, s3;
	s29 =	smax.u32 s9, $0x1;
	[dreg:$0xe] =	wrdreg s13  }
0x23: {  	s1 =	simm.s32 $0x80;
	s9 =	simm.s32 $0x9000;
	[dreg:$0x12] =	wrdreg s12  }
0x24: {  	s11 =	simm.s32 $0x11000;
	s16 =	simm.s32 $0x3;
	[dreg:$0x15] =	wrdreg s23  }
0x25: {  	s22 =	simm.s32 $0x4F00;
	s25 =	simm.s32 $0x0;
	[dreg:$0x1a] =	wrdreg s29  }
0x26: {  	v0 =	vimm.f32 $0.0e+00;
	v1 =	vimm.f32 $1.000000000e+00;
	s12 =	simm.s32 $0x15000;
	s13 =	simm.s32 $0x1;
	s23 =	simm.s32 $0x4F80  }
.LBB2_1:
0x27: {  	[tilespmem:$0x19080] =	vst v0  }
0x28: {  	[tilespmem:$0x19090] =	vst v0  }
0x29: {  	[tilespmem:$0x190A0] =	vst v0  }
0x2a: {  	[tilespmem:$0x190B0] =	vst v0  }
0x2b: {  	[tilespmem:$0x190C0] =	vst v0  }
0x2c: {  	[tilespmem:$0x190D0] =	vst v0  }
0x2d: {  	[tilespmem:$0x190E0] =	vst v0  }
0x2e: {  	[tilespmem:$0x190F0] =	vst v0  }
0x2f: {  	[tilespmem:$0x19100] =	vst v0  }
0x30: {  	[tilespmem:$0x19110] =	vst v0  }
0x31: {  	[tilespmem:$0x19120] =	vst v0  }
0x32: {  	[tilespmem:$0x19130] =	vst v0  }
0x33: {  	[tilespmem:$0x19140] =	vst v0  }
0x34: {  	[tilespmem:$0x19150] =	vst v0  }
0x35: {  	[tilespmem:$0x19160] =	vst v0  }
0x36: {  	[tilespmem:$0x19170] =	vst v0  }
0x37: {  	[tilespmem:$0x19180] =	vst v0  }
0x38: {  	[tilespmem:$0x19190] =	vst v0  }
0x39: {  	[tilespmem:$0x191A0] =	vst v0  }
0x3a: {  	[tilespmem:$0x191B0] =	vst v0  }
0x3b: {  	[tilespmem:$0x191C0] =	vst v0  }
0x3c: {  	[tilespmem:$0x191D0] =	vst v0  }
0x3d: {  	[tilespmem:$0x191E0] =	vst v0  }
0x3e: {  	[tilespmem:$0x191F0] =	vst v0  }
0x3f: {  	[tilespmem:$0x19200] =	vst v0  }
0x40: {  	[tilespmem:$0x19210] =	vst v0  }
0x41: {  	[tilespmem:$0x19220] =	vst v0  }
0x42: {  	[tilespmem:$0x19230] =	vst v0  }
0x43: {  	[tilespmem:$0x19240] =	vst v0  }
0x44: {  	[tilespmem:$0x19250] =	vst v0  }
0x45: {  	[tilespmem:$0x19260] =	vst v0  }
0x46: {  	[tilespmem:$0x19270] =	vst v0  }
0x47: {  	[tilespmem:$0x19280] =	vst v0  }
0x48: {  	[tilespmem:$0x19290] =	vst v0  }
0x49: {  	[tilespmem:$0x192A0] =	vst v0  }
0x4a: {  	[tilespmem:$0x192B0] =	vst v0  }
0x4b: {  	[tilespmem:$0x192C0] =	vst v0  }
0x4c: {  	[tilespmem:$0x192D0] =	vst v0  }
0x4d: {  	[tilespmem:$0x192E0] =	vst v0  }
0x4e: {  	[tilespmem:$0x192F0] =	vst v0  }
0x4f: {  	[tilespmem:$0x19300] =	vst v0  }
0x50: {  	[tilespmem:$0x19310] =	vst v0  }
0x51: {  	[tilespmem:$0x19320] =	vst v0  }
0x52: {  	[tilespmem:$0x19330] =	vst v0  }
0x53: {  	[tilespmem:$0x19340] =	vst v0  }
0x54: {  	[tilespmem:$0x19350] =	vst v0  }
0x55: {  	[tilespmem:$0x19360] =	vst v0  }
0x56: {  	[tilespmem:$0x19370] =	vst v0  }
0x57: {  	[tilespmem:$0x19380] =	vst v0  }
0x58: {  	[tilespmem:$0x19390] =	vst v0  }
0x59: {  	[tilespmem:$0x193A0] =	vst v0  }
0x5a: {  	[tilespmem:$0x193B0] =	vst v0  }
0x5b: {  	[tilespmem:$0x193C0] =	vst v0  }
0x5c: {  	[tilespmem:$0x193D0] =	vst v0  }
0x5d: {  	[tilespmem:$0x193E0] =	vst v0  }
0x5e: {  	[tilespmem:$0x193F0] =	vst v0  }
0x5f: {  	[tilespmem:$0x19400] =	vst v0  }
0x60: {  	[tilespmem:$0x19410] =	vst v0  }
0x61: {  	[tilespmem:$0x19420] =	vst v0  }
0x62: {  	[tilespmem:$0x19430] =	vst v0  }
0x63: {  	[tilespmem:$0x19440] =	vst v0  }
0x64: {  	[tilespmem:$0x19450] =	vst v0  }
0x65: {  	[tilespmem:$0x19460] =	vst v0  }
0x66: {  	[tilespmem:$0x19470] =	vst v0  }
0x67: {  	[tilespmem:$0x19480] =	vst v0  }
0x68: {  	[tilespmem:$0x19490] =	vst v0  }
0x69: {  	[tilespmem:$0x194A0] =	vst v0  }
0x6a: {  	[tilespmem:$0x194B0] =	vst v0  }
0x6b: {  	[tilespmem:$0x194C0] =	vst v0  }
0x6c: {  	[tilespmem:$0x194D0] =	vst v0  }
0x6d: {  	[tilespmem:$0x194E0] =	vst v0  }
0x6e: {  	[tilespmem:$0x194F0] =	vst v0  }
0x6f: {  	[tilespmem:$0x19500] =	vst v0  }
0x70: {  	[tilespmem:$0x19510] =	vst v0  }
0x71: {  	[tilespmem:$0x19520] =	vst v0  }
0x72: {  	[tilespmem:$0x19530] =	vst v0  }
0x73: {  	[tilespmem:$0x19540] =	vst v0  }
0x74: {  	[tilespmem:$0x19550] =	vst v0  }
0x75: {  	[tilespmem:$0x19560] =	vst v0  }
0x76: {  	[tilespmem:$0x19570] =	vst v0  }
0x77: {  	[tilespmem:$0x19580] =	vst v0  }
0x78: {  	[tilespmem:$0x19590] =	vst v0  }
0x79: {  	[tilespmem:$0x195A0] =	vst v0  }
0x7a: {  	[tilespmem:$0x195B0] =	vst v0  }
0x7b: {  	[tilespmem:$0x195C0] =	vst v0  }
0x7c: {  	[tilespmem:$0x195D0] =	vst v0  }
0x7d: {  	[tilespmem:$0x195E0] =	vst v0  }
0x7e: {  	[tilespmem:$0x195F0] =	vst v0  }
0x7f: {  	[tilespmem:$0x19600] =	vst v0  }
0x80: {  	[tilespmem:$0x19610] =	vst v0  }
0x81: {  	[tilespmem:$0x19620] =	vst v0  }
0x82: {  	[tilespmem:$0x19630] =	vst v0  }
0x83: {  	[tilespmem:$0x19640] =	vst v0  }
0x84: {  	[tilespmem:$0x19650] =	vst v0  }
0x85: {  	[tilespmem:$0x19660] =	vst v0  }
0x86: {  	[tilespmem:$0x19670] =	vst v0  }
0x87: {  	[tilespmem:$0x19680] =	vst v0  }
0x88: {  	[tilespmem:$0x19690] =	vst v0  }
0x89: {  	[tilespmem:$0x196A0] =	vst v0  }
0x8a: {  	[tilespmem:$0x196B0] =	vst v0  }
0x8b: {  	[tilespmem:$0x196C0] =	vst v0  }
0x8c: {  	[tilespmem:$0x196D0] =	vst v0  }
0x8d: {  	[tilespmem:$0x196E0] =	vst v0  }
0x8e: {  	[tilespmem:$0x196F0] =	vst v0  }
0x8f: {  	[tilespmem:$0x19700] =	vst v0  }
0x90: {  	[tilespmem:$0x19710] =	vst v0  }
0x91: {  	[tilespmem:$0x19720] =	vst v0  }
0x92: {  	[tilespmem:$0x19730] =	vst v0  }
0x93: {  	[tilespmem:$0x19740] =	vst v0  }
0x94: {  	[tilespmem:$0x19750] =	vst v0  }
0x95: {  	[tilespmem:$0x19760] =	vst v0  }
0x96: {  	[tilespmem:$0x19770] =	vst v0  }
0x97: {  	[tilespmem:$0x19780] =	vst v0  }
0x98: {  	[tilespmem:$0x19790] =	vst v0  }
0x99: {  	[tilespmem:$0x197A0] =	vst v0  }
0x9a: {  	[tilespmem:$0x197B0] =	vst v0  }
0x9b: {  	[tilespmem:$0x197C0] =	vst v0  }
0x9c: {  	[tilespmem:$0x197D0] =	vst v0  }
0x9d: {  	[tilespmem:$0x197E0] =	vst v0  }
0x9e: {  	[tilespmem:$0x197F0] =	vst v0  }
0x9f: {  	[tilespmem:$0x19800] =	vst v0  }
0xa0: {  	[tilespmem:$0x19810] =	vst v0  }
0xa1: {  	[tilespmem:$0x19820] =	vst v0  }
0xa2: {  	[tilespmem:$0x19830] =	vst v0  }
0xa3: {  	[tilespmem:$0x19840] =	vst v0  }
0xa4: {  	[tilespmem:$0x19850] =	vst v0  }
0xa5: {  	[tilespmem:$0x19860] =	vst v0  }
0xa6: {  	[tilespmem:$0x19870] =	vst v0  }
0xa7: {  	[tilespmem:$0x19880] =	vst v0  }
0xa8: {  	[tilespmem:$0x19000] =	vst v1  }
0xa9: {  	[tilespmem:$0x19010] =	vst v1  }
0xaa: {  	[tilespmem:$0x19020] =	vst v1  }
0xab: {  	[tilespmem:$0x19030] =	vst v1  }
0xac: {  	[tilespmem:$0x19040] =	vst v1  }
0xad: {  	[tilespmem:$0x19050] =	vst v1  }
0xae: {  	[tilespmem:$0x19060] =	vst v1  }
0xaf: {  	[tilespmem:$0x19070] =	vst v1  }
0xb0: {  	[spmem:s6] =	stream.linear.scatter [tilespmem:s30], [sflag:$0x6], $0x800, $0x38;
	[tilespmem:$0x1E290] =	vst v63  }
0xb1: {  	_ =	swait.ge [sflag:s31], $0x800  }
0xb2: {  	[sflag:s31] =	ssyncset.done $0x0  }
0xb3: {  	[sflag:s31] =	ssyncadd.s32 $0xFFFFF800  }
0xb4: {  	[spmem:s7] =	stream.linear.scatter [tilespmem:s2], [sflag:$0x6], $0x10, $0x38;
	[tilespmem:$0x1E290] =	vst v63  }
0xb5: {  	_ =	swait.ge [sflag:s31], $0x10  }
0xb6: {  	[sflag:s31] =	ssyncset.done $0x0  }
0xb7: {  	s26 =	rddreg [dreg:$0x6];
	[sflag:s31] =	ssyncadd.s32 $0xFFFFFFF0  }
0xb8: {  	[spmem:s26] =	stream.linear.scatter [tilespmem:s30], [sflag:$0x6], $0x800, $0x38;
	[tilespmem:$0x1E290] =	vst v63  }
0xb9: {  	_ =	swait.ge [sflag:s31], $0x800  }
0xba: {  	[sflag:s31] =	ssyncset.done $0x0  }
0xbb: {  	s29 =	rddreg [dreg:$0x7];
	[sflag:s31] =	ssyncadd.s32 $0xFFFFF800  }
0xbc: {  	[spmem:s29] =	stream.linear.scatter [tilespmem:s2], [sflag:$0x6], $0x10, $0x38;
	[tilespmem:$0x1E290] =	vst v63  }
0xbd: {  	_ =	swait.ge [sflag:s31], $0x10  }
0xbe: {  	[sflag:s31] =	ssyncset.done $0x0  }
0xbf: {  	s29 =	rddreg [dreg:$0x8];
	[sflag:s31] =	ssyncadd.s32 $0xFFFFFFF0  }
0xc0: {  	[spmem:s29] =	stream.linear.scatter [tilespmem:s30], [sflag:$0x6], $0x800, $0x38;
	[tilespmem:$0x1E290] =	vst v63  }
0xc1: {  	_ =	swait.ge [sflag:s31], $0x800  }
0xc2: {  	[sflag:s31] =	ssyncset.done $0x0  }
0xc3: {  	s29 =	rddreg [dreg:$0x9];
	[sflag:s31] =	ssyncadd.s32 $0xFFFFF800  }
0xc4: {  	[spmem:s29] =	stream.linear.scatter [tilespmem:s2], [sflag:$0x6], $0x10, $0x38;
	[tilespmem:$0x1E290] =	vst v63  }
0xc5: {  	_ =	swait.ge [sflag:s31], $0x10  }
0xc6: {  	[sflag:s31] =	ssyncset.done $0x0  }
0xc7: {  	s29 =	rddreg [dreg:$0xa];
	[sflag:s31] =	ssyncadd.s32 $0xFFFFFFF0  }
0xc8: {  	[spmem:s29] =	stream.linear.scatter [tilespmem:s30], [sflag:$0x6], $0x800, $0x38;
	[tilespmem:$0x1E290] =	vst v63  }
0xc9: {  	_ =	swait.ge [sflag:s31], $0x800  }
0xca: {  	[sflag:s31] =	ssyncset.done $0x0  }
0xcb: {  	s29 =	rddreg [dreg:$0xb];
	[sflag:s31] =	ssyncadd.s32 $0xFFFFF800  }
0xcc: {  	[spmem:s29] =	stream.linear.scatter [tilespmem:s2], [sflag:$0x6], $0x10, $0x38;
	[tilespmem:$0x1E290] =	vst v63  }
0xcd: {  	_ =	swait.ge [sflag:s31], $0x10  }
0xce: {  	[sflag:s31] =	ssyncset.done $0x0  }
0xcf: {  	s29 =	rddreg [dreg:$0xc];
	[sflag:s31] =	ssyncadd.s32 $0xFFFFFFF0  }
0xd0: {  	[spmem:s29] =	stream.linear.scatter [tilespmem:s30], [sflag:$0x6], $0x800, $0x38;
	[tilespmem:$0x1E290] =	vst v63  }
0xd1: {  	_ =	swait.ge [sflag:s31], $0x800  }
0xd2: {  	[sflag:s31] =	ssyncset.done $0x0  }
0xd3: {  	s29 =	rddreg [dreg:$0xd];
	[sflag:s31] =	ssyncadd.s32 $0xFFFFF800  }
0xd4: {  	[spmem:s29] =	stream.linear.scatter [tilespmem:s2], [sflag:$0x6], $0x10, $0x38;
	[tilespmem:$0x1E290] =	vst v63  }
0xd5: {  	_ =	swait.ge [sflag:s31], $0x10  }
0xd6: {  	[sflag:s31] =	ssyncset.done $0x0  }
0xd7: {  	s29 =	rddreg [dreg:$0xe];
	[sflag:s31] =	ssyncadd.s32 $0xFFFFFFF0  }
0xd8: {  	[spmem:s29] =	stream.linear.scatter [tilespmem:s30], [sflag:$0x6], $0x800, $0x38;
	[tilespmem:$0x1E290] =	vst v63  }
0xd9: {  	_ =	swait.ge [sflag:s31], $0x800  }
0xda: {  	[sflag:s31] =	ssyncset.done $0x0  }
0xdb: {  	s29 =	rddreg [dreg:$0xf];
	[sflag:s31] =	ssyncadd.s32 $0xFFFFF800  }
0xdc: {  	[spmem:s29] =	stream.linear.scatter [tilespmem:s2], [sflag:$0x6], $0x10, $0x38;
	[tilespmem:$0x1E290] =	vst v63  }
0xdd: {  	_ =	swait.ge [sflag:s31], $0x10  }
0xde: {  	[sflag:s31] =	ssyncset.done $0x0  }
0xdf: {  	s29 =	rddreg [dreg:$0x11];
	[sflag:s31] =	ssyncadd.s32 $0xFFFFFFF0  }
0xe0: {  	[spmem:s29] =	stream.linear.scatter [tilespmem:s30], [sflag:$0x6], $0x800, $0x38;
	[tilespmem:$0x1E290] =	vst v63  }
0xe1: {  	_ =	swait.ge [sflag:s31], $0x800  }
0xe2: {  	[sflag:s31] =	ssyncset.done $0x0  }
0xe3: {  	s29 =	rddreg [dreg:$0x12];
	[sflag:s31] =	ssyncadd.s32 $0xFFFFF800  }
0xe4: {  	[spmem:s29] =	stream.linear.scatter [tilespmem:s2], [sflag:$0x6], $0x10, $0x38;
	[tilespmem:$0x1E290] =	vst v63  }
0xe5: {  	_ =	swait.ge [sflag:s31], $0x10  }
0xe6: {  	[sflag:s31] =	ssyncset.done $0x0  }
0xe7: {  	s29 =	rddreg [dreg:$0x13];
	[sflag:s31] =	ssyncadd.s32 $0xFFFFFFF0  }
0xe8: {  	[spmem:s29] =	stream.linear.scatter [tilespmem:s30], [sflag:$0x6], $0x800, $0x38;
	[tilespmem:$0x1E290] =	vst v63  }
0xe9: {  	_ =	swait.ge [sflag:s31], $0x800  }
0xea: {  	[sflag:s31] =	ssyncset.done $0x0  }
0xeb: {  	s29 =	rddreg [dreg:$0x14];
	[sflag:s31] =	ssyncadd.s32 $0xFFFFF800  }
0xec: {  	[spmem:s29] =	stream.linear.scatter [tilespmem:s2], [sflag:$0x6], $0x10, $0x38;
	[tilespmem:$0x1E290] =	vst v63  }
0xed: {  	_ =	swait.ge [sflag:s31], $0x10  }
0xee: {  	[sflag:s31] =	ssyncset.done $0x0  }
0xef: {  	s29 =	rddreg [dreg:$0x15];
	[sflag:s31] =	ssyncadd.s32 $0xFFFFFFF0  }
0xf0: {  	[spmem:s29] =	stream.linear.scatter [tilespmem:s30], [sflag:$0x6], $0x800, $0x38;
	[tilespmem:$0x1E290] =	vst v63  }
0xf1: {  	_ =	swait.ge [sflag:s31], $0x800  }
0xf2: {  	[sflag:s31] =	ssyncset.done $0x0  }
0xf3: {  	s29 =	rddreg [dreg:$0x16];
	[sflag:s31] =	ssyncadd.s32 $0xFFFFF800  }
0xf4: {  	[spmem:s29] =	stream.linear.scatter [tilespmem:s2], [sflag:$0x6], $0x10, $0x38;
	[tilespmem:$0x1E290] =	vst v63  }
0xf5: {  	_ =	swait.ge [sflag:s31], $0x10  }
0xf6: {  	[sflag:s31] =	ssyncset.done $0x0  }
0xf7: {  	s29 =	rddreg [dreg:$0x17];
	[sflag:s31] =	ssyncadd.s32 $0xFFFFFFF0  }
0xf8: {  	[tilespmem:s5], [sflag:$0x6] =	stream.linear.gather [hbm4b:s29+s5], $0x2800, $0x38;
	[tilespmem:$0x1E290] =	vst v63  }
0xf9: {  	_ =	swait.ge [sflag:s31], $0x2800  }
0xfa: {  	[sflag:s31] =	ssyncset.done $0x0  }
0xfb: {  	s28 =	simm.s32 $0x2800;
	s29 =	rddreg [dreg:$0x18];
	[sflag:s31] =	ssyncadd.s32 $0xFFFFD800  }
0xfc: {  	[tilespmem:s28], [sflag:$0x6] =	stream.linear.gather [hbm4b:s29+s5], $0x2800, $0x38;
	[tilespmem:$0x1E290] =	vst v63  }
0xfd: {  	_ =	swait.ge [sflag:s31], $0x2800  }
0xfe: {  	[sflag:s31] =	ssyncset.done $0x0  }
0xff: {  	[sflag:s31] =	ssyncadd.s32 $0xFFFFD800  }
0x100: {  	[bflag:$0x0] =	sbarrier.arrive $0xFFFF  }
0x101: {  	[tilespmem:s8], [sflag:$0x1] =	stream.indirect.gather [hbm4b:s0+s1], $0x80, s5, s1, $0xb8;
	[tilespmem:$0x1E290] =	vst v63  }
0x102: {  	_ = 	snop  }
0x103: {  	[tilespmem:s9], [sflag:$0x2] =	stream.indirect.gather [hbm4b:s0+s1], $0x80, s1, s1, $0xb8;
	[tilespmem:$0x1E290] =	vst v63  }
0x104: {  	s29 =	simm.s32 $0x100  }
0x105: {  	[tilespmem:s10], [sflag:$0x3] =	stream.indirect.gather [hbm4b:s0+s1], $0x80, s29, s1, $0xb8;
	[tilespmem:$0x1E290] =	vst v63  }
0x106: {  	s29 =	simm.s32 $0x180  }
0x107: {  	[tilespmem:s11], [sflag:$0x4] =	stream.indirect.gather [hbm4b:s0+s1], $0x80, s29, s1, $0xb8;
	[tilespmem:$0x1E290] =	vst v63  }
0x108: {  	s29 =	simm.s32 $0x200  }
0x109: {  	[tilespmem:s12], [sflag:$0x5] =	stream.indirect.gather [hbm4b:s0+s1], $0x80, s29, s1, $0xb8;
	[tilespmem:$0x1E290] =	vst v63  }
0x10a: {  	_ =	swait.ge [sflag:s13], $0x4000  }
0x10b: {  	[sflag:s13] =	ssyncset.done $0x0  }
0x10c: {  	s29 =	simm.s32 $0x2800;
	[sflag:s13] =	ssyncadd.s32 $0xFFFFC000  }
0x10d: {  	[spmem:s3] =	stream.indirect.scatter.add.f32 [tilespmem:s8], [sflag:$0x6], $0x80, s29, s1, $0xb8;
	[tilespmem:$0x1E290] =	vst v63  }
0x10e: {  	_ =	swait.ge [sflag:s31], $0x4000  }
0x10f: {  	[sflag:s31] =	ssyncset.done $0x0  }
0x110: {  	[sflag:s31] =	ssyncadd.s32 $0xFFFFC000  }
0x111: {  	[spmem:s4] =	stream.indirect.scatter.add.f32 [tilespmem:s14], [sflag:$0x6], $0x1, s29, s1, $0xb8;
	[tilespmem:$0x1E290] =	vst v63  }
0x112: {  	_ =	swait.ge [sflag:s31], $0x80  }
0x113: {  	[sflag:s31] =	ssyncset.done $0x0  }
0x114: {  	s29 =	simm.s32 $0x280;
	[sflag:s31] =	ssyncadd.s32 $0xFFFFFF80  }
0x115: {  	[tilespmem:s8], [sflag:$0x1] =	stream.indirect.gather [hbm4b:s0+s1], $0x80, s29, s1, $0xb8;
	[tilespmem:$0x1E290] =	vst v63  }
0x116: {  	_ =	swait.ge [sflag:s15], $0x4000  }
0x117: {  	[sflag:s15] =	ssyncset.done $0x0  }
0x118: {  	s29 =	simm.s32 $0x2880;
	[sflag:s15] =	ssyncadd.s32 $0xFFFFC000  }
0x119: {  	[spmem:s3] =	stream.indirect.scatter.add.f32 [tilespmem:s9], [sflag:$0x6], $0x80, s29, s1, $0xb8;
	[tilespmem:$0x1E290] =	vst v63  }
0x11a: {  	_ =	swait.ge [sflag:s31], $0x4000  }
0x11b: {  	[sflag:s31] =	ssyncset.done $0x0  }
0x11c: {  	[sflag:s31] =	ssyncadd.s32 $0xFFFFC000  }
0x11d: {  	[spmem:s4] =	stream.indirect.scatter.add.f32 [tilespmem:s14], [sflag:$0x6], $0x1, s29, s1, $0xb8;
	[tilespmem:$0x1E290] =	vst v63  }
0x11e: {  	_ =	swait.ge [sflag:s31], $0x80  }
0x11f: {  	[sflag:s31] =	ssyncset.done $0x0  }
0x120: {  	s29 =	simm.s32 $0x300;
	[sflag:s31] =	ssyncadd.s32 $0xFFFFFF80  }
0x121: {  	[tilespmem:s9], [sflag:$0x2] =	stream.indirect.gather [hbm4b:s0+s1], $0x80, s29, s1, $0xb8;
	[tilespmem:$0x1E290] =	vst v63  }
0x122: {  	_ =	swait.ge [sflag:s16], $0x4000  }
0x123: {  	[sflag:s16] =	ssyncset.done $0x0  }
0x124: {  	s29 =	simm.s32 $0x2900;
	[sflag:s16] =	ssyncadd.s32 $0xFFFFC000  }
0x125: {  	[spmem:s3] =	stream.indirect.scatter.add.f32 [tilespmem:s10], [sflag:$0x6], $0x80, s29, s1, $0xb8;
	[tilespmem:$0x1E290] =	vst v63  }
0x126: {  	_ =	swait.ge [sflag:s31], $0x4000  }
0x127: {  	[sflag:s31] =	ssyncset.done $0x0  }
0x128: {  	[sflag:s31] =	ssyncadd.s32 $0xFFFFC000  }
0x129: {  	[spmem:s4] =	stream.indirect.scatter.add.f32 [tilespmem:s14], [sflag:$0x6], $0x1, s29, s1, $0xb8;
	[tilespmem:$0x1E290] =	vst v63  }
0x12a: {  	_ =	swait.ge [sflag:s31], $0x80  }
0x12b: {  	[sflag:s31] =	ssyncset.done $0x0  }
0x12c: {  	s29 =	simm.s32 $0x380;
	[sflag:s31] =	ssyncadd.s32 $0xFFFFFF80  }
0x12d: {  	[tilespmem:s10], [sflag:$0x3] =	stream.indirect.gather [hbm4b:s0+s1], $0x80, s29, s1, $0xb8;
	[tilespmem:$0x1E290] =	vst v63  }
0x12e: {  	_ =	swait.ge [sflag:s17], $0x4000  }
0x12f: {  	[sflag:s17] =	ssyncset.done $0x0  }
0x130: {  	s29 =	simm.s32 $0x2980;
	[sflag:s17] =	ssyncadd.s32 $0xFFFFC000  }
0x131: {  	[spmem:s3] =	stream.indirect.scatter.add.f32 [tilespmem:s11], [sflag:$0x6], $0x80, s29, s1, $0xb8;
	[tilespmem:$0x1E290] =	vst v63  }
0x132: {  	_ =	swait.ge [sflag:s31], $0x4000  }
0x133: {  	[sflag:s31] =	ssyncset.done $0x0  }
0x134: {  	[sflag:s31] =	ssyncadd.s32 $0xFFFFC000  }
0x135: {  	[spmem:s4] =	stream.indirect.scatter.add.f32 [tilespmem:s14], [sflag:$0x6], $0x1, s29, s1, $0xb8;
	[tilespmem:$0x1E290] =	vst v63  }
0x136: {  	_ =	swait.ge [sflag:s31], $0x80  }
0x137: {  	[sflag:s31] =	ssyncset.done $0x0  }
0x138: {  	s29 =	simm.s32 $0x400;
	[sflag:s31] =	ssyncadd.s32 $0xFFFFFF80  }
0x139: {  	[tilespmem:s11], [sflag:$0x4] =	stream.indirect.gather [hbm4b:s0+s1], $0x80, s29, s1, $0xb8;
	[tilespmem:$0x1E290] =	vst v63  }
0x13a: {  	_ =	swait.ge [sflag:s18], $0x4000  }
0x13b: {  	[sflag:s18] =	ssyncset.done $0x0  }
0x13c: {  	s29 =	simm.s32 $0x2A00;
	[sflag:s18] =	ssyncadd.s32 $0xFFFFC000  }
0x13d: {  	[spmem:s3] =	stream.indirect.scatter.add.f32 [tilespmem:s12], [sflag:$0x6], $0x80, s29, s1, $0xb8;
	[tilespmem:$0x1E290] =	vst v63  }
0x13e: {  	_ =	swait.ge [sflag:s31], $0x4000  }
0x13f: {  	[sflag:s31] =	ssyncset.done $0x0  }
0x140: {  	[sflag:s31] =	ssyncadd.s32 $0xFFFFC000  }
0x141: {  	[spmem:s4] =	stream.indirect.scatter.add.f32 [tilespmem:s14], [sflag:$0x6], $0x1, s29, s1, $0xb8;
	[tilespmem:$0x1E290] =	vst v63  }
0x142: {  	_ =	swait.ge [sflag:s31], $0x80  }
0x143: {  	[sflag:s31] =	ssyncset.done $0x0  }
0x144: {  	s26 =	simm.s32 $0xA00;
	s28 =	simm.s32 $0x480;
	[sflag:s31] =	ssyncadd.s32 $0xFFFFFF80  }
.LBB2_2:
0x145: {  	[tilespmem:s12], [sflag:$0x5] =	stream.indirect.gather [hbm4b:s0+s1], $0x80, s28, s1, $0xb8;
	[tilespmem:$0x1E290] =	vst v63  }
0x146: {  	s28 =	smov.u32 s26  }
0x147: {  	p0 =	sne.s32 s26, $0x8C00;
	s26 =	sadd.s32 $0xA00, s26;
	_ =	swait.ge [sflag:s13], $0x4000  }
0x148: {  	s28 =	sshra.s32 s28, $0x2;
	[sflag:s13] =	ssyncset.done $0x0  }
0x149: {  	s29 =	sadd.s32 $0x2800, s28;
	[sflag:s13] =	ssyncadd.s32 $0xFFFFC000  }
0x14a: {  	[spmem:s3] =	stream.indirect.scatter.add.f32 [tilespmem:s8], [sflag:$0x6], $0x80, s29, s1, $0xb8;
	[tilespmem:$0x1E290] =	vst v63  }
0x14b: {  	_ =	swait.ge [sflag:s31], $0x4000  }
0x14c: {  	[sflag:s31] =	ssyncset.done $0x0  }
0x14d: {  	[sflag:s31] =	ssyncadd.s32 $0xFFFFC000  }
0x14e: {  	[spmem:s4] =	stream.indirect.scatter.add.f32 [tilespmem:s14], [sflag:$0x6], $0x1, s29, s1, $0xb8;
	[tilespmem:$0x1E290] =	vst v63  }
0x14f: {  	_ =	swait.ge [sflag:s31], $0x80  }
0x150: {  	[sflag:s31] =	ssyncset.done $0x0  }
0x151: {  	s29 =	sadd.s32 $0x280, s28;
	[sflag:s31] =	ssyncadd.s32 $0xFFFFFF80  }
0x152: {  	[tilespmem:s8], [sflag:$0x1] =	stream.indirect.gather [hbm4b:s0+s1], $0x80, s29, s1, $0xb8;
	[tilespmem:$0x1E290] =	vst v63  }
0x153: {  	_ =	swait.ge [sflag:s15], $0x4000  }
0x154: {  	[sflag:s15] =	ssyncset.done $0x0  }
0x155: {  	s29 =	sadd.s32 $0x2880, s28;
	[sflag:s15] =	ssyncadd.s32 $0xFFFFC000  }
0x156: {  	[spmem:s3] =	stream.indirect.scatter.add.f32 [tilespmem:s9], [sflag:$0x6], $0x80, s29, s1, $0xb8;
	[tilespmem:$0x1E290] =	vst v63  }
0x157: {  	_ =	swait.ge [sflag:s31], $0x4000  }
0x158: {  	[sflag:s31] =	ssyncset.done $0x0  }
0x159: {  	[sflag:s31] =	ssyncadd.s32 $0xFFFFC000  }
0x15a: {  	[spmem:s4] =	stream.indirect.scatter.add.f32 [tilespmem:s14], [sflag:$0x6], $0x1, s29, s1, $0xb8;
	[tilespmem:$0x1E290] =	vst v63  }
0x15b: {  	_ =	swait.ge [sflag:s31], $0x80  }
0x15c: {  	[sflag:s31] =	ssyncset.done $0x0  }
0x15d: {  	s29 =	sadd.s32 $0x300, s28;
	[sflag:s31] =	ssyncadd.s32 $0xFFFFFF80  }
0x15e: {  	[tilespmem:s9], [sflag:$0x2] =	stream.indirect.gather [hbm4b:s0+s1], $0x80, s29, s1, $0xb8;
	[tilespmem:$0x1E290] =	vst v63  }
0x15f: {  	_ =	swait.ge [sflag:s16], $0x4000  }
0x160: {  	[sflag:s16] =	ssyncset.done $0x0  }
0x161: {  	s29 =	sadd.s32 $0x2900, s28;
	[sflag:s16] =	ssyncadd.s32 $0xFFFFC000  }
0x162: {  	[spmem:s3] =	stream.indirect.scatter.add.f32 [tilespmem:s10], [sflag:$0x6], $0x80, s29, s1, $0xb8;
	[tilespmem:$0x1E290] =	vst v63  }
0x163: {  	_ =	swait.ge [sflag:s31], $0x4000  }
0x164: {  	[sflag:s31] =	ssyncset.done $0x0  }
0x165: {  	[sflag:s31] =	ssyncadd.s32 $0xFFFFC000  }
0x166: {  	[spmem:s4] =	stream.indirect.scatter.add.f32 [tilespmem:s14], [sflag:$0x6], $0x1, s29, s1, $0xb8;
	[tilespmem:$0x1E290] =	vst v63  }
0x167: {  	_ =	swait.ge [sflag:s31], $0x80  }
0x168: {  	[sflag:s31] =	ssyncset.done $0x0  }
0x169: {  	s29 =	sadd.s32 $0x380, s28;
	[sflag:s31] =	ssyncadd.s32 $0xFFFFFF80  }
0x16a: {  	[tilespmem:s10], [sflag:$0x3] =	stream.indirect.gather [hbm4b:s0+s1], $0x80, s29, s1, $0xb8;
	[tilespmem:$0x1E290] =	vst v63  }
0x16b: {  	_ =	swait.ge [sflag:s17], $0x4000  }
0x16c: {  	[sflag:s17] =	ssyncset.done $0x0  }
0x16d: {  	s29 =	sadd.s32 $0x2980, s28;
	[sflag:s17] =	ssyncadd.s32 $0xFFFFC000  }
0x16e: {  	[spmem:s3] =	stream.indirect.scatter.add.f32 [tilespmem:s11], [sflag:$0x6], $0x80, s29, s1, $0xb8;
	[tilespmem:$0x1E290] =	vst v63  }
0x16f: {  	_ =	swait.ge [sflag:s31], $0x4000  }
0x170: {  	[sflag:s31] =	ssyncset.done $0x0  }
0x171: {  	[sflag:s31] =	ssyncadd.s32 $0xFFFFC000  }
0x172: {  	[spmem:s4] =	stream.indirect.scatter.add.f32 [tilespmem:s14], [sflag:$0x6], $0x1, s29, s1, $0xb8;
	[tilespmem:$0x1E290] =	vst v63  }
0x173: {  	_ =	swait.ge [sflag:s31], $0x80  }
0x174: {  	[sflag:s31] =	ssyncset.done $0x0  }
0x175: {  	s29 =	sadd.s32 $0x400, s28;
	[sflag:s31] =	ssyncadd.s32 $0xFFFFFF80  }
0x176: {  	[tilespmem:s11], [sflag:$0x4] =	stream.indirect.gather [hbm4b:s0+s1], $0x80, s29, s1, $0xb8;
	[tilespmem:$0x1E290] =	vst v63  }
0x177: {  	_ =	swait.ge [sflag:s18], $0x4000  }
0x178: {  	[sflag:s18] =	ssyncset.done $0x0  }
0x179: {  	s29 =	sadd.s32 $0x2A00, s28;
	[sflag:s18] =	ssyncadd.s32 $0xFFFFC000  }
0x17a: {  	[spmem:s3] =	stream.indirect.scatter.add.f32 [tilespmem:s12], [sflag:$0x6], $0x80, s29, s1, $0xb8;
	[tilespmem:$0x1E290] =	vst v63  }
0x17b: {  	_ =	swait.ge [sflag:s31], $0x4000  }
0x17c: {  	[sflag:s31] =	ssyncset.done $0x0  }
.Ltmp0:
0x17d: {  	[sflag:s31] =	ssyncadd.s32 $0xFFFFC000;
	(pc) =	sbr.rel @p0 .LBB2_2-.Ltmp0, $4  }
0x17e: {  	[spmem:s4] =	stream.indirect.scatter.add.f32 [tilespmem:s14], [sflag:$0x6], $0x1, s29, s1, $0xb8;
	[tilespmem:$0x1E290] =	vst v63  }
0x17f: {  	_ =	swait.ge [sflag:s31], $0x80  }
0x180: {  	[sflag:s31] =	ssyncset.done $0x0  }
0x181: {  	s28 =	sadd.s32 $0x480, s28;
	[sflag:s31] =	ssyncadd.s32 $0xFFFFFF80  }
0x182: {  	[tilespmem:s12], [sflag:$0x5] =	stream.indirect.gather [hbm4b:s0+s1], $0x80, s28, s1, $0xb8;
	[tilespmem:$0x1E290] =	vst v63  }
0x183: {  	_ =	swait.ge [sflag:s13], $0x4000  }
0x184: {  	[sflag:s13] =	ssyncset.done $0x0  }
0x185: {  	[sflag:s13] =	ssyncadd.s32 $0xFFFFC000  }
0x186: {  	[spmem:s3] =	stream.indirect.scatter.add.f32 [tilespmem:s8], [sflag:$0x6], $0x80, s19, s1, $0xb8;
	[tilespmem:$0x1E290] =	vst v63  }
0x187: {  	_ =	swait.ge [sflag:s31], $0x4000  }
0x188: {  	[sflag:s31] =	ssyncset.done $0x0  }
0x189: {  	[sflag:s31] =	ssyncadd.s32 $0xFFFFC000  }
0x18a: {  	[spmem:s4] =	stream.indirect.scatter.add.f32 [tilespmem:s14], [sflag:$0x6], $0x1, s19, s1, $0xb8;
	[tilespmem:$0x1E290] =	vst v63  }
0x18b: {  	_ =	swait.ge [sflag:s31], $0x80  }
0x18c: {  	[sflag:s31] =	ssyncset.done $0x0  }
0x18d: {  	[sflag:s31] =	ssyncadd.s32 $0xFFFFFF80  }
0x18e: {  	_ =	swait.ge [sflag:s15], $0x4000  }
0x18f: {  	[sflag:s15] =	ssyncset.done $0x0  }
0x190: {  	[sflag:s15] =	ssyncadd.s32 $0xFFFFC000  }
0x191: {  	[spmem:s3] =	stream.indirect.scatter.add.f32 [tilespmem:s9], [sflag:$0x6], $0x80, s20, s1, $0xb8;
	[tilespmem:$0x1E290] =	vst v63  }
0x192: {  	_ =	swait.ge [sflag:s31], $0x4000  }
0x193: {  	[sflag:s31] =	ssyncset.done $0x0  }
0x194: {  	[sflag:s31] =	ssyncadd.s32 $0xFFFFC000  }
0x195: {  	[spmem:s4] =	stream.indirect.scatter.add.f32 [tilespmem:s14], [sflag:$0x6], $0x1, s20, s1, $0xb8;
	[tilespmem:$0x1E290] =	vst v63  }
0x196: {  	_ =	swait.ge [sflag:s31], $0x80  }
0x197: {  	[sflag:s31] =	ssyncset.done $0x0  }
0x198: {  	[sflag:s31] =	ssyncadd.s32 $0xFFFFFF80  }
0x199: {  	_ =	swait.ge [sflag:s16], $0x4000  }
0x19a: {  	[sflag:s16] =	ssyncset.done $0x0  }
0x19b: {  	[sflag:s16] =	ssyncadd.s32 $0xFFFFC000  }
0x19c: {  	[spmem:s3] =	stream.indirect.scatter.add.f32 [tilespmem:s10], [sflag:$0x6], $0x80, s21, s1, $0xb8;
	[tilespmem:$0x1E290] =	vst v63  }
0x19d: {  	_ =	swait.ge [sflag:s31], $0x4000  }
0x19e: {  	[sflag:s31] =	ssyncset.done $0x0  }
0x19f: {  	[sflag:s31] =	ssyncadd.s32 $0xFFFFC000  }
0x1a0: {  	[spmem:s4] =	stream.indirect.scatter.add.f32 [tilespmem:s14], [sflag:$0x6], $0x1, s21, s1, $0xb8;
	[tilespmem:$0x1E290] =	vst v63  }
0x1a1: {  	_ =	swait.ge [sflag:s31], $0x80  }
0x1a2: {  	[sflag:s31] =	ssyncset.done $0x0  }
0x1a3: {  	[sflag:s31] =	ssyncadd.s32 $0xFFFFFF80  }
0x1a4: {  	_ =	swait.ge [sflag:s17], $0x4000  }
0x1a5: {  	[sflag:s17] =	ssyncset.done $0x0  }
0x1a6: {  	[sflag:s17] =	ssyncadd.s32 $0xFFFFC000  }
0x1a7: {  	[spmem:s3] =	stream.indirect.scatter.add.f32 [tilespmem:s11], [sflag:$0x6], $0x80, s22, s1, $0xb8;
	[tilespmem:$0x1E290] =	vst v63  }
0x1a8: {  	_ =	swait.ge [sflag:s31], $0x4000  }
0x1a9: {  	[sflag:s31] =	ssyncset.done $0x0  }
0x1aa: {  	[sflag:s31] =	ssyncadd.s32 $0xFFFFC000  }
0x1ab: {  	[spmem:s4] =	stream.indirect.scatter.add.f32 [tilespmem:s14], [sflag:$0x6], $0x1, s22, s1, $0xb8;
	[tilespmem:$0x1E290] =	vst v63  }
0x1ac: {  	_ =	swait.ge [sflag:s31], $0x80  }
0x1ad: {  	[sflag:s31] =	ssyncset.done $0x0  }
0x1ae: {  	[sflag:s31] =	ssyncadd.s32 $0xFFFFFF80  }
0x1af: {  	_ =	swait.ge [sflag:s18], $0x4000  }
0x1b0: {  	[sflag:s18] =	ssyncset.done $0x0  }
0x1b1: {  	[sflag:s18] =	ssyncadd.s32 $0xFFFFC000  }
0x1b2: {  	[spmem:s3] =	stream.indirect.scatter.add.f32 [tilespmem:s12], [sflag:$0x6], $0x80, s23, s1, $0xb8;
	[tilespmem:$0x1E290] =	vst v63  }
0x1b3: {  	_ =	swait.ge [sflag:s31], $0x4000  }
0x1b4: {  	[sflag:s31] =	ssyncset.done $0x0  }
0x1b5: {  	[sflag:s31] =	ssyncadd.s32 $0xFFFFC000  }
0x1b6: {  	[spmem:s4] =	stream.indirect.scatter.add.f32 [tilespmem:s14], [sflag:$0x6], $0x1, s23, s1, $0xb8;
	[tilespmem:$0x1E290] =	vst v63  }
0x1b7: {  	_ =	swait.ge [sflag:s31], $0x80  }
0x1b8: {  	[sflag:s31] =	ssyncset.done $0x0  }
0x1b9: {  	s26 =	stileid.u32;
	[sflag:s31] =	ssyncadd.s32 $0xFFFFFF80  }
0x1ba: {  	s26 =	sshll.u32 s26, $0x6;
	[bflag:$0x0] =	sbarrier.arrive $0xFFFF  }
0x1bb: {  	s28 =	sshrl.u32 s6, $0x3;
	s26 =	sor.u32 $0x1C06, s26;
	s29 =	rddreg [dreg:$0x19]  }
0x1bc: {  	[hbm:s29], [sflag:s26] =	dma.local [spmem:s28], $0x900  }
0x1bd: {  	_ =	swait.ge [sflag:s31], $0x900  }
0x1be: {  	[sflag:s31] =	ssyncset.done $0x0  }
0x1bf: {  	[sflag:s31] =	ssyncadd.s32 $0xFFFFF700  }
0x1c0: {  	[tilespmem:s24], [sflag:$0x6] =	stream.linear.gather [spmem:s7], $0x90, $0x38;
	[tilespmem:$0x1E290] =	vst v63  }
0x1c1: {  	_ =	swait.ge [sflag:s31], $0x90  }
0x1c2: {  	[sflag:s31] =	ssyncset.done $0x0  }
0x1c3: {  	s28 =	rddreg [dreg:$0x10];
	[sflag:s31] =	ssyncadd.s32 $0xFFFFFF70  }
0x1c4: {  	[hbm4b:s28+s5] =	stream.linear.scatter [tilespmem:s24], [sflag:$0x6], $0x90, $0x38;
	[tilespmem:$0x1E290] =	vst v63  }
0x1c5: {  	_ =	swait.ge [sflag:s31], $0x90  }
0x1c6: {  	s25 =	sadd.s32 $0x1, s25;
	s29 =	rddreg [dreg:$0x1a]  }
0x1c7: {  	p0 =	sne.s32 s25, s29  }
.Ltmp1:
0x1c8: {  	_ = 	snop;
	(pc) =	sbr.rel @p0 .LBB2_1-.Ltmp1, $3  }
0x1c9: {  	_ =	sdelay $0x1  }
0x1ca: {  	[sflag:s31] =	ssyncset.done $0x0  }
0x1cb: {  	[sflag:s31] =	ssyncadd.s32 $0xFFFFFF70  }
0x1cc: {  	_ =	sfence.sel $0x180000  }
0x1cd: {  	[bflag:$0x0] =	sbarrier.arrive $0xFFFF  }
0x1ce: {  	_ =	strace $0x90000047  }
0x1cf: {  	s0 =	stileid.u32;
	[bflag:$0x2] =	sbarrier.arrive $0xFFFF  }
0x1d0: {  	p0 =	sne.s32 s0, $0x0;
	s0 =	rddreg [dreg:$0x5]  }
0x1d1: {  	s0 =	sadd.s32 @!p0 $0x100000, s0  }
0x1d2: {  	[sflag:s0] =	ssyncadd.tile.s32 @!p0 $0x1;
	_ =	shalt  }
.Lfunc_end2:
_tile_overlayer_lowered:
.L_overlay_start_2:
0x1d3: {  	(tag) =	ssettag $0x2  }
0x1d4: {  	s0 =	rddreg [dreg:$0x0];
	s2 =	stileid.u32  }
0x1d5: {  	s1 =	rddreg [dreg:$0x1];
	p0 =	sne.s32 s2, $0x0  }
0x1d6: {  	s3 =	rddreg [dreg:$0x2];
	[bflag:$0x3] =	sbarrier.arrive $0xFFFF;
	s2 =	simm.s32 @!p0 $0x1C06  }
0x1d7: {  	[timem:s3], [sflag:s2] =	dma.local @!p0 [hbm:s0], s1  }
0x1d8: {  	s0 =	simm.s32 @!p0 $0x6  }
0x1d9: {  	_ =	swait.ge @!p0 [sflag:s0], s1  }
0x1da: {  	s1 =	ssub.s32 @!p0 $0x0, s1;
	[sflag:s0] =	ssyncset.done @!p0 $0x0  }
0x1db: {  	[sflag:s0] =	ssyncadd.s32 @!p0 s1  }
0x1dc: {  	[bflag:$0x3] =	sbarrier.arrive $0xFFFF  }
0x1dd: {  	_ =	shalt  }

// kernel: kernel.9.cloned.1.call-start
scs
__scs_entry_jumppad:
0x0: {  	(pc) =	sbr.rel $0x88, $3  }
0x1: {  	(tag) =	ssettag $0x0;
	lr =	simm.s32 $0x1  }
0x2: {  	[smem:$0x3F96] =	sst lr;
	_ =	strace $0xD0000000  }
0x3: {  	_ = 	snop  }
0x4: {  	_ = 	snop  }
0x5: {  	_ = 	snop  }
0x6: {  	_ = 	snop  }
0x7: {  	_ = 	snop  }
__scs_overlays_trampoline_lowered:
0x8: {  	[smem:$0x3FA5] =	sst s0  }
0x9: {  	[smem:$0x3FA6] =	sst s1  }
0xa: {  	[smem:$0x3FA7] =	sst s2  }
0xb: {  	[smem:$0x3FA8] =	sst s3  }
0xc: {  	[smem:$0x3FA9] =	sst s4  }
0xd: {  	[smem:$0x3FAA] =	sst s5  }
0xe: {  	[smem:$0x3FAB] =	sst s6  }
0xf: {  	[smem:$0x3FAC] =	sst s7  }
0x10: {  	[smem:$0x3FAD] =	sst s8  }
0x11: {  	[smem:$0x3FAE] =	sst s9;
	s0 =	simm.s32 @!p0 $0x0  }
0x12: {  	s1 =	sld [smem:$0x3F94];
	s0 =	simm.s32 @p0 $0x1  }
0x13: {  	[smem:$0x3FAF] =	sst s0;
	s0 =	simm.s32 @!p1 $0x0  }
0x14: {  	s2 =	sld [smem:$0x3F93];
	s0 =	simm.s32 @p1 $0x1  }
0x15: {  	[smem:$0x3FB0] =	sst s0;
	s0 =	simm.s32 @!p2 $0x0  }
0x16: {  	s3 =	sld [smem:$0x3FDB];
	s0 =	simm.s32 @p2 $0x1  }
0x17: {  	s4 =	simm.s32 $0x1BF5;
	[smem:$0x3FB2] =	sst s0  }
0x18: {  	s0 =	sld [smem:$0x3F95];
	_ =	swait.ge [sflag:s4], $0x0  }
0x19: {  	s7 =	sld [smem:$0x3F96]  }
0x1a: {  	s8 =	sadd.s32 $0xFFFFE003, lr  }
0x1b: {  	s9 =	sadd.s32 $0xFFFFFEF7, lr;
	s5 =	simm.s32 $0xFFFFFFFF;
	p2 =	slt.u32 s8, $0xFFFFF086  }
0x1c: {  	p1 =	slt.u32 s9, $0xF7A;
	s5 =	simm.s32 @!p2 $0x0  }
0x1d: {  	s5 =	simm.s32 @p1 $0x1;
	p0 =	seq.s32 s7, s2  }
0x1e: {  	s7 =	smul.u32 @!p0 $0xF7A, s2;
	p2 =	seq.s32 @!p0 s5, $0x0  }
0x1f: {  	s9 =	smul.u32 $0xF7A, s1;
	s8 =	simm.s32 @!p0 $0x1BF5;
	p2 =	por !p2, p0  }
0x20: {  	[sflag:s8] =	ssyncset.s32 @!p0 $0xFFFFF086;
	s6 =	sadd.s32 @!p0 s3, s7;
	s7 =	simm.s32 @!p0 $0x108  }
0x21: {  	s3 =	sadd.s32 s3, s9;
	s6 =	sadd.s32 @!p0 $0x88, s6;
	s7 =	simm.s32 @p2 $0x1082  }
0x22: {  	[simem:s7], [sflag:s8] =	dma.local @!p0 [hbm:s6], $0xF7A  }
0x23: {  	s9 =	sor.u32 $0xD0000000, s2;
	s6 =	simm.s32 $0x108;
	_ =	swait.ge @!p0 [sflag:s8], $0x0  }
0x24: {  	s3 =	sadd.s32 $0x88, s3;
	s6 =	simm.s32 @!p1 $0x1082;
	[sflag:s4] =	ssyncset.s32 $0xFFFFF086  }
0x25: {  	[simem:s6], [sflag:s4] =	dma.local [hbm:s3], $0xF7A  }
0x26: {  	[smem:$0x3F96] =	sst s1;
	(tag) =	ssettag s2;
	_ =	strace s9  }
0x27: {  	s1 =	sld [smem:$0x3FA6]  }
0x28: {  	s2 =	sld [smem:$0x3FA7]  }
0x29: {  	s4 =	sld [smem:$0x3FA9]  }
0x2a: {  	p0 =	seq.s32 s5, $0x0;
	s5 =	sld [smem:$0x3FAA]  }
0x2b: {  	s6 =	sld [smem:$0x3FAB]  }
0x2c: {  	s7 =	sld [smem:$0x3FAC]  }
0x2d: {  	s3 =	simm.s32 $0x108;
	s8 =	sld [smem:$0x3FAD]  }
0x2e: {  	s3 =	simm.s32 @!p0 $0x1082;
	s9 =	sld [smem:$0x3FAE]  }
0x2f: {  	lr =	sadd.s32 s0, s3;
	s0 =	sld [smem:$0x3FA5]  }
0x30: {  	s3 =	sld [smem:$0x3FA8]  }
0x31: {  	[smem:$0x3FB1] =	sst s10  }
0x32: {  	s10 =	sld [smem:$0x3FAF];
	_ =	sdelay $0x3  }
0x33: {  	p0 =	seq.s32 s10, $0x1;
	s10 =	sld [smem:$0x3FB1];
	_ =	sdelay $0x3  }
0x34: {  	[smem:$0x3FB1] =	sst s10  }
0x35: {  	s10 =	sld [smem:$0x3FB0];
	_ =	sdelay $0x3  }
0x36: {  	p1 =	seq.s32 s10, $0x1;
	s10 =	sld [smem:$0x3FB1];
	_ =	sdelay $0x3  }
0x37: {  	[smem:$0x3FB1] =	sst s10  }
0x38: {  	s10 =	sld [smem:$0x3FB2]  }
0x39: {  	_ = 	snop;
	(pc) =	sbr.ind lr, $3  }
0x3a: {  	_ = 	snop  }
0x3b: {  	_ = 	snop  }
0x3c: {  	p2 =	seq.s32 s10, $0x1;
	s10 =	sld [smem:$0x3FB1]  }
0x3d: {  	_ =	shalt  }
0x3e: {  	_ =	shalt  }
0x3f: {  	_ =	shalt  }
0x40: {  	_ =	shalt  }
0x41: {  	_ =	shalt  }
0x42: {  	_ =	shalt  }
0x43: {  	_ =	shalt  }
0x44: {  	_ =	shalt  }
0x45: {  	_ =	shalt  }
0x46: {  	_ =	shalt  }
0x47: {  	_ =	shalt  }
0x48: {  	_ =	shalt  }
0x49: {  	_ =	shalt  }
0x4a: {  	_ =	shalt  }
0x4b: {  	_ =	shalt  }
0x4c: {  	_ =	shalt  }
0x4d: {  	_ =	shalt  }
0x4e: {  	_ =	shalt  }
0x4f: {  	_ =	shalt  }
0x50: {  	_ =	shalt  }
0x51: {  	_ =	shalt  }
0x52: {  	_ =	shalt  }
0x53: {  	_ =	shalt  }
0x54: {  	_ =	shalt  }
0x55: {  	_ =	shalt  }
0x56: {  	_ =	shalt  }
0x57: {  	_ =	shalt  }
0x58: {  	_ =	shalt  }
0x59: {  	_ =	shalt  }
0x5a: {  	_ =	shalt  }
0x5b: {  	_ =	shalt  }
0x5c: {  	_ =	shalt  }
0x5d: {  	_ =	shalt  }
0x5e: {  	_ =	shalt  }
0x5f: {  	_ =	shalt  }
0x60: {  	_ =	shalt  }
0x61: {  	_ =	shalt  }
0x62: {  	_ =	shalt  }
0x63: {  	_ =	shalt  }
0x64: {  	_ =	shalt  }
0x65: {  	_ =	shalt  }
0x66: {  	_ =	shalt  }
0x67: {  	_ =	shalt  }
0x68: {  	_ =	shalt  }
0x69: {  	_ =	shalt  }
0x6a: {  	_ =	shalt  }
0x6b: {  	_ =	shalt  }
0x6c: {  	_ =	shalt  }
0x6d: {  	_ =	shalt  }
0x6e: {  	_ =	shalt  }
0x6f: {  	_ =	shalt  }
0x70: {  	_ =	shalt  }
0x71: {  	_ =	shalt  }
0x72: {  	_ =	shalt  }
0x73: {  	_ =	shalt  }
0x74: {  	_ =	shalt  }
0x75: {  	_ =	shalt  }
0x76: {  	_ =	shalt  }
0x77: {  	_ =	shalt  }
0x78: {  	_ =	shalt  }
0x79: {  	_ =	shalt  }
0x7a: {  	_ =	shalt  }
0x7b: {  	_ =	shalt  }
0x7c: {  	_ =	shalt  }
0x7d: {  	_ =	shalt  }
0x7e: {  	_ =	shalt  }
0x7f: {  	_ =	shalt  }
0x80: {  	_ =	shalt  }
0x81: {  	_ =	shalt  }
0x82: {  	_ =	shalt  }
0x83: {  	_ =	shalt  }
0x84: {  	_ =	shalt  }
0x85: {  	_ =	shalt  }
0x86: {  	_ =	shalt  }
0x87: {  	_ =	shalt  }
.Lfunc_end0:
.L_simem_size_0:
called_computation.1_lowered:
.L_overlay_start_0:
0x88: {  	s2 =	sld [smem:$0x3FD9]  }
0x89: {  	s3 =	sld [smem:$0x3FFE];
	_ =	sdelay $0x1  }
0x8a: {  	s1 =	srdreg.scid  }
0x8b: {  	s0 =	sand.u32 $0x1, s1  }
0x8c: {  	s17 =	sshll.u32 s0, $0xA;
	s2 =	sadd.s32 s3, s2  }
0x8d: {  	s2 =	sadd.s32 s2, s17  }
0x8e: {  	[smem:$0x3FBD] =	sst s2  }
0x8f: {  	_ = 	snop  }
0x90: {  	s2 =	sld [smem:$0x3FC6]  }
0x91: {  	s18 =	sld [smem:$0x3FC5]  }
0x92: {  	s4 =	sld [smem:$0x3FD0];
	(tm) =	ssettm $0x1  }
0x93: {  	s5 =	sld [smem:$0x3FFB];
	_ =	sdelay $0x3  }
0x94: {  	_ =	strace s5  }
0x95: {  	s5 =	sld [smem:$0x3FFC];
	_ =	sdelay $0x3  }
0x96: {  	_ =	strace s5  }
0x97: {  	s5 =	sld [smem:$0x3FFD];
	_ =	sdelay $0x3  }
0x98: {  	_ =	strace s5  }
0x99: {  	_ =	strace $0x8FFFFFFF  }
0x9a: {  	s19 =	sld [smem:$0x3FDB];
	_ =	sdelay $0x1  }
0x9b: {  	s6 =	simm.s32 $_scs_section_size  }
0x9c: {  	s7 =	simm.s32 $_size__tile_overlayer_lowered;
	s8 =	simm.s32 $_tile_overlayer_lowered  }
0x9d: {  	s22 =	simm.s32 $0x1BFF;
	s21 =	sshll.u32 s8, $0x1;
	s5 =	sadd.s32 s6, s19  }
0x9e: {  	s9 =	simm.s32 $0x0;
	s20 =	sshll.u32 s7, $0x1;
	s7 =	sadd.s32 s21, s5  }
0x9f: {  	[timem:s9], [sflag:s22] =	dma.local [hbm:s7], s20  }
0xa0: {  	_ =	swait.ge [sflag:s22], s20  }
0xa1: {  	s6 =	ssub.s32 $0x0, s20;
	[sflag:s22] =	ssyncset.done $0x0  }
0xa2: {  	[sflag:s22] =	ssyncadd.s32 s6;
	_ =	sdelay $0x1  }
0xa3: {  	s23 =	simm.s32 $0x1B8B  }
0xa4: {  	_ =	swait.ge [sflag:s23], $0x1  }
0xa5: {  	[sflag:s23] =	ssyncset.done $0x0  }
0xa6: {  	s25 =	simm.s32 $0x1B8E;
	s24 =	sld [smem:$0x3FFE];
	[sflag:s23] =	ssyncadd.s32 $0xFFFFFFFF  }
0xa7: {  	s26 =	simm.s32 $execute0_lowered;
	[smem:$0x3FD2] =	sst s25  }
0xa8: {  	s7 =	sshll.u32 s26, $0x1;
	_ =	strace $0x80000049;
	[dreg:$0x1] =	wrdreg $0xFFFFFFFF  }
0xa9: {  	s28 =	simm.s32 $_size_execute0_lowered;
	s5 =	sadd.s32 s5, s7;
	[dreg:$0x0] =	wrdreg $0x0  }
0xaa: {  	s7 =	sshll.u32 s28, $0x1;
	[dreg:$0x2] =	wrdreg s5  }
0xab: {  	[dreg:$0x3] =	wrdreg s7  }
0xac: {  	[dreg:$0x4] =	wrdreg $0xC0  }
0xad: {  	_ =	task [dreg:s9], $0x5FFFF  }
0xae: {  	[dreg:$0x1] =	wrdreg $0xFFFFFFFF  }
0xaf: {  	[dreg:$0x0] =	wrdreg $0x60  }
0xb0: {  	[dreg:$0x2] =	wrdreg s24  }
0xb1: {  	[dreg:$0x3] =	wrdreg s2  }
0xb2: {  	[dreg:$0x4] =	wrdreg s18  }
0xb3: {  	[dreg:$0x5] =	wrdreg s4  }
0xb4: {  	[dreg:$0x6] =	wrdreg $0x111800  }
0xb5: {  	[dreg:$0x7] =	wrdreg $0x129800  }
0xb6: {  	[dreg:$0x8] =	wrdreg $0x9  }
0xb7: {  	_ =	task.clear_ibuf [dreg:s9], $0x9FFFF;
	_ =	strace $0x90000049  }
0xb8: {  	s29 =	simm.s32 $0x9;
	_ =	strace $0x8000004B  }
0xb9: {  	_ =	swait.ge [sflag:s29], $0x1  }
0xba: {  	[sflag:s29] =	ssyncadd.s32 $0xFFFFFFFF  }
0xbb: {  	_ =	strace $0x9000004B  }
0xbc: {  	_ =	sfence  }
0xbd: {  	s30 =	sld [smem:$0x0];
	_ =	sdelay $0x2  }
0xbe: {  	s31 =	sshll.u32 s1, $0xD;
	s1 =	sshrl.u32 s1, $0x2  }
0xbf: {  	s3 =	sand.u32 $0x4000, s31;
	s1 =	sadd.s32 s1, s30  }
0xc0: {  	s0 =	sor.u32 s3, s0;
	s1 =	sshll.u32 s1, $0x11  }
0xc1: {  	s0 =	sor.u32 s1, s0  }
0xc2: {  	s0 =	sadd.s32 $0x8F2B, s0  }
0xc3: {  	[sflag:s0] =	ssyncadd.remote.s32 $0x1  }
0xc4: {  	_ =	sfence.sel $0xFFFF  }
0xc5: {  	[dreg:$0x0] =	wrdreg $0xFFFFFFFF;
	(pc) =	sbr.abs _section_cstart, $3  }
0xc6: {  	[dreg:$0x1] =	wrdreg $0xFFFFFFFF  }
0xc7: {  	_ =	task.clear_ibuf [dreg:s9], $0x2FFFF;
	_ =	strace $0x9FFFFFFF  }
0xc8: {  	(tm) =	ssettm $0x7FFFFFFF  }
0xc9: {  	_ =	shalt  }
tec
execute0_lowered:
.L_overlay_start_1:
0x0: {  	(tag) =	ssettag $0x1  }
0x1: {  	s0 =	rddreg [dreg:$0x0]  }
0x2: {  	s7 =	rddreg [dreg:$0x1]  }
0x3: {  	s6 =	rddreg [dreg:$0x2]  }
0x4: {  	s5 =	rddreg [dreg:$0x3]  }
0x5: {  	s1 =	rddreg [dreg:$0x4];
	s3 =	simm.s32 $0x0  }
0x6: {  	v0 =	vimm.f32 $0.0e+00;
	[smem:$0x7FF] =	sst s3  }
0x7: {  	s2 =	rddreg [dreg:$0x5];
	_ =	strace $0x8000004A;
	[tilespmem:$0x108A0] =	vst v0  }
0x8: {  	[tilespmem:$0x108B0] =	vst v0  }
0x9: {  	[tilespmem:$0x108C0] =	vst v0  }
0xa: {  	[tilespmem:$0x108D0] =	vst v0  }
0xb: {  	[tilespmem:$0x108E0] =	vst v0  }
0xc: {  	[tilespmem:$0x108F0] =	vst v0  }
0xd: {  	[tilespmem:$0x10900] =	vst v0  }
0xe: {  	[tilespmem:$0x10910] =	vst v0  }
0xf: {  	[tilespmem:$0x10920] =	vst v0  }
0x10: {  	[tilespmem:$0x10930] =	vst v0  }
0x11: {  	[tilespmem:$0x10940] =	vst v0  }
0x12: {  	[tilespmem:$0x10950] =	vst v0  }
0x13: {  	[tilespmem:$0x10960] =	vst v0  }
0x14: {  	[tilespmem:$0x10970] =	vst v0  }
0x15: {  	[tilespmem:$0x10980] =	vst v0  }
0x16: {  	[tilespmem:$0x10990] =	vst v0  }
0x17: {  	[tilespmem:$0x109A0] =	vst v0  }
0x18: {  	[tilespmem:$0x109B0] =	vst v0  }
0x19: {  	[tilespmem:$0x109C0] =	vst v0  }
0x1a: {  	[tilespmem:$0x109D0] =	vst v0  }
0x1b: {  	[tilespmem:$0x109E0] =	vst v0  }
0x1c: {  	[tilespmem:$0x109F0] =	vst v0  }
0x1d: {  	[tilespmem:$0x10A00] =	vst v0  }
0x1e: {  	[tilespmem:$0x10A10] =	vst v0  }
0x1f: {  	[tilespmem:$0x10A20] =	vst v0  }
0x20: {  	[tilespmem:$0x10A30] =	vst v0  }
0x21: {  	[tilespmem:$0x10A40] =	vst v0  }
0x22: {  	[tilespmem:$0x10A50] =	vst v0  }
0x23: {  	[tilespmem:$0x10A60] =	vst v0  }
0x24: {  	[tilespmem:$0x10A70] =	vst v0  }
0x25: {  	[tilespmem:$0x10A80] =	vst v0  }
0x26: {  	[tilespmem:$0x10A90] =	vst v0  }
0x27: {  	[tilespmem:$0x10AA0] =	vst v0  }
0x28: {  	[tilespmem:$0x10AB0] =	vst v0  }
0x29: {  	[tilespmem:$0x10AC0] =	vst v0  }
0x2a: {  	[tilespmem:$0x10AD0] =	vst v0  }
0x2b: {  	[tilespmem:$0x10AE0] =	vst v0  }
0x2c: {  	[tilespmem:$0x10AF0] =	vst v0  }
0x2d: {  	[tilespmem:$0x10B00] =	vst v0  }
0x2e: {  	[tilespmem:$0x10B10] =	vst v0  }
0x2f: {  	[tilespmem:$0x10B20] =	vst v0  }
0x30: {  	[tilespmem:$0x10B30] =	vst v0  }
0x31: {  	[tilespmem:$0x10B40] =	vst v0  }
0x32: {  	[tilespmem:$0x10B50] =	vst v0  }
0x33: {  	[tilespmem:$0x10B60] =	vst v0  }
0x34: {  	[tilespmem:$0x10B70] =	vst v0  }
0x35: {  	[tilespmem:$0x10B80] =	vst v0  }
0x36: {  	[tilespmem:$0x10B90] =	vst v0  }
0x37: {  	v1 =	vimm.f32 $1.000000000e+00;
	[tilespmem:$0x10880] =	vst v0  }
0x38: {  	[tilespmem:$0x10870] =	vst v1  }
0x39: {  	[tilespmem:$0x10860] =	vst v1  }
0x3a: {  	[tilespmem:$0x10850] =	vst v1  }
0x3b: {  	[tilespmem:$0x10840] =	vst v1  }
0x3c: {  	[tilespmem:$0x10830] =	vst v1  }
0x3d: {  	[tilespmem:$0x10820] =	vst v1  }
0x3e: {  	[tilespmem:$0x10810] =	vst v1  }
0x3f: {  	[tilespmem:$0x10800] =	vst v1  }
0x40: {  	[tilespmem:$0x11080] =	vst v0  }
0x41: {  	[tilespmem:$0x11070] =	vst v0  }
0x42: {  	[tilespmem:$0x11060] =	vst v0  }
0x43: {  	[tilespmem:$0x11050] =	vst v0  }
0x44: {  	[tilespmem:$0x11040] =	vst v0  }
0x45: {  	[tilespmem:$0x11030] =	vst v0  }
0x46: {  	[tilespmem:$0x11020] =	vst v0  }
0x47: {  	[tilespmem:$0x11010] =	vst v0  }
0x48: {  	[tilespmem:$0x11000] =	vst v0  }
0x49: {  	[tilespmem:$0x10FF0] =	vst v0  }
0x4a: {  	[tilespmem:$0x10FE0] =	vst v0  }
0x4b: {  	[tilespmem:$0x10FD0] =	vst v0  }
0x4c: {  	[tilespmem:$0x10FC0] =	vst v0  }
0x4d: {  	[tilespmem:$0x10FB0] =	vst v0  }
0x4e: {  	[tilespmem:$0x10FA0] =	vst v0  }
0x4f: {  	[tilespmem:$0x10F90] =	vst v0  }
0x50: {  	[tilespmem:$0x10F80] =	vst v0  }
0x51: {  	[tilespmem:$0x10F70] =	vst v0  }
0x52: {  	[tilespmem:$0x10F60] =	vst v0  }
0x53: {  	[tilespmem:$0x10F50] =	vst v0  }
0x54: {  	[tilespmem:$0x10F40] =	vst v0  }
0x55: {  	[tilespmem:$0x10F30] =	vst v0  }
0x56: {  	[tilespmem:$0x10F20] =	vst v0  }
0x57: {  	[tilespmem:$0x10F10] =	vst v0  }
0x58: {  	[tilespmem:$0x10F00] =	vst v0  }
0x59: {  	[tilespmem:$0x10EF0] =	vst v0  }
0x5a: {  	[tilespmem:$0x10EE0] =	vst v0  }
0x5b: {  	[tilespmem:$0x10ED0] =	vst v0  }
0x5c: {  	[tilespmem:$0x10EC0] =	vst v0  }
0x5d: {  	[tilespmem:$0x10EB0] =	vst v0  }
0x5e: {  	[tilespmem:$0x10EA0] =	vst v0  }
0x5f: {  	[tilespmem:$0x10E90] =	vst v0  }
0x60: {  	[tilespmem:$0x10E80] =	vst v0  }
0x61: {  	[tilespmem:$0x10E70] =	vst v0  }
0x62: {  	[tilespmem:$0x10E60] =	vst v0  }
0x63: {  	[tilespmem:$0x10E50] =	vst v0  }
0x64: {  	[tilespmem:$0x10E40] =	vst v0  }
0x65: {  	[tilespmem:$0x10E30] =	vst v0  }
0x66: {  	[tilespmem:$0x10E20] =	vst v0  }
0x67: {  	[tilespmem:$0x10E10] =	vst v0  }
0x68: {  	[tilespmem:$0x10E00] =	vst v0  }
0x69: {  	[tilespmem:$0x10DF0] =	vst v0  }
0x6a: {  	[tilespmem:$0x10DE0] =	vst v0  }
0x6b: {  	[tilespmem:$0x10DD0] =	vst v0  }
0x6c: {  	[tilespmem:$0x10DC0] =	vst v0  }
0x6d: {  	[tilespmem:$0x10DB0] =	vst v0  }
0x6e: {  	[tilespmem:$0x10DA0] =	vst v0  }
0x6f: {  	[tilespmem:$0x10D90] =	vst v0  }
0x70: {  	[tilespmem:$0x10D80] =	vst v0  }
0x71: {  	[tilespmem:$0x10D70] =	vst v0  }
0x72: {  	[tilespmem:$0x10D60] =	vst v0  }
0x73: {  	[tilespmem:$0x10D50] =	vst v0  }
0x74: {  	[tilespmem:$0x10D40] =	vst v0  }
0x75: {  	[tilespmem:$0x10D30] =	vst v0  }
0x76: {  	[tilespmem:$0x10D20] =	vst v0  }
0x77: {  	[tilespmem:$0x10D10] =	vst v0  }
0x78: {  	[tilespmem:$0x10D00] =	vst v0  }
0x79: {  	[tilespmem:$0x10CF0] =	vst v0  }
0x7a: {  	[tilespmem:$0x10CE0] =	vst v0  }
0x7b: {  	[tilespmem:$0x10CD0] =	vst v0  }
0x7c: {  	[tilespmem:$0x10CC0] =	vst v0  }
0x7d: {  	s20 =	stileid.u32;
	[tilespmem:$0x10CB0] =	vst v0  }
0x7e: {  	s4 =	srdreg.scid;
	s26 =	simm.s32 $0x100;
	s8 =	smul.u32 $0x30, s20;
	[tilespmem:$0x10CA0] =	vst v0  }
0x7f: {  	s4 =	sand.u32 $0x1, s4;
	s10 =	smul.u32 $0x1800, s20;
	s22 =	sshll.u32 s20, $0x7;
	[tilespmem:$0x10C90] =	vst v0  }
0x80: {  	s9 =	smul.u32 $0x18000, s4;
	[tilespmem:$0x10C80] =	vst v0;
	s21 =	sshll.u32 s4, $0xB;
	s11 =	sadd.s32 $0x10, s8  }
0x81: {  	[tilespmem:$0x10C70] =	vst v0;
	[dreg:$0xf] =	wrdreg s26;
	s16 =	sadd.s32 $0x20, s8;
	s17 =	sadd.s32 s11, s2  }
0x82: {  	[tilespmem:$0x10C60] =	vst v0;
	s12 =	sshll.u32 s11, $0x7;
	s11 =	simm.s32 $0x300;
	[dreg:$0x8] =	wrdreg s17  }
0x83: {  	[tilespmem:$0x10C50] =	vst v0;
	s18 =	sshll.u32 s16, $0x7;
	s15 =	sadd.s32 s12, s1;
	[dreg:$0x13] =	wrdreg s11  }
0x84: {  	[tilespmem:$0x10C40] =	vst v0;
	s9 =	sadd.s32 s10, s9;
	s19 =	sadd.s32 s18, s1;
	[dreg:$0x7] =	wrdreg s15  }
0x85: {  	[tilespmem:$0x10C30] =	vst v0;
	s10 =	sor.u32 s22, s21;
	s12 =	sadd.s32 s16, s2;
	[dreg:$0x9] =	wrdreg s19  }
0x86: {  	s23 =	smul.u32 $0x300, s4;
	[tilespmem:$0x10C20] =	vst v0;
	s7 =	sadd.s32 s7, s10;
	[dreg:$0xa] =	wrdreg s12  }
0x87: {  	[tilespmem:$0x10C10] =	vst v0;
	s6 =	sadd.s32 s6, s10;
	[dreg:$0xb] =	wrdreg s7  }
0x88: {  	[tilespmem:$0x10C00] =	vst v0;
	s24 =	sadd.s32 s8, s23;
	s10 =	simm.s32 $0x280;
	[dreg:$0xc] =	wrdreg s6  }
0x89: {  	[tilespmem:$0x10BF0] =	vst v0;
	s9 =	sshrl.u32 s9, $0x3;
	s6 =	simm.s32 $0x180;
	[dreg:$0x12] =	wrdreg s10  }
0x8a: {  	[tilespmem:$0x10BE0] =	vst v0;
	s9 =	sadd.s32 s9, s0;
	s12 =	simm.s32 $0x380;
	[dreg:$0x10] =	wrdreg s6  }
0x8b: {  	[tilespmem:$0x10BD0] =	vst v0;
	s7 =	sshrl.u32 s24, $0x3;
	s25 =	sadd.s32 $0xA600, s9;
	[dreg:$0x14] =	wrdreg s12  }
0x8c: {  	[tilespmem:$0x10BC0] =	vst v0;
	s5 =	sadd.s32 s5, s7;
	s7 =	smul.u32 $0x6000, s20;
	[dreg:$0xd] =	wrdreg s25  }
0x8d: {  	[tilespmem:$0x10BB0] =	vst v0;
	s9 =	simm.s32 $0x200;
	[dreg:$0xe] =	wrdreg s5  }
0x8e: {  	[tilespmem:$0x10BA0] =	vst v0;
	[dreg:$0x11] =	wrdreg s9;
	s6 =	sshrl.u32 s7, $0x2  }
0x8f: {  	[tilespmem:$0x10890] =	vst v0;
	s7 =	simm.s32 $0x10880;
	s5 =	sadd.s32 s6, s1;
	s6 =	simm.s32 $0x5  }
0x90: {  	[spmem:s5] =	stream.linear.scatter [tilespmem:s7], [sflag:$0x5], $0x800, $0x38;
	[tilespmem:$0x129B0] =	vst v63  }
0x91: {  	_ =	swait.ge [sflag:s6], $0x800  }
0x92: {  	[sflag:s6] =	ssyncset.done $0x0  }
0x93: {  	s8 =	sadd.s32 s8, s2;
	s9 =	simm.s32 $0x11080;
	[sflag:s6] =	ssyncadd.s32 $0xFFFFF800  }
0x94: {  	[spmem:s8] =	stream.linear.scatter [tilespmem:s9], [sflag:$0x5], $0x10, $0x38;
	[tilespmem:$0x129B0] =	vst v63  }
0x95: {  	_ =	swait.ge [sflag:s6], $0x10  }
0x96: {  	[sflag:s6] =	ssyncset.done $0x0  }
0x97: {  	s13 =	rddreg [dreg:$0x7];
	[sflag:s6] =	ssyncadd.s32 $0xFFFFFFF0  }
0x98: {  	[spmem:s13] =	stream.linear.scatter [tilespmem:s7], [sflag:$0x5], $0x800, $0x38;
	[tilespmem:$0x129B0] =	vst v63  }
0x99: {  	_ =	swait.ge [sflag:s6], $0x800  }
0x9a: {  	[sflag:s6] =	ssyncset.done $0x0  }
0x9b: {  	s14 =	rddreg [dreg:$0x8];
	[sflag:s6] =	ssyncadd.s32 $0xFFFFF800  }
0x9c: {  	[spmem:s14] =	stream.linear.scatter [tilespmem:s9], [sflag:$0x5], $0x10, $0x38;
	[tilespmem:$0x129B0] =	vst v63  }
0x9d: {  	_ =	swait.ge [sflag:s6], $0x10  }
0x9e: {  	[sflag:s6] =	ssyncset.done $0x0  }
0x9f: {  	s15 =	rddreg [dreg:$0x9];
	[sflag:s6] =	ssyncadd.s32 $0xFFFFFFF0  }
0xa0: {  	[spmem:s15] =	stream.linear.scatter [tilespmem:s7], [sflag:$0x5], $0x800, $0x38;
	[tilespmem:$0x129B0] =	vst v63  }
0xa1: {  	_ =	swait.ge [sflag:s6], $0x800  }
0xa2: {  	[sflag:s6] =	ssyncset.done $0x0  }
0xa3: {  	s16 =	rddreg [dreg:$0xa];
	[sflag:s6] =	ssyncadd.s32 $0xFFFFF800  }
0xa4: {  	[spmem:s16] =	stream.linear.scatter [tilespmem:s9], [sflag:$0x5], $0x10, $0x38;
	[tilespmem:$0x129B0] =	vst v63  }
0xa5: {  	_ =	swait.ge [sflag:s6], $0x10  }
0xa6: {  	[sflag:s6] =	ssyncset.done $0x0  }
0xa7: {  	s17 =	rddreg [dreg:$0xb];
	[sflag:s6] =	ssyncadd.s32 $0xFFFFFFF0  }
0xa8: {  	[tilespmem:s3], [sflag:$0x5] =	stream.linear.gather [hbm4b:s17+s3], $0x400, $0x38;
	[tilespmem:$0x129B0] =	vst v63  }
0xa9: {  	_ =	swait.ge [sflag:s6], $0x400  }
0xaa: {  	[sflag:s6] =	ssyncset.done $0x0  }
0xab: {  	s10 =	simm.s32 $0x400;
	s18 =	rddreg [dreg:$0xc];
	[sflag:s6] =	ssyncadd.s32 $0xFFFFFC00  }
0xac: {  	[tilespmem:s10], [sflag:$0x5] =	stream.linear.gather [hbm4b:s18+s3], $0x400, $0x38;
	[tilespmem:$0x129B0] =	vst v63  }
0xad: {  	_ =	swait.ge [sflag:s6], $0x400  }
0xae: {  	[sflag:s6] =	ssyncset.done $0x0  }
0xaf: {  	s11 =	sadd.s32 $0x2600, s0;
	[sflag:s6] =	ssyncadd.s32 $0xFFFFFC00  }
0xb0: {  	s12 =	simm.s32 $0x80;
	s13 =	simm.s32 $0x800;
	[bflag:$0x0] =	sbarrier.arrive $0xFFFF  }
0xb1: {  	[tilespmem:s13], [sflag:$0x1] =	stream.indirect.gather [hbm4b:s11+s12], $0x80, s3, s12, $0xb8;
	[tilespmem:$0x129B0] =	vst v63  }
0xb2: {  	s14 =	simm.s32 $0x4800  }
0xb3: {  	[tilespmem:s14], [sflag:$0x2] =	stream.indirect.gather [hbm4b:s11+s12], $0x80, s12, s12, $0xb8;
	[tilespmem:$0x129B0] =	vst v63  }
0xb4: {  	s15 =	simm.s32 $0x8800;
	s19 =	rddreg [dreg:$0xf]  }
0xb5: {  	[tilespmem:s15], [sflag:$0x3] =	stream.indirect.gather [hbm4b:s11+s12], $0x80, s19, s12, $0xb8;
	[tilespmem:$0x129B0] =	vst v63  }
0xb6: {  	s16 =	simm.s32 $0xC800;
	s17 =	simm.s32 $0x1;
	s18 =	rddreg [dreg:$0x10]  }
0xb7: {  	[tilespmem:s16], [sflag:$0x4] =	stream.indirect.gather [hbm4b:s11+s12], $0x80, s18, s12, $0xb8;
	[tilespmem:$0x129B0] =	vst v63  }
0xb8: {  	_ =	swait.ge [sflag:s17], $0x4000  }
0xb9: {  	[sflag:s17] =	ssyncset.done $0x0  }
0xba: {  	[sflag:s17] =	ssyncadd.s32 $0xFFFFC000  }
0xbb: {  	[spmem:s1] =	stream.indirect.scatter.add.f32 [tilespmem:s13], [sflag:$0x5], $0x80, s10, s12, $0xb8;
	[tilespmem:$0x129B0] =	vst v63  }
0xbc: {  	_ =	swait.ge [sflag:s6], $0x4000  }
0xbd: {  	[sflag:s6] =	ssyncset.done $0x0  }
0xbe: {  	s18 =	simm.s32 $0x10800;
	[sflag:s6] =	ssyncadd.s32 $0xFFFFC000  }
0xbf: {  	[spmem:s2] =	stream.indirect.scatter.add.f32 [tilespmem:s18], [sflag:$0x5], $0x1, s10, s12, $0xb8;
	[tilespmem:$0x129B0] =	vst v63  }
0xc0: {  	_ =	swait.ge [sflag:s6], $0x80  }
0xc1: {  	[sflag:s6] =	ssyncset.done $0x0  }
0xc2: {  	s19 =	simm.s32 $0x2;
	s21 =	rddreg [dreg:$0x11];
	[sflag:s6] =	ssyncadd.s32 $0xFFFFFF80  }
0xc3: {  	[tilespmem:s13], [sflag:$0x1] =	stream.indirect.gather [hbm4b:s11+s12], $0x80, s21, s12, $0xb8;
	[tilespmem:$0x129B0] =	vst v63  }
0xc4: {  	_ =	swait.ge [sflag:s19], $0x4000  }
0xc5: {  	[sflag:s19] =	ssyncset.done $0x0  }
0xc6: {  	s22 =	simm.s32 $0x480;
	[sflag:s19] =	ssyncadd.s32 $0xFFFFC000  }
0xc7: {  	[spmem:s1] =	stream.indirect.scatter.add.f32 [tilespmem:s14], [sflag:$0x5], $0x80, s22, s12, $0xb8;
	[tilespmem:$0x129B0] =	vst v63  }
0xc8: {  	_ =	swait.ge [sflag:s6], $0x4000  }
0xc9: {  	[sflag:s6] =	ssyncset.done $0x0  }
0xca: {  	[sflag:s6] =	ssyncadd.s32 $0xFFFFC000  }
0xcb: {  	[spmem:s2] =	stream.indirect.scatter.add.f32 [tilespmem:s18], [sflag:$0x5], $0x1, s22, s12, $0xb8;
	[tilespmem:$0x129B0] =	vst v63  }
0xcc: {  	_ =	swait.ge [sflag:s6], $0x80  }
0xcd: {  	[sflag:s6] =	ssyncset.done $0x0  }
0xce: {  	s21 =	simm.s32 $0x3;
	s23 =	rddreg [dreg:$0x12];
	[sflag:s6] =	ssyncadd.s32 $0xFFFFFF80  }
0xcf: {  	[tilespmem:s14], [sflag:$0x2] =	stream.indirect.gather [hbm4b:s11+s12], $0x80, s23, s12, $0xb8;
	[tilespmem:$0x129B0] =	vst v63  }
0xd0: {  	_ =	swait.ge [sflag:s21], $0x4000  }
0xd1: {  	[sflag:s21] =	ssyncset.done $0x0  }
0xd2: {  	s24 =	simm.s32 $0x500;
	[sflag:s21] =	ssyncadd.s32 $0xFFFFC000  }
0xd3: {  	[spmem:s1] =	stream.indirect.scatter.add.f32 [tilespmem:s15], [sflag:$0x5], $0x80, s24, s12, $0xb8;
	[tilespmem:$0x129B0] =	vst v63  }
0xd4: {  	_ =	swait.ge [sflag:s6], $0x4000  }
0xd5: {  	[sflag:s6] =	ssyncset.done $0x0  }
0xd6: {  	[sflag:s6] =	ssyncadd.s32 $0xFFFFC000  }
0xd7: {  	[spmem:s2] =	stream.indirect.scatter.add.f32 [tilespmem:s18], [sflag:$0x5], $0x1, s24, s12, $0xb8;
	[tilespmem:$0x129B0] =	vst v63  }
0xd8: {  	_ =	swait.ge [sflag:s6], $0x80  }
0xd9: {  	[sflag:s6] =	ssyncset.done $0x0  }
0xda: {  	s23 =	simm.s32 $0x4;
	s25 =	rddreg [dreg:$0x13];
	[sflag:s6] =	ssyncadd.s32 $0xFFFFFF80  }
0xdb: {  	[tilespmem:s15], [sflag:$0x3] =	stream.indirect.gather [hbm4b:s11+s12], $0x80, s25, s12, $0xb8;
	[tilespmem:$0x129B0] =	vst v63  }
0xdc: {  	_ =	swait.ge [sflag:s23], $0x4000  }
0xdd: {  	[sflag:s23] =	ssyncset.done $0x0  }
0xde: {  	s24 =	simm.s32 $0x580;
	[sflag:s23] =	ssyncadd.s32 $0xFFFFC000  }
0xdf: {  	[spmem:s1] =	stream.indirect.scatter.add.f32 [tilespmem:s16], [sflag:$0x5], $0x80, s24, s12, $0xb8;
	[tilespmem:$0x129B0] =	vst v63  }
0xe0: {  	_ =	swait.ge [sflag:s6], $0x4000  }
0xe1: {  	[sflag:s6] =	ssyncset.done $0x0  }
0xe2: {  	[sflag:s6] =	ssyncadd.s32 $0xFFFFC000  }
0xe3: {  	[spmem:s2] =	stream.indirect.scatter.add.f32 [tilespmem:s18], [sflag:$0x5], $0x1, s24, s12, $0xb8;
	[tilespmem:$0x129B0] =	vst v63  }
0xe4: {  	_ =	swait.ge [sflag:s6], $0x80  }
0xe5: {  	[sflag:s6] =	ssyncset.done $0x0  }
0xe6: {  	s26 =	rddreg [dreg:$0x14];
	[sflag:s6] =	ssyncadd.s32 $0xFFFFFF80  }
0xe7: {  	[tilespmem:s16], [sflag:$0x4] =	stream.indirect.gather [hbm4b:s11+s12], $0x80, s26, s12, $0xb8;
	[tilespmem:$0x129B0] =	vst v63  }
0xe8: {  	_ =	swait.ge [sflag:s17], $0x4000  }
0xe9: {  	[sflag:s17] =	ssyncset.done $0x0  }
0xea: {  	s25 =	simm.s32 $0x600;
	[sflag:s17] =	ssyncadd.s32 $0xFFFFC000  }
0xeb: {  	[spmem:s1] =	stream.indirect.scatter.add.f32 [tilespmem:s13], [sflag:$0x5], $0x80, s25, s12, $0xb8;
	[tilespmem:$0x129B0] =	vst v63  }
0xec: {  	_ =	swait.ge [sflag:s6], $0x4000  }
0xed: {  	[sflag:s6] =	ssyncset.done $0x0  }
0xee: {  	[sflag:s6] =	ssyncadd.s32 $0xFFFFC000  }
0xef: {  	[spmem:s2] =	stream.indirect.scatter.add.f32 [tilespmem:s18], [sflag:$0x5], $0x1, s25, s12, $0xb8;
	[tilespmem:$0x129B0] =	vst v63  }
0xf0: {  	_ =	swait.ge [sflag:s6], $0x80  }
0xf1: {  	[sflag:s6] =	ssyncset.done $0x0  }
0xf2: {  	[sflag:s6] =	ssyncadd.s32 $0xFFFFFF80  }
0xf3: {  	_ =	swait.ge [sflag:s19], $0x4000  }
0xf4: {  	[sflag:s19] =	ssyncset.done $0x0  }
0xf5: {  	s26 =	simm.s32 $0x680;
	[sflag:s19] =	ssyncadd.s32 $0xFFFFC000  }
0xf6: {  	[spmem:s1] =	stream.indirect.scatter.add.f32 [tilespmem:s14], [sflag:$0x5], $0x80, s26, s12, $0xb8;
	[tilespmem:$0x129B0] =	vst v63  }
0xf7: {  	_ =	swait.ge [sflag:s6], $0x4000  }
0xf8: {  	[sflag:s6] =	ssyncset.done $0x0  }
0xf9: {  	[sflag:s6] =	ssyncadd.s32 $0xFFFFC000  }
0xfa: {  	[spmem:s2] =	stream.indirect.scatter.add.f32 [tilespmem:s18], [sflag:$0x5], $0x1, s26, s12, $0xb8;
	[tilespmem:$0x129B0] =	vst v63  }
0xfb: {  	_ =	swait.ge [sflag:s6], $0x80  }
0xfc: {  	[sflag:s6] =	ssyncset.done $0x0  }
0xfd: {  	[sflag:s6] =	ssyncadd.s32 $0xFFFFFF80  }
0xfe: {  	_ =	swait.ge [sflag:s21], $0x4000  }
0xff: {  	[sflag:s21] =	ssyncset.done $0x0  }
0x100: {  	s28 =	simm.s32 $0x700;
	[sflag:s21] =	ssyncadd.s32 $0xFFFFC000  }
0x101: {  	[spmem:s1] =	stream.indirect.scatter.add.f32 [tilespmem:s15], [sflag:$0x5], $0x80, s28, s12, $0xb8;
	[tilespmem:$0x129B0] =	vst v63  }
0x102: {  	_ =	swait.ge [sflag:s6], $0x4000  }
0x103: {  	[sflag:s6] =	ssyncset.done $0x0  }
0x104: {  	[sflag:s6] =	ssyncadd.s32 $0xFFFFC000  }
0x105: {  	[spmem:s2] =	stream.indirect.scatter.add.f32 [tilespmem:s18], [sflag:$0x5], $0x1, s28, s12, $0xb8;
	[tilespmem:$0x129B0] =	vst v63  }
0x106: {  	_ =	swait.ge [sflag:s6], $0x80  }
0x107: {  	[sflag:s6] =	ssyncset.done $0x0  }
0x108: {  	[sflag:s6] =	ssyncadd.s32 $0xFFFFFF80  }
0x109: {  	_ =	swait.ge [sflag:s23], $0x4000  }
0x10a: {  	[sflag:s23] =	ssyncset.done $0x0  }
0x10b: {  	s29 =	simm.s32 $0x780;
	[sflag:s23] =	ssyncadd.s32 $0xFFFFC000  }
0x10c: {  	[spmem:s1] =	stream.indirect.scatter.add.f32 [tilespmem:s16], [sflag:$0x5], $0x80, s29, s12, $0xb8;
	[tilespmem:$0x129B0] =	vst v63  }
0x10d: {  	_ =	swait.ge [sflag:s6], $0x4000  }
0x10e: {  	[sflag:s6] =	ssyncset.done $0x0  }
0x10f: {  	[sflag:s6] =	ssyncadd.s32 $0xFFFFC000  }
0x110: {  	[spmem:s2] =	stream.indirect.scatter.add.f32 [tilespmem:s18], [sflag:$0x5], $0x1, s29, s12, $0xb8;
	[tilespmem:$0x129B0] =	vst v63  }
0x111: {  	_ =	swait.ge [sflag:s6], $0x80  }
0x112: {  	[sflag:s6] =	ssyncset.done $0x0  }
0x113: {  	s30 =	sshll.u32 s20, $0x6;
	[sflag:s6] =	ssyncadd.s32 $0xFFFFFF80  }
0x114: {  	s30 =	sor.u32 $0x1C05, s30;
	[bflag:$0x0] =	sbarrier.arrive $0xFFFF  }
0x115: {  	s20 =	ssub.s32 $0x2, s4;
	s31 =	sshrl.u32 s5, $0x3;
	s0 =	rddreg [dreg:$0xd]  }
0x116: {  	[hbm:s0], [sflag:s30] =	dma.local [spmem:s31], $0x300  }
0x117: {  	s4 =	sshrl.u32 s20, $0x1;
	_ =	swait.ge [sflag:s6], $0x300  }
0x118: {  	s4 =	ssub.s32 s20, s4;
	[sflag:s6] =	ssyncset.done $0x0  }
0x119: {  	s4 =	smax.u32 s4, $0x1;
	s0 =	simm.s32 $0x11100;
	[sflag:s6] =	ssyncadd.s32 $0xFFFFFD00  }
0x11a: {  	[tilespmem:s0], [sflag:$0x5] =	stream.linear.gather [spmem:s8], $0x30, $0x38;
	[tilespmem:$0x129B0] =	vst v63  }
0x11b: {  	p0 =	sne.s32 s4, $0x1;
	_ =	swait.ge [sflag:s6], $0x30  }
.Ltmp0:
0x11c: {  	[sflag:s6] =	ssyncset.done $0x0;
	(pc) =	sbr.rel @!p0 .LBB2_2-.Ltmp0, $4  }
0x11d: {  	s22 =	smov.u32 s5;
	s5 =	rddreg [dreg:$0xe];
	[sflag:s6] =	ssyncadd.s32 $0xFFFFFFD0  }
0x11e: {  	[hbm4b:s5+s3] =	stream.linear.scatter [tilespmem:s0], [sflag:$0x5], $0x30, $0x38;
	[tilespmem:$0x129B0] =	vst v63  }
0x11f: {  	_ =	swait.ge [sflag:s6], $0x30  }
0x120: {  	s4 =	sadd.s32 $0xFFFFFFFF, s4;
	[sflag:s6] =	ssyncset.done $0x0  }
.LBB2_1:
0x121: {  	[sflag:s6] =	ssyncadd.s32 $0xFFFFFFD0  }
0x122: {  	[tilespmem:$0x108A0] =	vst v0  }
0x123: {  	[tilespmem:$0x108B0] =	vst v0  }
0x124: {  	[tilespmem:$0x108C0] =	vst v0  }
0x125: {  	[tilespmem:$0x108D0] =	vst v0  }
0x126: {  	[tilespmem:$0x108E0] =	vst v0  }
0x127: {  	[tilespmem:$0x108F0] =	vst v0  }
0x128: {  	[tilespmem:$0x10900] =	vst v0  }
0x129: {  	[tilespmem:$0x10910] =	vst v0  }
0x12a: {  	[tilespmem:$0x10920] =	vst v0  }
0x12b: {  	[tilespmem:$0x10930] =	vst v0  }
0x12c: {  	[tilespmem:$0x10940] =	vst v0  }
0x12d: {  	[tilespmem:$0x10950] =	vst v0  }
0x12e: {  	[tilespmem:$0x10960] =	vst v0  }
0x12f: {  	[tilespmem:$0x10970] =	vst v0  }
0x130: {  	[tilespmem:$0x10980] =	vst v0  }
0x131: {  	[tilespmem:$0x10990] =	vst v0  }
0x132: {  	[tilespmem:$0x109A0] =	vst v0  }
0x133: {  	[tilespmem:$0x109B0] =	vst v0  }
0x134: {  	[tilespmem:$0x109C0] =	vst v0  }
0x135: {  	[tilespmem:$0x109D0] =	vst v0  }
0x136: {  	[tilespmem:$0x109E0] =	vst v0  }
0x137: {  	[tilespmem:$0x109F0] =	vst v0  }
0x138: {  	[tilespmem:$0x10A00] =	vst v0  }
0x139: {  	[tilespmem:$0x10A10] =	vst v0  }
0x13a: {  	[tilespmem:$0x10A20] =	vst v0  }
0x13b: {  	[tilespmem:$0x10A30] =	vst v0  }
0x13c: {  	[tilespmem:$0x10A40] =	vst v0  }
0x13d: {  	[tilespmem:$0x10A50] =	vst v0  }
0x13e: {  	[tilespmem:$0x10A60] =	vst v0  }
0x13f: {  	[tilespmem:$0x10A70] =	vst v0  }
0x140: {  	[tilespmem:$0x10A80] =	vst v0  }
0x141: {  	[tilespmem:$0x10A90] =	vst v0  }
0x142: {  	[tilespmem:$0x10AA0] =	vst v0  }
0x143: {  	[tilespmem:$0x10AB0] =	vst v0  }
0x144: {  	[tilespmem:$0x10AC0] =	vst v0  }
0x145: {  	[tilespmem:$0x10AD0] =	vst v0  }
0x146: {  	[tilespmem:$0x10AE0] =	vst v0  }
0x147: {  	[tilespmem:$0x10AF0] =	vst v0  }
0x148: {  	[tilespmem:$0x10B00] =	vst v0  }
0x149: {  	[tilespmem:$0x10B10] =	vst v0  }
0x14a: {  	[tilespmem:$0x10B20] =	vst v0  }
0x14b: {  	[tilespmem:$0x10B30] =	vst v0  }
0x14c: {  	[tilespmem:$0x10B40] =	vst v0  }
0x14d: {  	[tilespmem:$0x10B50] =	vst v0  }
0x14e: {  	[tilespmem:$0x10B60] =	vst v0  }
0x14f: {  	[tilespmem:$0x10B70] =	vst v0  }
0x150: {  	[tilespmem:$0x10B80] =	vst v0  }
0x151: {  	[tilespmem:$0x10B90] =	vst v0  }
0x152: {  	[tilespmem:$0x10880] =	vst v0  }
0x153: {  	[tilespmem:$0x10870] =	vst v1  }
0x154: {  	[tilespmem:$0x10860] =	vst v1  }
0x155: {  	[tilespmem:$0x10850] =	vst v1  }
0x156: {  	[tilespmem:$0x10840] =	vst v1  }
0x157: {  	[tilespmem:$0x10830] =	vst v1  }
0x158: {  	[tilespmem:$0x10820] =	vst v1  }
0x159: {  	[tilespmem:$0x10810] =	vst v1  }
0x15a: {  	[tilespmem:$0x10800] =	vst v1  }
0x15b: {  	[tilespmem:$0x11080] =	vst v0  }
0x15c: {  	[tilespmem:$0x11070] =	vst v0  }
0x15d: {  	[tilespmem:$0x11060] =	vst v0  }
0x15e: {  	[tilespmem:$0x11050] =	vst v0  }
0x15f: {  	[tilespmem:$0x11040] =	vst v0  }
0x160: {  	[tilespmem:$0x11030] =	vst v0  }
0x161: {  	[tilespmem:$0x11020] =	vst v0  }
0x162: {  	[tilespmem:$0x11010] =	vst v0  }
0x163: {  	[tilespmem:$0x11000] =	vst v0  }
0x164: {  	[tilespmem:$0x10FF0] =	vst v0  }
0x165: {  	[tilespmem:$0x10FE0] =	vst v0  }
0x166: {  	[tilespmem:$0x10FD0] =	vst v0  }
0x167: {  	[tilespmem:$0x10FC0] =	vst v0  }
0x168: {  	[tilespmem:$0x10FB0] =	vst v0  }
0x169: {  	[tilespmem:$0x10FA0] =	vst v0  }
0x16a: {  	[tilespmem:$0x10F90] =	vst v0  }
0x16b: {  	[tilespmem:$0x10F80] =	vst v0  }
0x16c: {  	[tilespmem:$0x10F70] =	vst v0  }
0x16d: {  	[tilespmem:$0x10F60] =	vst v0  }
0x16e: {  	[tilespmem:$0x10F50] =	vst v0  }
0x16f: {  	[tilespmem:$0x10F40] =	vst v0  }
0x170: {  	[tilespmem:$0x10F30] =	vst v0  }
0x171: {  	[tilespmem:$0x10F20] =	vst v0  }
0x172: {  	[tilespmem:$0x10F10] =	vst v0  }
0x173: {  	[tilespmem:$0x10F00] =	vst v0  }
0x174: {  	[tilespmem:$0x10EF0] =	vst v0  }
0x175: {  	[tilespmem:$0x10EE0] =	vst v0  }
0x176: {  	[tilespmem:$0x10ED0] =	vst v0  }
0x177: {  	[tilespmem:$0x10EC0] =	vst v0  }
0x178: {  	[tilespmem:$0x10EB0] =	vst v0  }
0x179: {  	[tilespmem:$0x10EA0] =	vst v0  }
0x17a: {  	[tilespmem:$0x10E90] =	vst v0  }
0x17b: {  	[tilespmem:$0x10E80] =	vst v0  }
0x17c: {  	[tilespmem:$0x10E70] =	vst v0  }
0x17d: {  	[tilespmem:$0x10E60] =	vst v0  }
0x17e: {  	[tilespmem:$0x10E50] =	vst v0  }
0x17f: {  	[tilespmem:$0x10E40] =	vst v0  }
0x180: {  	[tilespmem:$0x10E30] =	vst v0  }
0x181: {  	[tilespmem:$0x10E20] =	vst v0  }
0x182: {  	[tilespmem:$0x10E10] =	vst v0  }
0x183: {  	[tilespmem:$0x10E00] =	vst v0  }
0x184: {  	[tilespmem:$0x10DF0] =	vst v0  }
0x185: {  	[tilespmem:$0x10DE0] =	vst v0  }
0x186: {  	[tilespmem:$0x10DD0] =	vst v0  }
0x187: {  	[tilespmem:$0x10DC0] =	vst v0  }
0x188: {  	[tilespmem:$0x10DB0] =	vst v0  }
0x189: {  	[tilespmem:$0x10DA0] =	vst v0  }
0x18a: {  	[tilespmem:$0x10D90] =	vst v0  }
0x18b: {  	[tilespmem:$0x10D80] =	vst v0  }
0x18c: {  	[tilespmem:$0x10D70] =	vst v0  }
0x18d: {  	[tilespmem:$0x10D60] =	vst v0  }
0x18e: {  	[tilespmem:$0x10D50] =	vst v0  }
0x18f: {  	[tilespmem:$0x10D40] =	vst v0  }
0x190: {  	[tilespmem:$0x10D30] =	vst v0  }
0x191: {  	[tilespmem:$0x10D20] =	vst v0  }
0x192: {  	[tilespmem:$0x10D10] =	vst v0  }
0x193: {  	[tilespmem:$0x10D00] =	vst v0  }
0x194: {  	[tilespmem:$0x10CF0] =	vst v0  }
0x195: {  	[tilespmem:$0x10CE0] =	vst v0  }
0x196: {  	[tilespmem:$0x10CD0] =	vst v0  }
0x197: {  	[tilespmem:$0x10CC0] =	vst v0  }
0x198: {  	[tilespmem:$0x10CB0] =	vst v0  }
0x199: {  	[tilespmem:$0x10CA0] =	vst v0  }
0x19a: {  	[tilespmem:$0x10C90] =	vst v0  }
0x19b: {  	[tilespmem:$0x10C80] =	vst v0  }
0x19c: {  	[tilespmem:$0x10C70] =	vst v0  }
0x19d: {  	[tilespmem:$0x10C60] =	vst v0  }
0x19e: {  	[tilespmem:$0x10C50] =	vst v0  }
0x19f: {  	[tilespmem:$0x10C40] =	vst v0  }
0x1a0: {  	[tilespmem:$0x10C30] =	vst v0  }
0x1a1: {  	[tilespmem:$0x10C20] =	vst v0  }
0x1a2: {  	[tilespmem:$0x10C10] =	vst v0  }
0x1a3: {  	[tilespmem:$0x10C00] =	vst v0  }
0x1a4: {  	[tilespmem:$0x10BF0] =	vst v0  }
0x1a5: {  	[tilespmem:$0x10BE0] =	vst v0  }
0x1a6: {  	[tilespmem:$0x10BD0] =	vst v0  }
0x1a7: {  	[tilespmem:$0x10BC0] =	vst v0  }
0x1a8: {  	[tilespmem:$0x10BB0] =	vst v0  }
0x1a9: {  	[tilespmem:$0x10BA0] =	vst v0  }
0x1aa: {  	[tilespmem:$0x10890] =	vst v0  }
0x1ab: {  	[spmem:s22] =	stream.linear.scatter [tilespmem:s7], [sflag:$0x5], $0x800, $0x38;
	[tilespmem:$0x129B0] =	vst v63  }
0x1ac: {  	_ =	swait.ge [sflag:s6], $0x800  }
0x1ad: {  	[sflag:s6] =	ssyncset.done $0x0  }
0x1ae: {  	[sflag:s6] =	ssyncadd.s32 $0xFFFFF800  }
0x1af: {  	[spmem:s8] =	stream.linear.scatter [tilespmem:s9], [sflag:$0x5], $0x10, $0x38;
	[tilespmem:$0x129B0] =	vst v63  }
0x1b0: {  	_ =	swait.ge [sflag:s6], $0x10  }
0x1b1: {  	[sflag:s6] =	ssyncset.done $0x0  }
0x1b2: {  	s5 =	rddreg [dreg:$0x7];
	[sflag:s6] =	ssyncadd.s32 $0xFFFFFFF0  }
0x1b3: {  	[spmem:s5] =	stream.linear.scatter [tilespmem:s7], [sflag:$0x5], $0x800, $0x38;
	[tilespmem:$0x129B0] =	vst v63  }
0x1b4: {  	_ =	swait.ge [sflag:s6], $0x800  }
0x1b5: {  	[sflag:s6] =	ssyncset.done $0x0  }
0x1b6: {  	s20 =	rddreg [dreg:$0x8];
	[sflag:s6] =	ssyncadd.s32 $0xFFFFF800  }
0x1b7: {  	[spmem:s20] =	stream.linear.scatter [tilespmem:s9], [sflag:$0x5], $0x10, $0x38;
	[tilespmem:$0x129B0] =	vst v63  }
0x1b8: {  	_ =	swait.ge [sflag:s6], $0x10  }
0x1b9: {  	[sflag:s6] =	ssyncset.done $0x0  }
0x1ba: {  	s20 =	rddreg [dreg:$0x9];
	[sflag:s6] =	ssyncadd.s32 $0xFFFFFFF0  }
0x1bb: {  	[spmem:s20] =	stream.linear.scatter [tilespmem:s7], [sflag:$0x5], $0x800, $0x38;
	[tilespmem:$0x129B0] =	vst v63  }
0x1bc: {  	_ =	swait.ge [sflag:s6], $0x800  }
0x1bd: {  	[sflag:s6] =	ssyncset.done $0x0  }
0x1be: {  	s20 =	rddreg [dreg:$0xa];
	[sflag:s6] =	ssyncadd.s32 $0xFFFFF800  }
0x1bf: {  	[spmem:s20] =	stream.linear.scatter [tilespmem:s9], [sflag:$0x5], $0x10, $0x38;
	[tilespmem:$0x129B0] =	vst v63  }
0x1c0: {  	_ =	swait.ge [sflag:s6], $0x10  }
0x1c1: {  	[sflag:s6] =	ssyncset.done $0x0  }
0x1c2: {  	s20 =	rddreg [dreg:$0xb];
	[sflag:s6] =	ssyncadd.s32 $0xFFFFFFF0  }
0x1c3: {  	[tilespmem:s3], [sflag:$0x5] =	stream.linear.gather [hbm4b:s20+s3], $0x400, $0x38;
	[tilespmem:$0x129B0] =	vst v63  }
0x1c4: {  	_ =	swait.ge [sflag:s6], $0x400  }
0x1c5: {  	[sflag:s6] =	ssyncset.done $0x0  }
0x1c6: {  	s20 =	rddreg [dreg:$0xc];
	[sflag:s6] =	ssyncadd.s32 $0xFFFFFC00  }
0x1c7: {  	[tilespmem:s10], [sflag:$0x5] =	stream.linear.gather [hbm4b:s20+s3], $0x400, $0x38;
	[tilespmem:$0x129B0] =	vst v63  }
0x1c8: {  	_ =	swait.ge [sflag:s6], $0x400  }
0x1c9: {  	[sflag:s6] =	ssyncset.done $0x0  }
0x1ca: {  	[sflag:s6] =	ssyncadd.s32 $0xFFFFFC00  }
0x1cb: {  	[bflag:$0x0] =	sbarrier.arrive $0xFFFF  }
0x1cc: {  	[tilespmem:s13], [sflag:$0x1] =	stream.indirect.gather [hbm4b:s11+s12], $0x80, s3, s12, $0xb8;
	[tilespmem:$0x129B0] =	vst v63  }
0x1cd: {  	_ = 	snop  }
0x1ce: {  	[tilespmem:s14], [sflag:$0x2] =	stream.indirect.gather [hbm4b:s11+s12], $0x80, s12, s12, $0xb8;
	[tilespmem:$0x129B0] =	vst v63  }
0x1cf: {  	s5 =	rddreg [dreg:$0xf]  }
0x1d0: {  	[tilespmem:s15], [sflag:$0x3] =	stream.indirect.gather [hbm4b:s11+s12], $0x80, s5, s12, $0xb8;
	[tilespmem:$0x129B0] =	vst v63  }
0x1d1: {  	s20 =	rddreg [dreg:$0x10]  }
0x1d2: {  	[tilespmem:s16], [sflag:$0x4] =	stream.indirect.gather [hbm4b:s11+s12], $0x80, s20, s12, $0xb8;
	[tilespmem:$0x129B0] =	vst v63  }
0x1d3: {  	_ =	swait.ge [sflag:s17], $0x4000  }
0x1d4: {  	[sflag:s17] =	ssyncset.done $0x0  }
0x1d5: {  	[sflag:s17] =	ssyncadd.s32 $0xFFFFC000  }
0x1d6: {  	[spmem:s1] =	stream.indirect.scatter.add.f32 [tilespmem:s13], [sflag:$0x5], $0x80, s10, s12, $0xb8;
	[tilespmem:$0x129B0] =	vst v63  }
0x1d7: {  	_ =	swait.ge [sflag:s6], $0x4000  }
0x1d8: {  	[sflag:s6] =	ssyncset.done $0x0  }
0x1d9: {  	[sflag:s6] =	ssyncadd.s32 $0xFFFFC000  }
0x1da: {  	[spmem:s2] =	stream.indirect.scatter.add.f32 [tilespmem:s18], [sflag:$0x5], $0x1, s10, s12, $0xb8;
	[tilespmem:$0x129B0] =	vst v63  }
0x1db: {  	_ =	swait.ge [sflag:s6], $0x80  }
0x1dc: {  	[sflag:s6] =	ssyncset.done $0x0  }
0x1dd: {  	s20 =	rddreg [dreg:$0x11];
	[sflag:s6] =	ssyncadd.s32 $0xFFFFFF80  }
0x1de: {  	[tilespmem:s13], [sflag:$0x1] =	stream.indirect.gather [hbm4b:s11+s12], $0x80, s20, s12, $0xb8;
	[tilespmem:$0x129B0] =	vst v63  }
0x1df: {  	_ =	swait.ge [sflag:s19], $0x4000  }
0x1e0: {  	[sflag:s19] =	ssyncset.done $0x0  }
0x1e1: {  	s20 =	simm.s32 $0x480;
	[sflag:s19] =	ssyncadd.s32 $0xFFFFC000  }
0x1e2: {  	[spmem:s1] =	stream.indirect.scatter.add.f32 [tilespmem:s14], [sflag:$0x5], $0x80, s20, s12, $0xb8;
	[tilespmem:$0x129B0] =	vst v63  }
0x1e3: {  	_ =	swait.ge [sflag:s6], $0x4000  }
0x1e4: {  	[sflag:s6] =	ssyncset.done $0x0  }
0x1e5: {  	[sflag:s6] =	ssyncadd.s32 $0xFFFFC000  }
0x1e6: {  	[spmem:s2] =	stream.indirect.scatter.add.f32 [tilespmem:s18], [sflag:$0x5], $0x1, s20, s12, $0xb8;
	[tilespmem:$0x129B0] =	vst v63  }
0x1e7: {  	_ =	swait.ge [sflag:s6], $0x80  }
0x1e8: {  	[sflag:s6] =	ssyncset.done $0x0  }
0x1e9: {  	s20 =	rddreg [dreg:$0x12];
	[sflag:s6] =	ssyncadd.s32 $0xFFFFFF80  }
0x1ea: {  	[tilespmem:s14], [sflag:$0x2] =	stream.indirect.gather [hbm4b:s11+s12], $0x80, s20, s12, $0xb8;
	[tilespmem:$0x129B0] =	vst v63  }
0x1eb: {  	_ =	swait.ge [sflag:s21], $0x4000  }
0x1ec: {  	[sflag:s21] =	ssyncset.done $0x0  }
0x1ed: {  	s20 =	simm.s32 $0x500;
	[sflag:s21] =	ssyncadd.s32 $0xFFFFC000  }
0x1ee: {  	[spmem:s1] =	stream.indirect.scatter.add.f32 [tilespmem:s15], [sflag:$0x5], $0x80, s20, s12, $0xb8;
	[tilespmem:$0x129B0] =	vst v63  }
0x1ef: {  	_ =	swait.ge [sflag:s6], $0x4000  }
0x1f0: {  	[sflag:s6] =	ssyncset.done $0x0  }
0x1f1: {  	[sflag:s6] =	ssyncadd.s32 $0xFFFFC000  }
0x1f2: {  	[spmem:s2] =	stream.indirect.scatter.add.f32 [tilespmem:s18], [sflag:$0x5], $0x1, s20, s12, $0xb8;
	[tilespmem:$0x129B0] =	vst v63  }
0x1f3: {  	_ =	swait.ge [sflag:s6], $0x80  }
0x1f4: {  	[sflag:s6] =	ssyncset.done $0x0  }
0x1f5: {  	s20 =	rddreg [dreg:$0x13];
	[sflag:s6] =	ssyncadd.s32 $0xFFFFFF80  }
0x1f6: {  	[tilespmem:s15], [sflag:$0x3] =	stream.indirect.gather [hbm4b:s11+s12], $0x80, s20, s12, $0xb8;
	[tilespmem:$0x129B0] =	vst v63  }
0x1f7: {  	_ =	swait.ge [sflag:s23], $0x4000  }
0x1f8: {  	[sflag:s23] =	ssyncset.done $0x0  }
0x1f9: {  	[sflag:s23] =	ssyncadd.s32 $0xFFFFC000  }
0x1fa: {  	[spmem:s1] =	stream.indirect.scatter.add.f32 [tilespmem:s16], [sflag:$0x5], $0x80, s24, s12, $0xb8;
	[tilespmem:$0x129B0] =	vst v63  }
0x1fb: {  	_ =	swait.ge [sflag:s6], $0x4000  }
0x1fc: {  	[sflag:s6] =	ssyncset.done $0x0  }
0x1fd: {  	[sflag:s6] =	ssyncadd.s32 $0xFFFFC000  }
0x1fe: {  	[spmem:s2] =	stream.indirect.scatter.add.f32 [tilespmem:s18], [sflag:$0x5], $0x1, s24, s12, $0xb8;
	[tilespmem:$0x129B0] =	vst v63  }
0x1ff: {  	_ =	swait.ge [sflag:s6], $0x80  }
0x200: {  	[sflag:s6] =	ssyncset.done $0x0  }
0x201: {  	s20 =	rddreg [dreg:$0x14];
	[sflag:s6] =	ssyncadd.s32 $0xFFFFFF80  }
0x202: {  	[tilespmem:s16], [sflag:$0x4] =	stream.indirect.gather [hbm4b:s11+s12], $0x80, s20, s12, $0xb8;
	[tilespmem:$0x129B0] =	vst v63  }
0x203: {  	_ =	swait.ge [sflag:s17], $0x4000  }
0x204: {  	[sflag:s17] =	ssyncset.done $0x0  }
0x205: {  	[sflag:s17] =	ssyncadd.s32 $0xFFFFC000  }
0x206: {  	[spmem:s1] =	stream.indirect.scatter.add.f32 [tilespmem:s13], [sflag:$0x5], $0x80, s25, s12, $0xb8;
	[tilespmem:$0x129B0] =	vst v63  }
0x207: {  	_ =	swait.ge [sflag:s6], $0x4000  }
0x208: {  	[sflag:s6] =	ssyncset.done $0x0  }
0x209: {  	[sflag:s6] =	ssyncadd.s32 $0xFFFFC000  }
0x20a: {  	[spmem:s2] =	stream.indirect.scatter.add.f32 [tilespmem:s18], [sflag:$0x5], $0x1, s25, s12, $0xb8;
	[tilespmem:$0x129B0] =	vst v63  }
0x20b: {  	_ =	swait.ge [sflag:s6], $0x80  }
0x20c: {  	[sflag:s6] =	ssyncset.done $0x0  }
0x20d: {  	[sflag:s6] =	ssyncadd.s32 $0xFFFFFF80  }
0x20e: {  	_ =	swait.ge [sflag:s19], $0x4000  }
0x20f: {  	[sflag:s19] =	ssyncset.done $0x0  }
0x210: {  	[sflag:s19] =	ssyncadd.s32 $0xFFFFC000  }
0x211: {  	[spmem:s1] =	stream.indirect.scatter.add.f32 [tilespmem:s14], [sflag:$0x5], $0x80, s26, s12, $0xb8;
	[tilespmem:$0x129B0] =	vst v63  }
0x212: {  	_ =	swait.ge [sflag:s6], $0x4000  }
0x213: {  	[sflag:s6] =	ssyncset.done $0x0  }
0x214: {  	[sflag:s6] =	ssyncadd.s32 $0xFFFFC000  }
0x215: {  	[spmem:s2] =	stream.indirect.scatter.add.f32 [tilespmem:s18], [sflag:$0x5], $0x1, s26, s12, $0xb8;
	[tilespmem:$0x129B0] =	vst v63  }
0x216: {  	_ =	swait.ge [sflag:s6], $0x80  }
0x217: {  	[sflag:s6] =	ssyncset.done $0x0  }
0x218: {  	[sflag:s6] =	ssyncadd.s32 $0xFFFFFF80  }
0x219: {  	_ =	swait.ge [sflag:s21], $0x4000  }
0x21a: {  	[sflag:s21] =	ssyncset.done $0x0  }
0x21b: {  	[sflag:s21] =	ssyncadd.s32 $0xFFFFC000  }
0x21c: {  	[spmem:s1] =	stream.indirect.scatter.add.f32 [tilespmem:s15], [sflag:$0x5], $0x80, s28, s12, $0xb8;
	[tilespmem:$0x129B0] =	vst v63  }
0x21d: {  	_ =	swait.ge [sflag:s6], $0x4000  }
0x21e: {  	[sflag:s6] =	ssyncset.done $0x0  }
0x21f: {  	[sflag:s6] =	ssyncadd.s32 $0xFFFFC000  }
0x220: {  	[spmem:s2] =	stream.indirect.scatter.add.f32 [tilespmem:s18], [sflag:$0x5], $0x1, s28, s12, $0xb8;
	[tilespmem:$0x129B0] =	vst v63  }
0x221: {  	_ =	swait.ge [sflag:s6], $0x80  }
0x222: {  	[sflag:s6] =	ssyncset.done $0x0  }
0x223: {  	[sflag:s6] =	ssyncadd.s32 $0xFFFFFF80  }
0x224: {  	_ =	swait.ge [sflag:s23], $0x4000  }
0x225: {  	[sflag:s23] =	ssyncset.done $0x0  }
0x226: {  	[sflag:s23] =	ssyncadd.s32 $0xFFFFC000  }
0x227: {  	[spmem:s1] =	stream.indirect.scatter.add.f32 [tilespmem:s16], [sflag:$0x5], $0x80, s29, s12, $0xb8;
	[tilespmem:$0x129B0] =	vst v63  }
0x228: {  	_ =	swait.ge [sflag:s6], $0x4000  }
0x229: {  	[sflag:s6] =	ssyncset.done $0x0  }
0x22a: {  	[sflag:s6] =	ssyncadd.s32 $0xFFFFC000  }
0x22b: {  	[spmem:s2] =	stream.indirect.scatter.add.f32 [tilespmem:s18], [sflag:$0x5], $0x1, s29, s12, $0xb8;
	[tilespmem:$0x129B0] =	vst v63  }
0x22c: {  	_ =	swait.ge [sflag:s6], $0x80  }
0x22d: {  	[sflag:s6] =	ssyncset.done $0x0  }
0x22e: {  	[sflag:s6] =	ssyncadd.s32 $0xFFFFFF80  }
0x22f: {  	[bflag:$0x0] =	sbarrier.arrive $0xFFFF  }
0x230: {  	s20 =	rddreg [dreg:$0xd]  }
0x231: {  	[hbm:s20], [sflag:s30] =	dma.local [spmem:s31], $0x300  }
0x232: {  	_ =	swait.ge [sflag:s6], $0x300  }
0x233: {  	[sflag:s6] =	ssyncset.done $0x0  }
0x234: {  	[sflag:s6] =	ssyncadd.s32 $0xFFFFFD00  }
0x235: {  	[tilespmem:s0], [sflag:$0x5] =	stream.linear.gather [spmem:s8], $0x30, $0x38;
	[tilespmem:$0x129B0] =	vst v63  }
0x236: {  	p0 =	sne.s32 s4, $0x1;
	_ =	swait.ge [sflag:s6], $0x30  }
.Ltmp1:
0x237: {  	[sflag:s6] =	ssyncset.done $0x0;
	(pc) =	sbr.rel @p0 .LBB2_1-.Ltmp1, $4  }
0x238: {  	s20 =	rddreg [dreg:$0xe];
	[sflag:s6] =	ssyncadd.s32 $0xFFFFFFD0  }
0x239: {  	[hbm4b:s20+s3] =	stream.linear.scatter [tilespmem:s0], [sflag:$0x5], $0x30, $0x38;
	[tilespmem:$0x129B0] =	vst v63  }
0x23a: {  	_ =	swait.ge [sflag:s6], $0x30  }
0x23b: {  	s4 =	sadd.s32 $0xFFFFFFFF, s4;
	[sflag:s6] =	ssyncset.done $0x0  }
.LBB2_2:
0x23c: {  	[sflag:s6] =	ssyncadd.s32 $0xFFFFFFD0  }
0x23d: {  	_ =	sfence.sel $0x180000  }
0x23e: {  	[bflag:$0x0] =	sbarrier.arrive $0xFFFF  }
0x23f: {  	_ =	strace $0x9000004A  }
0x240: {  	s0 =	stileid.u32;
	[bflag:$0x2] =	sbarrier.arrive $0xFFFF  }
0x241: {  	p0 =	sne.s32 s0, $0x0;
	s0 =	rddreg [dreg:$0x6]  }
0x242: {  	s0 =	sadd.s32 @!p0 $0x100000, s0  }
0x243: {  	[sflag:s0] =	ssyncadd.tile.s32 @!p0 $0x1;
	_ =	shalt  }
.Lfunc_end2:
_tile_overlayer_lowered:
.L_overlay_start_2:
0x244: {  	(tag) =	ssettag $0x2  }
0x245: {  	s0 =	rddreg [dreg:$0x0];
	s2 =	stileid.u32  }
0x246: {  	s1 =	rddreg [dreg:$0x1];
	p0 =	sne.s32 s2, $0x0  }
0x247: {  	s3 =	rddreg [dreg:$0x2];
	[bflag:$0x3] =	sbarrier.arrive $0xFFFF;
	s2 =	simm.s32 @!p0 $0x1C05  }
0x248: {  	[timem:s3], [sflag:s2] =	dma.local @!p0 [hbm:s0], s1  }
0x249: {  	s0 =	simm.s32 @!p0 $0x5  }
0x24a: {  	_ =	swait.ge @!p0 [sflag:s0], s1  }
0x24b: {  	s1 =	ssub.s32 @!p0 $0x0, s1;
	[sflag:s0] =	ssyncset.done @!p0 $0x0  }
0x24c: {  	[sflag:s0] =	ssyncadd.s32 @!p0 s1  }
0x24d: {  	[bflag:$0x3] =	sbarrier.arrive $0xFFFF  }
0x24e: {  	_ =	shalt  }

</sc_bundles>
